<compile_context>
chip_gen: v7x
topology: tpu7x:2x2x1
jax: 0.10.2.dev20260603
libtpu: 0.0.44.dev20260713+nightly
codegen_flags: <defaults>
</compile_context>

<pallas_src>
import jax
import jax.numpy as jnp
from jax import lax
from jax.experimental import pallas as pl
from jax.experimental.pallas import tpu as pltpu
from jax.experimental.pallas import tpu_sc as plsc

VOCAB = 100000
EMBED_DIM = 128
BATCH = 4096
HIST_LEN = 200

NC = 2
NS = 16
NW = NC * NS
NB = BATCH // NW
LPAD = 208
NV = LPAD // 16
NG = EMBED_DIM // 32
WBITS = 14
WROWS = 1 << WBITS
NWIN = 7
WLAST = VOCAB - (NWIN - 1) * WROWS
WSLICE = WROWS // NS
WLSLICE = WLAST // NS
GCAP = 144


def _sc_kernel(x_hbm, table_hbm, out_hbm, xbuf, tmp, hbuf, gbufa, gbufb,
               obuf, shared, smc, sema, semb):
    wid = lax.axis_index("s") * NC + lax.axis_index("c")
    sid = lax.axis_index("s")
    base = wid * NB

    iota16 = lax.iota(jnp.int32, 16)
    ones16 = jnp.ones((16,), jnp.int32)
    zeros16 = jnp.zeros((16,), jnp.int32)
    himask = jnp.full((16,), jnp.int32(-65536))
    wmask = jnp.full((16,), jnp.int32(WROWS - 1))

    def stage(w):
        @pl.when(w < NWIN - 1)
        def _():
            pltpu.sync_copy(
                table_hbm.at[pl.ds(w * WROWS + sid * WSLICE, WSLICE)],
                shared.at[pl.ds(sid * WSLICE, WSLICE)])

        @pl.when(w == NWIN - 1)
        def _():
            pltpu.sync_copy(
                table_hbm.at[pl.ds((NWIN - 1) * WROWS + sid * WLSLICE,
                                   WLSLICE)],
                shared.at[pl.ds(sid * WLSLICE, WLSLICE)])

    pltpu.sync_copy(x_hbm.at[pl.ds(base, NB)], xbuf.at[pl.ds(0, NB)])
    for k in range(NV):
        xbuf[NB, pl.ds(k * 16, 16)] = zeros16

    def bucket(j, tmpr, hb):
        for k in range(NV):
            tmpr[pl.ds(k * 16, 16)] = xbuf[j, pl.ds(k * 16, 16)]
        hb[pl.ds(0, 16)] = zeros16
        nzv = zeros16
        for k in range(NV):
            v = tmpr[pl.ds(k * 16, 16)]
            nzv = nzv + jnp.where(v != 0, ones16, zeros16)
            wl = lax.shift_right_logical(v, WBITS)
            cnt, last = plsc.scan_count(wl)
            tot = plsc.load_gather(hb, [wl])
            plsc.store_scatter(hb, [wl], tot + cnt, mask=last)
        histv = hb[pl.ds(0, 16)]
        excl = plsc.cumsum(histv) - histv
        hb[pl.ds(0, 16)] = excl
        nz = jnp.sum(nzv, axis=0)
        words = [jnp.int32(0)] * 3
        for w in range(1, NWIN):
            ow = jnp.max(jnp.where(iota16 == w, excl, zeros16))
            words[(w - 1) // 4] = words[(w - 1) // 4] | (
                ow << (8 * ((w - 1) % 4)))
        for i in range(3):
            smc[j * 4 + i] = words[i]
        smc[j * 4 + 3] = nz
        for k in range(NV):
            v = tmpr[pl.ds(k * 16, 16)]
            wl = lax.shift_right_logical(v, WBITS)
            loc = v & wmask
            cnt, last = plsc.scan_count(wl)
            bp = plsc.load_gather(hb, [wl])
            plsc.store_scatter(xbuf.at[j], [bp + cnt - 1], loc)
            plsc.store_scatter(hb, [wl], bp + cnt, mask=last)
        fz = jnp.zeros((16,), jnp.float32)
        for r in range(8):
            obuf[j, pl.ds(r * 16, 16)] = fz

    def bucket2(jj):
        bucket(jj * 2, tmp.at[0], hbuf.at[0])
        bucket(jj * 2 + 1, tmp.at[1], hbuf.at[1])

    pl.loop(0, NB // 2)(bucket2)

    def bstart(j, w):
        kk = jnp.maximum(w - 1, 0)
        word = smc[j * 4 + (kk >> 2)]
        b = (word >> (8 * (kk & 3))) & 255
        return jnp.where(w == 0, 0, b)

    def bend(j, w):
        kk = jnp.minimum(w, NWIN - 2)
        word = smc[j * 4 + (kk >> 2)]
        b = (word >> (8 * (kk & 3))) & 255
        return jnp.where(w == NWIN - 1, LPAD, b)

    def chunks(o, e):
        return (jnp.minimum(e - o, GCAP) + 15) >> 4

    def issue_seg(j, o, e, offv, gbuf, sem):
        def go(i):
            ivec = xbuf[j, pl.ds(o + i * 16, 16)] + offv
            pltpu.make_async_copy(
                shared.at[ivec], gbuf.at[pl.ds(i * 16, 16)], sem).start()
        pl.loop(0, chunks(o, e))(go)

    def drain_seg(o, e, gbuf, sem):
        def wt(i):
            pltpu.make_async_copy(
                shared.at[iota16], gbuf.at[pl.ds(0, 16)], sem).wait()
        pl.loop(0, chunks(o, e))(wt)

    def accum_seg(o, e, gbuf, acc0):
        def body(l, acc):
            new = []
            for k in range(NG):
                wv = plsc.bitcast(gbuf[l, pl.ds(k * 32, 32)], jnp.int32)
                ev = plsc.bitcast(wv << 16, jnp.float32)
                od = plsc.bitcast(wv & himask, jnp.float32)
                new.append(acc[2 * k] + ev)
                new.append(acc[2 * k + 1] + od)
            return tuple(new)
        return lax.fori_loop(0, jnp.minimum(e - o, GCAP), body, acc0)

    def issue(j, w, offv, gbuf, sem):
        issue_seg(j, bstart(j, w), bend(j, w), offv, gbuf, sem)

    def process(j, w, offv, gbuf, sem):
        o = bstart(j, w)
        e = bend(j, w)
        drain_seg(o, e, gbuf, sem)
        acc = tuple(obuf[j, pl.ds(r * 16, 16)] for r in range(8))
        acc = accum_seg(o, e, gbuf, acc)
        nseg = jnp.where(e - o > GCAP, 1, 0)

        def seg(s, acc):
            so = o + (s + 1) * GCAP
            issue_seg(j, so, e, offv, gbuf, sem)
            drain_seg(so, e, gbuf, sem)
            return accum_seg(so, e, gbuf, acc)

        acc = pl.loop(0, jnp.maximum(nseg, 0), init_carry=acc)(seg)
        for r in range(8):
            obuf[j, pl.ds(r * 16, 16)] = acc[r]

    def window(w):
        plsc.subcore_barrier()
        stage(w)
        plsc.subcore_barrier()

        offv = zeros16
        issue(0, w, offv, gbufa, sema)

        def step(jj):
            for t, (gb, sm, go, gs) in enumerate(
                    ((gbufa, sema, gbufb, semb), (gbufb, semb, gbufa, sema))):
                j = jj * 2 + t

                @pl.when(j + 1 < NB)
                def _():
                    issue(j + 1, w, offv, go, gs)

                process(j, w, offv, gb, sm)

        pl.loop(0, NB // 2)(step)

    pl.loop(0, NWIN)(window)

    fone = jnp.ones((16,), jnp.float32)

    def finalize(j):
        nz = smc[j * 4 + 3]
        totv = jnp.full((16,), nz, jnp.int32).astype(jnp.float32)
        inv = fone / jnp.maximum(totv, fone)
        acc = tuple(obuf[j, pl.ds(r * 16, 16)] for r in range(8))
        orow = obuf.at[j]
        for k in range(NG):
            idx = iota16 * 2 + (k * 32)
            plsc.store_scatter(orow, [idx], acc[2 * k] * inv)
            plsc.store_scatter(orow, [idx + 1], acc[2 * k + 1] * inv)

    pl.loop(0, NB)(finalize)
    pltpu.sync_copy(obuf, out_hbm.at[pl.ds(base, NB)])


@jax.jit
def kernel(x, table):
    xpad = jnp.zeros((BATCH, LPAD), jnp.int32)
    xpad = xpad.at[:, :HIST_LEN].set(x.astype(jnp.int32))
    tb16 = table.astype(jnp.bfloat16)
    mesh = plsc.VectorSubcoreMesh(core_axis_name="c", subcore_axis_name="s")
    f = pl.kernel(
        _sc_kernel,
        out_type=jax.ShapeDtypeStruct((BATCH, EMBED_DIM), jnp.float32),
        mesh=mesh,
        compiler_params=pltpu.CompilerParams(
            use_tc_tiling_on_sc=False, needs_layout_passes=False),
        scratch_types=[
            pltpu.VMEM((NB + 1, LPAD), jnp.int32),
            pltpu.VMEM((2, LPAD), jnp.int32),
            pltpu.VMEM((2, 16), jnp.int32),
            pltpu.VMEM((GCAP, EMBED_DIM), jnp.bfloat16),
            pltpu.VMEM((GCAP, EMBED_DIM), jnp.bfloat16),
            pltpu.VMEM((NB, EMBED_DIM), jnp.float32),
            pltpu.VMEM_SHARED((WROWS, EMBED_DIM), jnp.bfloat16),
            pltpu.SMEM((4 * NB,), jnp.int32),
            pltpu.SemaphoreType.DMA,
            pltpu.SemaphoreType.DMA,
        ],
    )
    return f(xpad, tb16)

# --- scband reference (transcript-rebuilt; emitter-appended) ---
"""Pipeline reference for scband-sentence-encoder-33423435498193 (READ-ONLY COPY).

The authoritative reference and input builder live on the scoring server;
editing this copy changes nothing except your own understanding.
"""

import jax, jax.numpy as jnp
import numpy as np

VOCAB = 100000
EMBED_DIM = 128
BATCH = 4096
HIST_LEN = 200

def setup_inputs(seed: int = 0) -> dict:
    key = jax.random.key(seed)
    k1, k2 = jax.random.split(key)
    x = jax.random.randint(k1, (BATCH, HIST_LEN), 0, VOCAB, dtype=jnp.int64 if jax.config.jax_enable_x64 else jnp.int32)
    table = jax.random.normal(k2, (VOCAB, EMBED_DIM), dtype=jnp.float32)
    # padding_idx=0 row is zeroed, matching nn.Embedding(padding_idx=0)
    table = table.at[0].set(0.0)
    return {"x": x, "table": table}

def reference(x, table):
    # embedded = self.embedding(x)
    embedded = jnp.take(table, x, axis=0)  # [B, L, D]
    # mask = (x != 0).unsqueeze(-1).float()
    mask = (x != 0)[..., None].astype(jnp.float32)  # [B, L, 1]
    # summed = sum(embedded * mask, dim=1)
    summed = jnp.sum(embedded * mask, axis=1)  # [B, D]
    # lengths = sum(mask, dim=1)
    lengths = jnp.sum(mask, axis=1)  # [B, 1]
    # return summed / lengths.clamp(min=1)
    return summed / jnp.maximum(lengths, 1.0)

if __name__ == "__main__":
    import jax
    _d = setup_inputs()
    print(jax.jit(kernel)(*tuple(_d.values())))

</pallas_src>

<mosaic_0001>
#map = affine_map<(d0, d1) -> (0, 0)>
module attributes {stable_mosaic.version = 14 : i64} {
  func.func @_sc_kernel(%arg0: i32, %arg1: i32, %arg2: memref<4096x208xi32, #tpu.memory_space<hbm>>, %arg3: memref<100000x128xbf16, #tpu.memory_space<hbm>>, %arg4: memref<4096x128xf32, #tpu.memory_space<hbm>>, %arg5: memref<129x208xi32, #tpu.memory_space<vmem>>, %arg6: memref<2x208xi32, #tpu.memory_space<vmem>>, %arg7: memref<2x16xi32, #tpu.memory_space<vmem>>, %arg8: memref<144x128xbf16, #tpu.memory_space<vmem>>, %arg9: memref<144x128xbf16, #tpu.memory_space<vmem>>, %arg10: memref<128x128xf32, #tpu.memory_space<vmem>>, %arg11: memref<16384x128xbf16, #tpu.memory_space<vmem_shared>>, %arg12: memref<512xi32, #tpu.memory_space<smem>>, %arg13: memref<!tpu.dma_semaphore, #tpu.memory_space<semaphore_mem>>, %arg14: memref<!tpu.dma_semaphore, #tpu.memory_space<semaphore_mem>>) attributes {dimension_semantics = [#tpu.dimension_semantics<core_parallel>, #tpu.dimension_semantics<subcore_parallel>], iteration_bounds = array<i64: 2, 16>, scalar_prefetch = 0 : i64, scratch_operands = 10 : i64, tpu.core_type = #tpu.core_type<sc_vector_subcore>, window_params = [{transform_indices = #map}, {transform_indices = #map}, {transform_indices = #map}]} {
    %mul3A = arith.constant 2 : i32
    %mul3A_0 = arith.muli %arg1, %mul3A : i32
    %add3A = arith.addi %mul3A_0, %arg0 : i32
    %mul3A_1 = arith.constant 128 : i32
    %mul3A_2 = arith.muli %add3A, %mul3A_1 : i32
    %iota3A = tpu.iota {dimensions = array<i32: 0>} : vector<16xi32>
    %broadcast_in_dim3A = arith.constant 1 : i32
    %broadcast_in_dim3A_3 = vector.broadcast %broadcast_in_dim3A : i32 to vector<16xi32>
    %broadcast_in_dim3A_4 = arith.constant 0 : i32
    %broadcast_in_dim3A_5 = vector.broadcast %broadcast_in_dim3A_4 : i32 to vector<16xi32>
    %broadcast_in_dim3A_6 = arith.constant -65536 : i32
    %broadcast_in_dim3A_7 = vector.broadcast %broadcast_in_dim3A_6 : i32 to vector<16xi32>
    %broadcast_in_dim3A_8 = arith.constant 16383 : i32
    %broadcast_in_dim3A_9 = vector.broadcast %broadcast_in_dim3A_8 : i32 to vector<16xi32>
    "tpu.region"() ({
      %run_scoped3A = tpu.sem_alloc : memref<!tpu.dma_semaphore, #tpu.memory_space<semaphore_mem>>
      %dma_start3A = arith.constant 0 : i32
      %dma_start3A_77 = arith.constant 0 : i32
      %dma_start3A_78 = tpu.memref_slice %arg5[%dma_start3A, %dma_start3A_77] : memref<129x208xi32, #tpu.memory_space<vmem>> -> memref<128x208xi32, #tpu.memory_space<vmem>>
      %dma_start3A_79 = arith.constant 0 : i32
      %dma_start3A_80 = tpu.memref_slice %arg2[%mul3A_2, %dma_start3A_79] : memref<4096x208xi32, #tpu.memory_space<hbm>> -> memref<128x208xi32, #tpu.memory_space<hbm>>
      %dma_start3A_81 = arith.constant 0 : i32
      %dma_start3A_82 = arith.constant 0 : i32
      %dma_start3A_83 = tpu.memref_slice %arg5[%dma_start3A_81, %dma_start3A_82] : memref<129x208xi32, #tpu.memory_space<vmem>> -> memref<128x208xi32, #tpu.memory_space<vmem>>
      %dma_start3A_84 = arith.constant 0 : i32
      %dma_start3A_85 = tpu.memref_slice %arg2[%mul3A_2, %dma_start3A_84] : memref<4096x208xi32, #tpu.memory_space<hbm>> -> memref<128x208xi32, #tpu.memory_space<hbm>>
      tpu.enqueue_dma source(%dma_start3A_85 : memref<128x208xi32, #tpu.memory_space<hbm>>) target(%dma_start3A_83 : memref<128x208xi32, #tpu.memory_space<vmem>>) target_semaphore(%run_scoped3A : memref<!tpu.dma_semaphore, #tpu.memory_space<semaphore_mem>>)
      %dma_wait3A = arith.constant 0 : i32
      %dma_wait3A_86 = arith.constant 0 : i32
      %dma_wait3A_87 = tpu.memref_slice %arg5[%dma_wait3A, %dma_wait3A_86] : memref<129x208xi32, #tpu.memory_space<vmem>> -> memref<128x208xi32, #tpu.memory_space<vmem>>
      %dma_wait3A_88 = arith.constant 0 : i32
      %dma_wait3A_89 = tpu.memref_slice %arg2[%mul3A_2, %dma_wait3A_88] : memref<4096x208xi32, #tpu.memory_space<hbm>> -> memref<128x208xi32, #tpu.memory_space<hbm>>
      %dma_wait3A_90 = arith.constant 0 : i32
      %dma_wait3A_91 = arith.constant 0 : i32
      %dma_wait3A_92 = tpu.memref_slice %arg5[%dma_wait3A_90, %dma_wait3A_91] : memref<129x208xi32, #tpu.memory_space<vmem>> -> memref<128x208xi32, #tpu.memory_space<vmem>>
      %dma_wait3A_93 = arith.constant 0 : i32
      %dma_wait3A_94 = tpu.memref_slice %arg2[%mul3A_2, %dma_wait3A_93] : memref<4096x208xi32, #tpu.memory_space<hbm>> -> memref<128x208xi32, #tpu.memory_space<hbm>>
      tpu.wait_dma2 semaphore(%run_scoped3A : memref<!tpu.dma_semaphore, #tpu.memory_space<semaphore_mem>>) src(%dma_wait3A_94 : memref<128x208xi32, #tpu.memory_space<hbm>>) dst(%dma_wait3A_92 : memref<128x208xi32, #tpu.memory_space<vmem>>)
      tpu.yield
    }) : () -> ()
    %swap3A = arith.constant 128 : i32
    %swap3A_10 = arith.index_cast %swap3A : i32 to index
    %swap3A_11 = arith.constant 0 : index
    %swap3A_12 = tpu.vector_load %arg5[%swap3A_10, %swap3A_11] {strides = array<i32>} : memref<129x208xi32, #tpu.memory_space<vmem>>, vector<16xi32>,
    tpu.vector_store %arg5[%swap3A_10, %swap3A_11], %broadcast_in_dim3A_5 {strides = array<i32>} : memref<129x208xi32, #tpu.memory_space<vmem>>, vector<16xi32>,
    %swap3A_13 = arith.constant 128 : i32
    %swap3A_14 = arith.index_cast %swap3A_13 : i32 to index
    %swap3A_15 = arith.constant 16 : index
    %swap3A_16 = tpu.vector_load %arg5[%swap3A_14, %swap3A_15] {strides = array<i32>} : memref<129x208xi32, #tpu.memory_space<vmem>>, vector<16xi32>,
    tpu.vector_store %arg5[%swap3A_14, %swap3A_15], %broadcast_in_dim3A_5 {strides = array<i32>} : memref<129x208xi32, #tpu.memory_space<vmem>>, vector<16xi32>,
    %swap3A_17 = arith.constant 128 : i32
    %swap3A_18 = arith.index_cast %swap3A_17 : i32 to index
    %swap3A_19 = arith.constant 32 : index
    %swap3A_20 = tpu.vector_load %arg5[%swap3A_18, %swap3A_19] {strides = array<i32>} : memref<129x208xi32, #tpu.memory_space<vmem>>, vector<16xi32>,
    tpu.vector_store %arg5[%swap3A_18, %swap3A_19], %broadcast_in_dim3A_5 {strides = array<i32>} : memref<129x208xi32, #tpu.memory_space<vmem>>, vector<16xi32>,
    %swap3A_21 = arith.constant 128 : i32
    %swap3A_22 = arith.index_cast %swap3A_21 : i32 to index
    %swap3A_23 = arith.constant 48 : index
    %swap3A_24 = tpu.vector_load %arg5[%swap3A_22, %swap3A_23] {strides = array<i32>} : memref<129x208xi32, #tpu.memory_space<vmem>>, vector<16xi32>,
    tpu.vector_store %arg5[%swap3A_22, %swap3A_23], %broadcast_in_dim3A_5 {strides = array<i32>} : memref<129x208xi32, #tpu.memory_space<vmem>>, vector<16xi32>,
    %swap3A_25 = arith.constant 128 : i32
    %swap3A_26 = arith.index_cast %swap3A_25 : i32 to index
    %swap3A_27 = arith.constant 64 : index
    %swap3A_28 = tpu.vector_load %arg5[%swap3A_26, %swap3A_27] {strides = array<i32>} : memref<129x208xi32, #tpu.memory_space<vmem>>, vector<16xi32>,
    tpu.vector_store %arg5[%swap3A_26, %swap3A_27], %broadcast_in_dim3A_5 {strides = array<i32>} : memref<129x208xi32, #tpu.memory_space<vmem>>, vector<16xi32>,
    %swap3A_29 = arith.constant 128 : i32
    %swap3A_30 = arith.index_cast %swap3A_29 : i32 to index
    %swap3A_31 = arith.constant 80 : index
    %swap3A_32 = tpu.vector_load %arg5[%swap3A_30, %swap3A_31] {strides = array<i32>} : memref<129x208xi32, #tpu.memory_space<vmem>>, vector<16xi32>,
    tpu.vector_store %arg5[%swap3A_30, %swap3A_31], %broadcast_in_dim3A_5 {strides = array<i32>} : memref<129x208xi32, #tpu.memory_space<vmem>>, vector<16xi32>,
    %swap3A_33 = arith.constant 128 : i32
    %swap3A_34 = arith.index_cast %swap3A_33 : i32 to index
    %swap3A_35 = arith.constant 96 : index
    %swap3A_36 = tpu.vector_load %arg5[%swap3A_34, %swap3A_35] {strides = array<i32>} : memref<129x208xi32, #tpu.memory_space<vmem>>, vector<16xi32>,
    tpu.vector_store %arg5[%swap3A_34, %swap3A_35], %broadcast_in_dim3A_5 {strides = array<i32>} : memref<129x208xi32, #tpu.memory_space<vmem>>, vector<16xi32>,
    %swap3A_37 = arith.constant 128 : i32
    %swap3A_38 = arith.index_cast %swap3A_37 : i32 to index
    %swap3A_39 = arith.constant 112 : index
    %swap3A_40 = tpu.vector_load %arg5[%swap3A_38, %swap3A_39] {strides = array<i32>} : memref<129x208xi32, #tpu.memory_space<vmem>>, vector<16xi32>,
    tpu.vector_store %arg5[%swap3A_38, %swap3A_39], %broadcast_in_dim3A_5 {strides = array<i32>} : memref<129x208xi32, #tpu.memory_space<vmem>>, vector<16xi32>,
    %swap3A_41 = arith.constant 128 : i32
    %swap3A_42 = arith.index_cast %swap3A_41 : i32 to index
    %swap3A_43 = arith.constant 128 : index
    %swap3A_44 = tpu.vector_load %arg5[%swap3A_42, %swap3A_43] {strides = array<i32>} : memref<129x208xi32, #tpu.memory_space<vmem>>, vector<16xi32>,
    tpu.vector_store %arg5[%swap3A_42, %swap3A_43], %broadcast_in_dim3A_5 {strides = array<i32>} : memref<129x208xi32, #tpu.memory_space<vmem>>, vector<16xi32>,
    %swap3A_45 = arith.constant 128 : i32
    %swap3A_46 = arith.index_cast %swap3A_45 : i32 to index
    %swap3A_47 = arith.constant 144 : index
    %swap3A_48 = tpu.vector_load %arg5[%swap3A_46, %swap3A_47] {strides = array<i32>} : memref<129x208xi32, #tpu.memory_space<vmem>>, vector<16xi32>,
    tpu.vector_store %arg5[%swap3A_46, %swap3A_47], %broadcast_in_dim3A_5 {strides = array<i32>} : memref<129x208xi32, #tpu.memory_space<vmem>>, vector<16xi32>,
    %swap3A_49 = arith.constant 128 : i32
    %swap3A_50 = arith.index_cast %swap3A_49 : i32 to index
    %swap3A_51 = arith.constant 160 : index
    %swap3A_52 = tpu.vector_load %arg5[%swap3A_50, %swap3A_51] {strides = array<i32>} : memref<129x208xi32, #tpu.memory_space<vmem>>, vector<16xi32>,
    tpu.vector_store %arg5[%swap3A_50, %swap3A_51], %broadcast_in_dim3A_5 {strides = array<i32>} : memref<129x208xi32, #tpu.memory_space<vmem>>, vector<16xi32>,
    %swap3A_53 = arith.constant 128 : i32
    %swap3A_54 = arith.index_cast %swap3A_53 : i32 to index
    %swap3A_55 = arith.constant 176 : index
    %swap3A_56 = tpu.vector_load %arg5[%swap3A_54, %swap3A_55] {strides = array<i32>} : memref<129x208xi32, #tpu.memory_space<vmem>>, vector<16xi32>,
    tpu.vector_store %arg5[%swap3A_54, %swap3A_55], %broadcast_in_dim3A_5 {strides = array<i32>} : memref<129x208xi32, #tpu.memory_space<vmem>>, vector<16xi32>,
    %swap3A_57 = arith.constant 128 : i32
    %swap3A_58 = arith.index_cast %swap3A_57 : i32 to index
    %swap3A_59 = arith.constant 192 : index
    %swap3A_60 = tpu.vector_load %arg5[%swap3A_58, %swap3A_59] {strides = array<i32>} : memref<129x208xi32, #tpu.memory_space<vmem>>, vector<16xi32>,
    tpu.vector_store %arg5[%swap3A_58, %swap3A_59], %broadcast_in_dim3A_5 {strides = array<i32>} : memref<129x208xi32, #tpu.memory_space<vmem>>, vector<16xi32>,
    %scan3A = arith.constant 0 : i32
    %scan3A_61 = arith.constant 64 : i32
    %scan3A_62 = arith.addi %scan3A, %scan3A_61 : i32
    %scan3A_63 = arith.constant 1 : i32
    scf.for %scan3A_77 = %scan3A to %scan3A_62 step %scan3A_63  : i32 {
      %mul3A_78 = arith.constant 1 : i32
      %mul3A_79 = arith.muli %scan3A_77, %mul3A_78 : i32
      %add3A_80 = arith.constant 0 : i32
      %add3A_81 = arith.addi %add3A_80, %mul3A_79 : i32
      %mul3A_82 = arith.constant 2 : i32
      %mul3A_83 = arith.muli %add3A_81, %mul3A_82 : i32
      %get3A = arith.index_cast %mul3A_83 : i32 to index
      %get3A_84 = arith.constant 0 : index
      %get3A_85 = tpu.vector_load %arg5[%get3A, %get3A_84] {strides = array<i32>} : memref<129x208xi32, #tpu.memory_space<vmem>>, vector<16xi32>,
      %swap3A_86 = arith.constant 0 : i32
      %swap3A_87 = arith.constant 0 : i32
      %swap3A_88 = tpu.memref_slice %arg6[%swap3A_86, %swap3A_87] : memref<2x208xi32, #tpu.memory_space<vmem>> -> memref<1x208xi32, #tpu.memory_space<vmem>>
      %swap3A_89 = tpu.memref_squeeze %swap3A_88 : memref<1x208xi32, #tpu.memory_space<vmem>> -> memref<208xi32, #tpu.memory_space<vmem>>
      %swap3A_90 = arith.constant 0 : index
      %swap3A_91 = tpu.vector_load %swap3A_89[%swap3A_90] {strides = array<i32>} : memref<208xi32, #tpu.memory_space<vmem>>, vector<16xi32>,
      tpu.vector_store %swap3A_89[%swap3A_90], %get3A_85 {strides = array<i32>} : memref<208xi32, #tpu.memory_space<vmem>>, vector<16xi32>,
      %get3A_92 = arith.index_cast %mul3A_83 : i32 to index
      %get3A_93 = arith.constant 16 : index
      %get3A_94 = tpu.vector_load %arg5[%get3A_92, %get3A_93] {strides = array<i32>} : memref<129x208xi32, #tpu.memory_space<vmem>>, vector<16xi32>,
      %swap3A_95 = arith.constant 0 : i32
      %swap3A_96 = arith.constant 0 : i32
      %swap3A_97 = tpu.memref_slice %arg6[%swap3A_95, %swap3A_96] : memref<2x208xi32, #tpu.memory_space<vmem>> -> memref<1x208xi32, #tpu.memory_space<vmem>>
      %swap3A_98 = tpu.memref_squeeze %swap3A_97 : memref<1x208xi32, #tpu.memory_space<vmem>> -> memref<208xi32, #tpu.memory_space<vmem>>
      %swap3A_99 = arith.constant 16 : index
      %swap3A_100 = tpu.vector_load %swap3A_98[%swap3A_99] {strides = array<i32>} : memref<208xi32, #tpu.memory_space<vmem>>, vector<16xi32>,
      tpu.vector_store %swap3A_98[%swap3A_99], %get3A_94 {strides = array<i32>} : memref<208xi32, #tpu.memory_space<vmem>>, vector<16xi32>,
      %get3A_101 = arith.index_cast %mul3A_83 : i32 to index
      %get3A_102 = arith.constant 32 : index
      %get3A_103 = tpu.vector_load %arg5[%get3A_101, %get3A_102] {strides = array<i32>} : memref<129x208xi32, #tpu.memory_space<vmem>>, vector<16xi32>,
      %swap3A_104 = arith.constant 0 : i32
      %swap3A_105 = arith.constant 0 : i32
      %swap3A_106 = tpu.memref_slice %arg6[%swap3A_104, %swap3A_105] : memref<2x208xi32, #tpu.memory_space<vmem>> -> memref<1x208xi32, #tpu.memory_space<vmem>>
      %swap3A_107 = tpu.memref_squeeze %swap3A_106 : memref<1x208xi32, #tpu.memory_space<vmem>> -> memref<208xi32, #tpu.memory_space<vmem>>
      %swap3A_108 = arith.constant 32 : index
      %swap3A_109 = tpu.vector_load %swap3A_107[%swap3A_108] {strides = array<i32>} : memref<208xi32, #tpu.memory_space<vmem>>, vector<16xi32>,
      tpu.vector_store %swap3A_107[%swap3A_108], %get3A_103 {strides = array<i32>} : memref<208xi32, #tpu.memory_space<vmem>>, vector<16xi32>,
      %get3A_110 = arith.index_cast %mul3A_83 : i32 to index
      %get3A_111 = arith.constant 48 : index
      %get3A_112 = tpu.vector_load %arg5[%get3A_110, %get3A_111] {strides = array<i32>} : memref<129x208xi32, #tpu.memory_space<vmem>>, vector<16xi32>,
      %swap3A_113 = arith.constant 0 : i32
      %swap3A_114 = arith.constant 0 : i32
      %swap3A_115 = tpu.memref_slice %arg6[%swap3A_113, %swap3A_114] : memref<2x208xi32, #tpu.memory_space<vmem>> -> memref<1x208xi32, #tpu.memory_space<vmem>>
      %swap3A_116 = tpu.memref_squeeze %swap3A_115 : memref<1x208xi32, #tpu.memory_space<vmem>> -> memref<208xi32, #tpu.memory_space<vmem>>
      %swap3A_117 = arith.constant 48 : index
      %swap3A_118 = tpu.vector_load %swap3A_116[%swap3A_117] {strides = array<i32>} : memref<208xi32, #tpu.memory_space<vmem>>, vector<16xi32>,
      tpu.vector_store %swap3A_116[%swap3A_117], %get3A_112 {strides = array<i32>} : memref<208xi32, #tpu.memory_space<vmem>>, vector<16xi32>,
      %get3A_119 = arith.index_cast %mul3A_83 : i32 to index
      %get3A_120 = arith.constant 64 : index
      %get3A_121 = tpu.vector_load %arg5[%get3A_119, %get3A_120] {strides = array<i32>} : memref<129x208xi32, #tpu.memory_space<vmem>>, vector<16xi32>,
      %swap3A_122 = arith.constant 0 : i32
      %swap3A_123 = arith.constant 0 : i32
      %swap3A_124 = tpu.memref_slice %arg6[%swap3A_122, %swap3A_123] : memref<2x208xi32, #tpu.memory_space<vmem>> -> memref<1x208xi32, #tpu.memory_space<vmem>>
      %swap3A_125 = tpu.memref_squeeze %swap3A_124 : memref<1x208xi32, #tpu.memory_space<vmem>> -> memref<208xi32, #tpu.memory_space<vmem>>
      %swap3A_126 = arith.constant 64 : index
      %swap3A_127 = tpu.vector_load %swap3A_125[%swap3A_126] {strides = array<i32>} : memref<208xi32, #tpu.memory_space<vmem>>, vector<16xi32>,
      tpu.vector_store %swap3A_125[%swap3A_126], %get3A_121 {strides = array<i32>} : memref<208xi32, #tpu.memory_space<vmem>>, vector<16xi32>,
      %get3A_128 = arith.index_cast %mul3A_83 : i32 to index
      %get3A_129 = arith.constant 80 : index
      %get3A_130 = tpu.vector_load %arg5[%get3A_128, %get3A_129] {strides = array<i32>} : memref<129x208xi32, #tpu.memory_space<vmem>>, vector<16xi32>,
      %swap3A_131 = arith.constant 0 : i32
      %swap3A_132 = arith.constant 0 : i32
      %swap3A_133 = tpu.memref_slice %arg6[%swap3A_131, %swap3A_132] : memref<2x208xi32, #tpu.memory_space<vmem>> -> memref<1x208xi32, #tpu.memory_space<vmem>>
      %swap3A_134 = tpu.memref_squeeze %swap3A_133 : memref<1x208xi32, #tpu.memory_space<vmem>> -> memref<208xi32, #tpu.memory_space<vmem>>
      %swap3A_135 = arith.constant 80 : index
      %swap3A_136 = tpu.vector_load %swap3A_134[%swap3A_135] {strides = array<i32>} : memref<208xi32, #tpu.memory_space<vmem>>, vector<16xi32>,
      tpu.vector_store %swap3A_134[%swap3A_135], %get3A_130 {strides = array<i32>} : memref<208xi32, #tpu.memory_space<vmem>>, vector<16xi32>,
      %get3A_137 = arith.index_cast %mul3A_83 : i32 to index
      %get3A_138 = arith.constant 96 : index
      %get3A_139 = tpu.vector_load %arg5[%get3A_137, %get3A_138] {strides = array<i32>} : memref<129x208xi32, #tpu.memory_space<vmem>>, vector<16xi32>,
      %swap3A_140 = arith.constant 0 : i32
      %swap3A_141 = arith.constant 0 : i32
      %swap3A_142 = tpu.memref_slice %arg6[%swap3A_140, %swap3A_141] : memref<2x208xi32, #tpu.memory_space<vmem>> -> memref<1x208xi32, #tpu.memory_space<vmem>>
      %swap3A_143 = tpu.memref_squeeze %swap3A_142 : memref<1x208xi32, #tpu.memory_space<vmem>> -> memref<208xi32, #tpu.memory_space<vmem>>
      %swap3A_144 = arith.constant 96 : index
      %swap3A_145 = tpu.vector_load %swap3A_143[%swap3A_144] {strides = array<i32>} : memref<208xi32, #tpu.memory_space<vmem>>, vector<16xi32>,
      tpu.vector_store %swap3A_143[%swap3A_144], %get3A_139 {strides = array<i32>} : memref<208xi32, #tpu.memory_space<vmem>>, vector<16xi32>,
      %get3A_146 = arith.index_cast %mul3A_83 : i32 to index
      %get3A_147 = arith.constant 112 : index
      %get3A_148 = tpu.vector_load %arg5[%get3A_146, %get3A_147] {strides = array<i32>} : memref<129x208xi32, #tpu.memory_space<vmem>>, vector<16xi32>,
      %swap3A_149 = arith.constant 0 : i32
      %swap3A_150 = arith.constant 0 : i32
      %swap3A_151 = tpu.memref_slice %arg6[%swap3A_149, %swap3A_150] : memref<2x208xi32, #tpu.memory_space<vmem>> -> memref<1x208xi32, #tpu.memory_space<vmem>>
      %swap3A_152 = tpu.memref_squeeze %swap3A_151 : memref<1x208xi32, #tpu.memory_space<vmem>> -> memref<208xi32, #tpu.memory_space<vmem>>
      %swap3A_153 = arith.constant 112 : index
      %swap3A_154 = tpu.vector_load %swap3A_152[%swap3A_153] {strides = array<i32>} : memref<208xi32, #tpu.memory_space<vmem>>, vector<16xi32>,
      tpu.vector_store %swap3A_152[%swap3A_153], %get3A_148 {strides = array<i32>} : memref<208xi32, #tpu.memory_space<vmem>>, vector<16xi32>,
      %get3A_155 = arith.index_cast %mul3A_83 : i32 to index
      %get3A_156 = arith.constant 128 : index
      %get3A_157 = tpu.vector_load %arg5[%get3A_155, %get3A_156] {strides = array<i32>} : memref<129x208xi32, #tpu.memory_space<vmem>>, vector<16xi32>,
      %swap3A_158 = arith.constant 0 : i32
      %swap3A_159 = arith.constant 0 : i32
      %swap3A_160 = tpu.memref_slice %arg6[%swap3A_158, %swap3A_159] : memref<2x208xi32, #tpu.memory_space<vmem>> -> memref<1x208xi32, #tpu.memory_space<vmem>>
      %swap3A_161 = tpu.memref_squeeze %swap3A_160 : memref<1x208xi32, #tpu.memory_space<vmem>> -> memref<208xi32, #tpu.memory_space<vmem>>
      %swap3A_162 = arith.constant 128 : index
      %swap3A_163 = tpu.vector_load %swap3A_161[%swap3A_162] {strides = array<i32>} : memref<208xi32, #tpu.memory_space<vmem>>, vector<16xi32>,
      tpu.vector_store %swap3A_161[%swap3A_162], %get3A_157 {strides = array<i32>} : memref<208xi32, #tpu.memory_space<vmem>>, vector<16xi32>,
      %get3A_164 = arith.index_cast %mul3A_83 : i32 to index
      %get3A_165 = arith.constant 144 : index
      %get3A_166 = tpu.vector_load %arg5[%get3A_164, %get3A_165] {strides = array<i32>} : memref<129x208xi32, #tpu.memory_space<vmem>>, vector<16xi32>,
      %swap3A_167 = arith.constant 0 : i32
      %swap3A_168 = arith.constant 0 : i32
      %swap3A_169 = tpu.memref_slice %arg6[%swap3A_167, %swap3A_168] : memref<2x208xi32, #tpu.memory_space<vmem>> -> memref<1x208xi32, #tpu.memory_space<vmem>>
      %swap3A_170 = tpu.memref_squeeze %swap3A_169 : memref<1x208xi32, #tpu.memory_space<vmem>> -> memref<208xi32, #tpu.memory_space<vmem>>
      %swap3A_171 = arith.constant 144 : index
      %swap3A_172 = tpu.vector_load %swap3A_170[%swap3A_171] {strides = array<i32>} : memref<208xi32, #tpu.memory_space<vmem>>, vector<16xi32>,
      tpu.vector_store %swap3A_170[%swap3A_171], %get3A_166 {strides = array<i32>} : memref<208xi32, #tpu.memory_space<vmem>>, vector<16xi32>,
      %get3A_173 = arith.index_cast %mul3A_83 : i32 to index
      %get3A_174 = arith.constant 160 : index
      %get3A_175 = tpu.vector_load %arg5[%get3A_173, %get3A_174] {strides = array<i32>} : memref<129x208xi32, #tpu.memory_space<vmem>>, vector<16xi32>,
      %swap3A_176 = arith.constant 0 : i32
      %swap3A_177 = arith.constant 0 : i32
      %swap3A_178 = tpu.memref_slice %arg6[%swap3A_176, %swap3A_177] : memref<2x208xi32, #tpu.memory_space<vmem>> -> memref<1x208xi32, #tpu.memory_space<vmem>>
      %swap3A_179 = tpu.memref_squeeze %swap3A_178 : memref<1x208xi32, #tpu.memory_space<vmem>> -> memref<208xi32, #tpu.memory_space<vmem>>
      %swap3A_180 = arith.constant 160 : index
      %swap3A_181 = tpu.vector_load %swap3A_179[%swap3A_180] {strides = array<i32>} : memref<208xi32, #tpu.memory_space<vmem>>, vector<16xi32>,
      tpu.vector_store %swap3A_179[%swap3A_180], %get3A_175 {strides = array<i32>} : memref<208xi32, #tpu.memory_space<vmem>>, vector<16xi32>,
      %get3A_182 = arith.index_cast %mul3A_83 : i32 to index
      %get3A_183 = arith.constant 176 : index
      %get3A_184 = tpu.vector_load %arg5[%get3A_182, %get3A_183] {strides = array<i32>} : memref<129x208xi32, #tpu.memory_space<vmem>>, vector<16xi32>,
      %swap3A_185 = arith.constant 0 : i32
      %swap3A_186 = arith.constant 0 : i32
      %swap3A_187 = tpu.memref_slice %arg6[%swap3A_185, %swap3A_186] : memref<2x208xi32, #tpu.memory_space<vmem>> -> memref<1x208xi32, #tpu.memory_space<vmem>>
      %swap3A_188 = tpu.memref_squeeze %swap3A_187 : memref<1x208xi32, #tpu.memory_space<vmem>> -> memref<208xi32, #tpu.memory_space<vmem>>
      %swap3A_189 = arith.constant 176 : index
      %swap3A_190 = tpu.vector_load %swap3A_188[%swap3A_189] {strides = array<i32>} : memref<208xi32, #tpu.memory_space<vmem>>, vector<16xi32>,
      tpu.vector_store %swap3A_188[%swap3A_189], %get3A_184 {strides = array<i32>} : memref<208xi32, #tpu.memory_space<vmem>>, vector<16xi32>,
      %get3A_191 = arith.index_cast %mul3A_83 : i32 to index
      %get3A_192 = arith.constant 192 : index
      %get3A_193 = tpu.vector_load %arg5[%get3A_191, %get3A_192] {strides = array<i32>} : memref<129x208xi32, #tpu.memory_space<vmem>>, vector<16xi32>,
      %swap3A_194 = arith.constant 0 : i32
      %swap3A_195 = arith.constant 0 : i32
      %swap3A_196 = tpu.memref_slice %arg6[%swap3A_194, %swap3A_195] : memref<2x208xi32, #tpu.memory_space<vmem>> -> memref<1x208xi32, #tpu.memory_space<vmem>>
      %swap3A_197 = tpu.memref_squeeze %swap3A_196 : memref<1x208xi32, #tpu.memory_space<vmem>> -> memref<208xi32, #tpu.memory_space<vmem>>
      %swap3A_198 = arith.constant 192 : index
      %swap3A_199 = tpu.vector_load %swap3A_197[%swap3A_198] {strides = array<i32>} : memref<208xi32, #tpu.memory_space<vmem>>, vector<16xi32>,
      tpu.vector_store %swap3A_197[%swap3A_198], %get3A_193 {strides = array<i32>} : memref<208xi32, #tpu.memory_space<vmem>>, vector<16xi32>,
      %swap3A_200 = arith.constant 0 : i32
      %swap3A_201 = arith.constant 0 : i32
      %swap3A_202 = tpu.memref_slice %arg7[%swap3A_200, %swap3A_201] : memref<2x16xi32, #tpu.memory_space<vmem>> -> memref<1x16xi32, #tpu.memory_space<vmem>>
      %swap3A_203 = tpu.memref_squeeze %swap3A_202 : memref<1x16xi32, #tpu.memory_space<vmem>> -> memref<16xi32, #tpu.memory_space<vmem>>
      %swap3A_204 = arith.constant 0 : index
      %swap3A_205 = tpu.vector_load %swap3A_203[%swap3A_204] {strides = array<i32>} : memref<16xi32, #tpu.memory_space<vmem>>, vector<16xi32>,
      tpu.vector_store %swap3A_203[%swap3A_204], %broadcast_in_dim3A_5 {strides = array<i32>} : memref<16xi32, #tpu.memory_space<vmem>>, vector<16xi32>,
      %get3A_206 = arith.constant 0 : i32
      %get3A_207 = arith.constant 0 : i32
      %get3A_208 = tpu.memref_slice %arg6[%get3A_206, %get3A_207] : memref<2x208xi32, #tpu.memory_space<vmem>> -> memref<1x208xi32, #tpu.memory_space<vmem>>
      %get3A_209 = tpu.memref_squeeze %get3A_208 : memref<1x208xi32, #tpu.memory_space<vmem>> -> memref<208xi32, #tpu.memory_space<vmem>>
      %get3A_210 = arith.constant 0 : index
      %get3A_211 = tpu.vector_load %get3A_209[%get3A_210] {strides = array<i32>} : memref<208xi32, #tpu.memory_space<vmem>>, vector<16xi32>,
      %ne3A = arith.constant 0 : i32
      %ne3A_212 = vector.broadcast %ne3A : i32 to vector<16xi32>
      %ne3A_213 = arith.cmpi ne, %get3A_211, %ne3A_212 : vector<16xi32>
      %select_n3A = arith.select %ne3A_213, %broadcast_in_dim3A_3, %broadcast_in_dim3A_5 : vector<16xi1>, vector<16xi32>
      %add3A_214 = arith.addi %broadcast_in_dim3A_5, %select_n3A : vector<16xi32>
      %shift_right_logical3A = arith.constant 14 : i32
      %shift_right_logical3A_215 = vector.broadcast %shift_right_logical3A : i32 to vector<16xi32>
      %shift_right_logical3A_216 = arith.shrui %get3A_211, %shift_right_logical3A_215 : vector<16xi32>
      %broadcast_in_dim3A_217 = arith.constant true
      %broadcast_in_dim3A_218 = vector.broadcast %broadcast_in_dim3A_217 : i1 to vector<16xi1>
      %unique3A, %unique3A_219 = tpu.scan_count mask(%broadcast_in_dim3A_218 : vector<16xi1>) value(%shift_right_logical3A_216 : vector<16xi32>) : vector<16xi1>, vector<16xi32>
      %gather3A = arith.constant 0 : i32
      %gather3A_220 = arith.constant 0 : i32
      %gather3A_221 = tpu.memref_slice %arg7[%gather3A, %gather3A_220] : memref<2x16xi32, #tpu.memory_space<vmem>> -> memref<1x16xi32, #tpu.memory_space<vmem>>
      %gather3A_222 = tpu.memref_squeeze %gather3A_221 : memref<1x16xi32, #tpu.memory_space<vmem>> -> memref<16xi32, #tpu.memory_space<vmem>>
      %gather3A_223 = tpu.vector_load_idx %gather3A_222[%shift_right_logical3A_216] : memref<16xi32, #tpu.memory_space<vmem>>[vector<16xi32>], vector<16xi32>,
      %add3A_224 = arith.addi %gather3A_223, %unique3A_219 : vector<16xi32>
      %scatter3A = arith.constant 0 : i32
      %scatter3A_225 = arith.constant 0 : i32
      %scatter3A_226 = tpu.memref_slice %arg7[%scatter3A, %scatter3A_225] : memref<2x16xi32, #tpu.memory_space<vmem>> -> memref<1x16xi32, #tpu.memory_space<vmem>>
      %scatter3A_227 = tpu.memref_squeeze %scatter3A_226 : memref<1x16xi32, #tpu.memory_space<vmem>> -> memref<16xi32, #tpu.memory_space<vmem>>
      tpu.vector_store_idx %scatter3A_227[%shift_right_logical3A_216], %add3A_224 masked %unique3A : memref<16xi32, #tpu.memory_space<vmem>>[vector<16xi32>], vector<16xi32>, vector<16xi1>
      %get3A_228 = arith.constant 0 : i32
      %get3A_229 = arith.constant 0 : i32
      %get3A_230 = tpu.memref_slice %arg6[%get3A_228, %get3A_229] : memref<2x208xi32, #tpu.memory_space<vmem>> -> memref<1x208xi32, #tpu.memory_space<vmem>>
      %get3A_231 = tpu.memref_squeeze %get3A_230 : memref<1x208xi32, #tpu.memory_space<vmem>> -> memref<208xi32, #tpu.memory_space<vmem>>
      %get3A_232 = arith.constant 16 : index
      %get3A_233 = tpu.vector_load %get3A_231[%get3A_232] {strides = array<i32>} : memref<208xi32, #tpu.memory_space<vmem>>, vector<16xi32>,
      %ne3A_234 = arith.constant 0 : i32
      %ne3A_235 = vector.broadcast %ne3A_234 : i32 to vector<16xi32>
      %ne3A_236 = arith.cmpi ne, %get3A_233, %ne3A_235 : vector<16xi32>
      %select_n3A_237 = arith.select %ne3A_236, %broadcast_in_dim3A_3, %broadcast_in_dim3A_5 : vector<16xi1>, vector<16xi32>
      %add3A_238 = arith.addi %add3A_214, %select_n3A_237 : vector<16xi32>
      %shift_right_logical3A_239 = arith.constant 14 : i32
      %shift_right_logical3A_240 = vector.broadcast %shift_right_logical3A_239 : i32 to vector<16xi32>
      %shift_right_logical3A_241 = arith.shrui %get3A_233, %shift_right_logical3A_240 : vector<16xi32>
      %broadcast_in_dim3A_242 = arith.constant true
      %broadcast_in_dim3A_243 = vector.broadcast %broadcast_in_dim3A_242 : i1 to vector<16xi1>
      %unique3A_244, %unique3A_245 = tpu.scan_count mask(%broadcast_in_dim3A_243 : vector<16xi1>) value(%shift_right_logical3A_241 : vector<16xi32>) : vector<16xi1>, vector<16xi32>
      %gather3A_246 = arith.constant 0 : i32
      %gather3A_247 = arith.constant 0 : i32
      %gather3A_248 = tpu.memref_slice %arg7[%gather3A_246, %gather3A_247] : memref<2x16xi32, #tpu.memory_space<vmem>> -> memref<1x16xi32, #tpu.memory_space<vmem>>
      %gather3A_249 = tpu.memref_squeeze %gather3A_248 : memref<1x16xi32, #tpu.memory_space<vmem>> -> memref<16xi32, #tpu.memory_space<vmem>>
      %gather3A_250 = tpu.vector_load_idx %gather3A_249[%shift_right_logical3A_241] : memref<16xi32, #tpu.memory_space<vmem>>[vector<16xi32>], vector<16xi32>,
      %add3A_251 = arith.addi %gather3A_250, %unique3A_245 : vector<16xi32>
      %scatter3A_252 = arith.constant 0 : i32
      %scatter3A_253 = arith.constant 0 : i32
      %scatter3A_254 = tpu.memref_slice %arg7[%scatter3A_252, %scatter3A_253] : memref<2x16xi32, #tpu.memory_space<vmem>> -> memref<1x16xi32, #tpu.memory_space<vmem>>
      %scatter3A_255 = tpu.memref_squeeze %scatter3A_254 : memref<1x16xi32, #tpu.memory_space<vmem>> -> memref<16xi32, #tpu.memory_space<vmem>>
      tpu.vector_store_idx %scatter3A_255[%shift_right_logical3A_241], %add3A_251 masked %unique3A_244 : memref<16xi32, #tpu.memory_space<vmem>>[vector<16xi32>], vector<16xi32>, vector<16xi1>
      %get3A_256 = arith.constant 0 : i32
      %get3A_257 = arith.constant 0 : i32
      %get3A_258 = tpu.memref_slice %arg6[%get3A_256, %get3A_257] : memref<2x208xi32, #tpu.memory_space<vmem>> -> memref<1x208xi32, #tpu.memory_space<vmem>>
      %get3A_259 = tpu.memref_squeeze %get3A_258 : memref<1x208xi32, #tpu.memory_space<vmem>> -> memref<208xi32, #tpu.memory_space<vmem>>
      %get3A_260 = arith.constant 32 : index
      %get3A_261 = tpu.vector_load %get3A_259[%get3A_260] {strides = array<i32>} : memref<208xi32, #tpu.memory_space<vmem>>, vector<16xi32>,
      %ne3A_262 = arith.constant 0 : i32
      %ne3A_263 = vector.broadcast %ne3A_262 : i32 to vector<16xi32>
      %ne3A_264 = arith.cmpi ne, %get3A_261, %ne3A_263 : vector<16xi32>
      %select_n3A_265 = arith.select %ne3A_264, %broadcast_in_dim3A_3, %broadcast_in_dim3A_5 : vector<16xi1>, vector<16xi32>
      %add3A_266 = arith.addi %add3A_238, %select_n3A_265 : vector<16xi32>
      %shift_right_logical3A_267 = arith.constant 14 : i32
      %shift_right_logical3A_268 = vector.broadcast %shift_right_logical3A_267 : i32 to vector<16xi32>
      %shift_right_logical3A_269 = arith.shrui %get3A_261, %shift_right_logical3A_268 : vector<16xi32>
      %broadcast_in_dim3A_270 = arith.constant true
      %broadcast_in_dim3A_271 = vector.broadcast %broadcast_in_dim3A_270 : i1 to vector<16xi1>
      %unique3A_272, %unique3A_273 = tpu.scan_count mask(%broadcast_in_dim3A_271 : vector<16xi1>) value(%shift_right_logical3A_269 : vector<16xi32>) : vector<16xi1>, vector<16xi32>
      %gather3A_274 = arith.constant 0 : i32
      %gather3A_275 = arith.constant 0 : i32
      %gather3A_276 = tpu.memref_slice %arg7[%gather3A_274, %gather3A_275] : memref<2x16xi32, #tpu.memory_space<vmem>> -> memref<1x16xi32, #tpu.memory_space<vmem>>
      %gather3A_277 = tpu.memref_squeeze %gather3A_276 : memref<1x16xi32, #tpu.memory_space<vmem>> -> memref<16xi32, #tpu.memory_space<vmem>>
      %gather3A_278 = tpu.vector_load_idx %gather3A_277[%shift_right_logical3A_269] : memref<16xi32, #tpu.memory_space<vmem>>[vector<16xi32>], vector<16xi32>,
      %add3A_279 = arith.addi %gather3A_278, %unique3A_273 : vector<16xi32>
      %scatter3A_280 = arith.constant 0 : i32
      %scatter3A_281 = arith.constant 0 : i32
      %scatter3A_282 = tpu.memref_slice %arg7[%scatter3A_280, %scatter3A_281] : memref<2x16xi32, #tpu.memory_space<vmem>> -> memref<1x16xi32, #tpu.memory_space<vmem>>
      %scatter3A_283 = tpu.memref_squeeze %scatter3A_282 : memref<1x16xi32, #tpu.memory_space<vmem>> -> memref<16xi32, #tpu.memory_space<vmem>>
      tpu.vector_store_idx %scatter3A_283[%shift_right_logical3A_269], %add3A_279 masked %unique3A_272 : memref<16xi32, #tpu.memory_space<vmem>>[vector<16xi32>], vector<16xi32>, vector<16xi1>
      %get3A_284 = arith.constant 0 : i32
      %get3A_285 = arith.constant 0 : i32
      %get3A_286 = tpu.memref_slice %arg6[%get3A_284, %get3A_285] : memref<2x208xi32, #tpu.memory_space<vmem>> -> memref<1x208xi32, #tpu.memory_space<vmem>>
      %get3A_287 = tpu.memref_squeeze %get3A_286 : memref<1x208xi32, #tpu.memory_space<vmem>> -> memref<208xi32, #tpu.memory_space<vmem>>
      %get3A_288 = arith.constant 48 : index
      %get3A_289 = tpu.vector_load %get3A_287[%get3A_288] {strides = array<i32>} : memref<208xi32, #tpu.memory_space<vmem>>, vector<16xi32>,
      %ne3A_290 = arith.constant 0 : i32
      %ne3A_291 = vector.broadcast %ne3A_290 : i32 to vector<16xi32>
      %ne3A_292 = arith.cmpi ne, %get3A_289, %ne3A_291 : vector<16xi32>
      %select_n3A_293 = arith.select %ne3A_292, %broadcast_in_dim3A_3, %broadcast_in_dim3A_5 : vector<16xi1>, vector<16xi32>
      %add3A_294 = arith.addi %add3A_266, %select_n3A_293 : vector<16xi32>
      %shift_right_logical3A_295 = arith.constant 14 : i32
      %shift_right_logical3A_296 = vector.broadcast %shift_right_logical3A_295 : i32 to vector<16xi32>
      %shift_right_logical3A_297 = arith.shrui %get3A_289, %shift_right_logical3A_296 : vector<16xi32>
      %broadcast_in_dim3A_298 = arith.constant true
      %broadcast_in_dim3A_299 = vector.broadcast %broadcast_in_dim3A_298 : i1 to vector<16xi1>
      %unique3A_300, %unique3A_301 = tpu.scan_count mask(%broadcast_in_dim3A_299 : vector<16xi1>) value(%shift_right_logical3A_297 : vector<16xi32>) : vector<16xi1>, vector<16xi32>
      %gather3A_302 = arith.constant 0 : i32
      %gather3A_303 = arith.constant 0 : i32
      %gather3A_304 = tpu.memref_slice %arg7[%gather3A_302, %gather3A_303] : memref<2x16xi32, #tpu.memory_space<vmem>> -> memref<1x16xi32, #tpu.memory_space<vmem>>
      %gather3A_305 = tpu.memref_squeeze %gather3A_304 : memref<1x16xi32, #tpu.memory_space<vmem>> -> memref<16xi32, #tpu.memory_space<vmem>>
      %gather3A_306 = tpu.vector_load_idx %gather3A_305[%shift_right_logical3A_297] : memref<16xi32, #tpu.memory_space<vmem>>[vector<16xi32>], vector<16xi32>,
      %add3A_307 = arith.addi %gather3A_306, %unique3A_301 : vector<16xi32>
      %scatter3A_308 = arith.constant 0 : i32
      %scatter3A_309 = arith.constant 0 : i32
      %scatter3A_310 = tpu.memref_slice %arg7[%scatter3A_308, %scatter3A_309] : memref<2x16xi32, #tpu.memory_space<vmem>> -> memref<1x16xi32, #tpu.memory_space<vmem>>
      %scatter3A_311 = tpu.memref_squeeze %scatter3A_310 : memref<1x16xi32, #tpu.memory_space<vmem>> -> memref<16xi32, #tpu.memory_space<vmem>>
      tpu.vector_store_idx %scatter3A_311[%shift_right_logical3A_297], %add3A_307 masked %unique3A_300 : memref<16xi32, #tpu.memory_space<vmem>>[vector<16xi32>], vector<16xi32>, vector<16xi1>
      %get3A_312 = arith.constant 0 : i32
      %get3A_313 = arith.constant 0 : i32
      %get3A_314 = tpu.memref_slice %arg6[%get3A_312, %get3A_313] : memref<2x208xi32, #tpu.memory_space<vmem>> -> memref<1x208xi32, #tpu.memory_space<vmem>>
      %get3A_315 = tpu.memref_squeeze %get3A_314 : memref<1x208xi32, #tpu.memory_space<vmem>> -> memref<208xi32, #tpu.memory_space<vmem>>
      %get3A_316 = arith.constant 64 : index
      %get3A_317 = tpu.vector_load %get3A_315[%get3A_316] {strides = array<i32>} : memref<208xi32, #tpu.memory_space<vmem>>, vector<16xi32>,
      %ne3A_318 = arith.constant 0 : i32
      %ne3A_319 = vector.broadcast %ne3A_318 : i32 to vector<16xi32>
      %ne3A_320 = arith.cmpi ne, %get3A_317, %ne3A_319 : vector<16xi32>
      %select_n3A_321 = arith.select %ne3A_320, %broadcast_in_dim3A_3, %broadcast_in_dim3A_5 : vector<16xi1>, vector<16xi32>
      %add3A_322 = arith.addi %add3A_294, %select_n3A_321 : vector<16xi32>
      %shift_right_logical3A_323 = arith.constant 14 : i32
      %shift_right_logical3A_324 = vector.broadcast %shift_right_logical3A_323 : i32 to vector<16xi32>
      %shift_right_logical3A_325 = arith.shrui %get3A_317, %shift_right_logical3A_324 : vector<16xi32>
      %broadcast_in_dim3A_326 = arith.constant true
      %broadcast_in_dim3A_327 = vector.broadcast %broadcast_in_dim3A_326 : i1 to vector<16xi1>
      %unique3A_328, %unique3A_329 = tpu.scan_count mask(%broadcast_in_dim3A_327 : vector<16xi1>) value(%shift_right_logical3A_325 : vector<16xi32>) : vector<16xi1>, vector<16xi32>
      %gather3A_330 = arith.constant 0 : i32
      %gather3A_331 = arith.constant 0 : i32
      %gather3A_332 = tpu.memref_slice %arg7[%gather3A_330, %gather3A_331] : memref<2x16xi32, #tpu.memory_space<vmem>> -> memref<1x16xi32, #tpu.memory_space<vmem>>
      %gather3A_333 = tpu.memref_squeeze %gather3A_332 : memref<1x16xi32, #tpu.memory_space<vmem>> -> memref<16xi32, #tpu.memory_space<vmem>>
      %gather3A_334 = tpu.vector_load_idx %gather3A_333[%shift_right_logical3A_325] : memref<16xi32, #tpu.memory_space<vmem>>[vector<16xi32>], vector<16xi32>,
      %add3A_335 = arith.addi %gather3A_334, %unique3A_329 : vector<16xi32>
      %scatter3A_336 = arith.constant 0 : i32
      %scatter3A_337 = arith.constant 0 : i32
      %scatter3A_338 = tpu.memref_slice %arg7[%scatter3A_336, %scatter3A_337] : memref<2x16xi32, #tpu.memory_space<vmem>> -> memref<1x16xi32, #tpu.memory_space<vmem>>
      %scatter3A_339 = tpu.memref_squeeze %scatter3A_338 : memref<1x16xi32, #tpu.memory_space<vmem>> -> memref<16xi32, #tpu.memory_space<vmem>>
      tpu.vector_store_idx %scatter3A_339[%shift_right_logical3A_325], %add3A_335 masked %unique3A_328 : memref<16xi32, #tpu.memory_space<vmem>>[vector<16xi32>], vector<16xi32>, vector<16xi1>
      %get3A_340 = arith.constant 0 : i32
      %get3A_341 = arith.constant 0 : i32
      %get3A_342 = tpu.memref_slice %arg6[%get3A_340, %get3A_341] : memref<2x208xi32, #tpu.memory_space<vmem>> -> memref<1x208xi32, #tpu.memory_space<vmem>>
      %get3A_343 = tpu.memref_squeeze %get3A_342 : memref<1x208xi32, #tpu.memory_space<vmem>> -> memref<208xi32, #tpu.memory_space<vmem>>
      %get3A_344 = arith.constant 80 : index
      %get3A_345 = tpu.vector_load %get3A_343[%get3A_344] {strides = array<i32>} : memref<208xi32, #tpu.memory_space<vmem>>, vector<16xi32>,
      %ne3A_346 = arith.constant 0 : i32
      %ne3A_347 = vector.broadcast %ne3A_346 : i32 to vector<16xi32>
      %ne3A_348 = arith.cmpi ne, %get3A_345, %ne3A_347 : vector<16xi32>
      %select_n3A_349 = arith.select %ne3A_348, %broadcast_in_dim3A_3, %broadcast_in_dim3A_5 : vector<16xi1>, vector<16xi32>
      %add3A_350 = arith.addi %add3A_322, %select_n3A_349 : vector<16xi32>
      %shift_right_logical3A_351 = arith.constant 14 : i32
      %shift_right_logical3A_352 = vector.broadcast %shift_right_logical3A_351 : i32 to vector<16xi32>
      %shift_right_logical3A_353 = arith.shrui %get3A_345, %shift_right_logical3A_352 : vector<16xi32>
      %broadcast_in_dim3A_354 = arith.constant true
      %broadcast_in_dim3A_355 = vector.broadcast %broadcast_in_dim3A_354 : i1 to vector<16xi1>
      %unique3A_356, %unique3A_357 = tpu.scan_count mask(%broadcast_in_dim3A_355 : vector<16xi1>) value(%shift_right_logical3A_353 : vector<16xi32>) : vector<16xi1>, vector<16xi32>
      %gather3A_358 = arith.constant 0 : i32
      %gather3A_359 = arith.constant 0 : i32
      %gather3A_360 = tpu.memref_slice %arg7[%gather3A_358, %gather3A_359] : memref<2x16xi32, #tpu.memory_space<vmem>> -> memref<1x16xi32, #tpu.memory_space<vmem>>
      %gather3A_361 = tpu.memref_squeeze %gather3A_360 : memref<1x16xi32, #tpu.memory_space<vmem>> -> memref<16xi32, #tpu.memory_space<vmem>>
      %gather3A_362 = tpu.vector_load_idx %gather3A_361[%shift_right_logical3A_353] : memref<16xi32, #tpu.memory_space<vmem>>[vector<16xi32>], vector<16xi32>,
      %add3A_363 = arith.addi %gather3A_362, %unique3A_357 : vector<16xi32>
      %scatter3A_364 = arith.constant 0 : i32
      %scatter3A_365 = arith.constant 0 : i32
      %scatter3A_366 = tpu.memref_slice %arg7[%scatter3A_364, %scatter3A_365] : memref<2x16xi32, #tpu.memory_space<vmem>> -> memref<1x16xi32, #tpu.memory_space<vmem>>
      %scatter3A_367 = tpu.memref_squeeze %scatter3A_366 : memref<1x16xi32, #tpu.memory_space<vmem>> -> memref<16xi32, #tpu.memory_space<vmem>>
      tpu.vector_store_idx %scatter3A_367[%shift_right_logical3A_353], %add3A_363 masked %unique3A_356 : memref<16xi32, #tpu.memory_space<vmem>>[vector<16xi32>], vector<16xi32>, vector<16xi1>
      %get3A_368 = arith.constant 0 : i32
      %get3A_369 = arith.constant 0 : i32
      %get3A_370 = tpu.memref_slice %arg6[%get3A_368, %get3A_369] : memref<2x208xi32, #tpu.memory_space<vmem>> -> memref<1x208xi32, #tpu.memory_space<vmem>>
      %get3A_371 = tpu.memref_squeeze %get3A_370 : memref<1x208xi32, #tpu.memory_space<vmem>> -> memref<208xi32, #tpu.memory_space<vmem>>
      %get3A_372 = arith.constant 96 : index
      %get3A_373 = tpu.vector_load %get3A_371[%get3A_372] {strides = array<i32>} : memref<208xi32, #tpu.memory_space<vmem>>, vector<16xi32>,
      %ne3A_374 = arith.constant 0 : i32
      %ne3A_375 = vector.broadcast %ne3A_374 : i32 to vector<16xi32>
      %ne3A_376 = arith.cmpi ne, %get3A_373, %ne3A_375 : vector<16xi32>
      %select_n3A_377 = arith.select %ne3A_376, %broadcast_in_dim3A_3, %broadcast_in_dim3A_5 : vector<16xi1>, vector<16xi32>
      %add3A_378 = arith.addi %add3A_350, %select_n3A_377 : vector<16xi32>
      %shift_right_logical3A_379 = arith.constant 14 : i32
      %shift_right_logical3A_380 = vector.broadcast %shift_right_logical3A_379 : i32 to vector<16xi32>
      %shift_right_logical3A_381 = arith.shrui %get3A_373, %shift_right_logical3A_380 : vector<16xi32>
      %broadcast_in_dim3A_382 = arith.constant true
      %broadcast_in_dim3A_383 = vector.broadcast %broadcast_in_dim3A_382 : i1 to vector<16xi1>
      %unique3A_384, %unique3A_385 = tpu.scan_count mask(%broadcast_in_dim3A_383 : vector<16xi1>) value(%shift_right_logical3A_381 : vector<16xi32>) : vector<16xi1>, vector<16xi32>
      %gather3A_386 = arith.constant 0 : i32
      %gather3A_387 = arith.constant 0 : i32
      %gather3A_388 = tpu.memref_slice %arg7[%gather3A_386, %gather3A_387] : memref<2x16xi32, #tpu.memory_space<vmem>> -> memref<1x16xi32, #tpu.memory_space<vmem>>
      %gather3A_389 = tpu.memref_squeeze %gather3A_388 : memref<1x16xi32, #tpu.memory_space<vmem>> -> memref<16xi32, #tpu.memory_space<vmem>>
      %gather3A_390 = tpu.vector_load_idx %gather3A_389[%shift_right_logical3A_381] : memref<16xi32, #tpu.memory_space<vmem>>[vector<16xi32>], vector<16xi32>,
      %add3A_391 = arith.addi %gather3A_390, %unique3A_385 : vector<16xi32>
      %scatter3A_392 = arith.constant 0 : i32
      %scatter3A_393 = arith.constant 0 : i32
      %scatter3A_394 = tpu.memref_slice %arg7[%scatter3A_392, %scatter3A_393] : memref<2x16xi32, #tpu.memory_space<vmem>> -> memref<1x16xi32, #tpu.memory_space<vmem>>
      %scatter3A_395 = tpu.memref_squeeze %scatter3A_394 : memref<1x16xi32, #tpu.memory_space<vmem>> -> memref<16xi32, #tpu.memory_space<vmem>>
      tpu.vector_store_idx %scatter3A_395[%shift_right_logical3A_381], %add3A_391 masked %unique3A_384 : memref<16xi32, #tpu.memory_space<vmem>>[vector<16xi32>], vector<16xi32>, vector<16xi1>
      %get3A_396 = arith.constant 0 : i32
      %get3A_397 = arith.constant 0 : i32
      %get3A_398 = tpu.memref_slice %arg6[%get3A_396, %get3A_397] : memref<2x208xi32, #tpu.memory_space<vmem>> -> memref<1x208xi32, #tpu.memory_space<vmem>>
      %get3A_399 = tpu.memref_squeeze %get3A_398 : memref<1x208xi32, #tpu.memory_space<vmem>> -> memref<208xi32, #tpu.memory_space<vmem>>
      %get3A_400 = arith.constant 112 : index
      %get3A_401 = tpu.vector_load %get3A_399[%get3A_400] {strides = array<i32>} : memref<208xi32, #tpu.memory_space<vmem>>, vector<16xi32>,
      %ne3A_402 = arith.constant 0 : i32
      %ne3A_403 = vector.broadcast %ne3A_402 : i32 to vector<16xi32>
      %ne3A_404 = arith.cmpi ne, %get3A_401, %ne3A_403 : vector<16xi32>
      %select_n3A_405 = arith.select %ne3A_404, %broadcast_in_dim3A_3, %broadcast_in_dim3A_5 : vector<16xi1>, vector<16xi32>
      %add3A_406 = arith.addi %add3A_378, %select_n3A_405 : vector<16xi32>
      %shift_right_logical3A_407 = arith.constant 14 : i32
      %shift_right_logical3A_408 = vector.broadcast %shift_right_logical3A_407 : i32 to vector<16xi32>
      %shift_right_logical3A_409 = arith.shrui %get3A_401, %shift_right_logical3A_408 : vector<16xi32>
      %broadcast_in_dim3A_410 = arith.constant true
      %broadcast_in_dim3A_411 = vector.broadcast %broadcast_in_dim3A_410 : i1 to vector<16xi1>
      %unique3A_412, %unique3A_413 = tpu.scan_count mask(%broadcast_in_dim3A_411 : vector<16xi1>) value(%shift_right_logical3A_409 : vector<16xi32>) : vector<16xi1>, vector<16xi32>
      %gather3A_414 = arith.constant 0 : i32
      %gather3A_415 = arith.constant 0 : i32
      %gather3A_416 = tpu.memref_slice %arg7[%gather3A_414, %gather3A_415] : memref<2x16xi32, #tpu.memory_space<vmem>> -> memref<1x16xi32, #tpu.memory_space<vmem>>
      %gather3A_417 = tpu.memref_squeeze %gather3A_416 : memref<1x16xi32, #tpu.memory_space<vmem>> -> memref<16xi32, #tpu.memory_space<vmem>>
      %gather3A_418 = tpu.vector_load_idx %gather3A_417[%shift_right_logical3A_409] : memref<16xi32, #tpu.memory_space<vmem>>[vector<16xi32>], vector<16xi32>,
      %add3A_419 = arith.addi %gather3A_418, %unique3A_413 : vector<16xi32>
      %scatter3A_420 = arith.constant 0 : i32
      %scatter3A_421 = arith.constant 0 : i32
      %scatter3A_422 = tpu.memref_slice %arg7[%scatter3A_420, %scatter3A_421] : memref<2x16xi32, #tpu.memory_space<vmem>> -> memref<1x16xi32, #tpu.memory_space<vmem>>
      %scatter3A_423 = tpu.memref_squeeze %scatter3A_422 : memref<1x16xi32, #tpu.memory_space<vmem>> -> memref<16xi32, #tpu.memory_space<vmem>>
      tpu.vector_store_idx %scatter3A_423[%shift_right_logical3A_409], %add3A_419 masked %unique3A_412 : memref<16xi32, #tpu.memory_space<vmem>>[vector<16xi32>], vector<16xi32>, vector<16xi1>
      %get3A_424 = arith.constant 0 : i32
      %get3A_425 = arith.constant 0 : i32
      %get3A_426 = tpu.memref_slice %arg6[%get3A_424, %get3A_425] : memref<2x208xi32, #tpu.memory_space<vmem>> -> memref<1x208xi32, #tpu.memory_space<vmem>>
      %get3A_427 = tpu.memref_squeeze %get3A_426 : memref<1x208xi32, #tpu.memory_space<vmem>> -> memref<208xi32, #tpu.memory_space<vmem>>
      %get3A_428 = arith.constant 128 : index
      %get3A_429 = tpu.vector_load %get3A_427[%get3A_428] {strides = array<i32>} : memref<208xi32, #tpu.memory_space<vmem>>, vector<16xi32>,
      %ne3A_430 = arith.constant 0 : i32
      %ne3A_431 = vector.broadcast %ne3A_430 : i32 to vector<16xi32>
      %ne3A_432 = arith.cmpi ne, %get3A_429, %ne3A_431 : vector<16xi32>
      %select_n3A_433 = arith.select %ne3A_432, %broadcast_in_dim3A_3, %broadcast_in_dim3A_5 : vector<16xi1>, vector<16xi32>
      %add3A_434 = arith.addi %add3A_406, %select_n3A_433 : vector<16xi32>
      %shift_right_logical3A_435 = arith.constant 14 : i32
      %shift_right_logical3A_436 = vector.broadcast %shift_right_logical3A_435 : i32 to vector<16xi32>
      %shift_right_logical3A_437 = arith.shrui %get3A_429, %shift_right_logical3A_436 : vector<16xi32>
      %broadcast_in_dim3A_438 = arith.constant true
      %broadcast_in_dim3A_439 = vector.broadcast %broadcast_in_dim3A_438 : i1 to vector<16xi1>
      %unique3A_440, %unique3A_441 = tpu.scan_count mask(%broadcast_in_dim3A_439 : vector<16xi1>) value(%shift_right_logical3A_437 : vector<16xi32>) : vector<16xi1>, vector<16xi32>
      %gather3A_442 = arith.constant 0 : i32
      %gather3A_443 = arith.constant 0 : i32
      %gather3A_444 = tpu.memref_slice %arg7[%gather3A_442, %gather3A_443] : memref<2x16xi32, #tpu.memory_space<vmem>> -> memref<1x16xi32, #tpu.memory_space<vmem>>
      %gather3A_445 = tpu.memref_squeeze %gather3A_444 : memref<1x16xi32, #tpu.memory_space<vmem>> -> memref<16xi32, #tpu.memory_space<vmem>>
      %gather3A_446 = tpu.vector_load_idx %gather3A_445[%shift_right_logical3A_437] : memref<16xi32, #tpu.memory_space<vmem>>[vector<16xi32>], vector<16xi32>,
      %add3A_447 = arith.addi %gather3A_446, %unique3A_441 : vector<16xi32>
      %scatter3A_448 = arith.constant 0 : i32
      %scatter3A_449 = arith.constant 0 : i32
      %scatter3A_450 = tpu.memref_slice %arg7[%scatter3A_448, %scatter3A_449] : memref<2x16xi32, #tpu.memory_space<vmem>> -> memref<1x16xi32, #tpu.memory_space<vmem>>
      %scatter3A_451 = tpu.memref_squeeze %scatter3A_450 : memref<1x16xi32, #tpu.memory_space<vmem>> -> memref<16xi32, #tpu.memory_space<vmem>>
      tpu.vector_store_idx %scatter3A_451[%shift_right_logical3A_437], %add3A_447 masked %unique3A_440 : memref<16xi32, #tpu.memory_space<vmem>>[vector<16xi32>], vector<16xi32>, vector<16xi1>
      %get3A_452 = arith.constant 0 : i32
      %get3A_453 = arith.constant 0 : i32
      %get3A_454 = tpu.memref_slice %arg6[%get3A_452, %get3A_453] : memref<2x208xi32, #tpu.memory_space<vmem>> -> memref<1x208xi32, #tpu.memory_space<vmem>>
      %get3A_455 = tpu.memref_squeeze %get3A_454 : memref<1x208xi32, #tpu.memory_space<vmem>> -> memref<208xi32, #tpu.memory_space<vmem>>
      %get3A_456 = arith.constant 144 : index
      %get3A_457 = tpu.vector_load %get3A_455[%get3A_456] {strides = array<i32>} : memref<208xi32, #tpu.memory_space<vmem>>, vector<16xi32>,
      %ne3A_458 = arith.constant 0 : i32
      %ne3A_459 = vector.broadcast %ne3A_458 : i32 to vector<16xi32>
      %ne3A_460 = arith.cmpi ne, %get3A_457, %ne3A_459 : vector<16xi32>
      %select_n3A_461 = arith.select %ne3A_460, %broadcast_in_dim3A_3, %broadcast_in_dim3A_5 : vector<16xi1>, vector<16xi32>
      %add3A_462 = arith.addi %add3A_434, %select_n3A_461 : vector<16xi32>
      %shift_right_logical3A_463 = arith.constant 14 : i32
      %shift_right_logical3A_464 = vector.broadcast %shift_right_logical3A_463 : i32 to vector<16xi32>
      %shift_right_logical3A_465 = arith.shrui %get3A_457, %shift_right_logical3A_464 : vector<16xi32>
      %broadcast_in_dim3A_466 = arith.constant true
      %broadcast_in_dim3A_467 = vector.broadcast %broadcast_in_dim3A_466 : i1 to vector<16xi1>
      %unique3A_468, %unique3A_469 = tpu.scan_count mask(%broadcast_in_dim3A_467 : vector<16xi1>) value(%shift_right_logical3A_465 : vector<16xi32>) : vector<16xi1>, vector<16xi32>
      %gather3A_470 = arith.constant 0 : i32
      %gather3A_471 = arith.constant 0 : i32
      %gather3A_472 = tpu.memref_slice %arg7[%gather3A_470, %gather3A_471] : memref<2x16xi32, #tpu.memory_space<vmem>> -> memref<1x16xi32, #tpu.memory_space<vmem>>
      %gather3A_473 = tpu.memref_squeeze %gather3A_472 : memref<1x16xi32, #tpu.memory_space<vmem>> -> memref<16xi32, #tpu.memory_space<vmem>>
      %gather3A_474 = tpu.vector_load_idx %gather3A_473[%shift_right_logical3A_465] : memref<16xi32, #tpu.memory_space<vmem>>[vector<16xi32>], vector<16xi32>,
      %add3A_475 = arith.addi %gather3A_474, %unique3A_469 : vector<16xi32>
      %scatter3A_476 = arith.constant 0 : i32
      %scatter3A_477 = arith.constant 0 : i32
      %scatter3A_478 = tpu.memref_slice %arg7[%scatter3A_476, %scatter3A_477] : memref<2x16xi32, #tpu.memory_space<vmem>> -> memref<1x16xi32, #tpu.memory_space<vmem>>
      %scatter3A_479 = tpu.memref_squeeze %scatter3A_478 : memref<1x16xi32, #tpu.memory_space<vmem>> -> memref<16xi32, #tpu.memory_space<vmem>>
      tpu.vector_store_idx %scatter3A_479[%shift_right_logical3A_465], %add3A_475 masked %unique3A_468 : memref<16xi32, #tpu.memory_space<vmem>>[vector<16xi32>], vector<16xi32>, vector<16xi1>
      %get3A_480 = arith.constant 0 : i32
      %get3A_481 = arith.constant 0 : i32
      %get3A_482 = tpu.memref_slice %arg6[%get3A_480, %get3A_481] : memref<2x208xi32, #tpu.memory_space<vmem>> -> memref<1x208xi32, #tpu.memory_space<vmem>>
      %get3A_483 = tpu.memref_squeeze %get3A_482 : memref<1x208xi32, #tpu.memory_space<vmem>> -> memref<208xi32, #tpu.memory_space<vmem>>
      %get3A_484 = arith.constant 160 : index
      %get3A_485 = tpu.vector_load %get3A_483[%get3A_484] {strides = array<i32>} : memref<208xi32, #tpu.memory_space<vmem>>, vector<16xi32>,
      %ne3A_486 = arith.constant 0 : i32
      %ne3A_487 = vector.broadcast %ne3A_486 : i32 to vector<16xi32>
      %ne3A_488 = arith.cmpi ne, %get3A_485, %ne3A_487 : vector<16xi32>
      %select_n3A_489 = arith.select %ne3A_488, %broadcast_in_dim3A_3, %broadcast_in_dim3A_5 : vector<16xi1>, vector<16xi32>
      %add3A_490 = arith.addi %add3A_462, %select_n3A_489 : vector<16xi32>
      %shift_right_logical3A_491 = arith.constant 14 : i32
      %shift_right_logical3A_492 = vector.broadcast %shift_right_logical3A_491 : i32 to vector<16xi32>
      %shift_right_logical3A_493 = arith.shrui %get3A_485, %shift_right_logical3A_492 : vector<16xi32>
      %broadcast_in_dim3A_494 = arith.constant true
      %broadcast_in_dim3A_495 = vector.broadcast %broadcast_in_dim3A_494 : i1 to vector<16xi1>
      %unique3A_496, %unique3A_497 = tpu.scan_count mask(%broadcast_in_dim3A_495 : vector<16xi1>) value(%shift_right_logical3A_493 : vector<16xi32>) : vector<16xi1>, vector<16xi32>
      %gather3A_498 = arith.constant 0 : i32
      %gather3A_499 = arith.constant 0 : i32
      %gather3A_500 = tpu.memref_slice %arg7[%gather3A_498, %gather3A_499] : memref<2x16xi32, #tpu.memory_space<vmem>> -> memref<1x16xi32, #tpu.memory_space<vmem>>
      %gather3A_501 = tpu.memref_squeeze %gather3A_500 : memref<1x16xi32, #tpu.memory_space<vmem>> -> memref<16xi32, #tpu.memory_space<vmem>>
      %gather3A_502 = tpu.vector_load_idx %gather3A_501[%shift_right_logical3A_493] : memref<16xi32, #tpu.memory_space<vmem>>[vector<16xi32>], vector<16xi32>,
      %add3A_503 = arith.addi %gather3A_502, %unique3A_497 : vector<16xi32>
      %scatter3A_504 = arith.constant 0 : i32
      %scatter3A_505 = arith.constant 0 : i32
      %scatter3A_506 = tpu.memref_slice %arg7[%scatter3A_504, %scatter3A_505] : memref<2x16xi32, #tpu.memory_space<vmem>> -> memref<1x16xi32, #tpu.memory_space<vmem>>
      %scatter3A_507 = tpu.memref_squeeze %scatter3A_506 : memref<1x16xi32, #tpu.memory_space<vmem>> -> memref<16xi32, #tpu.memory_space<vmem>>
      tpu.vector_store_idx %scatter3A_507[%shift_right_logical3A_493], %add3A_503 masked %unique3A_496 : memref<16xi32, #tpu.memory_space<vmem>>[vector<16xi32>], vector<16xi32>, vector<16xi1>
      %get3A_508 = arith.constant 0 : i32
      %get3A_509 = arith.constant 0 : i32
      %get3A_510 = tpu.memref_slice %arg6[%get3A_508, %get3A_509] : memref<2x208xi32, #tpu.memory_space<vmem>> -> memref<1x208xi32, #tpu.memory_space<vmem>>
      %get3A_511 = tpu.memref_squeeze %get3A_510 : memref<1x208xi32, #tpu.memory_space<vmem>> -> memref<208xi32, #tpu.memory_space<vmem>>
      %get3A_512 = arith.constant 176 : index
      %get3A_513 = tpu.vector_load %get3A_511[%get3A_512] {strides = array<i32>} : memref<208xi32, #tpu.memory_space<vmem>>, vector<16xi32>,
      %ne3A_514 = arith.constant 0 : i32
      %ne3A_515 = vector.broadcast %ne3A_514 : i32 to vector<16xi32>
      %ne3A_516 = arith.cmpi ne, %get3A_513, %ne3A_515 : vector<16xi32>
      %select_n3A_517 = arith.select %ne3A_516, %broadcast_in_dim3A_3, %broadcast_in_dim3A_5 : vector<16xi1>, vector<16xi32>
      %add3A_518 = arith.addi %add3A_490, %select_n3A_517 : vector<16xi32>
      %shift_right_logical3A_519 = arith.constant 14 : i32
      %shift_right_logical3A_520 = vector.broadcast %shift_right_logical3A_519 : i32 to vector<16xi32>
      %shift_right_logical3A_521 = arith.shrui %get3A_513, %shift_right_logical3A_520 : vector<16xi32>
      %broadcast_in_dim3A_522 = arith.constant true
      %broadcast_in_dim3A_523 = vector.broadcast %broadcast_in_dim3A_522 : i1 to vector<16xi1>
      %unique3A_524, %unique3A_525 = tpu.scan_count mask(%broadcast_in_dim3A_523 : vector<16xi1>) value(%shift_right_logical3A_521 : vector<16xi32>) : vector<16xi1>, vector<16xi32>
      %gather3A_526 = arith.constant 0 : i32
      %gather3A_527 = arith.constant 0 : i32
      %gather3A_528 = tpu.memref_slice %arg7[%gather3A_526, %gather3A_527] : memref<2x16xi32, #tpu.memory_space<vmem>> -> memref<1x16xi32, #tpu.memory_space<vmem>>
      %gather3A_529 = tpu.memref_squeeze %gather3A_528 : memref<1x16xi32, #tpu.memory_space<vmem>> -> memref<16xi32, #tpu.memory_space<vmem>>
      %gather3A_530 = tpu.vector_load_idx %gather3A_529[%shift_right_logical3A_521] : memref<16xi32, #tpu.memory_space<vmem>>[vector<16xi32>], vector<16xi32>,
      %add3A_531 = arith.addi %gather3A_530, %unique3A_525 : vector<16xi32>
      %scatter3A_532 = arith.constant 0 : i32
      %scatter3A_533 = arith.constant 0 : i32
      %scatter3A_534 = tpu.memref_slice %arg7[%scatter3A_532, %scatter3A_533] : memref<2x16xi32, #tpu.memory_space<vmem>> -> memref<1x16xi32, #tpu.memory_space<vmem>>
      %scatter3A_535 = tpu.memref_squeeze %scatter3A_534 : memref<1x16xi32, #tpu.memory_space<vmem>> -> memref<16xi32, #tpu.memory_space<vmem>>
      tpu.vector_store_idx %scatter3A_535[%shift_right_logical3A_521], %add3A_531 masked %unique3A_524 : memref<16xi32, #tpu.memory_space<vmem>>[vector<16xi32>], vector<16xi32>, vector<16xi1>
      %get3A_536 = arith.constant 0 : i32
      %get3A_537 = arith.constant 0 : i32
      %get3A_538 = tpu.memref_slice %arg6[%get3A_536, %get3A_537] : memref<2x208xi32, #tpu.memory_space<vmem>> -> memref<1x208xi32, #tpu.memory_space<vmem>>
      %get3A_539 = tpu.memref_squeeze %get3A_538 : memref<1x208xi32, #tpu.memory_space<vmem>> -> memref<208xi32, #tpu.memory_space<vmem>>
      %get3A_540 = arith.constant 192 : index
      %get3A_541 = tpu.vector_load %get3A_539[%get3A_540] {strides = array<i32>} : memref<208xi32, #tpu.memory_space<vmem>>, vector<16xi32>,
      %ne3A_542 = arith.constant 0 : i32
      %ne3A_543 = vector.broadcast %ne3A_542 : i32 to vector<16xi32>
      %ne3A_544 = arith.cmpi ne, %get3A_541, %ne3A_543 : vector<16xi32>
      %select_n3A_545 = arith.select %ne3A_544, %broadcast_in_dim3A_3, %broadcast_in_dim3A_5 : vector<16xi1>, vector<16xi32>
      %add3A_546 = arith.addi %add3A_518, %select_n3A_545 : vector<16xi32>
      %shift_right_logical3A_547 = arith.constant 14 : i32
      %shift_right_logical3A_548 = vector.broadcast %shift_right_logical3A_547 : i32 to vector<16xi32>
      %shift_right_logical3A_549 = arith.shrui %get3A_541, %shift_right_logical3A_548 : vector<16xi32>
      %broadcast_in_dim3A_550 = arith.constant true
      %broadcast_in_dim3A_551 = vector.broadcast %broadcast_in_dim3A_550 : i1 to vector<16xi1>
      %unique3A_552, %unique3A_553 = tpu.scan_count mask(%broadcast_in_dim3A_551 : vector<16xi1>) value(%shift_right_logical3A_549 : vector<16xi32>) : vector<16xi1>, vector<16xi32>
      %gather3A_554 = arith.constant 0 : i32
      %gather3A_555 = arith.constant 0 : i32
      %gather3A_556 = tpu.memref_slice %arg7[%gather3A_554, %gather3A_555] : memref<2x16xi32, #tpu.memory_space<vmem>> -> memref<1x16xi32, #tpu.memory_space<vmem>>
      %gather3A_557 = tpu.memref_squeeze %gather3A_556 : memref<1x16xi32, #tpu.memory_space<vmem>> -> memref<16xi32, #tpu.memory_space<vmem>>
      %gather3A_558 = tpu.vector_load_idx %gather3A_557[%shift_right_logical3A_549] : memref<16xi32, #tpu.memory_space<vmem>>[vector<16xi32>], vector<16xi32>,
      %add3A_559 = arith.addi %gather3A_558, %unique3A_553 : vector<16xi32>
      %scatter3A_560 = arith.constant 0 : i32
      %scatter3A_561 = arith.constant 0 : i32
      %scatter3A_562 = tpu.memref_slice %arg7[%scatter3A_560, %scatter3A_561] : memref<2x16xi32, #tpu.memory_space<vmem>> -> memref<1x16xi32, #tpu.memory_space<vmem>>
      %scatter3A_563 = tpu.memref_squeeze %scatter3A_562 : memref<1x16xi32, #tpu.memory_space<vmem>> -> memref<16xi32, #tpu.memory_space<vmem>>
      tpu.vector_store_idx %scatter3A_563[%shift_right_logical3A_549], %add3A_559 masked %unique3A_552 : memref<16xi32, #tpu.memory_space<vmem>>[vector<16xi32>], vector<16xi32>, vector<16xi1>
      %get3A_564 = arith.constant 0 : i32
      %get3A_565 = arith.constant 0 : i32
      %get3A_566 = tpu.memref_slice %arg7[%get3A_564, %get3A_565] : memref<2x16xi32, #tpu.memory_space<vmem>> -> memref<1x16xi32, #tpu.memory_space<vmem>>
      %get3A_567 = tpu.memref_squeeze %get3A_566 : memref<1x16xi32, #tpu.memory_space<vmem>> -> memref<16xi32, #tpu.memory_space<vmem>>
      %get3A_568 = arith.constant 0 : index
      %get3A_569 = tpu.vector_load %get3A_567[%get3A_568] {strides = array<i32>} : memref<16xi32, #tpu.memory_space<vmem>>, vector<16xi32>,
      %broadcast_in_dim3A_570 = arith.constant true
      %broadcast_in_dim3A_571 = vector.broadcast %broadcast_in_dim3A_570 : i1 to vector<16xi1>
      %masked_cumsum3A = tpu.scan <sum>, %get3A_569 masked %broadcast_in_dim3A_571 : vector<16xi32>, vector<16xi1> -> vector<16xi32>
      %sub3A = arith.subi %masked_cumsum3A, %get3A_569 : vector<16xi32>
      %swap3A_572 = arith.constant 0 : i32
      %swap3A_573 = arith.constant 0 : i32
      %swap3A_574 = tpu.memref_slice %arg7[%swap3A_572, %swap3A_573] : memref<2x16xi32, #tpu.memory_space<vmem>> -> memref<1x16xi32, #tpu.memory_space<vmem>>
      %swap3A_575 = tpu.memref_squeeze %swap3A_574 : memref<1x16xi32, #tpu.memory_space<vmem>> -> memref<16xi32, #tpu.memory_space<vmem>>
      %swap3A_576 = arith.constant 0 : index
      %swap3A_577 = tpu.vector_load %swap3A_575[%swap3A_576] {strides = array<i32>} : memref<16xi32, #tpu.memory_space<vmem>>, vector<16xi32>,
      tpu.vector_store %swap3A_575[%swap3A_576], %sub3A {strides = array<i32>} : memref<16xi32, #tpu.memory_space<vmem>>, vector<16xi32>,
      %reduce_sum3A = arith.constant true
      %reduce_sum3A_578 = vector.broadcast %reduce_sum3A : i1 to vector<16xi1>
      %reduce_sum3A_579 = tpu.scan <sum>, %add3A_546 masked %reduce_sum3A_578 : vector<16xi32>, vector<16xi1> -> vector<16xi32>
      %reduce_sum3A_580 = vector.extract %reduce_sum3A_579[15] : i32 from vector<16xi32>
      %eq3A = arith.constant 1 : i32
      %eq3A_581 = vector.broadcast %eq3A : i32 to vector<16xi32>
      %eq3A_582 = arith.cmpi eq, %iota3A, %eq3A_581 : vector<16xi32>
      %select_n3A_583 = arith.select %eq3A_582, %sub3A, %broadcast_in_dim3A_5 : vector<16xi1>, vector<16xi32>
      %reduce_max3A = arith.constant true
      %reduce_max3A_584 = vector.broadcast %reduce_max3A : i1 to vector<16xi1>
      %reduce_max3A_585 = arith.constant -2147483648 : i32
      %reduce_max3A_586 = vector.broadcast %reduce_max3A_585 : i32 to vector<16xi32>
      %reduce_max3A_587 = arith.xori %select_n3A_583, %reduce_max3A_586 : vector<16xi32>
      %reduce_max3A_588 = tpu.scan <max>, %reduce_max3A_587 masked %reduce_max3A_584 : vector<16xi32>, vector<16xi1> -> vector<16xi32>
      %reduce_max3A_589 = arith.xori %reduce_max3A_588, %reduce_max3A_586 : vector<16xi32>
      %reduce_max3A_590 = vector.extract %reduce_max3A_589[15] : i32 from vector<16xi32>
      %shift_left3A = arith.constant 0 : i32
      %shift_left3A_591 = arith.shli %reduce_max3A_590, %shift_left3A : i32
      %or3A = arith.constant 0 : i32
      %or3A_592 = arith.ori %or3A, %shift_left3A_591 : i32
      %eq3A_593 = arith.constant 2 : i32
      %eq3A_594 = vector.broadcast %eq3A_593 : i32 to vector<16xi32>
      %eq3A_595 = arith.cmpi eq, %iota3A, %eq3A_594 : vector<16xi32>
      %select_n3A_596 = arith.select %eq3A_595, %sub3A, %broadcast_in_dim3A_5 : vector<16xi1>, vector<16xi32>
      %reduce_max3A_597 = arith.constant true
      %reduce_max3A_598 = vector.broadcast %reduce_max3A_597 : i1 to vector<16xi1>
      %reduce_max3A_599 = arith.constant -2147483648 : i32
      %reduce_max3A_600 = vector.broadcast %reduce_max3A_599 : i32 to vector<16xi32>
      %reduce_max3A_601 = arith.xori %select_n3A_596, %reduce_max3A_600 : vector<16xi32>
      %reduce_max3A_602 = tpu.scan <max>, %reduce_max3A_601 masked %reduce_max3A_598 : vector<16xi32>, vector<16xi1> -> vector<16xi32>
      %reduce_max3A_603 = arith.xori %reduce_max3A_602, %reduce_max3A_600 : vector<16xi32>
      %reduce_max3A_604 = vector.extract %reduce_max3A_603[15] : i32 from vector<16xi32>
      %shift_left3A_605 = arith.constant 8 : i32
      %shift_left3A_606 = arith.shli %reduce_max3A_604, %shift_left3A_605 : i32
      %or3A_607 = arith.ori %or3A_592, %shift_left3A_606 : i32
      %eq3A_608 = arith.constant 3 : i32
      %eq3A_609 = vector.broadcast %eq3A_608 : i32 to vector<16xi32>
      %eq3A_610 = arith.cmpi eq, %iota3A, %eq3A_609 : vector<16xi32>
      %select_n3A_611 = arith.select %eq3A_610, %sub3A, %broadcast_in_dim3A_5 : vector<16xi1>, vector<16xi32>
      %reduce_max3A_612 = arith.constant true
      %reduce_max3A_613 = vector.broadcast %reduce_max3A_612 : i1 to vector<16xi1>
      %reduce_max3A_614 = arith.constant -2147483648 : i32
      %reduce_max3A_615 = vector.broadcast %reduce_max3A_614 : i32 to vector<16xi32>
      %reduce_max3A_616 = arith.xori %select_n3A_611, %reduce_max3A_615 : vector<16xi32>
      %reduce_max3A_617 = tpu.scan <max>, %reduce_max3A_616 masked %reduce_max3A_613 : vector<16xi32>, vector<16xi1> -> vector<16xi32>
      %reduce_max3A_618 = arith.xori %reduce_max3A_617, %reduce_max3A_615 : vector<16xi32>
      %reduce_max3A_619 = vector.extract %reduce_max3A_618[15] : i32 from vector<16xi32>
      %shift_left3A_620 = arith.constant 16 : i32
      %shift_left3A_621 = arith.shli %reduce_max3A_619, %shift_left3A_620 : i32
      %or3A_622 = arith.ori %or3A_607, %shift_left3A_621 : i32
      %eq3A_623 = arith.constant 4 : i32
      %eq3A_624 = vector.broadcast %eq3A_623 : i32 to vector<16xi32>
      %eq3A_625 = arith.cmpi eq, %iota3A, %eq3A_624 : vector<16xi32>
      %select_n3A_626 = arith.select %eq3A_625, %sub3A, %broadcast_in_dim3A_5 : vector<16xi1>, vector<16xi32>
      %reduce_max3A_627 = arith.constant true
      %reduce_max3A_628 = vector.broadcast %reduce_max3A_627 : i1 to vector<16xi1>
      %reduce_max3A_629 = arith.constant -2147483648 : i32
      %reduce_max3A_630 = vector.broadcast %reduce_max3A_629 : i32 to vector<16xi32>
      %reduce_max3A_631 = arith.xori %select_n3A_626, %reduce_max3A_630 : vector<16xi32>
      %reduce_max3A_632 = tpu.scan <max>, %reduce_max3A_631 masked %reduce_max3A_628 : vector<16xi32>, vector<16xi1> -> vector<16xi32>
      %reduce_max3A_633 = arith.xori %reduce_max3A_632, %reduce_max3A_630 : vector<16xi32>
      %reduce_max3A_634 = vector.extract %reduce_max3A_633[15] : i32 from vector<16xi32>
      %shift_left3A_635 = arith.constant 24 : i32
      %shift_left3A_636 = arith.shli %reduce_max3A_634, %shift_left3A_635 : i32
      %or3A_637 = arith.ori %or3A_622, %shift_left3A_636 : i32
      %eq3A_638 = arith.constant 5 : i32
      %eq3A_639 = vector.broadcast %eq3A_638 : i32 to vector<16xi32>
      %eq3A_640 = arith.cmpi eq, %iota3A, %eq3A_639 : vector<16xi32>
      %select_n3A_641 = arith.select %eq3A_640, %sub3A, %broadcast_in_dim3A_5 : vector<16xi1>, vector<16xi32>
      %reduce_max3A_642 = arith.constant true
      %reduce_max3A_643 = vector.broadcast %reduce_max3A_642 : i1 to vector<16xi1>
      %reduce_max3A_644 = arith.constant -2147483648 : i32
      %reduce_max3A_645 = vector.broadcast %reduce_max3A_644 : i32 to vector<16xi32>
      %reduce_max3A_646 = arith.xori %select_n3A_641, %reduce_max3A_645 : vector<16xi32>
      %reduce_max3A_647 = tpu.scan <max>, %reduce_max3A_646 masked %reduce_max3A_643 : vector<16xi32>, vector<16xi1> -> vector<16xi32>
      %reduce_max3A_648 = arith.xori %reduce_max3A_647, %reduce_max3A_645 : vector<16xi32>
      %reduce_max3A_649 = vector.extract %reduce_max3A_648[15] : i32 from vector<16xi32>
      %shift_left3A_650 = arith.constant 0 : i32
      %shift_left3A_651 = arith.shli %reduce_max3A_649, %shift_left3A_650 : i32
      %or3A_652 = arith.constant 0 : i32
      %or3A_653 = arith.ori %or3A_652, %shift_left3A_651 : i32
      %eq3A_654 = arith.constant 6 : i32
      %eq3A_655 = vector.broadcast %eq3A_654 : i32 to vector<16xi32>
      %eq3A_656 = arith.cmpi eq, %iota3A, %eq3A_655 : vector<16xi32>
      %select_n3A_657 = arith.select %eq3A_656, %sub3A, %broadcast_in_dim3A_5 : vector<16xi1>, vector<16xi32>
      %reduce_max3A_658 = arith.constant true
      %reduce_max3A_659 = vector.broadcast %reduce_max3A_658 : i1 to vector<16xi1>
      %reduce_max3A_660 = arith.constant -2147483648 : i32
      %reduce_max3A_661 = vector.broadcast %reduce_max3A_660 : i32 to vector<16xi32>
      %reduce_max3A_662 = arith.xori %select_n3A_657, %reduce_max3A_661 : vector<16xi32>
      %reduce_max3A_663 = tpu.scan <max>, %reduce_max3A_662 masked %reduce_max3A_659 : vector<16xi32>, vector<16xi1> -> vector<16xi32>
      %reduce_max3A_664 = arith.xori %reduce_max3A_663, %reduce_max3A_661 : vector<16xi32>
      %reduce_max3A_665 = vector.extract %reduce_max3A_664[15] : i32 from vector<16xi32>
      %shift_left3A_666 = arith.constant 8 : i32
      %shift_left3A_667 = arith.shli %reduce_max3A_665, %shift_left3A_666 : i32
      %or3A_668 = arith.ori %or3A_653, %shift_left3A_667 : i32
      %mul3A_669 = arith.constant 4 : i32
      %mul3A_670 = arith.muli %mul3A_83, %mul3A_669 : i32
      %add3A_671 = arith.constant 0 : i32
      %add3A_672 = arith.addi %mul3A_670, %add3A_671 : i32
      %swap3A_673 = arith.index_cast %add3A_672 : i32 to index
      %swap3A_674 = memref.load %arg12[%swap3A_673] : memref<512xi32, #tpu.memory_space<smem>>
      memref.store %or3A_637, %arg12[%swap3A_673] : memref<512xi32, #tpu.memory_space<smem>>
      %mul3A_675 = arith.constant 4 : i32
      %mul3A_676 = arith.muli %mul3A_83, %mul3A_675 : i32
      %add3A_677 = arith.constant 1 : i32
      %add3A_678 = arith.addi %mul3A_676, %add3A_677 : i32
      %swap3A_679 = arith.index_cast %add3A_678 : i32 to index
      %swap3A_680 = memref.load %arg12[%swap3A_679] : memref<512xi32, #tpu.memory_space<smem>>
      memref.store %or3A_668, %arg12[%swap3A_679] : memref<512xi32, #tpu.memory_space<smem>>
      %mul3A_681 = arith.constant 4 : i32
      %mul3A_682 = arith.muli %mul3A_83, %mul3A_681 : i32
      %add3A_683 = arith.constant 2 : i32
      %add3A_684 = arith.addi %mul3A_682, %add3A_683 : i32
      %swap3A_685 = arith.constant 0 : i32
      %swap3A_686 = arith.index_cast %add3A_684 : i32 to index
      %swap3A_687 = memref.load %arg12[%swap3A_686] : memref<512xi32, #tpu.memory_space<smem>>
      memref.store %swap3A_685, %arg12[%swap3A_686] : memref<512xi32, #tpu.memory_space<smem>>
      %mul3A_688 = arith.constant 4 : i32
      %mul3A_689 = arith.muli %mul3A_83, %mul3A_688 : i32
      %add3A_690 = arith.constant 3 : i32
      %add3A_691 = arith.addi %mul3A_689, %add3A_690 : i32
      %swap3A_692 = arith.index_cast %add3A_691 : i32 to index
      %swap3A_693 = memref.load %arg12[%swap3A_692] : memref<512xi32, #tpu.memory_space<smem>>
      memref.store %reduce_sum3A_580, %arg12[%swap3A_692] : memref<512xi32, #tpu.memory_space<smem>>
      %get3A_694 = arith.constant 0 : i32
      %get3A_695 = arith.constant 0 : i32
      %get3A_696 = tpu.memref_slice %arg6[%get3A_694, %get3A_695] : memref<2x208xi32, #tpu.memory_space<vmem>> -> memref<1x208xi32, #tpu.memory_space<vmem>>
      %get3A_697 = tpu.memref_squeeze %get3A_696 : memref<1x208xi32, #tpu.memory_space<vmem>> -> memref<208xi32, #tpu.memory_space<vmem>>
      %get3A_698 = arith.constant 0 : index
      %get3A_699 = tpu.vector_load %get3A_697[%get3A_698] {strides = array<i32>} : memref<208xi32, #tpu.memory_space<vmem>>, vector<16xi32>,
      %shift_right_logical3A_700 = arith.constant 14 : i32
      %shift_right_logical3A_701 = vector.broadcast %shift_right_logical3A_700 : i32 to vector<16xi32>
      %shift_right_logical3A_702 = arith.shrui %get3A_699, %shift_right_logical3A_701 : vector<16xi32>
      %and3A = arith.andi %get3A_699, %broadcast_in_dim3A_9 : vector<16xi32>
      %broadcast_in_dim3A_703 = arith.constant true
      %broadcast_in_dim3A_704 = vector.broadcast %broadcast_in_dim3A_703 : i1 to vector<16xi1>
      %unique3A_705, %unique3A_706 = tpu.scan_count mask(%broadcast_in_dim3A_704 : vector<16xi1>) value(%shift_right_logical3A_702 : vector<16xi32>) : vector<16xi1>, vector<16xi32>
      %gather3A_707 = arith.constant 0 : i32
      %gather3A_708 = arith.constant 0 : i32
      %gather3A_709 = tpu.memref_slice %arg7[%gather3A_707, %gather3A_708] : memref<2x16xi32, #tpu.memory_space<vmem>> -> memref<1x16xi32, #tpu.memory_space<vmem>>
      %gather3A_710 = tpu.memref_squeeze %gather3A_709 : memref<1x16xi32, #tpu.memory_space<vmem>> -> memref<16xi32, #tpu.memory_space<vmem>>
      %gather3A_711 = tpu.vector_load_idx %gather3A_710[%shift_right_logical3A_702] : memref<16xi32, #tpu.memory_space<vmem>>[vector<16xi32>], vector<16xi32>,
      %add3A_712 = arith.addi %gather3A_711, %unique3A_706 : vector<16xi32>
      %sub3A_713 = arith.constant 1 : i32
      %sub3A_714 = vector.broadcast %sub3A_713 : i32 to vector<16xi32>
      %sub3A_715 = arith.subi %add3A_712, %sub3A_714 : vector<16xi32>
      %scatter3A_716 = arith.constant 0 : i32
      %scatter3A_717 = tpu.memref_slice %arg5[%mul3A_83, %scatter3A_716] : memref<129x208xi32, #tpu.memory_space<vmem>> -> memref<1x208xi32, #tpu.memory_space<vmem>>
      %scatter3A_718 = tpu.memref_squeeze %scatter3A_717 : memref<1x208xi32, #tpu.memory_space<vmem>> -> memref<208xi32, #tpu.memory_space<vmem>>
      tpu.vector_store_idx %scatter3A_718[%sub3A_715], %and3A : memref<208xi32, #tpu.memory_space<vmem>>[vector<16xi32>], vector<16xi32>,
      %add3A_719 = arith.addi %gather3A_711, %unique3A_706 : vector<16xi32>
      %scatter3A_720 = arith.constant 0 : i32
      %scatter3A_721 = arith.constant 0 : i32
      %scatter3A_722 = tpu.memref_slice %arg7[%scatter3A_720, %scatter3A_721] : memref<2x16xi32, #tpu.memory_space<vmem>> -> memref<1x16xi32, #tpu.memory_space<vmem>>
      %scatter3A_723 = tpu.memref_squeeze %scatter3A_722 : memref<1x16xi32, #tpu.memory_space<vmem>> -> memref<16xi32, #tpu.memory_space<vmem>>
      tpu.vector_store_idx %scatter3A_723[%shift_right_logical3A_702], %add3A_719 masked %unique3A_705 : memref<16xi32, #tpu.memory_space<vmem>>[vector<16xi32>], vector<16xi32>, vector<16xi1>
      %get3A_724 = arith.constant 0 : i32
      %get3A_725 = arith.constant 0 : i32
      %get3A_726 = tpu.memref_slice %arg6[%get3A_724, %get3A_725] : memref<2x208xi32, #tpu.memory_space<vmem>> -> memref<1x208xi32, #tpu.memory_space<vmem>>
      %get3A_727 = tpu.memref_squeeze %get3A_726 : memref<1x208xi32, #tpu.memory_space<vmem>> -> memref<208xi32, #tpu.memory_space<vmem>>
      %get3A_728 = arith.constant 16 : index
      %get3A_729 = tpu.vector_load %get3A_727[%get3A_728] {strides = array<i32>} : memref<208xi32, #tpu.memory_space<vmem>>, vector<16xi32>,
      %shift_right_logical3A_730 = arith.constant 14 : i32
      %shift_right_logical3A_731 = vector.broadcast %shift_right_logical3A_730 : i32 to vector<16xi32>
      %shift_right_logical3A_732 = arith.shrui %get3A_729, %shift_right_logical3A_731 : vector<16xi32>
      %and3A_733 = arith.andi %get3A_729, %broadcast_in_dim3A_9 : vector<16xi32>
      %broadcast_in_dim3A_734 = arith.constant true
      %broadcast_in_dim3A_735 = vector.broadcast %broadcast_in_dim3A_734 : i1 to vector<16xi1>
      %unique3A_736, %unique3A_737 = tpu.scan_count mask(%broadcast_in_dim3A_735 : vector<16xi1>) value(%shift_right_logical3A_732 : vector<16xi32>) : vector<16xi1>, vector<16xi32>
      %gather3A_738 = arith.constant 0 : i32
      %gather3A_739 = arith.constant 0 : i32
      %gather3A_740 = tpu.memref_slice %arg7[%gather3A_738, %gather3A_739] : memref<2x16xi32, #tpu.memory_space<vmem>> -> memref<1x16xi32, #tpu.memory_space<vmem>>
      %gather3A_741 = tpu.memref_squeeze %gather3A_740 : memref<1x16xi32, #tpu.memory_space<vmem>> -> memref<16xi32, #tpu.memory_space<vmem>>
      %gather3A_742 = tpu.vector_load_idx %gather3A_741[%shift_right_logical3A_732] : memref<16xi32, #tpu.memory_space<vmem>>[vector<16xi32>], vector<16xi32>,
      %add3A_743 = arith.addi %gather3A_742, %unique3A_737 : vector<16xi32>
      %sub3A_744 = arith.constant 1 : i32
      %sub3A_745 = vector.broadcast %sub3A_744 : i32 to vector<16xi32>
      %sub3A_746 = arith.subi %add3A_743, %sub3A_745 : vector<16xi32>
      %scatter3A_747 = arith.constant 0 : i32
      %scatter3A_748 = tpu.memref_slice %arg5[%mul3A_83, %scatter3A_747] : memref<129x208xi32, #tpu.memory_space<vmem>> -> memref<1x208xi32, #tpu.memory_space<vmem>>
      %scatter3A_749 = tpu.memref_squeeze %scatter3A_748 : memref<1x208xi32, #tpu.memory_space<vmem>> -> memref<208xi32, #tpu.memory_space<vmem>>
      tpu.vector_store_idx %scatter3A_749[%sub3A_746], %and3A_733 : memref<208xi32, #tpu.memory_space<vmem>>[vector<16xi32>], vector<16xi32>,
      %add3A_750 = arith.addi %gather3A_742, %unique3A_737 : vector<16xi32>
      %scatter3A_751 = arith.constant 0 : i32
      %scatter3A_752 = arith.constant 0 : i32
      %scatter3A_753 = tpu.memref_slice %arg7[%scatter3A_751, %scatter3A_752] : memref<2x16xi32, #tpu.memory_space<vmem>> -> memref<1x16xi32, #tpu.memory_space<vmem>>
      %scatter3A_754 = tpu.memref_squeeze %scatter3A_753 : memref<1x16xi32, #tpu.memory_space<vmem>> -> memref<16xi32, #tpu.memory_space<vmem>>
      tpu.vector_store_idx %scatter3A_754[%shift_right_logical3A_732], %add3A_750 masked %unique3A_736 : memref<16xi32, #tpu.memory_space<vmem>>[vector<16xi32>], vector<16xi32>, vector<16xi1>
      %get3A_755 = arith.constant 0 : i32
      %get3A_756 = arith.constant 0 : i32
      %get3A_757 = tpu.memref_slice %arg6[%get3A_755, %get3A_756] : memref<2x208xi32, #tpu.memory_space<vmem>> -> memref<1x208xi32, #tpu.memory_space<vmem>>
      %get3A_758 = tpu.memref_squeeze %get3A_757 : memref<1x208xi32, #tpu.memory_space<vmem>> -> memref<208xi32, #tpu.memory_space<vmem>>
      %get3A_759 = arith.constant 32 : index
      %get3A_760 = tpu.vector_load %get3A_758[%get3A_759] {strides = array<i32>} : memref<208xi32, #tpu.memory_space<vmem>>, vector<16xi32>,
      %shift_right_logical3A_761 = arith.constant 14 : i32
      %shift_right_logical3A_762 = vector.broadcast %shift_right_logical3A_761 : i32 to vector<16xi32>
      %shift_right_logical3A_763 = arith.shrui %get3A_760, %shift_right_logical3A_762 : vector<16xi32>
      %and3A_764 = arith.andi %get3A_760, %broadcast_in_dim3A_9 : vector<16xi32>
      %broadcast_in_dim3A_765 = arith.constant true
      %broadcast_in_dim3A_766 = vector.broadcast %broadcast_in_dim3A_765 : i1 to vector<16xi1>
      %unique3A_767, %unique3A_768 = tpu.scan_count mask(%broadcast_in_dim3A_766 : vector<16xi1>) value(%shift_right_logical3A_763 : vector<16xi32>) : vector<16xi1>, vector<16xi32>
      %gather3A_769 = arith.constant 0 : i32
      %gather3A_770 = arith.constant 0 : i32
      %gather3A_771 = tpu.memref_slice %arg7[%gather3A_769, %gather3A_770] : memref<2x16xi32, #tpu.memory_space<vmem>> -> memref<1x16xi32, #tpu.memory_space<vmem>>
      %gather3A_772 = tpu.memref_squeeze %gather3A_771 : memref<1x16xi32, #tpu.memory_space<vmem>> -> memref<16xi32, #tpu.memory_space<vmem>>
      %gather3A_773 = tpu.vector_load_idx %gather3A_772[%shift_right_logical3A_763] : memref<16xi32, #tpu.memory_space<vmem>>[vector<16xi32>], vector<16xi32>,
      %add3A_774 = arith.addi %gather3A_773, %unique3A_768 : vector<16xi32>
      %sub3A_775 = arith.constant 1 : i32
      %sub3A_776 = vector.broadcast %sub3A_775 : i32 to vector<16xi32>
      %sub3A_777 = arith.subi %add3A_774, %sub3A_776 : vector<16xi32>
      %scatter3A_778 = arith.constant 0 : i32
      %scatter3A_779 = tpu.memref_slice %arg5[%mul3A_83, %scatter3A_778] : memref<129x208xi32, #tpu.memory_space<vmem>> -> memref<1x208xi32, #tpu.memory_space<vmem>>
      %scatter3A_780 = tpu.memref_squeeze %scatter3A_779 : memref<1x208xi32, #tpu.memory_space<vmem>> -> memref<208xi32, #tpu.memory_space<vmem>>
      tpu.vector_store_idx %scatter3A_780[%sub3A_777], %and3A_764 : memref<208xi32, #tpu.memory_space<vmem>>[vector<16xi32>], vector<16xi32>,
      %add3A_781 = arith.addi %gather3A_773, %unique3A_768 : vector<16xi32>
      %scatter3A_782 = arith.constant 0 : i32
      %scatter3A_783 = arith.constant 0 : i32
      %scatter3A_784 = tpu.memref_slice %arg7[%scatter3A_782, %scatter3A_783] : memref<2x16xi32, #tpu.memory_space<vmem>> -> memref<1x16xi32, #tpu.memory_space<vmem>>
      %scatter3A_785 = tpu.memref_squeeze %scatter3A_784 : memref<1x16xi32, #tpu.memory_space<vmem>> -> memref<16xi32, #tpu.memory_space<vmem>>
      tpu.vector_store_idx %scatter3A_785[%shift_right_logical3A_763], %add3A_781 masked %unique3A_767 : memref<16xi32, #tpu.memory_space<vmem>>[vector<16xi32>], vector<16xi32>, vector<16xi1>
      %get3A_786 = arith.constant 0 : i32
      %get3A_787 = arith.constant 0 : i32
      %get3A_788 = tpu.memref_slice %arg6[%get3A_786, %get3A_787] : memref<2x208xi32, #tpu.memory_space<vmem>> -> memref<1x208xi32, #tpu.memory_space<vmem>>
      %get3A_789 = tpu.memref_squeeze %get3A_788 : memref<1x208xi32, #tpu.memory_space<vmem>> -> memref<208xi32, #tpu.memory_space<vmem>>
      %get3A_790 = arith.constant 48 : index
      %get3A_791 = tpu.vector_load %get3A_789[%get3A_790] {strides = array<i32>} : memref<208xi32, #tpu.memory_space<vmem>>, vector<16xi32>,
      %shift_right_logical3A_792 = arith.constant 14 : i32
      %shift_right_logical3A_793 = vector.broadcast %shift_right_logical3A_792 : i32 to vector<16xi32>
      %shift_right_logical3A_794 = arith.shrui %get3A_791, %shift_right_logical3A_793 : vector<16xi32>
      %and3A_795 = arith.andi %get3A_791, %broadcast_in_dim3A_9 : vector<16xi32>
      %broadcast_in_dim3A_796 = arith.constant true
      %broadcast_in_dim3A_797 = vector.broadcast %broadcast_in_dim3A_796 : i1 to vector<16xi1>
      %unique3A_798, %unique3A_799 = tpu.scan_count mask(%broadcast_in_dim3A_797 : vector<16xi1>) value(%shift_right_logical3A_794 : vector<16xi32>) : vector<16xi1>, vector<16xi32>
      %gather3A_800 = arith.constant 0 : i32
      %gather3A_801 = arith.constant 0 : i32
      %gather3A_802 = tpu.memref_slice %arg7[%gather3A_800, %gather3A_801] : memref<2x16xi32, #tpu.memory_space<vmem>> -> memref<1x16xi32, #tpu.memory_space<vmem>>
      %gather3A_803 = tpu.memref_squeeze %gather3A_802 : memref<1x16xi32, #tpu.memory_space<vmem>> -> memref<16xi32, #tpu.memory_space<vmem>>
      %gather3A_804 = tpu.vector_load_idx %gather3A_803[%shift_right_logical3A_794] : memref<16xi32, #tpu.memory_space<vmem>>[vector<16xi32>], vector<16xi32>,
      %add3A_805 = arith.addi %gather3A_804, %unique3A_799 : vector<16xi32>
      %sub3A_806 = arith.constant 1 : i32
      %sub3A_807 = vector.broadcast %sub3A_806 : i32 to vector<16xi32>
      %sub3A_808 = arith.subi %add3A_805, %sub3A_807 : vector<16xi32>
      %scatter3A_809 = arith.constant 0 : i32
      %scatter3A_810 = tpu.memref_slice %arg5[%mul3A_83, %scatter3A_809] : memref<129x208xi32, #tpu.memory_space<vmem>> -> memref<1x208xi32, #tpu.memory_space<vmem>>
      %scatter3A_811 = tpu.memref_squeeze %scatter3A_810 : memref<1x208xi32, #tpu.memory_space<vmem>> -> memref<208xi32, #tpu.memory_space<vmem>>
      tpu.vector_store_idx %scatter3A_811[%sub3A_808], %and3A_795 : memref<208xi32, #tpu.memory_space<vmem>>[vector<16xi32>], vector<16xi32>,
      %add3A_812 = arith.addi %gather3A_804, %unique3A_799 : vector<16xi32>
      %scatter3A_813 = arith.constant 0 : i32
      %scatter3A_814 = arith.constant 0 : i32
      %scatter3A_815 = tpu.memref_slice %arg7[%scatter3A_813, %scatter3A_814] : memref<2x16xi32, #tpu.memory_space<vmem>> -> memref<1x16xi32, #tpu.memory_space<vmem>>
      %scatter3A_816 = tpu.memref_squeeze %scatter3A_815 : memref<1x16xi32, #tpu.memory_space<vmem>> -> memref<16xi32, #tpu.memory_space<vmem>>
      tpu.vector_store_idx %scatter3A_816[%shift_right_logical3A_794], %add3A_812 masked %unique3A_798 : memref<16xi32, #tpu.memory_space<vmem>>[vector<16xi32>], vector<16xi32>, vector<16xi1>
      %get3A_817 = arith.constant 0 : i32
      %get3A_818 = arith.constant 0 : i32
      %get3A_819 = tpu.memref_slice %arg6[%get3A_817, %get3A_818] : memref<2x208xi32, #tpu.memory_space<vmem>> -> memref<1x208xi32, #tpu.memory_space<vmem>>
      %get3A_820 = tpu.memref_squeeze %get3A_819 : memref<1x208xi32, #tpu.memory_space<vmem>> -> memref<208xi32, #tpu.memory_space<vmem>>
      %get3A_821 = arith.constant 64 : index
      %get3A_822 = tpu.vector_load %get3A_820[%get3A_821] {strides = array<i32>} : memref<208xi32, #tpu.memory_space<vmem>>, vector<16xi32>,
      %shift_right_logical3A_823 = arith.constant 14 : i32
      %shift_right_logical3A_824 = vector.broadcast %shift_right_logical3A_823 : i32 to vector<16xi32>
      %shift_right_logical3A_825 = arith.shrui %get3A_822, %shift_right_logical3A_824 : vector<16xi32>
      %and3A_826 = arith.andi %get3A_822, %broadcast_in_dim3A_9 : vector<16xi32>
      %broadcast_in_dim3A_827 = arith.constant true
      %broadcast_in_dim3A_828 = vector.broadcast %broadcast_in_dim3A_827 : i1 to vector<16xi1>
      %unique3A_829, %unique3A_830 = tpu.scan_count mask(%broadcast_in_dim3A_828 : vector<16xi1>) value(%shift_right_logical3A_825 : vector<16xi32>) : vector<16xi1>, vector<16xi32>
      %gather3A_831 = arith.constant 0 : i32
      %gather3A_832 = arith.constant 0 : i32
      %gather3A_833 = tpu.memref_slice %arg7[%gather3A_831, %gather3A_832] : memref<2x16xi32, #tpu.memory_space<vmem>> -> memref<1x16xi32, #tpu.memory_space<vmem>>
      %gather3A_834 = tpu.memref_squeeze %gather3A_833 : memref<1x16xi32, #tpu.memory_space<vmem>> -> memref<16xi32, #tpu.memory_space<vmem>>
      %gather3A_835 = tpu.vector_load_idx %gather3A_834[%shift_right_logical3A_825] : memref<16xi32, #tpu.memory_space<vmem>>[vector<16xi32>], vector<16xi32>,
      %add3A_836 = arith.addi %gather3A_835, %unique3A_830 : vector<16xi32>
      %sub3A_837 = arith.constant 1 : i32
      %sub3A_838 = vector.broadcast %sub3A_837 : i32 to vector<16xi32>
      %sub3A_839 = arith.subi %add3A_836, %sub3A_838 : vector<16xi32>
      %scatter3A_840 = arith.constant 0 : i32
      %scatter3A_841 = tpu.memref_slice %arg5[%mul3A_83, %scatter3A_840] : memref<129x208xi32, #tpu.memory_space<vmem>> -> memref<1x208xi32, #tpu.memory_space<vmem>>
      %scatter3A_842 = tpu.memref_squeeze %scatter3A_841 : memref<1x208xi32, #tpu.memory_space<vmem>> -> memref<208xi32, #tpu.memory_space<vmem>>
      tpu.vector_store_idx %scatter3A_842[%sub3A_839], %and3A_826 : memref<208xi32, #tpu.memory_space<vmem>>[vector<16xi32>], vector<16xi32>,
      %add3A_843 = arith.addi %gather3A_835, %unique3A_830 : vector<16xi32>
      %scatter3A_844 = arith.constant 0 : i32
      %scatter3A_845 = arith.constant 0 : i32
      %scatter3A_846 = tpu.memref_slice %arg7[%scatter3A_844, %scatter3A_845] : memref<2x16xi32, #tpu.memory_space<vmem>> -> memref<1x16xi32, #tpu.memory_space<vmem>>
      %scatter3A_847 = tpu.memref_squeeze %scatter3A_846 : memref<1x16xi32, #tpu.memory_space<vmem>> -> memref<16xi32, #tpu.memory_space<vmem>>
      tpu.vector_store_idx %scatter3A_847[%shift_right_logical3A_825], %add3A_843 masked %unique3A_829 : memref<16xi32, #tpu.memory_space<vmem>>[vector<16xi32>], vector<16xi32>, vector<16xi1>
      %get3A_848 = arith.constant 0 : i32
      %get3A_849 = arith.constant 0 : i32
      %get3A_850 = tpu.memref_slice %arg6[%get3A_848, %get3A_849] : memref<2x208xi32, #tpu.memory_space<vmem>> -> memref<1x208xi32, #tpu.memory_space<vmem>>
      %get3A_851 = tpu.memref_squeeze %get3A_850 : memref<1x208xi32, #tpu.memory_space<vmem>> -> memref<208xi32, #tpu.memory_space<vmem>>
      %get3A_852 = arith.constant 80 : index
      %get3A_853 = tpu.vector_load %get3A_851[%get3A_852] {strides = array<i32>} : memref<208xi32, #tpu.memory_space<vmem>>, vector<16xi32>,
      %shift_right_logical3A_854 = arith.constant 14 : i32
      %shift_right_logical3A_855 = vector.broadcast %shift_right_logical3A_854 : i32 to vector<16xi32>
      %shift_right_logical3A_856 = arith.shrui %get3A_853, %shift_right_logical3A_855 : vector<16xi32>
      %and3A_857 = arith.andi %get3A_853, %broadcast_in_dim3A_9 : vector<16xi32>
      %broadcast_in_dim3A_858 = arith.constant true
      %broadcast_in_dim3A_859 = vector.broadcast %broadcast_in_dim3A_858 : i1 to vector<16xi1>
      %unique3A_860, %unique3A_861 = tpu.scan_count mask(%broadcast_in_dim3A_859 : vector<16xi1>) value(%shift_right_logical3A_856 : vector<16xi32>) : vector<16xi1>, vector<16xi32>
      %gather3A_862 = arith.constant 0 : i32
      %gather3A_863 = arith.constant 0 : i32
      %gather3A_864 = tpu.memref_slice %arg7[%gather3A_862, %gather3A_863] : memref<2x16xi32, #tpu.memory_space<vmem>> -> memref<1x16xi32, #tpu.memory_space<vmem>>
      %gather3A_865 = tpu.memref_squeeze %gather3A_864 : memref<1x16xi32, #tpu.memory_space<vmem>> -> memref<16xi32, #tpu.memory_space<vmem>>
      %gather3A_866 = tpu.vector_load_idx %gather3A_865[%shift_right_logical3A_856] : memref<16xi32, #tpu.memory_space<vmem>>[vector<16xi32>], vector<16xi32>,
      %add3A_867 = arith.addi %gather3A_866, %unique3A_861 : vector<16xi32>
      %sub3A_868 = arith.constant 1 : i32
      %sub3A_869 = vector.broadcast %sub3A_868 : i32 to vector<16xi32>
      %sub3A_870 = arith.subi %add3A_867, %sub3A_869 : vector<16xi32>
      %scatter3A_871 = arith.constant 0 : i32
      %scatter3A_872 = tpu.memref_slice %arg5[%mul3A_83, %scatter3A_871] : memref<129x208xi32, #tpu.memory_space<vmem>> -> memref<1x208xi32, #tpu.memory_space<vmem>>
      %scatter3A_873 = tpu.memref_squeeze %scatter3A_872 : memref<1x208xi32, #tpu.memory_space<vmem>> -> memref<208xi32, #tpu.memory_space<vmem>>
      tpu.vector_store_idx %scatter3A_873[%sub3A_870], %and3A_857 : memref<208xi32, #tpu.memory_space<vmem>>[vector<16xi32>], vector<16xi32>,
      %add3A_874 = arith.addi %gather3A_866, %unique3A_861 : vector<16xi32>
      %scatter3A_875 = arith.constant 0 : i32
      %scatter3A_876 = arith.constant 0 : i32
      %scatter3A_877 = tpu.memref_slice %arg7[%scatter3A_875, %scatter3A_876] : memref<2x16xi32, #tpu.memory_space<vmem>> -> memref<1x16xi32, #tpu.memory_space<vmem>>
      %scatter3A_878 = tpu.memref_squeeze %scatter3A_877 : memref<1x16xi32, #tpu.memory_space<vmem>> -> memref<16xi32, #tpu.memory_space<vmem>>
      tpu.vector_store_idx %scatter3A_878[%shift_right_logical3A_856], %add3A_874 masked %unique3A_860 : memref<16xi32, #tpu.memory_space<vmem>>[vector<16xi32>], vector<16xi32>, vector<16xi1>
      %get3A_879 = arith.constant 0 : i32
      %get3A_880 = arith.constant 0 : i32
      %get3A_881 = tpu.memref_slice %arg6[%get3A_879, %get3A_880] : memref<2x208xi32, #tpu.memory_space<vmem>> -> memref<1x208xi32, #tpu.memory_space<vmem>>
      %get3A_882 = tpu.memref_squeeze %get3A_881 : memref<1x208xi32, #tpu.memory_space<vmem>> -> memref<208xi32, #tpu.memory_space<vmem>>
      %get3A_883 = arith.constant 96 : index
      %get3A_884 = tpu.vector_load %get3A_882[%get3A_883] {strides = array<i32>} : memref<208xi32, #tpu.memory_space<vmem>>, vector<16xi32>,
      %shift_right_logical3A_885 = arith.constant 14 : i32
      %shift_right_logical3A_886 = vector.broadcast %shift_right_logical3A_885 : i32 to vector<16xi32>
      %shift_right_logical3A_887 = arith.shrui %get3A_884, %shift_right_logical3A_886 : vector<16xi32>
      %and3A_888 = arith.andi %get3A_884, %broadcast_in_dim3A_9 : vector<16xi32>
      %broadcast_in_dim3A_889 = arith.constant true
      %broadcast_in_dim3A_890 = vector.broadcast %broadcast_in_dim3A_889 : i1 to vector<16xi1>
      %unique3A_891, %unique3A_892 = tpu.scan_count mask(%broadcast_in_dim3A_890 : vector<16xi1>) value(%shift_right_logical3A_887 : vector<16xi32>) : vector<16xi1>, vector<16xi32>
      %gather3A_893 = arith.constant 0 : i32
      %gather3A_894 = arith.constant 0 : i32
      %gather3A_895 = tpu.memref_slice %arg7[%gather3A_893, %gather3A_894] : memref<2x16xi32, #tpu.memory_space<vmem>> -> memref<1x16xi32, #tpu.memory_space<vmem>>
      %gather3A_896 = tpu.memref_squeeze %gather3A_895 : memref<1x16xi32, #tpu.memory_space<vmem>> -> memref<16xi32, #tpu.memory_space<vmem>>
      %gather3A_897 = tpu.vector_load_idx %gather3A_896[%shift_right_logical3A_887] : memref<16xi32, #tpu.memory_space<vmem>>[vector<16xi32>], vector<16xi32>,
      %add3A_898 = arith.addi %gather3A_897, %unique3A_892 : vector<16xi32>
      %sub3A_899 = arith.constant 1 : i32
      %sub3A_900 = vector.broadcast %sub3A_899 : i32 to vector<16xi32>
      %sub3A_901 = arith.subi %add3A_898, %sub3A_900 : vector<16xi32>
      %scatter3A_902 = arith.constant 0 : i32
      %scatter3A_903 = tpu.memref_slice %arg5[%mul3A_83, %scatter3A_902] : memref<129x208xi32, #tpu.memory_space<vmem>> -> memref<1x208xi32, #tpu.memory_space<vmem>>
      %scatter3A_904 = tpu.memref_squeeze %scatter3A_903 : memref<1x208xi32, #tpu.memory_space<vmem>> -> memref<208xi32, #tpu.memory_space<vmem>>
      tpu.vector_store_idx %scatter3A_904[%sub3A_901], %and3A_888 : memref<208xi32, #tpu.memory_space<vmem>>[vector<16xi32>], vector<16xi32>,
      %add3A_905 = arith.addi %gather3A_897, %unique3A_892 : vector<16xi32>
      %scatter3A_906 = arith.constant 0 : i32
      %scatter3A_907 = arith.constant 0 : i32
      %scatter3A_908 = tpu.memref_slice %arg7[%scatter3A_906, %scatter3A_907] : memref<2x16xi32, #tpu.memory_space<vmem>> -> memref<1x16xi32, #tpu.memory_space<vmem>>
      %scatter3A_909 = tpu.memref_squeeze %scatter3A_908 : memref<1x16xi32, #tpu.memory_space<vmem>> -> memref<16xi32, #tpu.memory_space<vmem>>
      tpu.vector_store_idx %scatter3A_909[%shift_right_logical3A_887], %add3A_905 masked %unique3A_891 : memref<16xi32, #tpu.memory_space<vmem>>[vector<16xi32>], vector<16xi32>, vector<16xi1>
      %get3A_910 = arith.constant 0 : i32
      %get3A_911 = arith.constant 0 : i32
      %get3A_912 = tpu.memref_slice %arg6[%get3A_910, %get3A_911] : memref<2x208xi32, #tpu.memory_space<vmem>> -> memref<1x208xi32, #tpu.memory_space<vmem>>
      %get3A_913 = tpu.memref_squeeze %get3A_912 : memref<1x208xi32, #tpu.memory_space<vmem>> -> memref<208xi32, #tpu.memory_space<vmem>>
      %get3A_914 = arith.constant 112 : index
      %get3A_915 = tpu.vector_load %get3A_913[%get3A_914] {strides = array<i32>} : memref<208xi32, #tpu.memory_space<vmem>>, vector<16xi32>,
      %shift_right_logical3A_916 = arith.constant 14 : i32
      %shift_right_logical3A_917 = vector.broadcast %shift_right_logical3A_916 : i32 to vector<16xi32>
      %shift_right_logical3A_918 = arith.shrui %get3A_915, %shift_right_logical3A_917 : vector<16xi32>
      %and3A_919 = arith.andi %get3A_915, %broadcast_in_dim3A_9 : vector<16xi32>
      %broadcast_in_dim3A_920 = arith.constant true
      %broadcast_in_dim3A_921 = vector.broadcast %broadcast_in_dim3A_920 : i1 to vector<16xi1>
      %unique3A_922, %unique3A_923 = tpu.scan_count mask(%broadcast_in_dim3A_921 : vector<16xi1>) value(%shift_right_logical3A_918 : vector<16xi32>) : vector<16xi1>, vector<16xi32>
      %gather3A_924 = arith.constant 0 : i32
      %gather3A_925 = arith.constant 0 : i32
      %gather3A_926 = tpu.memref_slice %arg7[%gather3A_924, %gather3A_925] : memref<2x16xi32, #tpu.memory_space<vmem>> -> memref<1x16xi32, #tpu.memory_space<vmem>>
      %gather3A_927 = tpu.memref_squeeze %gather3A_926 : memref<1x16xi32, #tpu.memory_space<vmem>> -> memref<16xi32, #tpu.memory_space<vmem>>
      %gather3A_928 = tpu.vector_load_idx %gather3A_927[%shift_right_logical3A_918] : memref<16xi32, #tpu.memory_space<vmem>>[vector<16xi32>], vector<16xi32>,
      %add3A_929 = arith.addi %gather3A_928, %unique3A_923 : vector<16xi32>
      %sub3A_930 = arith.constant 1 : i32
      %sub3A_931 = vector.broadcast %sub3A_930 : i32 to vector<16xi32>
      %sub3A_932 = arith.subi %add3A_929, %sub3A_931 : vector<16xi32>
      %scatter3A_933 = arith.constant 0 : i32
      %scatter3A_934 = tpu.memref_slice %arg5[%mul3A_83, %scatter3A_933] : memref<129x208xi32, #tpu.memory_space<vmem>> -> memref<1x208xi32, #tpu.memory_space<vmem>>
      %scatter3A_935 = tpu.memref_squeeze %scatter3A_934 : memref<1x208xi32, #tpu.memory_space<vmem>> -> memref<208xi32, #tpu.memory_space<vmem>>
      tpu.vector_store_idx %scatter3A_935[%sub3A_932], %and3A_919 : memref<208xi32, #tpu.memory_space<vmem>>[vector<16xi32>], vector<16xi32>,
      %add3A_936 = arith.addi %gather3A_928, %unique3A_923 : vector<16xi32>
      %scatter3A_937 = arith.constant 0 : i32
      %scatter3A_938 = arith.constant 0 : i32
      %scatter3A_939 = tpu.memref_slice %arg7[%scatter3A_937, %scatter3A_938] : memref<2x16xi32, #tpu.memory_space<vmem>> -> memref<1x16xi32, #tpu.memory_space<vmem>>
      %scatter3A_940 = tpu.memref_squeeze %scatter3A_939 : memref<1x16xi32, #tpu.memory_space<vmem>> -> memref<16xi32, #tpu.memory_space<vmem>>
      tpu.vector_store_idx %scatter3A_940[%shift_right_logical3A_918], %add3A_936 masked %unique3A_922 : memref<16xi32, #tpu.memory_space<vmem>>[vector<16xi32>], vector<16xi32>, vector<16xi1>
      %get3A_941 = arith.constant 0 : i32
      %get3A_942 = arith.constant 0 : i32
      %get3A_943 = tpu.memref_slice %arg6[%get3A_941, %get3A_942] : memref<2x208xi32, #tpu.memory_space<vmem>> -> memref<1x208xi32, #tpu.memory_space<vmem>>
      %get3A_944 = tpu.memref_squeeze %get3A_943 : memref<1x208xi32, #tpu.memory_space<vmem>> -> memref<208xi32, #tpu.memory_space<vmem>>
      %get3A_945 = arith.constant 128 : index
      %get3A_946 = tpu.vector_load %get3A_944[%get3A_945] {strides = array<i32>} : memref<208xi32, #tpu.memory_space<vmem>>, vector<16xi32>,
      %shift_right_logical3A_947 = arith.constant 14 : i32
      %shift_right_logical3A_948 = vector.broadcast %shift_right_logical3A_947 : i32 to vector<16xi32>
      %shift_right_logical3A_949 = arith.shrui %get3A_946, %shift_right_logical3A_948 : vector<16xi32>
      %and3A_950 = arith.andi %get3A_946, %broadcast_in_dim3A_9 : vector<16xi32>
      %broadcast_in_dim3A_951 = arith.constant true
      %broadcast_in_dim3A_952 = vector.broadcast %broadcast_in_dim3A_951 : i1 to vector<16xi1>
      %unique3A_953, %unique3A_954 = tpu.scan_count mask(%broadcast_in_dim3A_952 : vector<16xi1>) value(%shift_right_logical3A_949 : vector<16xi32>) : vector<16xi1>, vector<16xi32>
      %gather3A_955 = arith.constant 0 : i32
      %gather3A_956 = arith.constant 0 : i32
      %gather3A_957 = tpu.memref_slice %arg7[%gather3A_955, %gather3A_956] : memref<2x16xi32, #tpu.memory_space<vmem>> -> memref<1x16xi32, #tpu.memory_space<vmem>>
      %gather3A_958 = tpu.memref_squeeze %gather3A_957 : memref<1x16xi32, #tpu.memory_space<vmem>> -> memref<16xi32, #tpu.memory_space<vmem>>
      %gather3A_959 = tpu.vector_load_idx %gather3A_958[%shift_right_logical3A_949] : memref<16xi32, #tpu.memory_space<vmem>>[vector<16xi32>], vector<16xi32>,
      %add3A_960 = arith.addi %gather3A_959, %unique3A_954 : vector<16xi32>
      %sub3A_961 = arith.constant 1 : i32
      %sub3A_962 = vector.broadcast %sub3A_961 : i32 to vector<16xi32>
      %sub3A_963 = arith.subi %add3A_960, %sub3A_962 : vector<16xi32>
      %scatter3A_964 = arith.constant 0 : i32
      %scatter3A_965 = tpu.memref_slice %arg5[%mul3A_83, %scatter3A_964] : memref<129x208xi32, #tpu.memory_space<vmem>> -> memref<1x208xi32, #tpu.memory_space<vmem>>
      %scatter3A_966 = tpu.memref_squeeze %scatter3A_965 : memref<1x208xi32, #tpu.memory_space<vmem>> -> memref<208xi32, #tpu.memory_space<vmem>>
      tpu.vector_store_idx %scatter3A_966[%sub3A_963], %and3A_950 : memref<208xi32, #tpu.memory_space<vmem>>[vector<16xi32>], vector<16xi32>,
      %add3A_967 = arith.addi %gather3A_959, %unique3A_954 : vector<16xi32>
      %scatter3A_968 = arith.constant 0 : i32
      %scatter3A_969 = arith.constant 0 : i32
      %scatter3A_970 = tpu.memref_slice %arg7[%scatter3A_968, %scatter3A_969] : memref<2x16xi32, #tpu.memory_space<vmem>> -> memref<1x16xi32, #tpu.memory_space<vmem>>
      %scatter3A_971 = tpu.memref_squeeze %scatter3A_970 : memref<1x16xi32, #tpu.memory_space<vmem>> -> memref<16xi32, #tpu.memory_space<vmem>>
      tpu.vector_store_idx %scatter3A_971[%shift_right_logical3A_949], %add3A_967 masked %unique3A_953 : memref<16xi32, #tpu.memory_space<vmem>>[vector<16xi32>], vector<16xi32>, vector<16xi1>
      %get3A_972 = arith.constant 0 : i32
      %get3A_973 = arith.constant 0 : i32
      %get3A_974 = tpu.memref_slice %arg6[%get3A_972, %get3A_973] : memref<2x208xi32, #tpu.memory_space<vmem>> -> memref<1x208xi32, #tpu.memory_space<vmem>>
      %get3A_975 = tpu.memref_squeeze %get3A_974 : memref<1x208xi32, #tpu.memory_space<vmem>> -> memref<208xi32, #tpu.memory_space<vmem>>
      %get3A_976 = arith.constant 144 : index
      %get3A_977 = tpu.vector_load %get3A_975[%get3A_976] {strides = array<i32>} : memref<208xi32, #tpu.memory_space<vmem>>, vector<16xi32>,
      %shift_right_logical3A_978 = arith.constant 14 : i32
      %shift_right_logical3A_979 = vector.broadcast %shift_right_logical3A_978 : i32 to vector<16xi32>
      %shift_right_logical3A_980 = arith.shrui %get3A_977, %shift_right_logical3A_979 : vector<16xi32>
      %and3A_981 = arith.andi %get3A_977, %broadcast_in_dim3A_9 : vector<16xi32>
      %broadcast_in_dim3A_982 = arith.constant true
      %broadcast_in_dim3A_983 = vector.broadcast %broadcast_in_dim3A_982 : i1 to vector<16xi1>
      %unique3A_984, %unique3A_985 = tpu.scan_count mask(%broadcast_in_dim3A_983 : vector<16xi1>) value(%shift_right_logical3A_980 : vector<16xi32>) : vector<16xi1>, vector<16xi32>
      %gather3A_986 = arith.constant 0 : i32
      %gather3A_987 = arith.constant 0 : i32
      %gather3A_988 = tpu.memref_slice %arg7[%gather3A_986, %gather3A_987] : memref<2x16xi32, #tpu.memory_space<vmem>> -> memref<1x16xi32, #tpu.memory_space<vmem>>
      %gather3A_989 = tpu.memref_squeeze %gather3A_988 : memref<1x16xi32, #tpu.memory_space<vmem>> -> memref<16xi32, #tpu.memory_space<vmem>>
      %gather3A_990 = tpu.vector_load_idx %gather3A_989[%shift_right_logical3A_980] : memref<16xi32, #tpu.memory_space<vmem>>[vector<16xi32>], vector<16xi32>,
      %add3A_991 = arith.addi %gather3A_990, %unique3A_985 : vector<16xi32>
      %sub3A_992 = arith.constant 1 : i32
      %sub3A_993 = vector.broadcast %sub3A_992 : i32 to vector<16xi32>
      %sub3A_994 = arith.subi %add3A_991, %sub3A_993 : vector<16xi32>
      %scatter3A_995 = arith.constant 0 : i32
      %scatter3A_996 = tpu.memref_slice %arg5[%mul3A_83, %scatter3A_995] : memref<129x208xi32, #tpu.memory_space<vmem>> -> memref<1x208xi32, #tpu.memory_space<vmem>>
      %scatter3A_997 = tpu.memref_squeeze %scatter3A_996 : memref<1x208xi32, #tpu.memory_space<vmem>> -> memref<208xi32, #tpu.memory_space<vmem>>
      tpu.vector_store_idx %scatter3A_997[%sub3A_994], %and3A_981 : memref<208xi32, #tpu.memory_space<vmem>>[vector<16xi32>], vector<16xi32>,
      %add3A_998 = arith.addi %gather3A_990, %unique3A_985 : vector<16xi32>
      %scatter3A_999 = arith.constant 0 : i32
      %scatter3A_1000 = arith.constant 0 : i32
      %scatter3A_1001 = tpu.memref_slice %arg7[%scatter3A_999, %scatter3A_1000] : memref<2x16xi32, #tpu.memory_space<vmem>> -> memref<1x16xi32, #tpu.memory_space<vmem>>
      %scatter3A_1002 = tpu.memref_squeeze %scatter3A_1001 : memref<1x16xi32, #tpu.memory_space<vmem>> -> memref<16xi32, #tpu.memory_space<vmem>>
      tpu.vector_store_idx %scatter3A_1002[%shift_right_logical3A_980], %add3A_998 masked %unique3A_984 : memref<16xi32, #tpu.memory_space<vmem>>[vector<16xi32>], vector<16xi32>, vector<16xi1>
      %get3A_1003 = arith.constant 0 : i32
      %get3A_1004 = arith.constant 0 : i32
      %get3A_1005 = tpu.memref_slice %arg6[%get3A_1003, %get3A_1004] : memref<2x208xi32, #tpu.memory_space<vmem>> -> memref<1x208xi32, #tpu.memory_space<vmem>>
      %get3A_1006 = tpu.memref_squeeze %get3A_1005 : memref<1x208xi32, #tpu.memory_space<vmem>> -> memref<208xi32, #tpu.memory_space<vmem>>
      %get3A_1007 = arith.constant 160 : index
      %get3A_1008 = tpu.vector_load %get3A_1006[%get3A_1007] {strides = array<i32>} : memref<208xi32, #tpu.memory_space<vmem>>, vector<16xi32>,
      %shift_right_logical3A_1009 = arith.constant 14 : i32
      %shift_right_logical3A_1010 = vector.broadcast %shift_right_logical3A_1009 : i32 to vector<16xi32>
      %shift_right_logical3A_1011 = arith.shrui %get3A_1008, %shift_right_logical3A_1010 : vector<16xi32>
      %and3A_1012 = arith.andi %get3A_1008, %broadcast_in_dim3A_9 : vector<16xi32>
      %broadcast_in_dim3A_1013 = arith.constant true
      %broadcast_in_dim3A_1014 = vector.broadcast %broadcast_in_dim3A_1013 : i1 to vector<16xi1>
      %unique3A_1015, %unique3A_1016 = tpu.scan_count mask(%broadcast_in_dim3A_1014 : vector<16xi1>) value(%shift_right_logical3A_1011 : vector<16xi32>) : vector<16xi1>, vector<16xi32>
      %gather3A_1017 = arith.constant 0 : i32
      %gather3A_1018 = arith.constant 0 : i32
      %gather3A_1019 = tpu.memref_slice %arg7[%gather3A_1017, %gather3A_1018] : memref<2x16xi32, #tpu.memory_space<vmem>> -> memref<1x16xi32, #tpu.memory_space<vmem>>
      %gather3A_1020 = tpu.memref_squeeze %gather3A_1019 : memref<1x16xi32, #tpu.memory_space<vmem>> -> memref<16xi32, #tpu.memory_space<vmem>>
      %gather3A_1021 = tpu.vector_load_idx %gather3A_1020[%shift_right_logical3A_1011] : memref<16xi32, #tpu.memory_space<vmem>>[vector<16xi32>], vector<16xi32>,
      %add3A_1022 = arith.addi %gather3A_1021, %unique3A_1016 : vector<16xi32>
      %sub3A_1023 = arith.constant 1 : i32
      %sub3A_1024 = vector.broadcast %sub3A_1023 : i32 to vector<16xi32>
      %sub3A_1025 = arith.subi %add3A_1022, %sub3A_1024 : vector<16xi32>
      %scatter3A_1026 = arith.constant 0 : i32
      %scatter3A_1027 = tpu.memref_slice %arg5[%mul3A_83, %scatter3A_1026] : memref<129x208xi32, #tpu.memory_space<vmem>> -> memref<1x208xi32, #tpu.memory_space<vmem>>
      %scatter3A_1028 = tpu.memref_squeeze %scatter3A_1027 : memref<1x208xi32, #tpu.memory_space<vmem>> -> memref<208xi32, #tpu.memory_space<vmem>>
      tpu.vector_store_idx %scatter3A_1028[%sub3A_1025], %and3A_1012 : memref<208xi32, #tpu.memory_space<vmem>>[vector<16xi32>], vector<16xi32>,
      %add3A_1029 = arith.addi %gather3A_1021, %unique3A_1016 : vector<16xi32>
      %scatter3A_1030 = arith.constant 0 : i32
      %scatter3A_1031 = arith.constant 0 : i32
      %scatter3A_1032 = tpu.memref_slice %arg7[%scatter3A_1030, %scatter3A_1031] : memref<2x16xi32, #tpu.memory_space<vmem>> -> memref<1x16xi32, #tpu.memory_space<vmem>>
      %scatter3A_1033 = tpu.memref_squeeze %scatter3A_1032 : memref<1x16xi32, #tpu.memory_space<vmem>> -> memref<16xi32, #tpu.memory_space<vmem>>
      tpu.vector_store_idx %scatter3A_1033[%shift_right_logical3A_1011], %add3A_1029 masked %unique3A_1015 : memref<16xi32, #tpu.memory_space<vmem>>[vector<16xi32>], vector<16xi32>, vector<16xi1>
      %get3A_1034 = arith.constant 0 : i32
      %get3A_1035 = arith.constant 0 : i32
      %get3A_1036 = tpu.memref_slice %arg6[%get3A_1034, %get3A_1035] : memref<2x208xi32, #tpu.memory_space<vmem>> -> memref<1x208xi32, #tpu.memory_space<vmem>>
      %get3A_1037 = tpu.memref_squeeze %get3A_1036 : memref<1x208xi32, #tpu.memory_space<vmem>> -> memref<208xi32, #tpu.memory_space<vmem>>
      %get3A_1038 = arith.constant 176 : index
      %get3A_1039 = tpu.vector_load %get3A_1037[%get3A_1038] {strides = array<i32>} : memref<208xi32, #tpu.memory_space<vmem>>, vector<16xi32>,
      %shift_right_logical3A_1040 = arith.constant 14 : i32
      %shift_right_logical3A_1041 = vector.broadcast %shift_right_logical3A_1040 : i32 to vector<16xi32>
      %shift_right_logical3A_1042 = arith.shrui %get3A_1039, %shift_right_logical3A_1041 : vector<16xi32>
      %and3A_1043 = arith.andi %get3A_1039, %broadcast_in_dim3A_9 : vector<16xi32>
      %broadcast_in_dim3A_1044 = arith.constant true
      %broadcast_in_dim3A_1045 = vector.broadcast %broadcast_in_dim3A_1044 : i1 to vector<16xi1>
      %unique3A_1046, %unique3A_1047 = tpu.scan_count mask(%broadcast_in_dim3A_1045 : vector<16xi1>) value(%shift_right_logical3A_1042 : vector<16xi32>) : vector<16xi1>, vector<16xi32>
      %gather3A_1048 = arith.constant 0 : i32
      %gather3A_1049 = arith.constant 0 : i32
      %gather3A_1050 = tpu.memref_slice %arg7[%gather3A_1048, %gather3A_1049] : memref<2x16xi32, #tpu.memory_space<vmem>> -> memref<1x16xi32, #tpu.memory_space<vmem>>
      %gather3A_1051 = tpu.memref_squeeze %gather3A_1050 : memref<1x16xi32, #tpu.memory_space<vmem>> -> memref<16xi32, #tpu.memory_space<vmem>>
      %gather3A_1052 = tpu.vector_load_idx %gather3A_1051[%shift_right_logical3A_1042] : memref<16xi32, #tpu.memory_space<vmem>>[vector<16xi32>], vector<16xi32>,
      %add3A_1053 = arith.addi %gather3A_1052, %unique3A_1047 : vector<16xi32>
      %sub3A_1054 = arith.constant 1 : i32
      %sub3A_1055 = vector.broadcast %sub3A_1054 : i32 to vector<16xi32>
      %sub3A_1056 = arith.subi %add3A_1053, %sub3A_1055 : vector<16xi32>
      %scatter3A_1057 = arith.constant 0 : i32
      %scatter3A_1058 = tpu.memref_slice %arg5[%mul3A_83, %scatter3A_1057] : memref<129x208xi32, #tpu.memory_space<vmem>> -> memref<1x208xi32, #tpu.memory_space<vmem>>
      %scatter3A_1059 = tpu.memref_squeeze %scatter3A_1058 : memref<1x208xi32, #tpu.memory_space<vmem>> -> memref<208xi32, #tpu.memory_space<vmem>>
      tpu.vector_store_idx %scatter3A_1059[%sub3A_1056], %and3A_1043 : memref<208xi32, #tpu.memory_space<vmem>>[vector<16xi32>], vector<16xi32>,
      %add3A_1060 = arith.addi %gather3A_1052, %unique3A_1047 : vector<16xi32>
      %scatter3A_1061 = arith.constant 0 : i32
      %scatter3A_1062 = arith.constant 0 : i32
      %scatter3A_1063 = tpu.memref_slice %arg7[%scatter3A_1061, %scatter3A_1062] : memref<2x16xi32, #tpu.memory_space<vmem>> -> memref<1x16xi32, #tpu.memory_space<vmem>>
      %scatter3A_1064 = tpu.memref_squeeze %scatter3A_1063 : memref<1x16xi32, #tpu.memory_space<vmem>> -> memref<16xi32, #tpu.memory_space<vmem>>
      tpu.vector_store_idx %scatter3A_1064[%shift_right_logical3A_1042], %add3A_1060 masked %unique3A_1046 : memref<16xi32, #tpu.memory_space<vmem>>[vector<16xi32>], vector<16xi32>, vector<16xi1>
      %get3A_1065 = arith.constant 0 : i32
      %get3A_1066 = arith.constant 0 : i32
      %get3A_1067 = tpu.memref_slice %arg6[%get3A_1065, %get3A_1066] : memref<2x208xi32, #tpu.memory_space<vmem>> -> memref<1x208xi32, #tpu.memory_space<vmem>>
      %get3A_1068 = tpu.memref_squeeze %get3A_1067 : memref<1x208xi32, #tpu.memory_space<vmem>> -> memref<208xi32, #tpu.memory_space<vmem>>
      %get3A_1069 = arith.constant 192 : index
      %get3A_1070 = tpu.vector_load %get3A_1068[%get3A_1069] {strides = array<i32>} : memref<208xi32, #tpu.memory_space<vmem>>, vector<16xi32>,
      %shift_right_logical3A_1071 = arith.constant 14 : i32
      %shift_right_logical3A_1072 = vector.broadcast %shift_right_logical3A_1071 : i32 to vector<16xi32>
      %shift_right_logical3A_1073 = arith.shrui %get3A_1070, %shift_right_logical3A_1072 : vector<16xi32>
      %and3A_1074 = arith.andi %get3A_1070, %broadcast_in_dim3A_9 : vector<16xi32>
      %broadcast_in_dim3A_1075 = arith.constant true
      %broadcast_in_dim3A_1076 = vector.broadcast %broadcast_in_dim3A_1075 : i1 to vector<16xi1>
      %unique3A_1077, %unique3A_1078 = tpu.scan_count mask(%broadcast_in_dim3A_1076 : vector<16xi1>) value(%shift_right_logical3A_1073 : vector<16xi32>) : vector<16xi1>, vector<16xi32>
      %gather3A_1079 = arith.constant 0 : i32
      %gather3A_1080 = arith.constant 0 : i32
      %gather3A_1081 = tpu.memref_slice %arg7[%gather3A_1079, %gather3A_1080] : memref<2x16xi32, #tpu.memory_space<vmem>> -> memref<1x16xi32, #tpu.memory_space<vmem>>
      %gather3A_1082 = tpu.memref_squeeze %gather3A_1081 : memref<1x16xi32, #tpu.memory_space<vmem>> -> memref<16xi32, #tpu.memory_space<vmem>>
      %gather3A_1083 = tpu.vector_load_idx %gather3A_1082[%shift_right_logical3A_1073] : memref<16xi32, #tpu.memory_space<vmem>>[vector<16xi32>], vector<16xi32>,
      %add3A_1084 = arith.addi %gather3A_1083, %unique3A_1078 : vector<16xi32>
      %sub3A_1085 = arith.constant 1 : i32
      %sub3A_1086 = vector.broadcast %sub3A_1085 : i32 to vector<16xi32>
      %sub3A_1087 = arith.subi %add3A_1084, %sub3A_1086 : vector<16xi32>
      %scatter3A_1088 = arith.constant 0 : i32
      %scatter3A_1089 = tpu.memref_slice %arg5[%mul3A_83, %scatter3A_1088] : memref<129x208xi32, #tpu.memory_space<vmem>> -> memref<1x208xi32, #tpu.memory_space<vmem>>
      %scatter3A_1090 = tpu.memref_squeeze %scatter3A_1089 : memref<1x208xi32, #tpu.memory_space<vmem>> -> memref<208xi32, #tpu.memory_space<vmem>>
      tpu.vector_store_idx %scatter3A_1090[%sub3A_1087], %and3A_1074 : memref<208xi32, #tpu.memory_space<vmem>>[vector<16xi32>], vector<16xi32>,
      %add3A_1091 = arith.addi %gather3A_1083, %unique3A_1078 : vector<16xi32>
      %scatter3A_1092 = arith.constant 0 : i32
      %scatter3A_1093 = arith.constant 0 : i32
      %scatter3A_1094 = tpu.memref_slice %arg7[%scatter3A_1092, %scatter3A_1093] : memref<2x16xi32, #tpu.memory_space<vmem>> -> memref<1x16xi32, #tpu.memory_space<vmem>>
      %scatter3A_1095 = tpu.memref_squeeze %scatter3A_1094 : memref<1x16xi32, #tpu.memory_space<vmem>> -> memref<16xi32, #tpu.memory_space<vmem>>
      tpu.vector_store_idx %scatter3A_1095[%shift_right_logical3A_1073], %add3A_1091 masked %unique3A_1077 : memref<16xi32, #tpu.memory_space<vmem>>[vector<16xi32>], vector<16xi32>, vector<16xi1>
      %broadcast_in_dim3A_1096 = arith.constant 0.000000e+00 : f32
      %broadcast_in_dim3A_1097 = vector.broadcast %broadcast_in_dim3A_1096 : f32 to vector<16xf32>
      %swap3A_1098 = arith.index_cast %mul3A_83 : i32 to index
      %swap3A_1099 = arith.constant 0 : index
      %swap3A_1100 = tpu.vector_load %arg10[%swap3A_1098, %swap3A_1099] {strides = array<i32>} : memref<128x128xf32, #tpu.memory_space<vmem>>, vector<16xf32>,
      tpu.vector_store %arg10[%swap3A_1098, %swap3A_1099], %broadcast_in_dim3A_1097 {strides = array<i32>} : memref<128x128xf32, #tpu.memory_space<vmem>>, vector<16xf32>,
      %swap3A_1101 = arith.index_cast %mul3A_83 : i32 to index
      %swap3A_1102 = arith.constant 16 : index
      %swap3A_1103 = tpu.vector_load %arg10[%swap3A_1101, %swap3A_1102] {strides = array<i32>} : memref<128x128xf32, #tpu.memory_space<vmem>>, vector<16xf32>,
      tpu.vector_store %arg10[%swap3A_1101, %swap3A_1102], %broadcast_in_dim3A_1097 {strides = array<i32>} : memref<128x128xf32, #tpu.memory_space<vmem>>, vector<16xf32>,
      %swap3A_1104 = arith.index_cast %mul3A_83 : i32 to index
      %swap3A_1105 = arith.constant 32 : index
      %swap3A_1106 = tpu.vector_load %arg10[%swap3A_1104, %swap3A_1105] {strides = array<i32>} : memref<128x128xf32, #tpu.memory_space<vmem>>, vector<16xf32>,
      tpu.vector_store %arg10[%swap3A_1104, %swap3A_1105], %broadcast_in_dim3A_1097 {strides = array<i32>} : memref<128x128xf32, #tpu.memory_space<vmem>>, vector<16xf32>,
      %swap3A_1107 = arith.index_cast %mul3A_83 : i32 to index
      %swap3A_1108 = arith.constant 48 : index
      %swap3A_1109 = tpu.vector_load %arg10[%swap3A_1107, %swap3A_1108] {strides = array<i32>} : memref<128x128xf32, #tpu.memory_space<vmem>>, vector<16xf32>,
      tpu.vector_store %arg10[%swap3A_1107, %swap3A_1108], %broadcast_in_dim3A_1097 {strides = array<i32>} : memref<128x128xf32, #tpu.memory_space<vmem>>, vector<16xf32>,
      %swap3A_1110 = arith.index_cast %mul3A_83 : i32 to index
      %swap3A_1111 = arith.constant 64 : index
      %swap3A_1112 = tpu.vector_load %arg10[%swap3A_1110, %swap3A_1111] {strides = array<i32>} : memref<128x128xf32, #tpu.memory_space<vmem>>, vector<16xf32>,
      tpu.vector_store %arg10[%swap3A_1110, %swap3A_1111], %broadcast_in_dim3A_1097 {strides = array<i32>} : memref<128x128xf32, #tpu.memory_space<vmem>>, vector<16xf32>,
      %swap3A_1113 = arith.index_cast %mul3A_83 : i32 to index
      %swap3A_1114 = arith.constant 80 : index
      %swap3A_1115 = tpu.vector_load %arg10[%swap3A_1113, %swap3A_1114] {strides = array<i32>} : memref<128x128xf32, #tpu.memory_space<vmem>>, vector<16xf32>,
      tpu.vector_store %arg10[%swap3A_1113, %swap3A_1114], %broadcast_in_dim3A_1097 {strides = array<i32>} : memref<128x128xf32, #tpu.memory_space<vmem>>, vector<16xf32>,
      %swap3A_1116 = arith.index_cast %mul3A_83 : i32 to index
      %swap3A_1117 = arith.constant 96 : index
      %swap3A_1118 = tpu.vector_load %arg10[%swap3A_1116, %swap3A_1117] {strides = array<i32>} : memref<128x128xf32, #tpu.memory_space<vmem>>, vector<16xf32>,
      tpu.vector_store %arg10[%swap3A_1116, %swap3A_1117], %broadcast_in_dim3A_1097 {strides = array<i32>} : memref<128x128xf32, #tpu.memory_space<vmem>>, vector<16xf32>,
      %swap3A_1119 = arith.index_cast %mul3A_83 : i32 to index
      %swap3A_1120 = arith.constant 112 : index
      %swap3A_1121 = tpu.vector_load %arg10[%swap3A_1119, %swap3A_1120] {strides = array<i32>} : memref<128x128xf32, #tpu.memory_space<vmem>>, vector<16xf32>,
      tpu.vector_store %arg10[%swap3A_1119, %swap3A_1120], %broadcast_in_dim3A_1097 {strides = array<i32>} : memref<128x128xf32, #tpu.memory_space<vmem>>, vector<16xf32>,
      %mul3A_1122 = arith.constant 2 : i32
      %mul3A_1123 = arith.muli %add3A_81, %mul3A_1122 : i32
      %add3A_1124 = arith.constant 1 : i32
      %add3A_1125 = arith.addi %mul3A_1123, %add3A_1124 : i32
      %get3A_1126 = arith.index_cast %add3A_1125 : i32 to index
      %get3A_1127 = arith.constant 0 : index
      %get3A_1128 = tpu.vector_load %arg5[%get3A_1126, %get3A_1127] {strides = array<i32>} : memref<129x208xi32, #tpu.memory_space<vmem>>, vector<16xi32>,
      %swap3A_1129 = arith.constant 1 : i32
      %swap3A_1130 = arith.constant 0 : i32
      %swap3A_1131 = tpu.memref_slice %arg6[%swap3A_1129, %swap3A_1130] : memref<2x208xi32, #tpu.memory_space<vmem>> -> memref<1x208xi32, #tpu.memory_space<vmem>>
      %swap3A_1132 = tpu.memref_squeeze %swap3A_1131 : memref<1x208xi32, #tpu.memory_space<vmem>> -> memref<208xi32, #tpu.memory_space<vmem>>
      %swap3A_1133 = arith.constant 0 : index
      %swap3A_1134 = tpu.vector_load %swap3A_1132[%swap3A_1133] {strides = array<i32>} : memref<208xi32, #tpu.memory_space<vmem>>, vector<16xi32>,
      tpu.vector_store %swap3A_1132[%swap3A_1133], %get3A_1128 {strides = array<i32>} : memref<208xi32, #tpu.memory_space<vmem>>, vector<16xi32>,
      %get3A_1135 = arith.index_cast %add3A_1125 : i32 to index
      %get3A_1136 = arith.constant 16 : index
      %get3A_1137 = tpu.vector_load %arg5[%get3A_1135, %get3A_1136] {strides = array<i32>} : memref<129x208xi32, #tpu.memory_space<vmem>>, vector<16xi32>,
      %swap3A_1138 = arith.constant 1 : i32
      %swap3A_1139 = arith.constant 0 : i32
      %swap3A_1140 = tpu.memref_slice %arg6[%swap3A_1138, %swap3A_1139] : memref<2x208xi32, #tpu.memory_space<vmem>> -> memref<1x208xi32, #tpu.memory_space<vmem>>
      %swap3A_1141 = tpu.memref_squeeze %swap3A_1140 : memref<1x208xi32, #tpu.memory_space<vmem>> -> memref<208xi32, #tpu.memory_space<vmem>>
      %swap3A_1142 = arith.constant 16 : index
      %swap3A_1143 = tpu.vector_load %swap3A_1141[%swap3A_1142] {strides = array<i32>} : memref<208xi32, #tpu.memory_space<vmem>>, vector<16xi32>,
      tpu.vector_store %swap3A_1141[%swap3A_1142], %get3A_1137 {strides = array<i32>} : memref<208xi32, #tpu.memory_space<vmem>>, vector<16xi32>,
      %get3A_1144 = arith.index_cast %add3A_1125 : i32 to index
      %get3A_1145 = arith.constant 32 : index
      %get3A_1146 = tpu.vector_load %arg5[%get3A_1144, %get3A_1145] {strides = array<i32>} : memref<129x208xi32, #tpu.memory_space<vmem>>, vector<16xi32>,
      %swap3A_1147 = arith.constant 1 : i32
      %swap3A_1148 = arith.constant 0 : i32
      %swap3A_1149 = tpu.memref_slice %arg6[%swap3A_1147, %swap3A_1148] : memref<2x208xi32, #tpu.memory_space<vmem>> -> memref<1x208xi32, #tpu.memory_space<vmem>>
      %swap3A_1150 = tpu.memref_squeeze %swap3A_1149 : memref<1x208xi32, #tpu.memory_space<vmem>> -> memref<208xi32, #tpu.memory_space<vmem>>
      %swap3A_1151 = arith.constant 32 : index
      %swap3A_1152 = tpu.vector_load %swap3A_1150[%swap3A_1151] {strides = array<i32>} : memref<208xi32, #tpu.memory_space<vmem>>, vector<16xi32>,
      tpu.vector_store %swap3A_1150[%swap3A_1151], %get3A_1146 {strides = array<i32>} : memref<208xi32, #tpu.memory_space<vmem>>, vector<16xi32>,
      %get3A_1153 = arith.index_cast %add3A_1125 : i32 to index
      %get3A_1154 = arith.constant 48 : index
      %get3A_1155 = tpu.vector_load %arg5[%get3A_1153, %get3A_1154] {strides = array<i32>} : memref<129x208xi32, #tpu.memory_space<vmem>>, vector<16xi32>,
      %swap3A_1156 = arith.constant 1 : i32
      %swap3A_1157 = arith.constant 0 : i32
      %swap3A_1158 = tpu.memref_slice %arg6[%swap3A_1156, %swap3A_1157] : memref<2x208xi32, #tpu.memory_space<vmem>> -> memref<1x208xi32, #tpu.memory_space<vmem>>
      %swap3A_1159 = tpu.memref_squeeze %swap3A_1158 : memref<1x208xi32, #tpu.memory_space<vmem>> -> memref<208xi32, #tpu.memory_space<vmem>>
      %swap3A_1160 = arith.constant 48 : index
      %swap3A_1161 = tpu.vector_load %swap3A_1159[%swap3A_1160] {strides = array<i32>} : memref<208xi32, #tpu.memory_space<vmem>>, vector<16xi32>,
      tpu.vector_store %swap3A_1159[%swap3A_1160], %get3A_1155 {strides = array<i32>} : memref<208xi32, #tpu.memory_space<vmem>>, vector<16xi32>,
      %get3A_1162 = arith.index_cast %add3A_1125 : i32 to index
      %get3A_1163 = arith.constant 64 : index
      %get3A_1164 = tpu.vector_load %arg5[%get3A_1162, %get3A_1163] {strides = array<i32>} : memref<129x208xi32, #tpu.memory_space<vmem>>, vector<16xi32>,
      %swap3A_1165 = arith.constant 1 : i32
      %swap3A_1166 = arith.constant 0 : i32
      %swap3A_1167 = tpu.memref_slice %arg6[%swap3A_1165, %swap3A_1166] : memref<2x208xi32, #tpu.memory_space<vmem>> -> memref<1x208xi32, #tpu.memory_space<vmem>>
      %swap3A_1168 = tpu.memref_squeeze %swap3A_1167 : memref<1x208xi32, #tpu.memory_space<vmem>> -> memref<208xi32, #tpu.memory_space<vmem>>
      %swap3A_1169 = arith.constant 64 : index
      %swap3A_1170 = tpu.vector_load %swap3A_1168[%swap3A_1169] {strides = array<i32>} : memref<208xi32, #tpu.memory_space<vmem>>, vector<16xi32>,
      tpu.vector_store %swap3A_1168[%swap3A_1169], %get3A_1164 {strides = array<i32>} : memref<208xi32, #tpu.memory_space<vmem>>, vector<16xi32>,
      %get3A_1171 = arith.index_cast %add3A_1125 : i32 to index
      %get3A_1172 = arith.constant 80 : index
      %get3A_1173 = tpu.vector_load %arg5[%get3A_1171, %get3A_1172] {strides = array<i32>} : memref<129x208xi32, #tpu.memory_space<vmem>>, vector<16xi32>,
      %swap3A_1174 = arith.constant 1 : i32
      %swap3A_1175 = arith.constant 0 : i32
      %swap3A_1176 = tpu.memref_slice %arg6[%swap3A_1174, %swap3A_1175] : memref<2x208xi32, #tpu.memory_space<vmem>> -> memref<1x208xi32, #tpu.memory_space<vmem>>
      %swap3A_1177 = tpu.memref_squeeze %swap3A_1176 : memref<1x208xi32, #tpu.memory_space<vmem>> -> memref<208xi32, #tpu.memory_space<vmem>>
      %swap3A_1178 = arith.constant 80 : index
      %swap3A_1179 = tpu.vector_load %swap3A_1177[%swap3A_1178] {strides = array<i32>} : memref<208xi32, #tpu.memory_space<vmem>>, vector<16xi32>,
      tpu.vector_store %swap3A_1177[%swap3A_1178], %get3A_1173 {strides = array<i32>} : memref<208xi32, #tpu.memory_space<vmem>>, vector<16xi32>,
      %get3A_1180 = arith.index_cast %add3A_1125 : i32 to index
      %get3A_1181 = arith.constant 96 : index
      %get3A_1182 = tpu.vector_load %arg5[%get3A_1180, %get3A_1181] {strides = array<i32>} : memref<129x208xi32, #tpu.memory_space<vmem>>, vector<16xi32>,
      %swap3A_1183 = arith.constant 1 : i32
      %swap3A_1184 = arith.constant 0 : i32
      %swap3A_1185 = tpu.memref_slice %arg6[%swap3A_1183, %swap3A_1184] : memref<2x208xi32, #tpu.memory_space<vmem>> -> memref<1x208xi32, #tpu.memory_space<vmem>>
      %swap3A_1186 = tpu.memref_squeeze %swap3A_1185 : memref<1x208xi32, #tpu.memory_space<vmem>> -> memref<208xi32, #tpu.memory_space<vmem>>
      %swap3A_1187 = arith.constant 96 : index
      %swap3A_1188 = tpu.vector_load %swap3A_1186[%swap3A_1187] {strides = array<i32>} : memref<208xi32, #tpu.memory_space<vmem>>, vector<16xi32>,
      tpu.vector_store %swap3A_1186[%swap3A_1187], %get3A_1182 {strides = array<i32>} : memref<208xi32, #tpu.memory_space<vmem>>, vector<16xi32>,
      %get3A_1189 = arith.index_cast %add3A_1125 : i32 to index
      %get3A_1190 = arith.constant 112 : index
      %get3A_1191 = tpu.vector_load %arg5[%get3A_1189, %get3A_1190] {strides = array<i32>} : memref<129x208xi32, #tpu.memory_space<vmem>>, vector<16xi32>,
      %swap3A_1192 = arith.constant 1 : i32
      %swap3A_1193 = arith.constant 0 : i32
      %swap3A_1194 = tpu.memref_slice %arg6[%swap3A_1192, %swap3A_1193] : memref<2x208xi32, #tpu.memory_space<vmem>> -> memref<1x208xi32, #tpu.memory_space<vmem>>
      %swap3A_1195 = tpu.memref_squeeze %swap3A_1194 : memref<1x208xi32, #tpu.memory_space<vmem>> -> memref<208xi32, #tpu.memory_space<vmem>>
      %swap3A_1196 = arith.constant 112 : index
      %swap3A_1197 = tpu.vector_load %swap3A_1195[%swap3A_1196] {strides = array<i32>} : memref<208xi32, #tpu.memory_space<vmem>>, vector<16xi32>,
      tpu.vector_store %swap3A_1195[%swap3A_1196], %get3A_1191 {strides = array<i32>} : memref<208xi32, #tpu.memory_space<vmem>>, vector<16xi32>,
      %get3A_1198 = arith.index_cast %add3A_1125 : i32 to index
      %get3A_1199 = arith.constant 128 : index
      %get3A_1200 = tpu.vector_load %arg5[%get3A_1198, %get3A_1199] {strides = array<i32>} : memref<129x208xi32, #tpu.memory_space<vmem>>, vector<16xi32>,
      %swap3A_1201 = arith.constant 1 : i32
      %swap3A_1202 = arith.constant 0 : i32
      %swap3A_1203 = tpu.memref_slice %arg6[%swap3A_1201, %swap3A_1202] : memref<2x208xi32, #tpu.memory_space<vmem>> -> memref<1x208xi32, #tpu.memory_space<vmem>>
      %swap3A_1204 = tpu.memref_squeeze %swap3A_1203 : memref<1x208xi32, #tpu.memory_space<vmem>> -> memref<208xi32, #tpu.memory_space<vmem>>
      %swap3A_1205 = arith.constant 128 : index
      %swap3A_1206 = tpu.vector_load %swap3A_1204[%swap3A_1205] {strides = array<i32>} : memref<208xi32, #tpu.memory_space<vmem>>, vector<16xi32>,
      tpu.vector_store %swap3A_1204[%swap3A_1205], %get3A_1200 {strides = array<i32>} : memref<208xi32, #tpu.memory_space<vmem>>, vector<16xi32>,
      %get3A_1207 = arith.index_cast %add3A_1125 : i32 to index
      %get3A_1208 = arith.constant 144 : index
      %get3A_1209 = tpu.vector_load %arg5[%get3A_1207, %get3A_1208] {strides = array<i32>} : memref<129x208xi32, #tpu.memory_space<vmem>>, vector<16xi32>,
      %swap3A_1210 = arith.constant 1 : i32
      %swap3A_1211 = arith.constant 0 : i32
      %swap3A_1212 = tpu.memref_slice %arg6[%swap3A_1210, %swap3A_1211] : memref<2x208xi32, #tpu.memory_space<vmem>> -> memref<1x208xi32, #tpu.memory_space<vmem>>
      %swap3A_1213 = tpu.memref_squeeze %swap3A_1212 : memref<1x208xi32, #tpu.memory_space<vmem>> -> memref<208xi32, #tpu.memory_space<vmem>>
      %swap3A_1214 = arith.constant 144 : index
      %swap3A_1215 = tpu.vector_load %swap3A_1213[%swap3A_1214] {strides = array<i32>} : memref<208xi32, #tpu.memory_space<vmem>>, vector<16xi32>,
      tpu.vector_store %swap3A_1213[%swap3A_1214], %get3A_1209 {strides = array<i32>} : memref<208xi32, #tpu.memory_space<vmem>>, vector<16xi32>,
      %get3A_1216 = arith.index_cast %add3A_1125 : i32 to index
      %get3A_1217 = arith.constant 160 : index
      %get3A_1218 = tpu.vector_load %arg5[%get3A_1216, %get3A_1217] {strides = array<i32>} : memref<129x208xi32, #tpu.memory_space<vmem>>, vector<16xi32>,
      %swap3A_1219 = arith.constant 1 : i32
      %swap3A_1220 = arith.constant 0 : i32
      %swap3A_1221 = tpu.memref_slice %arg6[%swap3A_1219, %swap3A_1220] : memref<2x208xi32, #tpu.memory_space<vmem>> -> memref<1x208xi32, #tpu.memory_space<vmem>>
      %swap3A_1222 = tpu.memref_squeeze %swap3A_1221 : memref<1x208xi32, #tpu.memory_space<vmem>> -> memref<208xi32, #tpu.memory_space<vmem>>
      %swap3A_1223 = arith.constant 160 : index
      %swap3A_1224 = tpu.vector_load %swap3A_1222[%swap3A_1223] {strides = array<i32>} : memref<208xi32, #tpu.memory_space<vmem>>, vector<16xi32>,
      tpu.vector_store %swap3A_1222[%swap3A_1223], %get3A_1218 {strides = array<i32>} : memref<208xi32, #tpu.memory_space<vmem>>, vector<16xi32>,
      %get3A_1225 = arith.index_cast %add3A_1125 : i32 to index
      %get3A_1226 = arith.constant 176 : index
      %get3A_1227 = tpu.vector_load %arg5[%get3A_1225, %get3A_1226] {strides = array<i32>} : memref<129x208xi32, #tpu.memory_space<vmem>>, vector<16xi32>,
      %swap3A_1228 = arith.constant 1 : i32
      %swap3A_1229 = arith.constant 0 : i32
      %swap3A_1230 = tpu.memref_slice %arg6[%swap3A_1228, %swap3A_1229] : memref<2x208xi32, #tpu.memory_space<vmem>> -> memref<1x208xi32, #tpu.memory_space<vmem>>
      %swap3A_1231 = tpu.memref_squeeze %swap3A_1230 : memref<1x208xi32, #tpu.memory_space<vmem>> -> memref<208xi32, #tpu.memory_space<vmem>>
      %swap3A_1232 = arith.constant 176 : index
      %swap3A_1233 = tpu.vector_load %swap3A_1231[%swap3A_1232] {strides = array<i32>} : memref<208xi32, #tpu.memory_space<vmem>>, vector<16xi32>,
      tpu.vector_store %swap3A_1231[%swap3A_1232], %get3A_1227 {strides = array<i32>} : memref<208xi32, #tpu.memory_space<vmem>>, vector<16xi32>,
      %get3A_1234 = arith.index_cast %add3A_1125 : i32 to index
      %get3A_1235 = arith.constant 192 : index
      %get3A_1236 = tpu.vector_load %arg5[%get3A_1234, %get3A_1235] {strides = array<i32>} : memref<129x208xi32, #tpu.memory_space<vmem>>, vector<16xi32>,
      %swap3A_1237 = arith.constant 1 : i32
      %swap3A_1238 = arith.constant 0 : i32
      %swap3A_1239 = tpu.memref_slice %arg6[%swap3A_1237, %swap3A_1238] : memref<2x208xi32, #tpu.memory_space<vmem>> -> memref<1x208xi32, #tpu.memory_space<vmem>>
      %swap3A_1240 = tpu.memref_squeeze %swap3A_1239 : memref<1x208xi32, #tpu.memory_space<vmem>> -> memref<208xi32, #tpu.memory_space<vmem>>
      %swap3A_1241 = arith.constant 192 : index
      %swap3A_1242 = tpu.vector_load %swap3A_1240[%swap3A_1241] {strides = array<i32>} : memref<208xi32, #tpu.memory_space<vmem>>, vector<16xi32>,
      tpu.vector_store %swap3A_1240[%swap3A_1241], %get3A_1236 {strides = array<i32>} : memref<208xi32, #tpu.memory_space<vmem>>, vector<16xi32>,
      %swap3A_1243 = arith.constant 1 : i32
      %swap3A_1244 = arith.constant 0 : i32
      %swap3A_1245 = tpu.memref_slice %arg7[%swap3A_1243, %swap3A_1244] : memref<2x16xi32, #tpu.memory_space<vmem>> -> memref<1x16xi32, #tpu.memory_space<vmem>>
      %swap3A_1246 = tpu.memref_squeeze %swap3A_1245 : memref<1x16xi32, #tpu.memory_space<vmem>> -> memref<16xi32, #tpu.memory_space<vmem>>
      %swap3A_1247 = arith.constant 0 : index
      %swap3A_1248 = tpu.vector_load %swap3A_1246[%swap3A_1247] {strides = array<i32>} : memref<16xi32, #tpu.memory_space<vmem>>, vector<16xi32>,
      tpu.vector_store %swap3A_1246[%swap3A_1247], %broadcast_in_dim3A_5 {strides = array<i32>} : memref<16xi32, #tpu.memory_space<vmem>>, vector<16xi32>,
      %get3A_1249 = arith.constant 1 : i32
      %get3A_1250 = arith.constant 0 : i32
      %get3A_1251 = tpu.memref_slice %arg6[%get3A_1249, %get3A_1250] : memref<2x208xi32, #tpu.memory_space<vmem>> -> memref<1x208xi32, #tpu.memory_space<vmem>>
      %get3A_1252 = tpu.memref_squeeze %get3A_1251 : memref<1x208xi32, #tpu.memory_space<vmem>> -> memref<208xi32, #tpu.memory_space<vmem>>
      %get3A_1253 = arith.constant 0 : index
      %get3A_1254 = tpu.vector_load %get3A_1252[%get3A_1253] {strides = array<i32>} : memref<208xi32, #tpu.memory_space<vmem>>, vector<16xi32>,
      %ne3A_1255 = arith.constant 0 : i32
      %ne3A_1256 = vector.broadcast %ne3A_1255 : i32 to vector<16xi32>
      %ne3A_1257 = arith.cmpi ne, %get3A_1254, %ne3A_1256 : vector<16xi32>
      %select_n3A_1258 = arith.select %ne3A_1257, %broadcast_in_dim3A_3, %broadcast_in_dim3A_5 : vector<16xi1>, vector<16xi32>
      %add3A_1259 = arith.addi %broadcast_in_dim3A_5, %select_n3A_1258 : vector<16xi32>
      %shift_right_logical3A_1260 = arith.constant 14 : i32
      %shift_right_logical3A_1261 = vector.broadcast %shift_right_logical3A_1260 : i32 to vector<16xi32>
      %shift_right_logical3A_1262 = arith.shrui %get3A_1254, %shift_right_logical3A_1261 : vector<16xi32>
      %broadcast_in_dim3A_1263 = arith.constant true
      %broadcast_in_dim3A_1264 = vector.broadcast %broadcast_in_dim3A_1263 : i1 to vector<16xi1>
      %unique3A_1265, %unique3A_1266 = tpu.scan_count mask(%broadcast_in_dim3A_1264 : vector<16xi1>) value(%shift_right_logical3A_1262 : vector<16xi32>) : vector<16xi1>, vector<16xi32>
      %gather3A_1267 = arith.constant 1 : i32
      %gather3A_1268 = arith.constant 0 : i32
      %gather3A_1269 = tpu.memref_slice %arg7[%gather3A_1267, %gather3A_1268] : memref<2x16xi32, #tpu.memory_space<vmem>> -> memref<1x16xi32, #tpu.memory_space<vmem>>
      %gather3A_1270 = tpu.memref_squeeze %gather3A_1269 : memref<1x16xi32, #tpu.memory_space<vmem>> -> memref<16xi32, #tpu.memory_space<vmem>>
      %gather3A_1271 = tpu.vector_load_idx %gather3A_1270[%shift_right_logical3A_1262] : memref<16xi32, #tpu.memory_space<vmem>>[vector<16xi32>], vector<16xi32>,
      %add3A_1272 = arith.addi %gather3A_1271, %unique3A_1266 : vector<16xi32>
      %scatter3A_1273 = arith.constant 1 : i32
      %scatter3A_1274 = arith.constant 0 : i32
      %scatter3A_1275 = tpu.memref_slice %arg7[%scatter3A_1273, %scatter3A_1274] : memref<2x16xi32, #tpu.memory_space<vmem>> -> memref<1x16xi32, #tpu.memory_space<vmem>>
      %scatter3A_1276 = tpu.memref_squeeze %scatter3A_1275 : memref<1x16xi32, #tpu.memory_space<vmem>> -> memref<16xi32, #tpu.memory_space<vmem>>
      tpu.vector_store_idx %scatter3A_1276[%shift_right_logical3A_1262], %add3A_1272 masked %unique3A_1265 : memref<16xi32, #tpu.memory_space<vmem>>[vector<16xi32>], vector<16xi32>, vector<16xi1>
      %get3A_1277 = arith.constant 1 : i32
      %get3A_1278 = arith.constant 0 : i32
      %get3A_1279 = tpu.memref_slice %arg6[%get3A_1277, %get3A_1278] : memref<2x208xi32, #tpu.memory_space<vmem>> -> memref<1x208xi32, #tpu.memory_space<vmem>>
      %get3A_1280 = tpu.memref_squeeze %get3A_1279 : memref<1x208xi32, #tpu.memory_space<vmem>> -> memref<208xi32, #tpu.memory_space<vmem>>
      %get3A_1281 = arith.constant 16 : index
      %get3A_1282 = tpu.vector_load %get3A_1280[%get3A_1281] {strides = array<i32>} : memref<208xi32, #tpu.memory_space<vmem>>, vector<16xi32>,
      %ne3A_1283 = arith.constant 0 : i32
      %ne3A_1284 = vector.broadcast %ne3A_1283 : i32 to vector<16xi32>
      %ne3A_1285 = arith.cmpi ne, %get3A_1282, %ne3A_1284 : vector<16xi32>
      %select_n3A_1286 = arith.select %ne3A_1285, %broadcast_in_dim3A_3, %broadcast_in_dim3A_5 : vector<16xi1>, vector<16xi32>
      %add3A_1287 = arith.addi %add3A_1259, %select_n3A_1286 : vector<16xi32>
      %shift_right_logical3A_1288 = arith.constant 14 : i32
      %shift_right_logical3A_1289 = vector.broadcast %shift_right_logical3A_1288 : i32 to vector<16xi32>
      %shift_right_logical3A_1290 = arith.shrui %get3A_1282, %shift_right_logical3A_1289 : vector<16xi32>
      %broadcast_in_dim3A_1291 = arith.constant true
      %broadcast_in_dim3A_1292 = vector.broadcast %broadcast_in_dim3A_1291 : i1 to vector<16xi1>
      %unique3A_1293, %unique3A_1294 = tpu.scan_count mask(%broadcast_in_dim3A_1292 : vector<16xi1>) value(%shift_right_logical3A_1290 : vector<16xi32>) : vector<16xi1>, vector<16xi32>
      %gather3A_1295 = arith.constant 1 : i32
      %gather3A_1296 = arith.constant 0 : i32
      %gather3A_1297 = tpu.memref_slice %arg7[%gather3A_1295, %gather3A_1296] : memref<2x16xi32, #tpu.memory_space<vmem>> -> memref<1x16xi32, #tpu.memory_space<vmem>>
      %gather3A_1298 = tpu.memref_squeeze %gather3A_1297 : memref<1x16xi32, #tpu.memory_space<vmem>> -> memref<16xi32, #tpu.memory_space<vmem>>
      %gather3A_1299 = tpu.vector_load_idx %gather3A_1298[%shift_right_logical3A_1290] : memref<16xi32, #tpu.memory_space<vmem>>[vector<16xi32>], vector<16xi32>,
      %add3A_1300 = arith.addi %gather3A_1299, %unique3A_1294 : vector<16xi32>
      %scatter3A_1301 = arith.constant 1 : i32
      %scatter3A_1302 = arith.constant 0 : i32
      %scatter3A_1303 = tpu.memref_slice %arg7[%scatter3A_1301, %scatter3A_1302] : memref<2x16xi32, #tpu.memory_space<vmem>> -> memref<1x16xi32, #tpu.memory_space<vmem>>
      %scatter3A_1304 = tpu.memref_squeeze %scatter3A_1303 : memref<1x16xi32, #tpu.memory_space<vmem>> -> memref<16xi32, #tpu.memory_space<vmem>>
      tpu.vector_store_idx %scatter3A_1304[%shift_right_logical3A_1290], %add3A_1300 masked %unique3A_1293 : memref<16xi32, #tpu.memory_space<vmem>>[vector<16xi32>], vector<16xi32>, vector<16xi1>
      %get3A_1305 = arith.constant 1 : i32
      %get3A_1306 = arith.constant 0 : i32
      %get3A_1307 = tpu.memref_slice %arg6[%get3A_1305, %get3A_1306] : memref<2x208xi32, #tpu.memory_space<vmem>> -> memref<1x208xi32, #tpu.memory_space<vmem>>
      %get3A_1308 = tpu.memref_squeeze %get3A_1307 : memref<1x208xi32, #tpu.memory_space<vmem>> -> memref<208xi32, #tpu.memory_space<vmem>>
      %get3A_1309 = arith.constant 32 : index
      %get3A_1310 = tpu.vector_load %get3A_1308[%get3A_1309] {strides = array<i32>} : memref<208xi32, #tpu.memory_space<vmem>>, vector<16xi32>,
      %ne3A_1311 = arith.constant 0 : i32
      %ne3A_1312 = vector.broadcast %ne3A_1311 : i32 to vector<16xi32>
      %ne3A_1313 = arith.cmpi ne, %get3A_1310, %ne3A_1312 : vector<16xi32>
      %select_n3A_1314 = arith.select %ne3A_1313, %broadcast_in_dim3A_3, %broadcast_in_dim3A_5 : vector<16xi1>, vector<16xi32>
      %add3A_1315 = arith.addi %add3A_1287, %select_n3A_1314 : vector<16xi32>
      %shift_right_logical3A_1316 = arith.constant 14 : i32
      %shift_right_logical3A_1317 = vector.broadcast %shift_right_logical3A_1316 : i32 to vector<16xi32>
      %shift_right_logical3A_1318 = arith.shrui %get3A_1310, %shift_right_logical3A_1317 : vector<16xi32>
      %broadcast_in_dim3A_1319 = arith.constant true
      %broadcast_in_dim3A_1320 = vector.broadcast %broadcast_in_dim3A_1319 : i1 to vector<16xi1>
      %unique3A_1321, %unique3A_1322 = tpu.scan_count mask(%broadcast_in_dim3A_1320 : vector<16xi1>) value(%shift_right_logical3A_1318 : vector<16xi32>) : vector<16xi1>, vector<16xi32>
      %gather3A_1323 = arith.constant 1 : i32
      %gather3A_1324 = arith.constant 0 : i32
      %gather3A_1325 = tpu.memref_slice %arg7[%gather3A_1323, %gather3A_1324] : memref<2x16xi32, #tpu.memory_space<vmem>> -> memref<1x16xi32, #tpu.memory_space<vmem>>
      %gather3A_1326 = tpu.memref_squeeze %gather3A_1325 : memref<1x16xi32, #tpu.memory_space<vmem>> -> memref<16xi32, #tpu.memory_space<vmem>>
      %gather3A_1327 = tpu.vector_load_idx %gather3A_1326[%shift_right_logical3A_1318] : memref<16xi32, #tpu.memory_space<vmem>>[vector<16xi32>], vector<16xi32>,
      %add3A_1328 = arith.addi %gather3A_1327, %unique3A_1322 : vector<16xi32>
      %scatter3A_1329 = arith.constant 1 : i32
      %scatter3A_1330 = arith.constant 0 : i32
      %scatter3A_1331 = tpu.memref_slice %arg7[%scatter3A_1329, %scatter3A_1330] : memref<2x16xi32, #tpu.memory_space<vmem>> -> memref<1x16xi32, #tpu.memory_space<vmem>>
      %scatter3A_1332 = tpu.memref_squeeze %scatter3A_1331 : memref<1x16xi32, #tpu.memory_space<vmem>> -> memref<16xi32, #tpu.memory_space<vmem>>
      tpu.vector_store_idx %scatter3A_1332[%shift_right_logical3A_1318], %add3A_1328 masked %unique3A_1321 : memref<16xi32, #tpu.memory_space<vmem>>[vector<16xi32>], vector<16xi32>, vector<16xi1>
      %get3A_1333 = arith.constant 1 : i32
      %get3A_1334 = arith.constant 0 : i32
      %get3A_1335 = tpu.memref_slice %arg6[%get3A_1333, %get3A_1334] : memref<2x208xi32, #tpu.memory_space<vmem>> -> memref<1x208xi32, #tpu.memory_space<vmem>>
      %get3A_1336 = tpu.memref_squeeze %get3A_1335 : memref<1x208xi32, #tpu.memory_space<vmem>> -> memref<208xi32, #tpu.memory_space<vmem>>
      %get3A_1337 = arith.constant 48 : index
      %get3A_1338 = tpu.vector_load %get3A_1336[%get3A_1337] {strides = array<i32>} : memref<208xi32, #tpu.memory_space<vmem>>, vector<16xi32>,
      %ne3A_1339 = arith.constant 0 : i32
      %ne3A_1340 = vector.broadcast %ne3A_1339 : i32 to vector<16xi32>
      %ne3A_1341 = arith.cmpi ne, %get3A_1338, %ne3A_1340 : vector<16xi32>
      %select_n3A_1342 = arith.select %ne3A_1341, %broadcast_in_dim3A_3, %broadcast_in_dim3A_5 : vector<16xi1>, vector<16xi32>
      %add3A_1343 = arith.addi %add3A_1315, %select_n3A_1342 : vector<16xi32>
      %shift_right_logical3A_1344 = arith.constant 14 : i32
      %shift_right_logical3A_1345 = vector.broadcast %shift_right_logical3A_1344 : i32 to vector<16xi32>
      %shift_right_logical3A_1346 = arith.shrui %get3A_1338, %shift_right_logical3A_1345 : vector<16xi32>
      %broadcast_in_dim3A_1347 = arith.constant true
      %broadcast_in_dim3A_1348 = vector.broadcast %broadcast_in_dim3A_1347 : i1 to vector<16xi1>
      %unique3A_1349, %unique3A_1350 = tpu.scan_count mask(%broadcast_in_dim3A_1348 : vector<16xi1>) value(%shift_right_logical3A_1346 : vector<16xi32>) : vector<16xi1>, vector<16xi32>
      %gather3A_1351 = arith.constant 1 : i32
      %gather3A_1352 = arith.constant 0 : i32
      %gather3A_1353 = tpu.memref_slice %arg7[%gather3A_1351, %gather3A_1352] : memref<2x16xi32, #tpu.memory_space<vmem>> -> memref<1x16xi32, #tpu.memory_space<vmem>>
      %gather3A_1354 = tpu.memref_squeeze %gather3A_1353 : memref<1x16xi32, #tpu.memory_space<vmem>> -> memref<16xi32, #tpu.memory_space<vmem>>
      %gather3A_1355 = tpu.vector_load_idx %gather3A_1354[%shift_right_logical3A_1346] : memref<16xi32, #tpu.memory_space<vmem>>[vector<16xi32>], vector<16xi32>,
      %add3A_1356 = arith.addi %gather3A_1355, %unique3A_1350 : vector<16xi32>
      %scatter3A_1357 = arith.constant 1 : i32
      %scatter3A_1358 = arith.constant 0 : i32
      %scatter3A_1359 = tpu.memref_slice %arg7[%scatter3A_1357, %scatter3A_1358] : memref<2x16xi32, #tpu.memory_space<vmem>> -> memref<1x16xi32, #tpu.memory_space<vmem>>
      %scatter3A_1360 = tpu.memref_squeeze %scatter3A_1359 : memref<1x16xi32, #tpu.memory_space<vmem>> -> memref<16xi32, #tpu.memory_space<vmem>>
      tpu.vector_store_idx %scatter3A_1360[%shift_right_logical3A_1346], %add3A_1356 masked %unique3A_1349 : memref<16xi32, #tpu.memory_space<vmem>>[vector<16xi32>], vector<16xi32>, vector<16xi1>
      %get3A_1361 = arith.constant 1 : i32
      %get3A_1362 = arith.constant 0 : i32
      %get3A_1363 = tpu.memref_slice %arg6[%get3A_1361, %get3A_1362] : memref<2x208xi32, #tpu.memory_space<vmem>> -> memref<1x208xi32, #tpu.memory_space<vmem>>
      %get3A_1364 = tpu.memref_squeeze %get3A_1363 : memref<1x208xi32, #tpu.memory_space<vmem>> -> memref<208xi32, #tpu.memory_space<vmem>>
      %get3A_1365 = arith.constant 64 : index
      %get3A_1366 = tpu.vector_load %get3A_1364[%get3A_1365] {strides = array<i32>} : memref<208xi32, #tpu.memory_space<vmem>>, vector<16xi32>,
      %ne3A_1367 = arith.constant 0 : i32
      %ne3A_1368 = vector.broadcast %ne3A_1367 : i32 to vector<16xi32>
      %ne3A_1369 = arith.cmpi ne, %get3A_1366, %ne3A_1368 : vector<16xi32>
      %select_n3A_1370 = arith.select %ne3A_1369, %broadcast_in_dim3A_3, %broadcast_in_dim3A_5 : vector<16xi1>, vector<16xi32>
      %add3A_1371 = arith.addi %add3A_1343, %select_n3A_1370 : vector<16xi32>
      %shift_right_logical3A_1372 = arith.constant 14 : i32
      %shift_right_logical3A_1373 = vector.broadcast %shift_right_logical3A_1372 : i32 to vector<16xi32>
      %shift_right_logical3A_1374 = arith.shrui %get3A_1366, %shift_right_logical3A_1373 : vector<16xi32>
      %broadcast_in_dim3A_1375 = arith.constant true
      %broadcast_in_dim3A_1376 = vector.broadcast %broadcast_in_dim3A_1375 : i1 to vector<16xi1>
      %unique3A_1377, %unique3A_1378 = tpu.scan_count mask(%broadcast_in_dim3A_1376 : vector<16xi1>) value(%shift_right_logical3A_1374 : vector<16xi32>) : vector<16xi1>, vector<16xi32>
      %gather3A_1379 = arith.constant 1 : i32
      %gather3A_1380 = arith.constant 0 : i32
      %gather3A_1381 = tpu.memref_slice %arg7[%gather3A_1379, %gather3A_1380] : memref<2x16xi32, #tpu.memory_space<vmem>> -> memref<1x16xi32, #tpu.memory_space<vmem>>
      %gather3A_1382 = tpu.memref_squeeze %gather3A_1381 : memref<1x16xi32, #tpu.memory_space<vmem>> -> memref<16xi32, #tpu.memory_space<vmem>>
      %gather3A_1383 = tpu.vector_load_idx %gather3A_1382[%shift_right_logical3A_1374] : memref<16xi32, #tpu.memory_space<vmem>>[vector<16xi32>], vector<16xi32>,
      %add3A_1384 = arith.addi %gather3A_1383, %unique3A_1378 : vector<16xi32>
      %scatter3A_1385 = arith.constant 1 : i32
      %scatter3A_1386 = arith.constant 0 : i32
      %scatter3A_1387 = tpu.memref_slice %arg7[%scatter3A_1385, %scatter3A_1386] : memref<2x16xi32, #tpu.memory_space<vmem>> -> memref<1x16xi32, #tpu.memory_space<vmem>>
      %scatter3A_1388 = tpu.memref_squeeze %scatter3A_1387 : memref<1x16xi32, #tpu.memory_space<vmem>> -> memref<16xi32, #tpu.memory_space<vmem>>
      tpu.vector_store_idx %scatter3A_1388[%shift_right_logical3A_1374], %add3A_1384 masked %unique3A_1377 : memref<16xi32, #tpu.memory_space<vmem>>[vector<16xi32>], vector<16xi32>, vector<16xi1>
      %get3A_1389 = arith.constant 1 : i32
      %get3A_1390 = arith.constant 0 : i32
      %get3A_1391 = tpu.memref_slice %arg6[%get3A_1389, %get3A_1390] : memref<2x208xi32, #tpu.memory_space<vmem>> -> memref<1x208xi32, #tpu.memory_space<vmem>>
      %get3A_1392 = tpu.memref_squeeze %get3A_1391 : memref<1x208xi32, #tpu.memory_space<vmem>> -> memref<208xi32, #tpu.memory_space<vmem>>
      %get3A_1393 = arith.constant 80 : index
      %get3A_1394 = tpu.vector_load %get3A_1392[%get3A_1393] {strides = array<i32>} : memref<208xi32, #tpu.memory_space<vmem>>, vector<16xi32>,
      %ne3A_1395 = arith.constant 0 : i32
      %ne3A_1396 = vector.broadcast %ne3A_1395 : i32 to vector<16xi32>
      %ne3A_1397 = arith.cmpi ne, %get3A_1394, %ne3A_1396 : vector<16xi32>
      %select_n3A_1398 = arith.select %ne3A_1397, %broadcast_in_dim3A_3, %broadcast_in_dim3A_5 : vector<16xi1>, vector<16xi32>
      %add3A_1399 = arith.addi %add3A_1371, %select_n3A_1398 : vector<16xi32>
      %shift_right_logical3A_1400 = arith.constant 14 : i32
      %shift_right_logical3A_1401 = vector.broadcast %shift_right_logical3A_1400 : i32 to vector<16xi32>
      %shift_right_logical3A_1402 = arith.shrui %get3A_1394, %shift_right_logical3A_1401 : vector<16xi32>
      %broadcast_in_dim3A_1403 = arith.constant true
      %broadcast_in_dim3A_1404 = vector.broadcast %broadcast_in_dim3A_1403 : i1 to vector<16xi1>
      %unique3A_1405, %unique3A_1406 = tpu.scan_count mask(%broadcast_in_dim3A_1404 : vector<16xi1>) value(%shift_right_logical3A_1402 : vector<16xi32>) : vector<16xi1>, vector<16xi32>
      %gather3A_1407 = arith.constant 1 : i32
      %gather3A_1408 = arith.constant 0 : i32
      %gather3A_1409 = tpu.memref_slice %arg7[%gather3A_1407, %gather3A_1408] : memref<2x16xi32, #tpu.memory_space<vmem>> -> memref<1x16xi32, #tpu.memory_space<vmem>>
      %gather3A_1410 = tpu.memref_squeeze %gather3A_1409 : memref<1x16xi32, #tpu.memory_space<vmem>> -> memref<16xi32, #tpu.memory_space<vmem>>
      %gather3A_1411 = tpu.vector_load_idx %gather3A_1410[%shift_right_logical3A_1402] : memref<16xi32, #tpu.memory_space<vmem>>[vector<16xi32>], vector<16xi32>,
      %add3A_1412 = arith.addi %gather3A_1411, %unique3A_1406 : vector<16xi32>
      %scatter3A_1413 = arith.constant 1 : i32
      %scatter3A_1414 = arith.constant 0 : i32
      %scatter3A_1415 = tpu.memref_slice %arg7[%scatter3A_1413, %scatter3A_1414] : memref<2x16xi32, #tpu.memory_space<vmem>> -> memref<1x16xi32, #tpu.memory_space<vmem>>
      %scatter3A_1416 = tpu.memref_squeeze %scatter3A_1415 : memref<1x16xi32, #tpu.memory_space<vmem>> -> memref<16xi32, #tpu.memory_space<vmem>>
      tpu.vector_store_idx %scatter3A_1416[%shift_right_logical3A_1402], %add3A_1412 masked %unique3A_1405 : memref<16xi32, #tpu.memory_space<vmem>>[vector<16xi32>], vector<16xi32>, vector<16xi1>
      %get3A_1417 = arith.constant 1 : i32
      %get3A_1418 = arith.constant 0 : i32
      %get3A_1419 = tpu.memref_slice %arg6[%get3A_1417, %get3A_1418] : memref<2x208xi32, #tpu.memory_space<vmem>> -> memref<1x208xi32, #tpu.memory_space<vmem>>
      %get3A_1420 = tpu.memref_squeeze %get3A_1419 : memref<1x208xi32, #tpu.memory_space<vmem>> -> memref<208xi32, #tpu.memory_space<vmem>>
      %get3A_1421 = arith.constant 96 : index
      %get3A_1422 = tpu.vector_load %get3A_1420[%get3A_1421] {strides = array<i32>} : memref<208xi32, #tpu.memory_space<vmem>>, vector<16xi32>,
      %ne3A_1423 = arith.constant 0 : i32
      %ne3A_1424 = vector.broadcast %ne3A_1423 : i32 to vector<16xi32>
      %ne3A_1425 = arith.cmpi ne, %get3A_1422, %ne3A_1424 : vector<16xi32>
      %select_n3A_1426 = arith.select %ne3A_1425, %broadcast_in_dim3A_3, %broadcast_in_dim3A_5 : vector<16xi1>, vector<16xi32>
      %add3A_1427 = arith.addi %add3A_1399, %select_n3A_1426 : vector<16xi32>
      %shift_right_logical3A_1428 = arith.constant 14 : i32
      %shift_right_logical3A_1429 = vector.broadcast %shift_right_logical3A_1428 : i32 to vector<16xi32>
      %shift_right_logical3A_1430 = arith.shrui %get3A_1422, %shift_right_logical3A_1429 : vector<16xi32>
      %broadcast_in_dim3A_1431 = arith.constant true
      %broadcast_in_dim3A_1432 = vector.broadcast %broadcast_in_dim3A_1431 : i1 to vector<16xi1>
      %unique3A_1433, %unique3A_1434 = tpu.scan_count mask(%broadcast_in_dim3A_1432 : vector<16xi1>) value(%shift_right_logical3A_1430 : vector<16xi32>) : vector<16xi1>, vector<16xi32>
      %gather3A_1435 = arith.constant 1 : i32
      %gather3A_1436 = arith.constant 0 : i32
      %gather3A_1437 = tpu.memref_slice %arg7[%gather3A_1435, %gather3A_1436] : memref<2x16xi32, #tpu.memory_space<vmem>> -> memref<1x16xi32, #tpu.memory_space<vmem>>
      %gather3A_1438 = tpu.memref_squeeze %gather3A_1437 : memref<1x16xi32, #tpu.memory_space<vmem>> -> memref<16xi32, #tpu.memory_space<vmem>>
      %gather3A_1439 = tpu.vector_load_idx %gather3A_1438[%shift_right_logical3A_1430] : memref<16xi32, #tpu.memory_space<vmem>>[vector<16xi32>], vector<16xi32>,
      %add3A_1440 = arith.addi %gather3A_1439, %unique3A_1434 : vector<16xi32>
      %scatter3A_1441 = arith.constant 1 : i32
      %scatter3A_1442 = arith.constant 0 : i32
      %scatter3A_1443 = tpu.memref_slice %arg7[%scatter3A_1441, %scatter3A_1442] : memref<2x16xi32, #tpu.memory_space<vmem>> -> memref<1x16xi32, #tpu.memory_space<vmem>>
      %scatter3A_1444 = tpu.memref_squeeze %scatter3A_1443 : memref<1x16xi32, #tpu.memory_space<vmem>> -> memref<16xi32, #tpu.memory_space<vmem>>
      tpu.vector_store_idx %scatter3A_1444[%shift_right_logical3A_1430], %add3A_1440 masked %unique3A_1433 : memref<16xi32, #tpu.memory_space<vmem>>[vector<16xi32>], vector<16xi32>, vector<16xi1>
      %get3A_1445 = arith.constant 1 : i32
      %get3A_1446 = arith.constant 0 : i32
      %get3A_1447 = tpu.memref_slice %arg6[%get3A_1445, %get3A_1446] : memref<2x208xi32, #tpu.memory_space<vmem>> -> memref<1x208xi32, #tpu.memory_space<vmem>>
      %get3A_1448 = tpu.memref_squeeze %get3A_1447 : memref<1x208xi32, #tpu.memory_space<vmem>> -> memref<208xi32, #tpu.memory_space<vmem>>
      %get3A_1449 = arith.constant 112 : index
      %get3A_1450 = tpu.vector_load %get3A_1448[%get3A_1449] {strides = array<i32>} : memref<208xi32, #tpu.memory_space<vmem>>, vector<16xi32>,
      %ne3A_1451 = arith.constant 0 : i32
      %ne3A_1452 = vector.broadcast %ne3A_1451 : i32 to vector<16xi32>
      %ne3A_1453 = arith.cmpi ne, %get3A_1450, %ne3A_1452 : vector<16xi32>
      %select_n3A_1454 = arith.select %ne3A_1453, %broadcast_in_dim3A_3, %broadcast_in_dim3A_5 : vector<16xi1>, vector<16xi32>
      %add3A_1455 = arith.addi %add3A_1427, %select_n3A_1454 : vector<16xi32>
      %shift_right_logical3A_1456 = arith.constant 14 : i32
      %shift_right_logical3A_1457 = vector.broadcast %shift_right_logical3A_1456 : i32 to vector<16xi32>
      %shift_right_logical3A_1458 = arith.shrui %get3A_1450, %shift_right_logical3A_1457 : vector<16xi32>
      %broadcast_in_dim3A_1459 = arith.constant true
      %broadcast_in_dim3A_1460 = vector.broadcast %broadcast_in_dim3A_1459 : i1 to vector<16xi1>
      %unique3A_1461, %unique3A_1462 = tpu.scan_count mask(%broadcast_in_dim3A_1460 : vector<16xi1>) value(%shift_right_logical3A_1458 : vector<16xi32>) : vector<16xi1>, vector<16xi32>
      %gather3A_1463 = arith.constant 1 : i32
      %gather3A_1464 = arith.constant 0 : i32
      %gather3A_1465 = tpu.memref_slice %arg7[%gather3A_1463, %gather3A_1464] : memref<2x16xi32, #tpu.memory_space<vmem>> -> memref<1x16xi32, #tpu.memory_space<vmem>>
      %gather3A_1466 = tpu.memref_squeeze %gather3A_1465 : memref<1x16xi32, #tpu.memory_space<vmem>> -> memref<16xi32, #tpu.memory_space<vmem>>
      %gather3A_1467 = tpu.vector_load_idx %gather3A_1466[%shift_right_logical3A_1458] : memref<16xi32, #tpu.memory_space<vmem>>[vector<16xi32>], vector<16xi32>,
      %add3A_1468 = arith.addi %gather3A_1467, %unique3A_1462 : vector<16xi32>
      %scatter3A_1469 = arith.constant 1 : i32
      %scatter3A_1470 = arith.constant 0 : i32
      %scatter3A_1471 = tpu.memref_slice %arg7[%scatter3A_1469, %scatter3A_1470] : memref<2x16xi32, #tpu.memory_space<vmem>> -> memref<1x16xi32, #tpu.memory_space<vmem>>
      %scatter3A_1472 = tpu.memref_squeeze %scatter3A_1471 : memref<1x16xi32, #tpu.memory_space<vmem>> -> memref<16xi32, #tpu.memory_space<vmem>>
      tpu.vector_store_idx %scatter3A_1472[%shift_right_logical3A_1458], %add3A_1468 masked %unique3A_1461 : memref<16xi32, #tpu.memory_space<vmem>>[vector<16xi32>], vector<16xi32>, vector<16xi1>
      %get3A_1473 = arith.constant 1 : i32
      %get3A_1474 = arith.constant 0 : i32
      %get3A_1475 = tpu.memref_slice %arg6[%get3A_1473, %get3A_1474] : memref<2x208xi32, #tpu.memory_space<vmem>> -> memref<1x208xi32, #tpu.memory_space<vmem>>
      %get3A_1476 = tpu.memref_squeeze %get3A_1475 : memref<1x208xi32, #tpu.memory_space<vmem>> -> memref<208xi32, #tpu.memory_space<vmem>>
      %get3A_1477 = arith.constant 128 : index
      %get3A_1478 = tpu.vector_load %get3A_1476[%get3A_1477] {strides = array<i32>} : memref<208xi32, #tpu.memory_space<vmem>>, vector<16xi32>,
      %ne3A_1479 = arith.constant 0 : i32
      %ne3A_1480 = vector.broadcast %ne3A_1479 : i32 to vector<16xi32>
      %ne3A_1481 = arith.cmpi ne, %get3A_1478, %ne3A_1480 : vector<16xi32>
      %select_n3A_1482 = arith.select %ne3A_1481, %broadcast_in_dim3A_3, %broadcast_in_dim3A_5 : vector<16xi1>, vector<16xi32>
      %add3A_1483 = arith.addi %add3A_1455, %select_n3A_1482 : vector<16xi32>
      %shift_right_logical3A_1484 = arith.constant 14 : i32
      %shift_right_logical3A_1485 = vector.broadcast %shift_right_logical3A_1484 : i32 to vector<16xi32>
      %shift_right_logical3A_1486 = arith.shrui %get3A_1478, %shift_right_logical3A_1485 : vector<16xi32>
      %broadcast_in_dim3A_1487 = arith.constant true
      %broadcast_in_dim3A_1488 = vector.broadcast %broadcast_in_dim3A_1487 : i1 to vector<16xi1>
      %unique3A_1489, %unique3A_1490 = tpu.scan_count mask(%broadcast_in_dim3A_1488 : vector<16xi1>) value(%shift_right_logical3A_1486 : vector<16xi32>) : vector<16xi1>, vector<16xi32>
      %gather3A_1491 = arith.constant 1 : i32
      %gather3A_1492 = arith.constant 0 : i32
      %gather3A_1493 = tpu.memref_slice %arg7[%gather3A_1491, %gather3A_1492] : memref<2x16xi32, #tpu.memory_space<vmem>> -> memref<1x16xi32, #tpu.memory_space<vmem>>
      %gather3A_1494 = tpu.memref_squeeze %gather3A_1493 : memref<1x16xi32, #tpu.memory_space<vmem>> -> memref<16xi32, #tpu.memory_space<vmem>>
      %gather3A_1495 = tpu.vector_load_idx %gather3A_1494[%shift_right_logical3A_1486] : memref<16xi32, #tpu.memory_space<vmem>>[vector<16xi32>], vector<16xi32>,
      %add3A_1496 = arith.addi %gather3A_1495, %unique3A_1490 : vector<16xi32>
      %scatter3A_1497 = arith.constant 1 : i32
      %scatter3A_1498 = arith.constant 0 : i32
      %scatter3A_1499 = tpu.memref_slice %arg7[%scatter3A_1497, %scatter3A_1498] : memref<2x16xi32, #tpu.memory_space<vmem>> -> memref<1x16xi32, #tpu.memory_space<vmem>>
      %scatter3A_1500 = tpu.memref_squeeze %scatter3A_1499 : memref<1x16xi32, #tpu.memory_space<vmem>> -> memref<16xi32, #tpu.memory_space<vmem>>
      tpu.vector_store_idx %scatter3A_1500[%shift_right_logical3A_1486], %add3A_1496 masked %unique3A_1489 : memref<16xi32, #tpu.memory_space<vmem>>[vector<16xi32>], vector<16xi32>, vector<16xi1>
      %get3A_1501 = arith.constant 1 : i32
      %get3A_1502 = arith.constant 0 : i32
      %get3A_1503 = tpu.memref_slice %arg6[%get3A_1501, %get3A_1502] : memref<2x208xi32, #tpu.memory_space<vmem>> -> memref<1x208xi32, #tpu.memory_space<vmem>>
      %get3A_1504 = tpu.memref_squeeze %get3A_1503 : memref<1x208xi32, #tpu.memory_space<vmem>> -> memref<208xi32, #tpu.memory_space<vmem>>
      %get3A_1505 = arith.constant 144 : index
      %get3A_1506 = tpu.vector_load %get3A_1504[%get3A_1505] {strides = array<i32>} : memref<208xi32, #tpu.memory_space<vmem>>, vector<16xi32>,
      %ne3A_1507 = arith.constant 0 : i32
      %ne3A_1508 = vector.broadcast %ne3A_1507 : i32 to vector<16xi32>
      %ne3A_1509 = arith.cmpi ne, %get3A_1506, %ne3A_1508 : vector<16xi32>
      %select_n3A_1510 = arith.select %ne3A_1509, %broadcast_in_dim3A_3, %broadcast_in_dim3A_5 : vector<16xi1>, vector<16xi32>
      %add3A_1511 = arith.addi %add3A_1483, %select_n3A_1510 : vector<16xi32>
      %shift_right_logical3A_1512 = arith.constant 14 : i32
      %shift_right_logical3A_1513 = vector.broadcast %shift_right_logical3A_1512 : i32 to vector<16xi32>
      %shift_right_logical3A_1514 = arith.shrui %get3A_1506, %shift_right_logical3A_1513 : vector<16xi32>
      %broadcast_in_dim3A_1515 = arith.constant true
      %broadcast_in_dim3A_1516 = vector.broadcast %broadcast_in_dim3A_1515 : i1 to vector<16xi1>
      %unique3A_1517, %unique3A_1518 = tpu.scan_count mask(%broadcast_in_dim3A_1516 : vector<16xi1>) value(%shift_right_logical3A_1514 : vector<16xi32>) : vector<16xi1>, vector<16xi32>
      %gather3A_1519 = arith.constant 1 : i32
      %gather3A_1520 = arith.constant 0 : i32
      %gather3A_1521 = tpu.memref_slice %arg7[%gather3A_1519, %gather3A_1520] : memref<2x16xi32, #tpu.memory_space<vmem>> -> memref<1x16xi32, #tpu.memory_space<vmem>>
      %gather3A_1522 = tpu.memref_squeeze %gather3A_1521 : memref<1x16xi32, #tpu.memory_space<vmem>> -> memref<16xi32, #tpu.memory_space<vmem>>
      %gather3A_1523 = tpu.vector_load_idx %gather3A_1522[%shift_right_logical3A_1514] : memref<16xi32, #tpu.memory_space<vmem>>[vector<16xi32>], vector<16xi32>,
      %add3A_1524 = arith.addi %gather3A_1523, %unique3A_1518 : vector<16xi32>
      %scatter3A_1525 = arith.constant 1 : i32
      %scatter3A_1526 = arith.constant 0 : i32
      %scatter3A_1527 = tpu.memref_slice %arg7[%scatter3A_1525, %scatter3A_1526] : memref<2x16xi32, #tpu.memory_space<vmem>> -> memref<1x16xi32, #tpu.memory_space<vmem>>
      %scatter3A_1528 = tpu.memref_squeeze %scatter3A_1527 : memref<1x16xi32, #tpu.memory_space<vmem>> -> memref<16xi32, #tpu.memory_space<vmem>>
      tpu.vector_store_idx %scatter3A_1528[%shift_right_logical3A_1514], %add3A_1524 masked %unique3A_1517 : memref<16xi32, #tpu.memory_space<vmem>>[vector<16xi32>], vector<16xi32>, vector<16xi1>
      %get3A_1529 = arith.constant 1 : i32
      %get3A_1530 = arith.constant 0 : i32
      %get3A_1531 = tpu.memref_slice %arg6[%get3A_1529, %get3A_1530] : memref<2x208xi32, #tpu.memory_space<vmem>> -> memref<1x208xi32, #tpu.memory_space<vmem>>
      %get3A_1532 = tpu.memref_squeeze %get3A_1531 : memref<1x208xi32, #tpu.memory_space<vmem>> -> memref<208xi32, #tpu.memory_space<vmem>>
      %get3A_1533 = arith.constant 160 : index
      %get3A_1534 = tpu.vector_load %get3A_1532[%get3A_1533] {strides = array<i32>} : memref<208xi32, #tpu.memory_space<vmem>>, vector<16xi32>,
      %ne3A_1535 = arith.constant 0 : i32
      %ne3A_1536 = vector.broadcast %ne3A_1535 : i32 to vector<16xi32>
      %ne3A_1537 = arith.cmpi ne, %get3A_1534, %ne3A_1536 : vector<16xi32>
      %select_n3A_1538 = arith.select %ne3A_1537, %broadcast_in_dim3A_3, %broadcast_in_dim3A_5 : vector<16xi1>, vector<16xi32>
      %add3A_1539 = arith.addi %add3A_1511, %select_n3A_1538 : vector<16xi32>
      %shift_right_logical3A_1540 = arith.constant 14 : i32
      %shift_right_logical3A_1541 = vector.broadcast %shift_right_logical3A_1540 : i32 to vector<16xi32>
      %shift_right_logical3A_1542 = arith.shrui %get3A_1534, %shift_right_logical3A_1541 : vector<16xi32>
      %broadcast_in_dim3A_1543 = arith.constant true
      %broadcast_in_dim3A_1544 = vector.broadcast %broadcast_in_dim3A_1543 : i1 to vector<16xi1>
      %unique3A_1545, %unique3A_1546 = tpu.scan_count mask(%broadcast_in_dim3A_1544 : vector<16xi1>) value(%shift_right_logical3A_1542 : vector<16xi32>) : vector<16xi1>, vector<16xi32>
      %gather3A_1547 = arith.constant 1 : i32
      %gather3A_1548 = arith.constant 0 : i32
      %gather3A_1549 = tpu.memref_slice %arg7[%gather3A_1547, %gather3A_1548] : memref<2x16xi32, #tpu.memory_space<vmem>> -> memref<1x16xi32, #tpu.memory_space<vmem>>
      %gather3A_1550 = tpu.memref_squeeze %gather3A_1549 : memref<1x16xi32, #tpu.memory_space<vmem>> -> memref<16xi32, #tpu.memory_space<vmem>>
      %gather3A_1551 = tpu.vector_load_idx %gather3A_1550[%shift_right_logical3A_1542] : memref<16xi32, #tpu.memory_space<vmem>>[vector<16xi32>], vector<16xi32>,
      %add3A_1552 = arith.addi %gather3A_1551, %unique3A_1546 : vector<16xi32>
      %scatter3A_1553 = arith.constant 1 : i32
      %scatter3A_1554 = arith.constant 0 : i32
      %scatter3A_1555 = tpu.memref_slice %arg7[%scatter3A_1553, %scatter3A_1554] : memref<2x16xi32, #tpu.memory_space<vmem>> -> memref<1x16xi32, #tpu.memory_space<vmem>>
      %scatter3A_1556 = tpu.memref_squeeze %scatter3A_1555 : memref<1x16xi32, #tpu.memory_space<vmem>> -> memref<16xi32, #tpu.memory_space<vmem>>
      tpu.vector_store_idx %scatter3A_1556[%shift_right_logical3A_1542], %add3A_1552 masked %unique3A_1545 : memref<16xi32, #tpu.memory_space<vmem>>[vector<16xi32>], vector<16xi32>, vector<16xi1>
      %get3A_1557 = arith.constant 1 : i32
      %get3A_1558 = arith.constant 0 : i32
      %get3A_1559 = tpu.memref_slice %arg6[%get3A_1557, %get3A_1558] : memref<2x208xi32, #tpu.memory_space<vmem>> -> memref<1x208xi32, #tpu.memory_space<vmem>>
      %get3A_1560 = tpu.memref_squeeze %get3A_1559 : memref<1x208xi32, #tpu.memory_space<vmem>> -> memref<208xi32, #tpu.memory_space<vmem>>
      %get3A_1561 = arith.constant 176 : index
      %get3A_1562 = tpu.vector_load %get3A_1560[%get3A_1561] {strides = array<i32>} : memref<208xi32, #tpu.memory_space<vmem>>, vector<16xi32>,
      %ne3A_1563 = arith.constant 0 : i32
      %ne3A_1564 = vector.broadcast %ne3A_1563 : i32 to vector<16xi32>
      %ne3A_1565 = arith.cmpi ne, %get3A_1562, %ne3A_1564 : vector<16xi32>
      %select_n3A_1566 = arith.select %ne3A_1565, %broadcast_in_dim3A_3, %broadcast_in_dim3A_5 : vector<16xi1>, vector<16xi32>
      %add3A_1567 = arith.addi %add3A_1539, %select_n3A_1566 : vector<16xi32>
      %shift_right_logical3A_1568 = arith.constant 14 : i32
      %shift_right_logical3A_1569 = vector.broadcast %shift_right_logical3A_1568 : i32 to vector<16xi32>
      %shift_right_logical3A_1570 = arith.shrui %get3A_1562, %shift_right_logical3A_1569 : vector<16xi32>
      %broadcast_in_dim3A_1571 = arith.constant true
      %broadcast_in_dim3A_1572 = vector.broadcast %broadcast_in_dim3A_1571 : i1 to vector<16xi1>
      %unique3A_1573, %unique3A_1574 = tpu.scan_count mask(%broadcast_in_dim3A_1572 : vector<16xi1>) value(%shift_right_logical3A_1570 : vector<16xi32>) : vector<16xi1>, vector<16xi32>
      %gather3A_1575 = arith.constant 1 : i32
      %gather3A_1576 = arith.constant 0 : i32
      %gather3A_1577 = tpu.memref_slice %arg7[%gather3A_1575, %gather3A_1576] : memref<2x16xi32, #tpu.memory_space<vmem>> -> memref<1x16xi32, #tpu.memory_space<vmem>>
      %gather3A_1578 = tpu.memref_squeeze %gather3A_1577 : memref<1x16xi32, #tpu.memory_space<vmem>> -> memref<16xi32, #tpu.memory_space<vmem>>
      %gather3A_1579 = tpu.vector_load_idx %gather3A_1578[%shift_right_logical3A_1570] : memref<16xi32, #tpu.memory_space<vmem>>[vector<16xi32>], vector<16xi32>,
      %add3A_1580 = arith.addi %gather3A_1579, %unique3A_1574 : vector<16xi32>
      %scatter3A_1581 = arith.constant 1 : i32
      %scatter3A_1582 = arith.constant 0 : i32
      %scatter3A_1583 = tpu.memref_slice %arg7[%scatter3A_1581, %scatter3A_1582] : memref<2x16xi32, #tpu.memory_space<vmem>> -> memref<1x16xi32, #tpu.memory_space<vmem>>
      %scatter3A_1584 = tpu.memref_squeeze %scatter3A_1583 : memref<1x16xi32, #tpu.memory_space<vmem>> -> memref<16xi32, #tpu.memory_space<vmem>>
      tpu.vector_store_idx %scatter3A_1584[%shift_right_logical3A_1570], %add3A_1580 masked %unique3A_1573 : memref<16xi32, #tpu.memory_space<vmem>>[vector<16xi32>], vector<16xi32>, vector<16xi1>
      %get3A_1585 = arith.constant 1 : i32
      %get3A_1586 = arith.constant 0 : i32
      %get3A_1587 = tpu.memref_slice %arg6[%get3A_1585, %get3A_1586] : memref<2x208xi32, #tpu.memory_space<vmem>> -> memref<1x208xi32, #tpu.memory_space<vmem>>
      %get3A_1588 = tpu.memref_squeeze %get3A_1587 : memref<1x208xi32, #tpu.memory_space<vmem>> -> memref<208xi32, #tpu.memory_space<vmem>>
      %get3A_1589 = arith.constant 192 : index
      %get3A_1590 = tpu.vector_load %get3A_1588[%get3A_1589] {strides = array<i32>} : memref<208xi32, #tpu.memory_space<vmem>>, vector<16xi32>,
      %ne3A_1591 = arith.constant 0 : i32
      %ne3A_1592 = vector.broadcast %ne3A_1591 : i32 to vector<16xi32>
      %ne3A_1593 = arith.cmpi ne, %get3A_1590, %ne3A_1592 : vector<16xi32>
      %select_n3A_1594 = arith.select %ne3A_1593, %broadcast_in_dim3A_3, %broadcast_in_dim3A_5 : vector<16xi1>, vector<16xi32>
      %add3A_1595 = arith.addi %add3A_1567, %select_n3A_1594 : vector<16xi32>
      %shift_right_logical3A_1596 = arith.constant 14 : i32
      %shift_right_logical3A_1597 = vector.broadcast %shift_right_logical3A_1596 : i32 to vector<16xi32>
      %shift_right_logical3A_1598 = arith.shrui %get3A_1590, %shift_right_logical3A_1597 : vector<16xi32>
      %broadcast_in_dim3A_1599 = arith.constant true
      %broadcast_in_dim3A_1600 = vector.broadcast %broadcast_in_dim3A_1599 : i1 to vector<16xi1>
      %unique3A_1601, %unique3A_1602 = tpu.scan_count mask(%broadcast_in_dim3A_1600 : vector<16xi1>) value(%shift_right_logical3A_1598 : vector<16xi32>) : vector<16xi1>, vector<16xi32>
      %gather3A_1603 = arith.constant 1 : i32
      %gather3A_1604 = arith.constant 0 : i32
      %gather3A_1605 = tpu.memref_slice %arg7[%gather3A_1603, %gather3A_1604] : memref<2x16xi32, #tpu.memory_space<vmem>> -> memref<1x16xi32, #tpu.memory_space<vmem>>
      %gather3A_1606 = tpu.memref_squeeze %gather3A_1605 : memref<1x16xi32, #tpu.memory_space<vmem>> -> memref<16xi32, #tpu.memory_space<vmem>>
      %gather3A_1607 = tpu.vector_load_idx %gather3A_1606[%shift_right_logical3A_1598] : memref<16xi32, #tpu.memory_space<vmem>>[vector<16xi32>], vector<16xi32>,
      %add3A_1608 = arith.addi %gather3A_1607, %unique3A_1602 : vector<16xi32>
      %scatter3A_1609 = arith.constant 1 : i32
      %scatter3A_1610 = arith.constant 0 : i32
      %scatter3A_1611 = tpu.memref_slice %arg7[%scatter3A_1609, %scatter3A_1610] : memref<2x16xi32, #tpu.memory_space<vmem>> -> memref<1x16xi32, #tpu.memory_space<vmem>>
      %scatter3A_1612 = tpu.memref_squeeze %scatter3A_1611 : memref<1x16xi32, #tpu.memory_space<vmem>> -> memref<16xi32, #tpu.memory_space<vmem>>
      tpu.vector_store_idx %scatter3A_1612[%shift_right_logical3A_1598], %add3A_1608 masked %unique3A_1601 : memref<16xi32, #tpu.memory_space<vmem>>[vector<16xi32>], vector<16xi32>, vector<16xi1>
      %get3A_1613 = arith.constant 1 : i32
      %get3A_1614 = arith.constant 0 : i32
      %get3A_1615 = tpu.memref_slice %arg7[%get3A_1613, %get3A_1614] : memref<2x16xi32, #tpu.memory_space<vmem>> -> memref<1x16xi32, #tpu.memory_space<vmem>>
      %get3A_1616 = tpu.memref_squeeze %get3A_1615 : memref<1x16xi32, #tpu.memory_space<vmem>> -> memref<16xi32, #tpu.memory_space<vmem>>
      %get3A_1617 = arith.constant 0 : index
      %get3A_1618 = tpu.vector_load %get3A_1616[%get3A_1617] {strides = array<i32>} : memref<16xi32, #tpu.memory_space<vmem>>, vector<16xi32>,
      %broadcast_in_dim3A_1619 = arith.constant true
      %broadcast_in_dim3A_1620 = vector.broadcast %broadcast_in_dim3A_1619 : i1 to vector<16xi1>
      %masked_cumsum3A_1621 = tpu.scan <sum>, %get3A_1618 masked %broadcast_in_dim3A_1620 : vector<16xi32>, vector<16xi1> -> vector<16xi32>
      %sub3A_1622 = arith.subi %masked_cumsum3A_1621, %get3A_1618 : vector<16xi32>
      %swap3A_1623 = arith.constant 1 : i32
      %swap3A_1624 = arith.constant 0 : i32
      %swap3A_1625 = tpu.memref_slice %arg7[%swap3A_1623, %swap3A_1624] : memref<2x16xi32, #tpu.memory_space<vmem>> -> memref<1x16xi32, #tpu.memory_space<vmem>>
      %swap3A_1626 = tpu.memref_squeeze %swap3A_1625 : memref<1x16xi32, #tpu.memory_space<vmem>> -> memref<16xi32, #tpu.memory_space<vmem>>
      %swap3A_1627 = arith.constant 0 : index
      %swap3A_1628 = tpu.vector_load %swap3A_1626[%swap3A_1627] {strides = array<i32>} : memref<16xi32, #tpu.memory_space<vmem>>, vector<16xi32>,
      tpu.vector_store %swap3A_1626[%swap3A_1627], %sub3A_1622 {strides = array<i32>} : memref<16xi32, #tpu.memory_space<vmem>>, vector<16xi32>,
      %reduce_sum3A_1629 = arith.constant true
      %reduce_sum3A_1630 = vector.broadcast %reduce_sum3A_1629 : i1 to vector<16xi1>
      %reduce_sum3A_1631 = tpu.scan <sum>, %add3A_1595 masked %reduce_sum3A_1630 : vector<16xi32>, vector<16xi1> -> vector<16xi32>
      %reduce_sum3A_1632 = vector.extract %reduce_sum3A_1631[15] : i32 from vector<16xi32>
      %eq3A_1633 = arith.constant 1 : i32
      %eq3A_1634 = vector.broadcast %eq3A_1633 : i32 to vector<16xi32>
      %eq3A_1635 = arith.cmpi eq, %iota3A, %eq3A_1634 : vector<16xi32>
      %select_n3A_1636 = arith.select %eq3A_1635, %sub3A_1622, %broadcast_in_dim3A_5 : vector<16xi1>, vector<16xi32>
      %reduce_max3A_1637 = arith.constant true
      %reduce_max3A_1638 = vector.broadcast %reduce_max3A_1637 : i1 to vector<16xi1>
      %reduce_max3A_1639 = arith.constant -2147483648 : i32
      %reduce_max3A_1640 = vector.broadcast %reduce_max3A_1639 : i32 to vector<16xi32>
      %reduce_max3A_1641 = arith.xori %select_n3A_1636, %reduce_max3A_1640 : vector<16xi32>
      %reduce_max3A_1642 = tpu.scan <max>, %reduce_max3A_1641 masked %reduce_max3A_1638 : vector<16xi32>, vector<16xi1> -> vector<16xi32>
      %reduce_max3A_1643 = arith.xori %reduce_max3A_1642, %reduce_max3A_1640 : vector<16xi32>
      %reduce_max3A_1644 = vector.extract %reduce_max3A_1643[15] : i32 from vector<16xi32>
      %shift_left3A_1645 = arith.constant 0 : i32
      %shift_left3A_1646 = arith.shli %reduce_max3A_1644, %shift_left3A_1645 : i32
      %or3A_1647 = arith.constant 0 : i32
      %or3A_1648 = arith.ori %or3A_1647, %shift_left3A_1646 : i32
      %eq3A_1649 = arith.constant 2 : i32
      %eq3A_1650 = vector.broadcast %eq3A_1649 : i32 to vector<16xi32>
      %eq3A_1651 = arith.cmpi eq, %iota3A, %eq3A_1650 : vector<16xi32>
      %select_n3A_1652 = arith.select %eq3A_1651, %sub3A_1622, %broadcast_in_dim3A_5 : vector<16xi1>, vector<16xi32>
      %reduce_max3A_1653 = arith.constant true
      %reduce_max3A_1654 = vector.broadcast %reduce_max3A_1653 : i1 to vector<16xi1>
      %reduce_max3A_1655 = arith.constant -2147483648 : i32
      %reduce_max3A_1656 = vector.broadcast %reduce_max3A_1655 : i32 to vector<16xi32>
      %reduce_max3A_1657 = arith.xori %select_n3A_1652, %reduce_max3A_1656 : vector<16xi32>
      %reduce_max3A_1658 = tpu.scan <max>, %reduce_max3A_1657 masked %reduce_max3A_1654 : vector<16xi32>, vector<16xi1> -> vector<16xi32>
      %reduce_max3A_1659 = arith.xori %reduce_max3A_1658, %reduce_max3A_1656 : vector<16xi32>
      %reduce_max3A_1660 = vector.extract %reduce_max3A_1659[15] : i32 from vector<16xi32>
      %shift_left3A_1661 = arith.constant 8 : i32
      %shift_left3A_1662 = arith.shli %reduce_max3A_1660, %shift_left3A_1661 : i32
      %or3A_1663 = arith.ori %or3A_1648, %shift_left3A_1662 : i32
      %eq3A_1664 = arith.constant 3 : i32
      %eq3A_1665 = vector.broadcast %eq3A_1664 : i32 to vector<16xi32>
      %eq3A_1666 = arith.cmpi eq, %iota3A, %eq3A_1665 : vector<16xi32>
      %select_n3A_1667 = arith.select %eq3A_1666, %sub3A_1622, %broadcast_in_dim3A_5 : vector<16xi1>, vector<16xi32>
      %reduce_max3A_1668 = arith.constant true
      %reduce_max3A_1669 = vector.broadcast %reduce_max3A_1668 : i1 to vector<16xi1>
      %reduce_max3A_1670 = arith.constant -2147483648 : i32
      %reduce_max3A_1671 = vector.broadcast %reduce_max3A_1670 : i32 to vector<16xi32>
      %reduce_max3A_1672 = arith.xori %select_n3A_1667, %reduce_max3A_1671 : vector<16xi32>
      %reduce_max3A_1673 = tpu.scan <max>, %reduce_max3A_1672 masked %reduce_max3A_1669 : vector<16xi32>, vector<16xi1> -> vector<16xi32>
      %reduce_max3A_1674 = arith.xori %reduce_max3A_1673, %reduce_max3A_1671 : vector<16xi32>
      %reduce_max3A_1675 = vector.extract %reduce_max3A_1674[15] : i32 from vector<16xi32>
      %shift_left3A_1676 = arith.constant 16 : i32
      %shift_left3A_1677 = arith.shli %reduce_max3A_1675, %shift_left3A_1676 : i32
      %or3A_1678 = arith.ori %or3A_1663, %shift_left3A_1677 : i32
      %eq3A_1679 = arith.constant 4 : i32
      %eq3A_1680 = vector.broadcast %eq3A_1679 : i32 to vector<16xi32>
      %eq3A_1681 = arith.cmpi eq, %iota3A, %eq3A_1680 : vector<16xi32>
      %select_n3A_1682 = arith.select %eq3A_1681, %sub3A_1622, %broadcast_in_dim3A_5 : vector<16xi1>, vector<16xi32>
      %reduce_max3A_1683 = arith.constant true
      %reduce_max3A_1684 = vector.broadcast %reduce_max3A_1683 : i1 to vector<16xi1>
      %reduce_max3A_1685 = arith.constant -2147483648 : i32
      %reduce_max3A_1686 = vector.broadcast %reduce_max3A_1685 : i32 to vector<16xi32>
      %reduce_max3A_1687 = arith.xori %select_n3A_1682, %reduce_max3A_1686 : vector<16xi32>
      %reduce_max3A_1688 = tpu.scan <max>, %reduce_max3A_1687 masked %reduce_max3A_1684 : vector<16xi32>, vector<16xi1> -> vector<16xi32>
      %reduce_max3A_1689 = arith.xori %reduce_max3A_1688, %reduce_max3A_1686 : vector<16xi32>
      %reduce_max3A_1690 = vector.extract %reduce_max3A_1689[15] : i32 from vector<16xi32>
      %shift_left3A_1691 = arith.constant 24 : i32
      %shift_left3A_1692 = arith.shli %reduce_max3A_1690, %shift_left3A_1691 : i32
      %or3A_1693 = arith.ori %or3A_1678, %shift_left3A_1692 : i32
      %eq3A_1694 = arith.constant 5 : i32
      %eq3A_1695 = vector.broadcast %eq3A_1694 : i32 to vector<16xi32>
      %eq3A_1696 = arith.cmpi eq, %iota3A, %eq3A_1695 : vector<16xi32>
      %select_n3A_1697 = arith.select %eq3A_1696, %sub3A_1622, %broadcast_in_dim3A_5 : vector<16xi1>, vector<16xi32>
      %reduce_max3A_1698 = arith.constant true
      %reduce_max3A_1699 = vector.broadcast %reduce_max3A_1698 : i1 to vector<16xi1>
      %reduce_max3A_1700 = arith.constant -2147483648 : i32
      %reduce_max3A_1701 = vector.broadcast %reduce_max3A_1700 : i32 to vector<16xi32>
      %reduce_max3A_1702 = arith.xori %select_n3A_1697, %reduce_max3A_1701 : vector<16xi32>
      %reduce_max3A_1703 = tpu.scan <max>, %reduce_max3A_1702 masked %reduce_max3A_1699 : vector<16xi32>, vector<16xi1> -> vector<16xi32>
      %reduce_max3A_1704 = arith.xori %reduce_max3A_1703, %reduce_max3A_1701 : vector<16xi32>
      %reduce_max3A_1705 = vector.extract %reduce_max3A_1704[15] : i32 from vector<16xi32>
      %shift_left3A_1706 = arith.constant 0 : i32
      %shift_left3A_1707 = arith.shli %reduce_max3A_1705, %shift_left3A_1706 : i32
      %or3A_1708 = arith.constant 0 : i32
      %or3A_1709 = arith.ori %or3A_1708, %shift_left3A_1707 : i32
      %eq3A_1710 = arith.constant 6 : i32
      %eq3A_1711 = vector.broadcast %eq3A_1710 : i32 to vector<16xi32>
      %eq3A_1712 = arith.cmpi eq, %iota3A, %eq3A_1711 : vector<16xi32>
      %select_n3A_1713 = arith.select %eq3A_1712, %sub3A_1622, %broadcast_in_dim3A_5 : vector<16xi1>, vector<16xi32>
      %reduce_max3A_1714 = arith.constant true
      %reduce_max3A_1715 = vector.broadcast %reduce_max3A_1714 : i1 to vector<16xi1>
      %reduce_max3A_1716 = arith.constant -2147483648 : i32
      %reduce_max3A_1717 = vector.broadcast %reduce_max3A_1716 : i32 to vector<16xi32>
      %reduce_max3A_1718 = arith.xori %select_n3A_1713, %reduce_max3A_1717 : vector<16xi32>
      %reduce_max3A_1719 = tpu.scan <max>, %reduce_max3A_1718 masked %reduce_max3A_1715 : vector<16xi32>, vector<16xi1> -> vector<16xi32>
      %reduce_max3A_1720 = arith.xori %reduce_max3A_1719, %reduce_max3A_1717 : vector<16xi32>
      %reduce_max3A_1721 = vector.extract %reduce_max3A_1720[15] : i32 from vector<16xi32>
      %shift_left3A_1722 = arith.constant 8 : i32
      %shift_left3A_1723 = arith.shli %reduce_max3A_1721, %shift_left3A_1722 : i32
      %or3A_1724 = arith.ori %or3A_1709, %shift_left3A_1723 : i32
      %mul3A_1725 = arith.constant 4 : i32
      %mul3A_1726 = arith.muli %add3A_1125, %mul3A_1725 : i32
      %add3A_1727 = arith.constant 0 : i32
      %add3A_1728 = arith.addi %mul3A_1726, %add3A_1727 : i32
      %swap3A_1729 = arith.index_cast %add3A_1728 : i32 to index
      %swap3A_1730 = memref.load %arg12[%swap3A_1729] : memref<512xi32, #tpu.memory_space<smem>>
      memref.store %or3A_1693, %arg12[%swap3A_1729] : memref<512xi32, #tpu.memory_space<smem>>
      %mul3A_1731 = arith.constant 4 : i32
      %mul3A_1732 = arith.muli %add3A_1125, %mul3A_1731 : i32
      %add3A_1733 = arith.constant 1 : i32
      %add3A_1734 = arith.addi %mul3A_1732, %add3A_1733 : i32
      %swap3A_1735 = arith.index_cast %add3A_1734 : i32 to index
      %swap3A_1736 = memref.load %arg12[%swap3A_1735] : memref<512xi32, #tpu.memory_space<smem>>
      memref.store %or3A_1724, %arg12[%swap3A_1735] : memref<512xi32, #tpu.memory_space<smem>>
      %mul3A_1737 = arith.constant 4 : i32
      %mul3A_1738 = arith.muli %add3A_1125, %mul3A_1737 : i32
      %add3A_1739 = arith.constant 2 : i32
      %add3A_1740 = arith.addi %mul3A_1738, %add3A_1739 : i32
      %swap3A_1741 = arith.constant 0 : i32
      %swap3A_1742 = arith.index_cast %add3A_1740 : i32 to index
      %swap3A_1743 = memref.load %arg12[%swap3A_1742] : memref<512xi32, #tpu.memory_space<smem>>
      memref.store %swap3A_1741, %arg12[%swap3A_1742] : memref<512xi32, #tpu.memory_space<smem>>
      %mul3A_1744 = arith.constant 4 : i32
      %mul3A_1745 = arith.muli %add3A_1125, %mul3A_1744 : i32
      %add3A_1746 = arith.constant 3 : i32
      %add3A_1747 = arith.addi %mul3A_1745, %add3A_1746 : i32
      %swap3A_1748 = arith.index_cast %add3A_1747 : i32 to index
      %swap3A_1749 = memref.load %arg12[%swap3A_1748] : memref<512xi32, #tpu.memory_space<smem>>
      memref.store %reduce_sum3A_1632, %arg12[%swap3A_1748] : memref<512xi32, #tpu.memory_space<smem>>
      %get3A_1750 = arith.constant 1 : i32
      %get3A_1751 = arith.constant 0 : i32
      %get3A_1752 = tpu.memref_slice %arg6[%get3A_1750, %get3A_1751] : memref<2x208xi32, #tpu.memory_space<vmem>> -> memref<1x208xi32, #tpu.memory_space<vmem>>
      %get3A_1753 = tpu.memref_squeeze %get3A_1752 : memref<1x208xi32, #tpu.memory_space<vmem>> -> memref<208xi32, #tpu.memory_space<vmem>>
      %get3A_1754 = arith.constant 0 : index
      %get3A_1755 = tpu.vector_load %get3A_1753[%get3A_1754] {strides = array<i32>} : memref<208xi32, #tpu.memory_space<vmem>>, vector<16xi32>,
      %shift_right_logical3A_1756 = arith.constant 14 : i32
      %shift_right_logical3A_1757 = vector.broadcast %shift_right_logical3A_1756 : i32 to vector<16xi32>
      %shift_right_logical3A_1758 = arith.shrui %get3A_1755, %shift_right_logical3A_1757 : vector<16xi32>
      %and3A_1759 = arith.andi %get3A_1755, %broadcast_in_dim3A_9 : vector<16xi32>
      %broadcast_in_dim3A_1760 = arith.constant true
      %broadcast_in_dim3A_1761 = vector.broadcast %broadcast_in_dim3A_1760 : i1 to vector<16xi1>
      %unique3A_1762, %unique3A_1763 = tpu.scan_count mask(%broadcast_in_dim3A_1761 : vector<16xi1>) value(%shift_right_logical3A_1758 : vector<16xi32>) : vector<16xi1>, vector<16xi32>
      %gather3A_1764 = arith.constant 1 : i32
      %gather3A_1765 = arith.constant 0 : i32
      %gather3A_1766 = tpu.memref_slice %arg7[%gather3A_1764, %gather3A_1765] : memref<2x16xi32, #tpu.memory_space<vmem>> -> memref<1x16xi32, #tpu.memory_space<vmem>>
      %gather3A_1767 = tpu.memref_squeeze %gather3A_1766 : memref<1x16xi32, #tpu.memory_space<vmem>> -> memref<16xi32, #tpu.memory_space<vmem>>
      %gather3A_1768 = tpu.vector_load_idx %gather3A_1767[%shift_right_logical3A_1758] : memref<16xi32, #tpu.memory_space<vmem>>[vector<16xi32>], vector<16xi32>,
      %add3A_1769 = arith.addi %gather3A_1768, %unique3A_1763 : vector<16xi32>
      %sub3A_1770 = arith.constant 1 : i32
      %sub3A_1771 = vector.broadcast %sub3A_1770 : i32 to vector<16xi32>
      %sub3A_1772 = arith.subi %add3A_1769, %sub3A_1771 : vector<16xi32>
      %scatter3A_1773 = arith.constant 0 : i32
      %scatter3A_1774 = tpu.memref_slice %arg5[%add3A_1125, %scatter3A_1773] : memref<129x208xi32, #tpu.memory_space<vmem>> -> memref<1x208xi32, #tpu.memory_space<vmem>>
      %scatter3A_1775 = tpu.memref_squeeze %scatter3A_1774 : memref<1x208xi32, #tpu.memory_space<vmem>> -> memref<208xi32, #tpu.memory_space<vmem>>
      tpu.vector_store_idx %scatter3A_1775[%sub3A_1772], %and3A_1759 : memref<208xi32, #tpu.memory_space<vmem>>[vector<16xi32>], vector<16xi32>,
      %add3A_1776 = arith.addi %gather3A_1768, %unique3A_1763 : vector<16xi32>
      %scatter3A_1777 = arith.constant 1 : i32
      %scatter3A_1778 = arith.constant 0 : i32
      %scatter3A_1779 = tpu.memref_slice %arg7[%scatter3A_1777, %scatter3A_1778] : memref<2x16xi32, #tpu.memory_space<vmem>> -> memref<1x16xi32, #tpu.memory_space<vmem>>
      %scatter3A_1780 = tpu.memref_squeeze %scatter3A_1779 : memref<1x16xi32, #tpu.memory_space<vmem>> -> memref<16xi32, #tpu.memory_space<vmem>>
      tpu.vector_store_idx %scatter3A_1780[%shift_right_logical3A_1758], %add3A_1776 masked %unique3A_1762 : memref<16xi32, #tpu.memory_space<vmem>>[vector<16xi32>], vector<16xi32>, vector<16xi1>
      %get3A_1781 = arith.constant 1 : i32
      %get3A_1782 = arith.constant 0 : i32
      %get3A_1783 = tpu.memref_slice %arg6[%get3A_1781, %get3A_1782] : memref<2x208xi32, #tpu.memory_space<vmem>> -> memref<1x208xi32, #tpu.memory_space<vmem>>
      %get3A_1784 = tpu.memref_squeeze %get3A_1783 : memref<1x208xi32, #tpu.memory_space<vmem>> -> memref<208xi32, #tpu.memory_space<vmem>>
      %get3A_1785 = arith.constant 16 : index
      %get3A_1786 = tpu.vector_load %get3A_1784[%get3A_1785] {strides = array<i32>} : memref<208xi32, #tpu.memory_space<vmem>>, vector<16xi32>,
      %shift_right_logical3A_1787 = arith.constant 14 : i32
      %shift_right_logical3A_1788 = vector.broadcast %shift_right_logical3A_1787 : i32 to vector<16xi32>
      %shift_right_logical3A_1789 = arith.shrui %get3A_1786, %shift_right_logical3A_1788 : vector<16xi32>
      %and3A_1790 = arith.andi %get3A_1786, %broadcast_in_dim3A_9 : vector<16xi32>
      %broadcast_in_dim3A_1791 = arith.constant true
      %broadcast_in_dim3A_1792 = vector.broadcast %broadcast_in_dim3A_1791 : i1 to vector<16xi1>
      %unique3A_1793, %unique3A_1794 = tpu.scan_count mask(%broadcast_in_dim3A_1792 : vector<16xi1>) value(%shift_right_logical3A_1789 : vector<16xi32>) : vector<16xi1>, vector<16xi32>
      %gather3A_1795 = arith.constant 1 : i32
      %gather3A_1796 = arith.constant 0 : i32
      %gather3A_1797 = tpu.memref_slice %arg7[%gather3A_1795, %gather3A_1796] : memref<2x16xi32, #tpu.memory_space<vmem>> -> memref<1x16xi32, #tpu.memory_space<vmem>>
      %gather3A_1798 = tpu.memref_squeeze %gather3A_1797 : memref<1x16xi32, #tpu.memory_space<vmem>> -> memref<16xi32, #tpu.memory_space<vmem>>
      %gather3A_1799 = tpu.vector_load_idx %gather3A_1798[%shift_right_logical3A_1789] : memref<16xi32, #tpu.memory_space<vmem>>[vector<16xi32>], vector<16xi32>,
      %add3A_1800 = arith.addi %gather3A_1799, %unique3A_1794 : vector<16xi32>
      %sub3A_1801 = arith.constant 1 : i32
      %sub3A_1802 = vector.broadcast %sub3A_1801 : i32 to vector<16xi32>
      %sub3A_1803 = arith.subi %add3A_1800, %sub3A_1802 : vector<16xi32>
      %scatter3A_1804 = arith.constant 0 : i32
      %scatter3A_1805 = tpu.memref_slice %arg5[%add3A_1125, %scatter3A_1804] : memref<129x208xi32, #tpu.memory_space<vmem>> -> memref<1x208xi32, #tpu.memory_space<vmem>>
      %scatter3A_1806 = tpu.memref_squeeze %scatter3A_1805 : memref<1x208xi32, #tpu.memory_space<vmem>> -> memref<208xi32, #tpu.memory_space<vmem>>
      tpu.vector_store_idx %scatter3A_1806[%sub3A_1803], %and3A_1790 : memref<208xi32, #tpu.memory_space<vmem>>[vector<16xi32>], vector<16xi32>,
      %add3A_1807 = arith.addi %gather3A_1799, %unique3A_1794 : vector<16xi32>
      %scatter3A_1808 = arith.constant 1 : i32
      %scatter3A_1809 = arith.constant 0 : i32
      %scatter3A_1810 = tpu.memref_slice %arg7[%scatter3A_1808, %scatter3A_1809] : memref<2x16xi32, #tpu.memory_space<vmem>> -> memref<1x16xi32, #tpu.memory_space<vmem>>
      %scatter3A_1811 = tpu.memref_squeeze %scatter3A_1810 : memref<1x16xi32, #tpu.memory_space<vmem>> -> memref<16xi32, #tpu.memory_space<vmem>>
      tpu.vector_store_idx %scatter3A_1811[%shift_right_logical3A_1789], %add3A_1807 masked %unique3A_1793 : memref<16xi32, #tpu.memory_space<vmem>>[vector<16xi32>], vector<16xi32>, vector<16xi1>
      %get3A_1812 = arith.constant 1 : i32
      %get3A_1813 = arith.constant 0 : i32
      %get3A_1814 = tpu.memref_slice %arg6[%get3A_1812, %get3A_1813] : memref<2x208xi32, #tpu.memory_space<vmem>> -> memref<1x208xi32, #tpu.memory_space<vmem>>
      %get3A_1815 = tpu.memref_squeeze %get3A_1814 : memref<1x208xi32, #tpu.memory_space<vmem>> -> memref<208xi32, #tpu.memory_space<vmem>>
      %get3A_1816 = arith.constant 32 : index
      %get3A_1817 = tpu.vector_load %get3A_1815[%get3A_1816] {strides = array<i32>} : memref<208xi32, #tpu.memory_space<vmem>>, vector<16xi32>,
      %shift_right_logical3A_1818 = arith.constant 14 : i32
      %shift_right_logical3A_1819 = vector.broadcast %shift_right_logical3A_1818 : i32 to vector<16xi32>
      %shift_right_logical3A_1820 = arith.shrui %get3A_1817, %shift_right_logical3A_1819 : vector<16xi32>
      %and3A_1821 = arith.andi %get3A_1817, %broadcast_in_dim3A_9 : vector<16xi32>
      %broadcast_in_dim3A_1822 = arith.constant true
      %broadcast_in_dim3A_1823 = vector.broadcast %broadcast_in_dim3A_1822 : i1 to vector<16xi1>
      %unique3A_1824, %unique3A_1825 = tpu.scan_count mask(%broadcast_in_dim3A_1823 : vector<16xi1>) value(%shift_right_logical3A_1820 : vector<16xi32>) : vector<16xi1>, vector<16xi32>
      %gather3A_1826 = arith.constant 1 : i32
      %gather3A_1827 = arith.constant 0 : i32
      %gather3A_1828 = tpu.memref_slice %arg7[%gather3A_1826, %gather3A_1827] : memref<2x16xi32, #tpu.memory_space<vmem>> -> memref<1x16xi32, #tpu.memory_space<vmem>>
      %gather3A_1829 = tpu.memref_squeeze %gather3A_1828 : memref<1x16xi32, #tpu.memory_space<vmem>> -> memref<16xi32, #tpu.memory_space<vmem>>
      %gather3A_1830 = tpu.vector_load_idx %gather3A_1829[%shift_right_logical3A_1820] : memref<16xi32, #tpu.memory_space<vmem>>[vector<16xi32>], vector<16xi32>,
      %add3A_1831 = arith.addi %gather3A_1830, %unique3A_1825 : vector<16xi32>
      %sub3A_1832 = arith.constant 1 : i32
      %sub3A_1833 = vector.broadcast %sub3A_1832 : i32 to vector<16xi32>
      %sub3A_1834 = arith.subi %add3A_1831, %sub3A_1833 : vector<16xi32>
      %scatter3A_1835 = arith.constant 0 : i32
      %scatter3A_1836 = tpu.memref_slice %arg5[%add3A_1125, %scatter3A_1835] : memref<129x208xi32, #tpu.memory_space<vmem>> -> memref<1x208xi32, #tpu.memory_space<vmem>>
      %scatter3A_1837 = tpu.memref_squeeze %scatter3A_1836 : memref<1x208xi32, #tpu.memory_space<vmem>> -> memref<208xi32, #tpu.memory_space<vmem>>
      tpu.vector_store_idx %scatter3A_1837[%sub3A_1834], %and3A_1821 : memref<208xi32, #tpu.memory_space<vmem>>[vector<16xi32>], vector<16xi32>,
      %add3A_1838 = arith.addi %gather3A_1830, %unique3A_1825 : vector<16xi32>
      %scatter3A_1839 = arith.constant 1 : i32
      %scatter3A_1840 = arith.constant 0 : i32
      %scatter3A_1841 = tpu.memref_slice %arg7[%scatter3A_1839, %scatter3A_1840] : memref<2x16xi32, #tpu.memory_space<vmem>> -> memref<1x16xi32, #tpu.memory_space<vmem>>
      %scatter3A_1842 = tpu.memref_squeeze %scatter3A_1841 : memref<1x16xi32, #tpu.memory_space<vmem>> -> memref<16xi32, #tpu.memory_space<vmem>>
      tpu.vector_store_idx %scatter3A_1842[%shift_right_logical3A_1820], %add3A_1838 masked %unique3A_1824 : memref<16xi32, #tpu.memory_space<vmem>>[vector<16xi32>], vector<16xi32>, vector<16xi1>
      %get3A_1843 = arith.constant 1 : i32
      %get3A_1844 = arith.constant 0 : i32
      %get3A_1845 = tpu.memref_slice %arg6[%get3A_1843, %get3A_1844] : memref<2x208xi32, #tpu.memory_space<vmem>> -> memref<1x208xi32, #tpu.memory_space<vmem>>
      %get3A_1846 = tpu.memref_squeeze %get3A_1845 : memref<1x208xi32, #tpu.memory_space<vmem>> -> memref<208xi32, #tpu.memory_space<vmem>>
      %get3A_1847 = arith.constant 48 : index
      %get3A_1848 = tpu.vector_load %get3A_1846[%get3A_1847] {strides = array<i32>} : memref<208xi32, #tpu.memory_space<vmem>>, vector<16xi32>,
      %shift_right_logical3A_1849 = arith.constant 14 : i32
      %shift_right_logical3A_1850 = vector.broadcast %shift_right_logical3A_1849 : i32 to vector<16xi32>
      %shift_right_logical3A_1851 = arith.shrui %get3A_1848, %shift_right_logical3A_1850 : vector<16xi32>
      %and3A_1852 = arith.andi %get3A_1848, %broadcast_in_dim3A_9 : vector<16xi32>
      %broadcast_in_dim3A_1853 = arith.constant true
      %broadcast_in_dim3A_1854 = vector.broadcast %broadcast_in_dim3A_1853 : i1 to vector<16xi1>
      %unique3A_1855, %unique3A_1856 = tpu.scan_count mask(%broadcast_in_dim3A_1854 : vector<16xi1>) value(%shift_right_logical3A_1851 : vector<16xi32>) : vector<16xi1>, vector<16xi32>
      %gather3A_1857 = arith.constant 1 : i32
      %gather3A_1858 = arith.constant 0 : i32
      %gather3A_1859 = tpu.memref_slice %arg7[%gather3A_1857, %gather3A_1858] : memref<2x16xi32, #tpu.memory_space<vmem>> -> memref<1x16xi32, #tpu.memory_space<vmem>>
      %gather3A_1860 = tpu.memref_squeeze %gather3A_1859 : memref<1x16xi32, #tpu.memory_space<vmem>> -> memref<16xi32, #tpu.memory_space<vmem>>
      %gather3A_1861 = tpu.vector_load_idx %gather3A_1860[%shift_right_logical3A_1851] : memref<16xi32, #tpu.memory_space<vmem>>[vector<16xi32>], vector<16xi32>,
      %add3A_1862 = arith.addi %gather3A_1861, %unique3A_1856 : vector<16xi32>
      %sub3A_1863 = arith.constant 1 : i32
      %sub3A_1864 = vector.broadcast %sub3A_1863 : i32 to vector<16xi32>
      %sub3A_1865 = arith.subi %add3A_1862, %sub3A_1864 : vector<16xi32>
      %scatter3A_1866 = arith.constant 0 : i32
      %scatter3A_1867 = tpu.memref_slice %arg5[%add3A_1125, %scatter3A_1866] : memref<129x208xi32, #tpu.memory_space<vmem>> -> memref<1x208xi32, #tpu.memory_space<vmem>>
      %scatter3A_1868 = tpu.memref_squeeze %scatter3A_1867 : memref<1x208xi32, #tpu.memory_space<vmem>> -> memref<208xi32, #tpu.memory_space<vmem>>
      tpu.vector_store_idx %scatter3A_1868[%sub3A_1865], %and3A_1852 : memref<208xi32, #tpu.memory_space<vmem>>[vector<16xi32>], vector<16xi32>,
      %add3A_1869 = arith.addi %gather3A_1861, %unique3A_1856 : vector<16xi32>
      %scatter3A_1870 = arith.constant 1 : i32
      %scatter3A_1871 = arith.constant 0 : i32
      %scatter3A_1872 = tpu.memref_slice %arg7[%scatter3A_1870, %scatter3A_1871] : memref<2x16xi32, #tpu.memory_space<vmem>> -> memref<1x16xi32, #tpu.memory_space<vmem>>
      %scatter3A_1873 = tpu.memref_squeeze %scatter3A_1872 : memref<1x16xi32, #tpu.memory_space<vmem>> -> memref<16xi32, #tpu.memory_space<vmem>>
      tpu.vector_store_idx %scatter3A_1873[%shift_right_logical3A_1851], %add3A_1869 masked %unique3A_1855 : memref<16xi32, #tpu.memory_space<vmem>>[vector<16xi32>], vector<16xi32>, vector<16xi1>
      %get3A_1874 = arith.constant 1 : i32
      %get3A_1875 = arith.constant 0 : i32
      %get3A_1876 = tpu.memref_slice %arg6[%get3A_1874, %get3A_1875] : memref<2x208xi32, #tpu.memory_space<vmem>> -> memref<1x208xi32, #tpu.memory_space<vmem>>
      %get3A_1877 = tpu.memref_squeeze %get3A_1876 : memref<1x208xi32, #tpu.memory_space<vmem>> -> memref<208xi32, #tpu.memory_space<vmem>>
      %get3A_1878 = arith.constant 64 : index
      %get3A_1879 = tpu.vector_load %get3A_1877[%get3A_1878] {strides = array<i32>} : memref<208xi32, #tpu.memory_space<vmem>>, vector<16xi32>,
      %shift_right_logical3A_1880 = arith.constant 14 : i32
      %shift_right_logical3A_1881 = vector.broadcast %shift_right_logical3A_1880 : i32 to vector<16xi32>
      %shift_right_logical3A_1882 = arith.shrui %get3A_1879, %shift_right_logical3A_1881 : vector<16xi32>
      %and3A_1883 = arith.andi %get3A_1879, %broadcast_in_dim3A_9 : vector<16xi32>
      %broadcast_in_dim3A_1884 = arith.constant true
      %broadcast_in_dim3A_1885 = vector.broadcast %broadcast_in_dim3A_1884 : i1 to vector<16xi1>
      %unique3A_1886, %unique3A_1887 = tpu.scan_count mask(%broadcast_in_dim3A_1885 : vector<16xi1>) value(%shift_right_logical3A_1882 : vector<16xi32>) : vector<16xi1>, vector<16xi32>
      %gather3A_1888 = arith.constant 1 : i32
      %gather3A_1889 = arith.constant 0 : i32
      %gather3A_1890 = tpu.memref_slice %arg7[%gather3A_1888, %gather3A_1889] : memref<2x16xi32, #tpu.memory_space<vmem>> -> memref<1x16xi32, #tpu.memory_space<vmem>>
      %gather3A_1891 = tpu.memref_squeeze %gather3A_1890 : memref<1x16xi32, #tpu.memory_space<vmem>> -> memref<16xi32, #tpu.memory_space<vmem>>
      %gather3A_1892 = tpu.vector_load_idx %gather3A_1891[%shift_right_logical3A_1882] : memref<16xi32, #tpu.memory_space<vmem>>[vector<16xi32>], vector<16xi32>,
      %add3A_1893 = arith.addi %gather3A_1892, %unique3A_1887 : vector<16xi32>
      %sub3A_1894 = arith.constant 1 : i32
      %sub3A_1895 = vector.broadcast %sub3A_1894 : i32 to vector<16xi32>
      %sub3A_1896 = arith.subi %add3A_1893, %sub3A_1895 : vector<16xi32>
      %scatter3A_1897 = arith.constant 0 : i32
      %scatter3A_1898 = tpu.memref_slice %arg5[%add3A_1125, %scatter3A_1897] : memref<129x208xi32, #tpu.memory_space<vmem>> -> memref<1x208xi32, #tpu.memory_space<vmem>>
      %scatter3A_1899 = tpu.memref_squeeze %scatter3A_1898 : memref<1x208xi32, #tpu.memory_space<vmem>> -> memref<208xi32, #tpu.memory_space<vmem>>
      tpu.vector_store_idx %scatter3A_1899[%sub3A_1896], %and3A_1883 : memref<208xi32, #tpu.memory_space<vmem>>[vector<16xi32>], vector<16xi32>,
      %add3A_1900 = arith.addi %gather3A_1892, %unique3A_1887 : vector<16xi32>
      %scatter3A_1901 = arith.constant 1 : i32
      %scatter3A_1902 = arith.constant 0 : i32
      %scatter3A_1903 = tpu.memref_slice %arg7[%scatter3A_1901, %scatter3A_1902] : memref<2x16xi32, #tpu.memory_space<vmem>> -> memref<1x16xi32, #tpu.memory_space<vmem>>
      %scatter3A_1904 = tpu.memref_squeeze %scatter3A_1903 : memref<1x16xi32, #tpu.memory_space<vmem>> -> memref<16xi32, #tpu.memory_space<vmem>>
      tpu.vector_store_idx %scatter3A_1904[%shift_right_logical3A_1882], %add3A_1900 masked %unique3A_1886 : memref<16xi32, #tpu.memory_space<vmem>>[vector<16xi32>], vector<16xi32>, vector<16xi1>
      %get3A_1905 = arith.constant 1 : i32
      %get3A_1906 = arith.constant 0 : i32
      %get3A_1907 = tpu.memref_slice %arg6[%get3A_1905, %get3A_1906] : memref<2x208xi32, #tpu.memory_space<vmem>> -> memref<1x208xi32, #tpu.memory_space<vmem>>
      %get3A_1908 = tpu.memref_squeeze %get3A_1907 : memref<1x208xi32, #tpu.memory_space<vmem>> -> memref<208xi32, #tpu.memory_space<vmem>>
      %get3A_1909 = arith.constant 80 : index
      %get3A_1910 = tpu.vector_load %get3A_1908[%get3A_1909] {strides = array<i32>} : memref<208xi32, #tpu.memory_space<vmem>>, vector<16xi32>,
      %shift_right_logical3A_1911 = arith.constant 14 : i32
      %shift_right_logical3A_1912 = vector.broadcast %shift_right_logical3A_1911 : i32 to vector<16xi32>
      %shift_right_logical3A_1913 = arith.shrui %get3A_1910, %shift_right_logical3A_1912 : vector<16xi32>
      %and3A_1914 = arith.andi %get3A_1910, %broadcast_in_dim3A_9 : vector<16xi32>
      %broadcast_in_dim3A_1915 = arith.constant true
      %broadcast_in_dim3A_1916 = vector.broadcast %broadcast_in_dim3A_1915 : i1 to vector<16xi1>
      %unique3A_1917, %unique3A_1918 = tpu.scan_count mask(%broadcast_in_dim3A_1916 : vector<16xi1>) value(%shift_right_logical3A_1913 : vector<16xi32>) : vector<16xi1>, vector<16xi32>
      %gather3A_1919 = arith.constant 1 : i32
      %gather3A_1920 = arith.constant 0 : i32
      %gather3A_1921 = tpu.memref_slice %arg7[%gather3A_1919, %gather3A_1920] : memref<2x16xi32, #tpu.memory_space<vmem>> -> memref<1x16xi32, #tpu.memory_space<vmem>>
      %gather3A_1922 = tpu.memref_squeeze %gather3A_1921 : memref<1x16xi32, #tpu.memory_space<vmem>> -> memref<16xi32, #tpu.memory_space<vmem>>
      %gather3A_1923 = tpu.vector_load_idx %gather3A_1922[%shift_right_logical3A_1913] : memref<16xi32, #tpu.memory_space<vmem>>[vector<16xi32>], vector<16xi32>,
      %add3A_1924 = arith.addi %gather3A_1923, %unique3A_1918 : vector<16xi32>
      %sub3A_1925 = arith.constant 1 : i32
      %sub3A_1926 = vector.broadcast %sub3A_1925 : i32 to vector<16xi32>
      %sub3A_1927 = arith.subi %add3A_1924, %sub3A_1926 : vector<16xi32>
      %scatter3A_1928 = arith.constant 0 : i32
      %scatter3A_1929 = tpu.memref_slice %arg5[%add3A_1125, %scatter3A_1928] : memref<129x208xi32, #tpu.memory_space<vmem>> -> memref<1x208xi32, #tpu.memory_space<vmem>>
      %scatter3A_1930 = tpu.memref_squeeze %scatter3A_1929 : memref<1x208xi32, #tpu.memory_space<vmem>> -> memref<208xi32, #tpu.memory_space<vmem>>
      tpu.vector_store_idx %scatter3A_1930[%sub3A_1927], %and3A_1914 : memref<208xi32, #tpu.memory_space<vmem>>[vector<16xi32>], vector<16xi32>,
      %add3A_1931 = arith.addi %gather3A_1923, %unique3A_1918 : vector<16xi32>
      %scatter3A_1932 = arith.constant 1 : i32
      %scatter3A_1933 = arith.constant 0 : i32
      %scatter3A_1934 = tpu.memref_slice %arg7[%scatter3A_1932, %scatter3A_1933] : memref<2x16xi32, #tpu.memory_space<vmem>> -> memref<1x16xi32, #tpu.memory_space<vmem>>
      %scatter3A_1935 = tpu.memref_squeeze %scatter3A_1934 : memref<1x16xi32, #tpu.memory_space<vmem>> -> memref<16xi32, #tpu.memory_space<vmem>>
      tpu.vector_store_idx %scatter3A_1935[%shift_right_logical3A_1913], %add3A_1931 masked %unique3A_1917 : memref<16xi32, #tpu.memory_space<vmem>>[vector<16xi32>], vector<16xi32>, vector<16xi1>
      %get3A_1936 = arith.constant 1 : i32
      %get3A_1937 = arith.constant 0 : i32
      %get3A_1938 = tpu.memref_slice %arg6[%get3A_1936, %get3A_1937] : memref<2x208xi32, #tpu.memory_space<vmem>> -> memref<1x208xi32, #tpu.memory_space<vmem>>
      %get3A_1939 = tpu.memref_squeeze %get3A_1938 : memref<1x208xi32, #tpu.memory_space<vmem>> -> memref<208xi32, #tpu.memory_space<vmem>>
      %get3A_1940 = arith.constant 96 : index
      %get3A_1941 = tpu.vector_load %get3A_1939[%get3A_1940] {strides = array<i32>} : memref<208xi32, #tpu.memory_space<vmem>>, vector<16xi32>,
      %shift_right_logical3A_1942 = arith.constant 14 : i32
      %shift_right_logical3A_1943 = vector.broadcast %shift_right_logical3A_1942 : i32 to vector<16xi32>
      %shift_right_logical3A_1944 = arith.shrui %get3A_1941, %shift_right_logical3A_1943 : vector<16xi32>
      %and3A_1945 = arith.andi %get3A_1941, %broadcast_in_dim3A_9 : vector<16xi32>
      %broadcast_in_dim3A_1946 = arith.constant true
      %broadcast_in_dim3A_1947 = vector.broadcast %broadcast_in_dim3A_1946 : i1 to vector<16xi1>
      %unique3A_1948, %unique3A_1949 = tpu.scan_count mask(%broadcast_in_dim3A_1947 : vector<16xi1>) value(%shift_right_logical3A_1944 : vector<16xi32>) : vector<16xi1>, vector<16xi32>
      %gather3A_1950 = arith.constant 1 : i32
      %gather3A_1951 = arith.constant 0 : i32
      %gather3A_1952 = tpu.memref_slice %arg7[%gather3A_1950, %gather3A_1951] : memref<2x16xi32, #tpu.memory_space<vmem>> -> memref<1x16xi32, #tpu.memory_space<vmem>>
      %gather3A_1953 = tpu.memref_squeeze %gather3A_1952 : memref<1x16xi32, #tpu.memory_space<vmem>> -> memref<16xi32, #tpu.memory_space<vmem>>
      %gather3A_1954 = tpu.vector_load_idx %gather3A_1953[%shift_right_logical3A_1944] : memref<16xi32, #tpu.memory_space<vmem>>[vector<16xi32>], vector<16xi32>,
      %add3A_1955 = arith.addi %gather3A_1954, %unique3A_1949 : vector<16xi32>
      %sub3A_1956 = arith.constant 1 : i32
      %sub3A_1957 = vector.broadcast %sub3A_1956 : i32 to vector<16xi32>
      %sub3A_1958 = arith.subi %add3A_1955, %sub3A_1957 : vector<16xi32>
      %scatter3A_1959 = arith.constant 0 : i32
      %scatter3A_1960 = tpu.memref_slice %arg5[%add3A_1125, %scatter3A_1959] : memref<129x208xi32, #tpu.memory_space<vmem>> -> memref<1x208xi32, #tpu.memory_space<vmem>>
      %scatter3A_1961 = tpu.memref_squeeze %scatter3A_1960 : memref<1x208xi32, #tpu.memory_space<vmem>> -> memref<208xi32, #tpu.memory_space<vmem>>
      tpu.vector_store_idx %scatter3A_1961[%sub3A_1958], %and3A_1945 : memref<208xi32, #tpu.memory_space<vmem>>[vector<16xi32>], vector<16xi32>,
      %add3A_1962 = arith.addi %gather3A_1954, %unique3A_1949 : vector<16xi32>
      %scatter3A_1963 = arith.constant 1 : i32
      %scatter3A_1964 = arith.constant 0 : i32
      %scatter3A_1965 = tpu.memref_slice %arg7[%scatter3A_1963, %scatter3A_1964] : memref<2x16xi32, #tpu.memory_space<vmem>> -> memref<1x16xi32, #tpu.memory_space<vmem>>
      %scatter3A_1966 = tpu.memref_squeeze %scatter3A_1965 : memref<1x16xi32, #tpu.memory_space<vmem>> -> memref<16xi32, #tpu.memory_space<vmem>>
      tpu.vector_store_idx %scatter3A_1966[%shift_right_logical3A_1944], %add3A_1962 masked %unique3A_1948 : memref<16xi32, #tpu.memory_space<vmem>>[vector<16xi32>], vector<16xi32>, vector<16xi1>
      %get3A_1967 = arith.constant 1 : i32
      %get3A_1968 = arith.constant 0 : i32
      %get3A_1969 = tpu.memref_slice %arg6[%get3A_1967, %get3A_1968] : memref<2x208xi32, #tpu.memory_space<vmem>> -> memref<1x208xi32, #tpu.memory_space<vmem>>
      %get3A_1970 = tpu.memref_squeeze %get3A_1969 : memref<1x208xi32, #tpu.memory_space<vmem>> -> memref<208xi32, #tpu.memory_space<vmem>>
      %get3A_1971 = arith.constant 112 : index
      %get3A_1972 = tpu.vector_load %get3A_1970[%get3A_1971] {strides = array<i32>} : memref<208xi32, #tpu.memory_space<vmem>>, vector<16xi32>,
      %shift_right_logical3A_1973 = arith.constant 14 : i32
      %shift_right_logical3A_1974 = vector.broadcast %shift_right_logical3A_1973 : i32 to vector<16xi32>
      %shift_right_logical3A_1975 = arith.shrui %get3A_1972, %shift_right_logical3A_1974 : vector<16xi32>
      %and3A_1976 = arith.andi %get3A_1972, %broadcast_in_dim3A_9 : vector<16xi32>
      %broadcast_in_dim3A_1977 = arith.constant true
      %broadcast_in_dim3A_1978 = vector.broadcast %broadcast_in_dim3A_1977 : i1 to vector<16xi1>
      %unique3A_1979, %unique3A_1980 = tpu.scan_count mask(%broadcast_in_dim3A_1978 : vector<16xi1>) value(%shift_right_logical3A_1975 : vector<16xi32>) : vector<16xi1>, vector<16xi32>
      %gather3A_1981 = arith.constant 1 : i32
      %gather3A_1982 = arith.constant 0 : i32
      %gather3A_1983 = tpu.memref_slice %arg7[%gather3A_1981, %gather3A_1982] : memref<2x16xi32, #tpu.memory_space<vmem>> -> memref<1x16xi32, #tpu.memory_space<vmem>>
      %gather3A_1984 = tpu.memref_squeeze %gather3A_1983 : memref<1x16xi32, #tpu.memory_space<vmem>> -> memref<16xi32, #tpu.memory_space<vmem>>
      %gather3A_1985 = tpu.vector_load_idx %gather3A_1984[%shift_right_logical3A_1975] : memref<16xi32, #tpu.memory_space<vmem>>[vector<16xi32>], vector<16xi32>,
      %add3A_1986 = arith.addi %gather3A_1985, %unique3A_1980 : vector<16xi32>
      %sub3A_1987 = arith.constant 1 : i32
      %sub3A_1988 = vector.broadcast %sub3A_1987 : i32 to vector<16xi32>
      %sub3A_1989 = arith.subi %add3A_1986, %sub3A_1988 : vector<16xi32>
      %scatter3A_1990 = arith.constant 0 : i32
      %scatter3A_1991 = tpu.memref_slice %arg5[%add3A_1125, %scatter3A_1990] : memref<129x208xi32, #tpu.memory_space<vmem>> -> memref<1x208xi32, #tpu.memory_space<vmem>>
      %scatter3A_1992 = tpu.memref_squeeze %scatter3A_1991 : memref<1x208xi32, #tpu.memory_space<vmem>> -> memref<208xi32, #tpu.memory_space<vmem>>
      tpu.vector_store_idx %scatter3A_1992[%sub3A_1989], %and3A_1976 : memref<208xi32, #tpu.memory_space<vmem>>[vector<16xi32>], vector<16xi32>,
      %add3A_1993 = arith.addi %gather3A_1985, %unique3A_1980 : vector<16xi32>
      %scatter3A_1994 = arith.constant 1 : i32
      %scatter3A_1995 = arith.constant 0 : i32
      %scatter3A_1996 = tpu.memref_slice %arg7[%scatter3A_1994, %scatter3A_1995] : memref<2x16xi32, #tpu.memory_space<vmem>> -> memref<1x16xi32, #tpu.memory_space<vmem>>
      %scatter3A_1997 = tpu.memref_squeeze %scatter3A_1996 : memref<1x16xi32, #tpu.memory_space<vmem>> -> memref<16xi32, #tpu.memory_space<vmem>>
      tpu.vector_store_idx %scatter3A_1997[%shift_right_logical3A_1975], %add3A_1993 masked %unique3A_1979 : memref<16xi32, #tpu.memory_space<vmem>>[vector<16xi32>], vector<16xi32>, vector<16xi1>
      %get3A_1998 = arith.constant 1 : i32
      %get3A_1999 = arith.constant 0 : i32
      %get3A_2000 = tpu.memref_slice %arg6[%get3A_1998, %get3A_1999] : memref<2x208xi32, #tpu.memory_space<vmem>> -> memref<1x208xi32, #tpu.memory_space<vmem>>
      %get3A_2001 = tpu.memref_squeeze %get3A_2000 : memref<1x208xi32, #tpu.memory_space<vmem>> -> memref<208xi32, #tpu.memory_space<vmem>>
      %get3A_2002 = arith.constant 128 : index
      %get3A_2003 = tpu.vector_load %get3A_2001[%get3A_2002] {strides = array<i32>} : memref<208xi32, #tpu.memory_space<vmem>>, vector<16xi32>,
      %shift_right_logical3A_2004 = arith.constant 14 : i32
      %shift_right_logical3A_2005 = vector.broadcast %shift_right_logical3A_2004 : i32 to vector<16xi32>
      %shift_right_logical3A_2006 = arith.shrui %get3A_2003, %shift_right_logical3A_2005 : vector<16xi32>
      %and3A_2007 = arith.andi %get3A_2003, %broadcast_in_dim3A_9 : vector<16xi32>
      %broadcast_in_dim3A_2008 = arith.constant true
      %broadcast_in_dim3A_2009 = vector.broadcast %broadcast_in_dim3A_2008 : i1 to vector<16xi1>
      %unique3A_2010, %unique3A_2011 = tpu.scan_count mask(%broadcast_in_dim3A_2009 : vector<16xi1>) value(%shift_right_logical3A_2006 : vector<16xi32>) : vector<16xi1>, vector<16xi32>
      %gather3A_2012 = arith.constant 1 : i32
      %gather3A_2013 = arith.constant 0 : i32
      %gather3A_2014 = tpu.memref_slice %arg7[%gather3A_2012, %gather3A_2013] : memref<2x16xi32, #tpu.memory_space<vmem>> -> memref<1x16xi32, #tpu.memory_space<vmem>>
      %gather3A_2015 = tpu.memref_squeeze %gather3A_2014 : memref<1x16xi32, #tpu.memory_space<vmem>> -> memref<16xi32, #tpu.memory_space<vmem>>
      %gather3A_2016 = tpu.vector_load_idx %gather3A_2015[%shift_right_logical3A_2006] : memref<16xi32, #tpu.memory_space<vmem>>[vector<16xi32>], vector<16xi32>,
      %add3A_2017 = arith.addi %gather3A_2016, %unique3A_2011 : vector<16xi32>
      %sub3A_2018 = arith.constant 1 : i32
      %sub3A_2019 = vector.broadcast %sub3A_2018 : i32 to vector<16xi32>
      %sub3A_2020 = arith.subi %add3A_2017, %sub3A_2019 : vector<16xi32>
      %scatter3A_2021 = arith.constant 0 : i32
      %scatter3A_2022 = tpu.memref_slice %arg5[%add3A_1125, %scatter3A_2021] : memref<129x208xi32, #tpu.memory_space<vmem>> -> memref<1x208xi32, #tpu.memory_space<vmem>>
      %scatter3A_2023 = tpu.memref_squeeze %scatter3A_2022 : memref<1x208xi32, #tpu.memory_space<vmem>> -> memref<208xi32, #tpu.memory_space<vmem>>
      tpu.vector_store_idx %scatter3A_2023[%sub3A_2020], %and3A_2007 : memref<208xi32, #tpu.memory_space<vmem>>[vector<16xi32>], vector<16xi32>,
      %add3A_2024 = arith.addi %gather3A_2016, %unique3A_2011 : vector<16xi32>
      %scatter3A_2025 = arith.constant 1 : i32
      %scatter3A_2026 = arith.constant 0 : i32
      %scatter3A_2027 = tpu.memref_slice %arg7[%scatter3A_2025, %scatter3A_2026] : memref<2x16xi32, #tpu.memory_space<vmem>> -> memref<1x16xi32, #tpu.memory_space<vmem>>
      %scatter3A_2028 = tpu.memref_squeeze %scatter3A_2027 : memref<1x16xi32, #tpu.memory_space<vmem>> -> memref<16xi32, #tpu.memory_space<vmem>>
      tpu.vector_store_idx %scatter3A_2028[%shift_right_logical3A_2006], %add3A_2024 masked %unique3A_2010 : memref<16xi32, #tpu.memory_space<vmem>>[vector<16xi32>], vector<16xi32>, vector<16xi1>
      %get3A_2029 = arith.constant 1 : i32
      %get3A_2030 = arith.constant 0 : i32
      %get3A_2031 = tpu.memref_slice %arg6[%get3A_2029, %get3A_2030] : memref<2x208xi32, #tpu.memory_space<vmem>> -> memref<1x208xi32, #tpu.memory_space<vmem>>
      %get3A_2032 = tpu.memref_squeeze %get3A_2031 : memref<1x208xi32, #tpu.memory_space<vmem>> -> memref<208xi32, #tpu.memory_space<vmem>>
      %get3A_2033 = arith.constant 144 : index
      %get3A_2034 = tpu.vector_load %get3A_2032[%get3A_2033] {strides = array<i32>} : memref<208xi32, #tpu.memory_space<vmem>>, vector<16xi32>,
      %shift_right_logical3A_2035 = arith.constant 14 : i32
      %shift_right_logical3A_2036 = vector.broadcast %shift_right_logical3A_2035 : i32 to vector<16xi32>
      %shift_right_logical3A_2037 = arith.shrui %get3A_2034, %shift_right_logical3A_2036 : vector<16xi32>
      %and3A_2038 = arith.andi %get3A_2034, %broadcast_in_dim3A_9 : vector<16xi32>
      %broadcast_in_dim3A_2039 = arith.constant true
      %broadcast_in_dim3A_2040 = vector.broadcast %broadcast_in_dim3A_2039 : i1 to vector<16xi1>
      %unique3A_2041, %unique3A_2042 = tpu.scan_count mask(%broadcast_in_dim3A_2040 : vector<16xi1>) value(%shift_right_logical3A_2037 : vector<16xi32>) : vector<16xi1>, vector<16xi32>
      %gather3A_2043 = arith.constant 1 : i32
      %gather3A_2044 = arith.constant 0 : i32
      %gather3A_2045 = tpu.memref_slice %arg7[%gather3A_2043, %gather3A_2044] : memref<2x16xi32, #tpu.memory_space<vmem>> -> memref<1x16xi32, #tpu.memory_space<vmem>>
      %gather3A_2046 = tpu.memref_squeeze %gather3A_2045 : memref<1x16xi32, #tpu.memory_space<vmem>> -> memref<16xi32, #tpu.memory_space<vmem>>
      %gather3A_2047 = tpu.vector_load_idx %gather3A_2046[%shift_right_logical3A_2037] : memref<16xi32, #tpu.memory_space<vmem>>[vector<16xi32>], vector<16xi32>,
      %add3A_2048 = arith.addi %gather3A_2047, %unique3A_2042 : vector<16xi32>
      %sub3A_2049 = arith.constant 1 : i32
      %sub3A_2050 = vector.broadcast %sub3A_2049 : i32 to vector<16xi32>
      %sub3A_2051 = arith.subi %add3A_2048, %sub3A_2050 : vector<16xi32>
      %scatter3A_2052 = arith.constant 0 : i32
      %scatter3A_2053 = tpu.memref_slice %arg5[%add3A_1125, %scatter3A_2052] : memref<129x208xi32, #tpu.memory_space<vmem>> -> memref<1x208xi32, #tpu.memory_space<vmem>>
      %scatter3A_2054 = tpu.memref_squeeze %scatter3A_2053 : memref<1x208xi32, #tpu.memory_space<vmem>> -> memref<208xi32, #tpu.memory_space<vmem>>
      tpu.vector_store_idx %scatter3A_2054[%sub3A_2051], %and3A_2038 : memref<208xi32, #tpu.memory_space<vmem>>[vector<16xi32>], vector<16xi32>,
      %add3A_2055 = arith.addi %gather3A_2047, %unique3A_2042 : vector<16xi32>
      %scatter3A_2056 = arith.constant 1 : i32
      %scatter3A_2057 = arith.constant 0 : i32
      %scatter3A_2058 = tpu.memref_slice %arg7[%scatter3A_2056, %scatter3A_2057] : memref<2x16xi32, #tpu.memory_space<vmem>> -> memref<1x16xi32, #tpu.memory_space<vmem>>
      %scatter3A_2059 = tpu.memref_squeeze %scatter3A_2058 : memref<1x16xi32, #tpu.memory_space<vmem>> -> memref<16xi32, #tpu.memory_space<vmem>>
      tpu.vector_store_idx %scatter3A_2059[%shift_right_logical3A_2037], %add3A_2055 masked %unique3A_2041 : memref<16xi32, #tpu.memory_space<vmem>>[vector<16xi32>], vector<16xi32>, vector<16xi1>
      %get3A_2060 = arith.constant 1 : i32
      %get3A_2061 = arith.constant 0 : i32
      %get3A_2062 = tpu.memref_slice %arg6[%get3A_2060, %get3A_2061] : memref<2x208xi32, #tpu.memory_space<vmem>> -> memref<1x208xi32, #tpu.memory_space<vmem>>
      %get3A_2063 = tpu.memref_squeeze %get3A_2062 : memref<1x208xi32, #tpu.memory_space<vmem>> -> memref<208xi32, #tpu.memory_space<vmem>>
      %get3A_2064 = arith.constant 160 : index
      %get3A_2065 = tpu.vector_load %get3A_2063[%get3A_2064] {strides = array<i32>} : memref<208xi32, #tpu.memory_space<vmem>>, vector<16xi32>,
      %shift_right_logical3A_2066 = arith.constant 14 : i32
      %shift_right_logical3A_2067 = vector.broadcast %shift_right_logical3A_2066 : i32 to vector<16xi32>
      %shift_right_logical3A_2068 = arith.shrui %get3A_2065, %shift_right_logical3A_2067 : vector<16xi32>
      %and3A_2069 = arith.andi %get3A_2065, %broadcast_in_dim3A_9 : vector<16xi32>
      %broadcast_in_dim3A_2070 = arith.constant true
      %broadcast_in_dim3A_2071 = vector.broadcast %broadcast_in_dim3A_2070 : i1 to vector<16xi1>
      %unique3A_2072, %unique3A_2073 = tpu.scan_count mask(%broadcast_in_dim3A_2071 : vector<16xi1>) value(%shift_right_logical3A_2068 : vector<16xi32>) : vector<16xi1>, vector<16xi32>
      %gather3A_2074 = arith.constant 1 : i32
      %gather3A_2075 = arith.constant 0 : i32
      %gather3A_2076 = tpu.memref_slice %arg7[%gather3A_2074, %gather3A_2075] : memref<2x16xi32, #tpu.memory_space<vmem>> -> memref<1x16xi32, #tpu.memory_space<vmem>>
      %gather3A_2077 = tpu.memref_squeeze %gather3A_2076 : memref<1x16xi32, #tpu.memory_space<vmem>> -> memref<16xi32, #tpu.memory_space<vmem>>
      %gather3A_2078 = tpu.vector_load_idx %gather3A_2077[%shift_right_logical3A_2068] : memref<16xi32, #tpu.memory_space<vmem>>[vector<16xi32>], vector<16xi32>,
      %add3A_2079 = arith.addi %gather3A_2078, %unique3A_2073 : vector<16xi32>
      %sub3A_2080 = arith.constant 1 : i32
      %sub3A_2081 = vector.broadcast %sub3A_2080 : i32 to vector<16xi32>
      %sub3A_2082 = arith.subi %add3A_2079, %sub3A_2081 : vector<16xi32>
      %scatter3A_2083 = arith.constant 0 : i32
      %scatter3A_2084 = tpu.memref_slice %arg5[%add3A_1125, %scatter3A_2083] : memref<129x208xi32, #tpu.memory_space<vmem>> -> memref<1x208xi32, #tpu.memory_space<vmem>>
      %scatter3A_2085 = tpu.memref_squeeze %scatter3A_2084 : memref<1x208xi32, #tpu.memory_space<vmem>> -> memref<208xi32, #tpu.memory_space<vmem>>
      tpu.vector_store_idx %scatter3A_2085[%sub3A_2082], %and3A_2069 : memref<208xi32, #tpu.memory_space<vmem>>[vector<16xi32>], vector<16xi32>,
      %add3A_2086 = arith.addi %gather3A_2078, %unique3A_2073 : vector<16xi32>
      %scatter3A_2087 = arith.constant 1 : i32
      %scatter3A_2088 = arith.constant 0 : i32
      %scatter3A_2089 = tpu.memref_slice %arg7[%scatter3A_2087, %scatter3A_2088] : memref<2x16xi32, #tpu.memory_space<vmem>> -> memref<1x16xi32, #tpu.memory_space<vmem>>
      %scatter3A_2090 = tpu.memref_squeeze %scatter3A_2089 : memref<1x16xi32, #tpu.memory_space<vmem>> -> memref<16xi32, #tpu.memory_space<vmem>>
      tpu.vector_store_idx %scatter3A_2090[%shift_right_logical3A_2068], %add3A_2086 masked %unique3A_2072 : memref<16xi32, #tpu.memory_space<vmem>>[vector<16xi32>], vector<16xi32>, vector<16xi1>
      %get3A_2091 = arith.constant 1 : i32
      %get3A_2092 = arith.constant 0 : i32
      %get3A_2093 = tpu.memref_slice %arg6[%get3A_2091, %get3A_2092] : memref<2x208xi32, #tpu.memory_space<vmem>> -> memref<1x208xi32, #tpu.memory_space<vmem>>
      %get3A_2094 = tpu.memref_squeeze %get3A_2093 : memref<1x208xi32, #tpu.memory_space<vmem>> -> memref<208xi32, #tpu.memory_space<vmem>>
      %get3A_2095 = arith.constant 176 : index
      %get3A_2096 = tpu.vector_load %get3A_2094[%get3A_2095] {strides = array<i32>} : memref<208xi32, #tpu.memory_space<vmem>>, vector<16xi32>,
      %shift_right_logical3A_2097 = arith.constant 14 : i32
      %shift_right_logical3A_2098 = vector.broadcast %shift_right_logical3A_2097 : i32 to vector<16xi32>
      %shift_right_logical3A_2099 = arith.shrui %get3A_2096, %shift_right_logical3A_2098 : vector<16xi32>
      %and3A_2100 = arith.andi %get3A_2096, %broadcast_in_dim3A_9 : vector<16xi32>
      %broadcast_in_dim3A_2101 = arith.constant true
      %broadcast_in_dim3A_2102 = vector.broadcast %broadcast_in_dim3A_2101 : i1 to vector<16xi1>
      %unique3A_2103, %unique3A_2104 = tpu.scan_count mask(%broadcast_in_dim3A_2102 : vector<16xi1>) value(%shift_right_logical3A_2099 : vector<16xi32>) : vector<16xi1>, vector<16xi32>
      %gather3A_2105 = arith.constant 1 : i32
      %gather3A_2106 = arith.constant 0 : i32
      %gather3A_2107 = tpu.memref_slice %arg7[%gather3A_2105, %gather3A_2106] : memref<2x16xi32, #tpu.memory_space<vmem>> -> memref<1x16xi32, #tpu.memory_space<vmem>>
      %gather3A_2108 = tpu.memref_squeeze %gather3A_2107 : memref<1x16xi32, #tpu.memory_space<vmem>> -> memref<16xi32, #tpu.memory_space<vmem>>
      %gather3A_2109 = tpu.vector_load_idx %gather3A_2108[%shift_right_logical3A_2099] : memref<16xi32, #tpu.memory_space<vmem>>[vector<16xi32>], vector<16xi32>,
      %add3A_2110 = arith.addi %gather3A_2109, %unique3A_2104 : vector<16xi32>
      %sub3A_2111 = arith.constant 1 : i32
      %sub3A_2112 = vector.broadcast %sub3A_2111 : i32 to vector<16xi32>
      %sub3A_2113 = arith.subi %add3A_2110, %sub3A_2112 : vector<16xi32>
      %scatter3A_2114 = arith.constant 0 : i32
      %scatter3A_2115 = tpu.memref_slice %arg5[%add3A_1125, %scatter3A_2114] : memref<129x208xi32, #tpu.memory_space<vmem>> -> memref<1x208xi32, #tpu.memory_space<vmem>>
      %scatter3A_2116 = tpu.memref_squeeze %scatter3A_2115 : memref<1x208xi32, #tpu.memory_space<vmem>> -> memref<208xi32, #tpu.memory_space<vmem>>
      tpu.vector_store_idx %scatter3A_2116[%sub3A_2113], %and3A_2100 : memref<208xi32, #tpu.memory_space<vmem>>[vector<16xi32>], vector<16xi32>,
      %add3A_2117 = arith.addi %gather3A_2109, %unique3A_2104 : vector<16xi32>
      %scatter3A_2118 = arith.constant 1 : i32
      %scatter3A_2119 = arith.constant 0 : i32
      %scatter3A_2120 = tpu.memref_slice %arg7[%scatter3A_2118, %scatter3A_2119] : memref<2x16xi32, #tpu.memory_space<vmem>> -> memref<1x16xi32, #tpu.memory_space<vmem>>
      %scatter3A_2121 = tpu.memref_squeeze %scatter3A_2120 : memref<1x16xi32, #tpu.memory_space<vmem>> -> memref<16xi32, #tpu.memory_space<vmem>>
      tpu.vector_store_idx %scatter3A_2121[%shift_right_logical3A_2099], %add3A_2117 masked %unique3A_2103 : memref<16xi32, #tpu.memory_space<vmem>>[vector<16xi32>], vector<16xi32>, vector<16xi1>
      %get3A_2122 = arith.constant 1 : i32
      %get3A_2123 = arith.constant 0 : i32
      %get3A_2124 = tpu.memref_slice %arg6[%get3A_2122, %get3A_2123] : memref<2x208xi32, #tpu.memory_space<vmem>> -> memref<1x208xi32, #tpu.memory_space<vmem>>
      %get3A_2125 = tpu.memref_squeeze %get3A_2124 : memref<1x208xi32, #tpu.memory_space<vmem>> -> memref<208xi32, #tpu.memory_space<vmem>>
      %get3A_2126 = arith.constant 192 : index
      %get3A_2127 = tpu.vector_load %get3A_2125[%get3A_2126] {strides = array<i32>} : memref<208xi32, #tpu.memory_space<vmem>>, vector<16xi32>,
      %shift_right_logical3A_2128 = arith.constant 14 : i32
      %shift_right_logical3A_2129 = vector.broadcast %shift_right_logical3A_2128 : i32 to vector<16xi32>
      %shift_right_logical3A_2130 = arith.shrui %get3A_2127, %shift_right_logical3A_2129 : vector<16xi32>
      %and3A_2131 = arith.andi %get3A_2127, %broadcast_in_dim3A_9 : vector<16xi32>
      %broadcast_in_dim3A_2132 = arith.constant true
      %broadcast_in_dim3A_2133 = vector.broadcast %broadcast_in_dim3A_2132 : i1 to vector<16xi1>
      %unique3A_2134, %unique3A_2135 = tpu.scan_count mask(%broadcast_in_dim3A_2133 : vector<16xi1>) value(%shift_right_logical3A_2130 : vector<16xi32>) : vector<16xi1>, vector<16xi32>
      %gather3A_2136 = arith.constant 1 : i32
      %gather3A_2137 = arith.constant 0 : i32
      %gather3A_2138 = tpu.memref_slice %arg7[%gather3A_2136, %gather3A_2137] : memref<2x16xi32, #tpu.memory_space<vmem>> -> memref<1x16xi32, #tpu.memory_space<vmem>>
      %gather3A_2139 = tpu.memref_squeeze %gather3A_2138 : memref<1x16xi32, #tpu.memory_space<vmem>> -> memref<16xi32, #tpu.memory_space<vmem>>
      %gather3A_2140 = tpu.vector_load_idx %gather3A_2139[%shift_right_logical3A_2130] : memref<16xi32, #tpu.memory_space<vmem>>[vector<16xi32>], vector<16xi32>,
      %add3A_2141 = arith.addi %gather3A_2140, %unique3A_2135 : vector<16xi32>
      %sub3A_2142 = arith.constant 1 : i32
      %sub3A_2143 = vector.broadcast %sub3A_2142 : i32 to vector<16xi32>
      %sub3A_2144 = arith.subi %add3A_2141, %sub3A_2143 : vector<16xi32>
      %scatter3A_2145 = arith.constant 0 : i32
      %scatter3A_2146 = tpu.memref_slice %arg5[%add3A_1125, %scatter3A_2145] : memref<129x208xi32, #tpu.memory_space<vmem>> -> memref<1x208xi32, #tpu.memory_space<vmem>>
      %scatter3A_2147 = tpu.memref_squeeze %scatter3A_2146 : memref<1x208xi32, #tpu.memory_space<vmem>> -> memref<208xi32, #tpu.memory_space<vmem>>
      tpu.vector_store_idx %scatter3A_2147[%sub3A_2144], %and3A_2131 : memref<208xi32, #tpu.memory_space<vmem>>[vector<16xi32>], vector<16xi32>,
      %add3A_2148 = arith.addi %gather3A_2140, %unique3A_2135 : vector<16xi32>
      %scatter3A_2149 = arith.constant 1 : i32
      %scatter3A_2150 = arith.constant 0 : i32
      %scatter3A_2151 = tpu.memref_slice %arg7[%scatter3A_2149, %scatter3A_2150] : memref<2x16xi32, #tpu.memory_space<vmem>> -> memref<1x16xi32, #tpu.memory_space<vmem>>
      %scatter3A_2152 = tpu.memref_squeeze %scatter3A_2151 : memref<1x16xi32, #tpu.memory_space<vmem>> -> memref<16xi32, #tpu.memory_space<vmem>>
      tpu.vector_store_idx %scatter3A_2152[%shift_right_logical3A_2130], %add3A_2148 masked %unique3A_2134 : memref<16xi32, #tpu.memory_space<vmem>>[vector<16xi32>], vector<16xi32>, vector<16xi1>
      %broadcast_in_dim3A_2153 = arith.constant 0.000000e+00 : f32
      %broadcast_in_dim3A_2154 = vector.broadcast %broadcast_in_dim3A_2153 : f32 to vector<16xf32>
      %swap3A_2155 = arith.index_cast %add3A_1125 : i32 to index
      %swap3A_2156 = arith.constant 0 : index
      %swap3A_2157 = tpu.vector_load %arg10[%swap3A_2155, %swap3A_2156] {strides = array<i32>} : memref<128x128xf32, #tpu.memory_space<vmem>>, vector<16xf32>,
      tpu.vector_store %arg10[%swap3A_2155, %swap3A_2156], %broadcast_in_dim3A_2154 {strides = array<i32>} : memref<128x128xf32, #tpu.memory_space<vmem>>, vector<16xf32>,
      %swap3A_2158 = arith.index_cast %add3A_1125 : i32 to index
      %swap3A_2159 = arith.constant 16 : index
      %swap3A_2160 = tpu.vector_load %arg10[%swap3A_2158, %swap3A_2159] {strides = array<i32>} : memref<128x128xf32, #tpu.memory_space<vmem>>, vector<16xf32>,
      tpu.vector_store %arg10[%swap3A_2158, %swap3A_2159], %broadcast_in_dim3A_2154 {strides = array<i32>} : memref<128x128xf32, #tpu.memory_space<vmem>>, vector<16xf32>,
      %swap3A_2161 = arith.index_cast %add3A_1125 : i32 to index
      %swap3A_2162 = arith.constant 32 : index
      %swap3A_2163 = tpu.vector_load %arg10[%swap3A_2161, %swap3A_2162] {strides = array<i32>} : memref<128x128xf32, #tpu.memory_space<vmem>>, vector<16xf32>,
      tpu.vector_store %arg10[%swap3A_2161, %swap3A_2162], %broadcast_in_dim3A_2154 {strides = array<i32>} : memref<128x128xf32, #tpu.memory_space<vmem>>, vector<16xf32>,
      %swap3A_2164 = arith.index_cast %add3A_1125 : i32 to index
      %swap3A_2165 = arith.constant 48 : index
      %swap3A_2166 = tpu.vector_load %arg10[%swap3A_2164, %swap3A_2165] {strides = array<i32>} : memref<128x128xf32, #tpu.memory_space<vmem>>, vector<16xf32>,
      tpu.vector_store %arg10[%swap3A_2164, %swap3A_2165], %broadcast_in_dim3A_2154 {strides = array<i32>} : memref<128x128xf32, #tpu.memory_space<vmem>>, vector<16xf32>,
      %swap3A_2167 = arith.index_cast %add3A_1125 : i32 to index
      %swap3A_2168 = arith.constant 64 : index
      %swap3A_2169 = tpu.vector_load %arg10[%swap3A_2167, %swap3A_2168] {strides = array<i32>} : memref<128x128xf32, #tpu.memory_space<vmem>>, vector<16xf32>,
      tpu.vector_store %arg10[%swap3A_2167, %swap3A_2168], %broadcast_in_dim3A_2154 {strides = array<i32>} : memref<128x128xf32, #tpu.memory_space<vmem>>, vector<16xf32>,
      %swap3A_2170 = arith.index_cast %add3A_1125 : i32 to index
      %swap3A_2171 = arith.constant 80 : index
      %swap3A_2172 = tpu.vector_load %arg10[%swap3A_2170, %swap3A_2171] {strides = array<i32>} : memref<128x128xf32, #tpu.memory_space<vmem>>, vector<16xf32>,
      tpu.vector_store %arg10[%swap3A_2170, %swap3A_2171], %broadcast_in_dim3A_2154 {strides = array<i32>} : memref<128x128xf32, #tpu.memory_space<vmem>>, vector<16xf32>,
      %swap3A_2173 = arith.index_cast %add3A_1125 : i32 to index
      %swap3A_2174 = arith.constant 96 : index
      %swap3A_2175 = tpu.vector_load %arg10[%swap3A_2173, %swap3A_2174] {strides = array<i32>} : memref<128x128xf32, #tpu.memory_space<vmem>>, vector<16xf32>,
      tpu.vector_store %arg10[%swap3A_2173, %swap3A_2174], %broadcast_in_dim3A_2154 {strides = array<i32>} : memref<128x128xf32, #tpu.memory_space<vmem>>, vector<16xf32>,
      %swap3A_2176 = arith.index_cast %add3A_1125 : i32 to index
      %swap3A_2177 = arith.constant 112 : index
      %swap3A_2178 = tpu.vector_load %arg10[%swap3A_2176, %swap3A_2177] {strides = array<i32>} : memref<128x128xf32, #tpu.memory_space<vmem>>, vector<16xf32>,
      tpu.vector_store %arg10[%swap3A_2176, %swap3A_2177], %broadcast_in_dim3A_2154 {strides = array<i32>} : memref<128x128xf32, #tpu.memory_space<vmem>>, vector<16xf32>,
    }
    %scan3A_64 = arith.constant 64 : i32
    %scan3A_65 = arith.constant 0 : i32
    %scan3A_66 = arith.constant 7 : i32
    %scan3A_67 = arith.addi %scan3A_65, %scan3A_66 : i32
    %scan3A_68 = arith.constant 1 : i32
    scf.for %scan3A_77 = %scan3A_65 to %scan3A_67 step %scan3A_68  : i32 {
      %mul3A_78 = arith.constant 1 : i32
      %mul3A_79 = arith.muli %scan3A_77, %mul3A_78 : i32
      %add3A_80 = arith.constant 0 : i32
      %add3A_81 = arith.addi %add3A_80, %mul3A_79 : i32
      %barrier3A = arith.constant 0 : index
      tpu.barrier barrier_id(%barrier3A)
      %lt3A = arith.constant 6 : i32
      %lt3A_82 = arith.cmpi slt, %add3A_81, %lt3A : i32
      %convert_element_type3A = arith.extui %lt3A_82 : i1 to i32
      %cond3A = arith.constant 0 : i32
      %cond3A_83 = arith.cmpi ne, %convert_element_type3A, %cond3A : i32
      scf.if %cond3A_83 {
        %mul3A_150 = arith.constant 16384 : i32
        %mul3A_151 = arith.muli %add3A_81, %mul3A_150 : i32
        %mul3A_152 = arith.constant 1024 : i32
        %mul3A_153 = arith.muli %arg1, %mul3A_152 : i32
        %add3A_154 = arith.addi %mul3A_151, %mul3A_153 : i32
        %mul3A_155 = arith.constant 1024 : i32
        %mul3A_156 = arith.muli %arg1, %mul3A_155 : i32
        "tpu.region"() ({
          %run_scoped3A = tpu.sem_alloc : memref<!tpu.dma_semaphore, #tpu.memory_space<semaphore_mem>>
          %dma_start3A = arith.constant 0 : i32
          %dma_start3A_157 = tpu.memref_slice %arg11[%mul3A_156, %dma_start3A] : memref<16384x128xbf16, #tpu.memory_space<vmem_shared>> -> memref<1024x128xbf16, #tpu.memory_space<vmem_shared>>
          %dma_start3A_158 = arith.constant 0 : i32
          %dma_start3A_159 = tpu.memref_slice %arg3[%add3A_154, %dma_start3A_158] : memref<100000x128xbf16, #tpu.memory_space<hbm>> -> memref<1024x128xbf16, #tpu.memory_space<hbm>>
          tpu.enqueue_dma source(%dma_start3A_159 : memref<1024x128xbf16, #tpu.memory_space<hbm>>) target(%dma_start3A_157 : memref<1024x128xbf16, #tpu.memory_space<vmem_shared>>) target_semaphore(%run_scoped3A : memref<!tpu.dma_semaphore, #tpu.memory_space<semaphore_mem>>)
          %dma_wait3A = arith.constant 0 : i32
          %dma_wait3A_160 = tpu.memref_slice %arg11[%mul3A_156, %dma_wait3A] : memref<16384x128xbf16, #tpu.memory_space<vmem_shared>> -> memref<1024x128xbf16, #tpu.memory_space<vmem_shared>>
          %dma_wait3A_161 = arith.constant 0 : i32
          %dma_wait3A_162 = tpu.memref_slice %arg3[%add3A_154, %dma_wait3A_161] : memref<100000x128xbf16, #tpu.memory_space<hbm>> -> memref<1024x128xbf16, #tpu.memory_space<hbm>>
          tpu.wait_dma2 semaphore(%run_scoped3A : memref<!tpu.dma_semaphore, #tpu.memory_space<semaphore_mem>>) src(%dma_wait3A_162 : memref<1024x128xbf16, #tpu.memory_space<hbm>>) dst(%dma_wait3A_160 : memref<1024x128xbf16, #tpu.memory_space<vmem_shared>>)
          tpu.yield
        }) : () -> ()
      } else {
      }
      %eq3A = arith.constant 6 : i32
      %eq3A_84 = arith.cmpi eq, %add3A_81, %eq3A : i32
      %convert_element_type3A_85 = arith.extui %eq3A_84 : i1 to i32
      %cond3A_86 = arith.constant 0 : i32
      %cond3A_87 = arith.cmpi ne, %convert_element_type3A_85, %cond3A_86 : i32
      scf.if %cond3A_87 {
        %mul3A_150 = arith.constant 106 : i32
        %mul3A_151 = arith.muli %arg1, %mul3A_150 : i32
        %add3A_152 = arith.constant 98304 : i32
        %add3A_153 = arith.addi %add3A_152, %mul3A_151 : i32
        %mul3A_154 = arith.constant 106 : i32
        %mul3A_155 = arith.muli %arg1, %mul3A_154 : i32
        "tpu.region"() ({
          %run_scoped3A = tpu.sem_alloc : memref<!tpu.dma_semaphore, #tpu.memory_space<semaphore_mem>>
          %dma_start3A = arith.constant 0 : i32
          %dma_start3A_156 = tpu.memref_slice %arg11[%mul3A_155, %dma_start3A] : memref<16384x128xbf16, #tpu.memory_space<vmem_shared>> -> memref<106x128xbf16, #tpu.memory_space<vmem_shared>>
          %dma_start3A_157 = arith.constant 0 : i32
          %dma_start3A_158 = tpu.memref_slice %arg3[%add3A_153, %dma_start3A_157] : memref<100000x128xbf16, #tpu.memory_space<hbm>> -> memref<106x128xbf16, #tpu.memory_space<hbm>>
          tpu.enqueue_dma source(%dma_start3A_158 : memref<106x128xbf16, #tpu.memory_space<hbm>>) target(%dma_start3A_156 : memref<106x128xbf16, #tpu.memory_space<vmem_shared>>) target_semaphore(%run_scoped3A : memref<!tpu.dma_semaphore, #tpu.memory_space<semaphore_mem>>)
          %dma_wait3A = arith.constant 0 : i32
          %dma_wait3A_159 = tpu.memref_slice %arg11[%mul3A_155, %dma_wait3A] : memref<16384x128xbf16, #tpu.memory_space<vmem_shared>> -> memref<106x128xbf16, #tpu.memory_space<vmem_shared>>
          %dma_wait3A_160 = arith.constant 0 : i32
          %dma_wait3A_161 = tpu.memref_slice %arg3[%add3A_153, %dma_wait3A_160] : memref<100000x128xbf16, #tpu.memory_space<hbm>> -> memref<106x128xbf16, #tpu.memory_space<hbm>>
          tpu.wait_dma2 semaphore(%run_scoped3A : memref<!tpu.dma_semaphore, #tpu.memory_space<semaphore_mem>>) src(%dma_wait3A_161 : memref<106x128xbf16, #tpu.memory_space<hbm>>) dst(%dma_wait3A_159 : memref<106x128xbf16, #tpu.memory_space<vmem_shared>>)
          tpu.yield
        }) : () -> ()
      } else {
      }
      %barrier3A_88 = arith.constant 0 : index
      tpu.barrier barrier_id(%barrier3A_88)
      %sub3A = arith.constant 1 : i32
      %sub3A_89 = arith.subi %add3A_81, %sub3A : i32
      %max3A = arith.constant 0 : i32
      %max3A_90 = arith.maxsi %sub3A_89, %max3A : i32
      %shift_right_arithmetic3A = arith.constant 2 : i32
      %shift_right_arithmetic3A_91 = arith.shrsi %max3A_90, %shift_right_arithmetic3A : i32
      %add3A_92 = arith.constant 0 : i32
      %add3A_93 = arith.addi %add3A_92, %shift_right_arithmetic3A_91 : i32
      %get3A = arith.index_cast %add3A_93 : i32 to index
      %get3A_94 = memref.load %arg12[%get3A] : memref<512xi32, #tpu.memory_space<smem>>
      %and3A = arith.constant 3 : i32
      %and3A_95 = arith.andi %max3A_90, %and3A : i32
      %mul3A_96 = arith.constant 8 : i32
      %mul3A_97 = arith.muli %mul3A_96, %and3A_95 : i32
      %shift_right_arithmetic3A_98 = arith.shrsi %get3A_94, %mul3A_97 : i32
      %and3A_99 = arith.constant 255 : i32
      %and3A_100 = arith.andi %shift_right_arithmetic3A_98, %and3A_99 : i32
      %eq3A_101 = arith.constant 0 : i32
      %eq3A_102 = arith.cmpi eq, %add3A_81, %eq3A_101 : i32
      %jit3A = arith.constant 0 : i32
      %select_n3A = arith.select %eq3A_102, %jit3A, %and3A_100 : i32
      %min3A = arith.constant 5 : i32
      %min3A_103 = arith.minsi %add3A_81, %min3A : i32
      %shift_right_arithmetic3A_104 = arith.constant 2 : i32
      %shift_right_arithmetic3A_105 = arith.shrsi %min3A_103, %shift_right_arithmetic3A_104 : i32
      %add3A_106 = arith.constant 0 : i32
      %add3A_107 = arith.addi %add3A_106, %shift_right_arithmetic3A_105 : i32
      %get3A_108 = arith.index_cast %add3A_107 : i32 to index
      %get3A_109 = memref.load %arg12[%get3A_108] : memref<512xi32, #tpu.memory_space<smem>>
      %and3A_110 = arith.constant 3 : i32
      %and3A_111 = arith.andi %min3A_103, %and3A_110 : i32
      %mul3A_112 = arith.constant 8 : i32
      %mul3A_113 = arith.muli %mul3A_112, %and3A_111 : i32
      %shift_right_arithmetic3A_114 = arith.shrsi %get3A_109, %mul3A_113 : i32
      %and3A_115 = arith.constant 255 : i32
      %and3A_116 = arith.andi %shift_right_arithmetic3A_114, %and3A_115 : i32
      %eq3A_117 = arith.constant 6 : i32
      %eq3A_118 = arith.cmpi eq, %add3A_81, %eq3A_117 : i32
      %jit3A_119 = arith.constant 208 : i32
      %select_n3A_120 = arith.select %eq3A_118, %jit3A_119, %and3A_116 : i32
      %sub3A_121 = arith.subi %select_n3A_120, %select_n3A : i32
      %min3A_122 = arith.constant 144 : i32
      %min3A_123 = arith.minsi %sub3A_121, %min3A_122 : i32
      %add3A_124 = arith.constant 15 : i32
      %add3A_125 = arith.addi %min3A_123, %add3A_124 : i32
      %shift_right_arithmetic3A_126 = arith.constant 4 : i32
      %shift_right_arithmetic3A_127 = arith.shrsi %add3A_125, %shift_right_arithmetic3A_126 : i32
      %sub3A_128 = arith.constant 0 : i32
      %sub3A_129 = arith.subi %shift_right_arithmetic3A_127, %sub3A_128 : i32
      %sub3A_130 = arith.constant 1 : i32
      %sub3A_131 = arith.constant 1 : i32
      %sub3A_132 = arith.subi %sub3A_130, %sub3A_131 : i32
      %add3A_133 = arith.addi %sub3A_129, %sub3A_132 : i32
      %div3A = arith.constant 1 : i32
      %div3A_134 = arith.divsi %add3A_133, %div3A : i32
      %while3A = arith.constant 1 : i32
      %while3A_135 = arith.constant 0 : i32
      %while3A_136 = arith.constant 0 : i32
      %while3A_137 = arith.subi %div3A_134, %while3A_136 : i32
      %while3A_138 = arith.addi %while3A_136, %while3A_137 : i32
      %while3A_139 = arith.constant 1 : i32
      %while3A_140 = arith.divsi %while3A_137, %while3A_139 : i32
      %while3A_141 = arith.muli %while3A_140, %while3A_139 : i32
      %while3A_142 = arith.addi %while3A_136, %while3A_141 : i32
      %while3A_143 = arith.constant 1 : i32
      scf.for %while3A_150 = %while3A_136 to %while3A_142 step %while3A_143  : i32 {
        %mul3A_151 = arith.muli %while3A_150, %while3A : i32
        %add3A_152 = arith.addi %while3A_135, %mul3A_151 : i32
        %mul3A_153 = arith.constant 16 : i32
        %mul3A_154 = arith.muli %add3A_152, %mul3A_153 : i32
        %add3A_155 = arith.addi %select_n3A, %mul3A_154 : i32
        %get3A_156 = arith.constant 0 : i32
        %get3A_157 = arith.index_cast %get3A_156 : i32 to index
        %get3A_158 = arith.index_cast %add3A_155 : i32 to index
        %get3A_159 = tpu.vector_load %arg5[%get3A_157, %get3A_158] {strides = array<i32>} : memref<129x208xi32, #tpu.memory_space<vmem>>, vector<16xi32>,
        %add3A_160 = arith.addi %get3A_159, %broadcast_in_dim3A_5 : vector<16xi32>
        %mul3A_161 = arith.constant 16 : i32
        %mul3A_162 = arith.muli %add3A_152, %mul3A_161 : i32
        %dma_start3A = arith.constant 0 : i32
        %dma_start3A_163 = tpu.memref_slice %arg8[%mul3A_162, %dma_start3A] : memref<144x128xbf16, #tpu.memory_space<vmem>> -> memref<16x128xbf16, #tpu.memory_space<vmem>>
        %dma_start3A_164 = arith.constant 0 : i32
        %dma_start3A_165 = arith.constant 0 : i32
        %dma_start3A_166 = tpu.memref_slice %arg11[%dma_start3A_164, %dma_start3A_165] : memref<16384x128xbf16, #tpu.memory_space<vmem_shared>> -> memref<16384x128xbf16, #tpu.memory_space<vmem_shared>>
        tpu.enqueue_indirect_dma source(%dma_start3A_166 : memref<16384x128xbf16, #tpu.memory_space<vmem_shared>>) target(%dma_start3A_163 : memref<16x128xbf16, #tpu.memory_space<vmem>>) offsets(%add3A_160 : vector<16xi32>) semaphore(%arg13 : memref<!tpu.dma_semaphore, #tpu.memory_space<semaphore_mem>>)
      }
      %while3A_144 = arith.constant 1 : i32
      scf.for %while3A_150 = %while3A_142 to %while3A_138 step %while3A_144  : i32 {
        %mul3A_151 = arith.muli %while3A_150, %while3A : i32
        %add3A_152 = arith.addi %while3A_135, %mul3A_151 : i32
        %mul3A_153 = arith.constant 16 : i32
        %mul3A_154 = arith.muli %add3A_152, %mul3A_153 : i32
        %add3A_155 = arith.addi %select_n3A, %mul3A_154 : i32
        %get3A_156 = arith.constant 0 : i32
        %get3A_157 = arith.index_cast %get3A_156 : i32 to index
        %get3A_158 = arith.index_cast %add3A_155 : i32 to index
        %get3A_159 = tpu.vector_load %arg5[%get3A_157, %get3A_158] {strides = array<i32>} : memref<129x208xi32, #tpu.memory_space<vmem>>, vector<16xi32>,
        %add3A_160 = arith.addi %get3A_159, %broadcast_in_dim3A_5 : vector<16xi32>
        %mul3A_161 = arith.constant 16 : i32
        %mul3A_162 = arith.muli %add3A_152, %mul3A_161 : i32
        %dma_start3A = arith.constant 0 : i32
        %dma_start3A_163 = tpu.memref_slice %arg8[%mul3A_162, %dma_start3A] : memref<144x128xbf16, #tpu.memory_space<vmem>> -> memref<16x128xbf16, #tpu.memory_space<vmem>>
        %dma_start3A_164 = arith.constant 0 : i32
        %dma_start3A_165 = arith.constant 0 : i32
        %dma_start3A_166 = tpu.memref_slice %arg11[%dma_start3A_164, %dma_start3A_165] : memref<16384x128xbf16, #tpu.memory_space<vmem_shared>> -> memref<16384x128xbf16, #tpu.memory_space<vmem_shared>>
        tpu.enqueue_indirect_dma source(%dma_start3A_166 : memref<16384x128xbf16, #tpu.memory_space<vmem_shared>>) target(%dma_start3A_163 : memref<16x128xbf16, #tpu.memory_space<vmem>>) offsets(%add3A_160 : vector<16xi32>) semaphore(%arg13 : memref<!tpu.dma_semaphore, #tpu.memory_space<semaphore_mem>>)
      }
      %scan3A_145 = arith.constant 0 : i32
      %scan3A_146 = arith.constant 64 : i32
      %scan3A_147 = arith.addi %scan3A_145, %scan3A_146 : i32
      %scan3A_148 = arith.constant 1 : i32
      scf.for %scan3A_150 = %scan3A_145 to %scan3A_147 step %scan3A_148  : i32 {
        %mul3A_151 = arith.constant 1 : i32
        %mul3A_152 = arith.muli %scan3A_150, %mul3A_151 : i32
        %add3A_153 = arith.constant 0 : i32
        %add3A_154 = arith.addi %add3A_153, %mul3A_152 : i32
        %mul3A_155 = arith.constant 2 : i32
        %mul3A_156 = arith.muli %add3A_154, %mul3A_155 : i32
        %add3A_157 = arith.constant 0 : i32
        %add3A_158 = arith.addi %mul3A_156, %add3A_157 : i32
        %add3A_159 = arith.constant 1 : i32
        %add3A_160 = arith.addi %add3A_158, %add3A_159 : i32
        %lt3A_161 = arith.constant 128 : i32
        %lt3A_162 = arith.cmpi slt, %add3A_160, %lt3A_161 : i32
        %convert_element_type3A_163 = arith.extui %lt3A_162 : i1 to i32
        %cond3A_164 = arith.constant 0 : i32
        %cond3A_165 = arith.cmpi ne, %convert_element_type3A_163, %cond3A_164 : i32
        scf.if %cond3A_165 {
          %add3A_494 = arith.constant 1 : i32
          %add3A_495 = arith.addi %add3A_158, %add3A_494 : i32
          %sub3A_496 = arith.constant 1 : i32
          %sub3A_497 = arith.subi %add3A_81, %sub3A_496 : i32
          %max3A_498 = arith.constant 0 : i32
          %max3A_499 = arith.maxsi %sub3A_497, %max3A_498 : i32
          %mul3A_500 = arith.constant 4 : i32
          %mul3A_501 = arith.muli %add3A_495, %mul3A_500 : i32
          %shift_right_arithmetic3A_502 = arith.constant 2 : i32
          %shift_right_arithmetic3A_503 = arith.shrsi %max3A_499, %shift_right_arithmetic3A_502 : i32
          %add3A_504 = arith.addi %mul3A_501, %shift_right_arithmetic3A_503 : i32
          %get3A_505 = arith.index_cast %add3A_504 : i32 to index
          %get3A_506 = memref.load %arg12[%get3A_505] : memref<512xi32, #tpu.memory_space<smem>>
          %and3A_507 = arith.constant 3 : i32
          %and3A_508 = arith.andi %max3A_499, %and3A_507 : i32
          %mul3A_509 = arith.constant 8 : i32
          %mul3A_510 = arith.muli %mul3A_509, %and3A_508 : i32
          %shift_right_arithmetic3A_511 = arith.shrsi %get3A_506, %mul3A_510 : i32
          %and3A_512 = arith.constant 255 : i32
          %and3A_513 = arith.andi %shift_right_arithmetic3A_511, %and3A_512 : i32
          %eq3A_514 = arith.constant 0 : i32
          %eq3A_515 = arith.cmpi eq, %add3A_81, %eq3A_514 : i32
          %jit3A_516 = arith.constant 0 : i32
          %select_n3A_517 = arith.select %eq3A_515, %jit3A_516, %and3A_513 : i32
          %min3A_518 = arith.constant 5 : i32
          %min3A_519 = arith.minsi %add3A_81, %min3A_518 : i32
          %mul3A_520 = arith.constant 4 : i32
          %mul3A_521 = arith.muli %add3A_495, %mul3A_520 : i32
          %shift_right_arithmetic3A_522 = arith.constant 2 : i32
          %shift_right_arithmetic3A_523 = arith.shrsi %min3A_519, %shift_right_arithmetic3A_522 : i32
          %add3A_524 = arith.addi %mul3A_521, %shift_right_arithmetic3A_523 : i32
          %get3A_525 = arith.index_cast %add3A_524 : i32 to index
          %get3A_526 = memref.load %arg12[%get3A_525] : memref<512xi32, #tpu.memory_space<smem>>
          %and3A_527 = arith.constant 3 : i32
          %and3A_528 = arith.andi %min3A_519, %and3A_527 : i32
          %mul3A_529 = arith.constant 8 : i32
          %mul3A_530 = arith.muli %mul3A_529, %and3A_528 : i32
          %shift_right_arithmetic3A_531 = arith.shrsi %get3A_526, %mul3A_530 : i32
          %and3A_532 = arith.constant 255 : i32
          %and3A_533 = arith.andi %shift_right_arithmetic3A_531, %and3A_532 : i32
          %eq3A_534 = arith.constant 6 : i32
          %eq3A_535 = arith.cmpi eq, %add3A_81, %eq3A_534 : i32
          %jit3A_536 = arith.constant 208 : i32
          %select_n3A_537 = arith.select %eq3A_535, %jit3A_536, %and3A_533 : i32
          %sub3A_538 = arith.subi %select_n3A_537, %select_n3A_517 : i32
          %min3A_539 = arith.constant 144 : i32
          %min3A_540 = arith.minsi %sub3A_538, %min3A_539 : i32
          %add3A_541 = arith.constant 15 : i32
          %add3A_542 = arith.addi %min3A_540, %add3A_541 : i32
          %shift_right_arithmetic3A_543 = arith.constant 4 : i32
          %shift_right_arithmetic3A_544 = arith.shrsi %add3A_542, %shift_right_arithmetic3A_543 : i32
          %sub3A_545 = arith.constant 0 : i32
          %sub3A_546 = arith.subi %shift_right_arithmetic3A_544, %sub3A_545 : i32
          %sub3A_547 = arith.constant 1 : i32
          %sub3A_548 = arith.constant 1 : i32
          %sub3A_549 = arith.subi %sub3A_547, %sub3A_548 : i32
          %add3A_550 = arith.addi %sub3A_546, %sub3A_549 : i32
          %div3A_551 = arith.constant 1 : i32
          %div3A_552 = arith.divsi %add3A_550, %div3A_551 : i32
          %while3A_553 = arith.constant 1 : i32
          %while3A_554 = arith.constant 0 : i32
          %while3A_555 = arith.constant 0 : i32
          %while3A_556 = arith.subi %div3A_552, %while3A_555 : i32
          %while3A_557 = arith.addi %while3A_555, %while3A_556 : i32
          %while3A_558 = arith.constant 1 : i32
          %while3A_559 = arith.divsi %while3A_556, %while3A_558 : i32
          %while3A_560 = arith.muli %while3A_559, %while3A_558 : i32
          %while3A_561 = arith.addi %while3A_555, %while3A_560 : i32
          %while3A_562 = arith.constant 1 : i32
          scf.for %while3A_564 = %while3A_555 to %while3A_561 step %while3A_562  : i32 {
            %mul3A_565 = arith.muli %while3A_564, %while3A_553 : i32
            %add3A_566 = arith.addi %while3A_554, %mul3A_565 : i32
            %mul3A_567 = arith.constant 16 : i32
            %mul3A_568 = arith.muli %add3A_566, %mul3A_567 : i32
            %add3A_569 = arith.addi %select_n3A_517, %mul3A_568 : i32
            %get3A_570 = arith.index_cast %add3A_495 : i32 to index
            %get3A_571 = arith.index_cast %add3A_569 : i32 to index
            %get3A_572 = tpu.vector_load %arg5[%get3A_570, %get3A_571] {strides = array<i32>} : memref<129x208xi32, #tpu.memory_space<vmem>>, vector<16xi32>,
            %add3A_573 = arith.addi %get3A_572, %broadcast_in_dim3A_5 : vector<16xi32>
            %mul3A_574 = arith.constant 16 : i32
            %mul3A_575 = arith.muli %add3A_566, %mul3A_574 : i32
            %dma_start3A = arith.constant 0 : i32
            %dma_start3A_576 = tpu.memref_slice %arg9[%mul3A_575, %dma_start3A] : memref<144x128xbf16, #tpu.memory_space<vmem>> -> memref<16x128xbf16, #tpu.memory_space<vmem>>
            %dma_start3A_577 = arith.constant 0 : i32
            %dma_start3A_578 = arith.constant 0 : i32
            %dma_start3A_579 = tpu.memref_slice %arg11[%dma_start3A_577, %dma_start3A_578] : memref<16384x128xbf16, #tpu.memory_space<vmem_shared>> -> memref<16384x128xbf16, #tpu.memory_space<vmem_shared>>
            tpu.enqueue_indirect_dma source(%dma_start3A_579 : memref<16384x128xbf16, #tpu.memory_space<vmem_shared>>) target(%dma_start3A_576 : memref<16x128xbf16, #tpu.memory_space<vmem>>) offsets(%add3A_573 : vector<16xi32>) semaphore(%arg14 : memref<!tpu.dma_semaphore, #tpu.memory_space<semaphore_mem>>)
          }
          %while3A_563 = arith.constant 1 : i32
          scf.for %while3A_564 = %while3A_561 to %while3A_557 step %while3A_563  : i32 {
            %mul3A_565 = arith.muli %while3A_564, %while3A_553 : i32
            %add3A_566 = arith.addi %while3A_554, %mul3A_565 : i32
            %mul3A_567 = arith.constant 16 : i32
            %mul3A_568 = arith.muli %add3A_566, %mul3A_567 : i32
            %add3A_569 = arith.addi %select_n3A_517, %mul3A_568 : i32
            %get3A_570 = arith.index_cast %add3A_495 : i32 to index
            %get3A_571 = arith.index_cast %add3A_569 : i32 to index
            %get3A_572 = tpu.vector_load %arg5[%get3A_570, %get3A_571] {strides = array<i32>} : memref<129x208xi32, #tpu.memory_space<vmem>>, vector<16xi32>,
            %add3A_573 = arith.addi %get3A_572, %broadcast_in_dim3A_5 : vector<16xi32>
            %mul3A_574 = arith.constant 16 : i32
            %mul3A_575 = arith.muli %add3A_566, %mul3A_574 : i32
            %dma_start3A = arith.constant 0 : i32
            %dma_start3A_576 = tpu.memref_slice %arg9[%mul3A_575, %dma_start3A] : memref<144x128xbf16, #tpu.memory_space<vmem>> -> memref<16x128xbf16, #tpu.memory_space<vmem>>
            %dma_start3A_577 = arith.constant 0 : i32
            %dma_start3A_578 = arith.constant 0 : i32
            %dma_start3A_579 = tpu.memref_slice %arg11[%dma_start3A_577, %dma_start3A_578] : memref<16384x128xbf16, #tpu.memory_space<vmem_shared>> -> memref<16384x128xbf16, #tpu.memory_space<vmem_shared>>
            tpu.enqueue_indirect_dma source(%dma_start3A_579 : memref<16384x128xbf16, #tpu.memory_space<vmem_shared>>) target(%dma_start3A_576 : memref<16x128xbf16, #tpu.memory_space<vmem>>) offsets(%add3A_573 : vector<16xi32>) semaphore(%arg14 : memref<!tpu.dma_semaphore, #tpu.memory_space<semaphore_mem>>)
          }
        } else {
        }
        %sub3A_166 = arith.constant 1 : i32
        %sub3A_167 = arith.subi %add3A_81, %sub3A_166 : i32
        %max3A_168 = arith.constant 0 : i32
        %max3A_169 = arith.maxsi %sub3A_167, %max3A_168 : i32
        %mul3A_170 = arith.constant 4 : i32
        %mul3A_171 = arith.muli %add3A_158, %mul3A_170 : i32
        %shift_right_arithmetic3A_172 = arith.constant 2 : i32
        %shift_right_arithmetic3A_173 = arith.shrsi %max3A_169, %shift_right_arithmetic3A_172 : i32
        %add3A_174 = arith.addi %mul3A_171, %shift_right_arithmetic3A_173 : i32
        %get3A_175 = arith.index_cast %add3A_174 : i32 to index
        %get3A_176 = memref.load %arg12[%get3A_175] : memref<512xi32, #tpu.memory_space<smem>>
        %and3A_177 = arith.constant 3 : i32
        %and3A_178 = arith.andi %max3A_169, %and3A_177 : i32
        %mul3A_179 = arith.constant 8 : i32
        %mul3A_180 = arith.muli %mul3A_179, %and3A_178 : i32
        %shift_right_arithmetic3A_181 = arith.shrsi %get3A_176, %mul3A_180 : i32
        %and3A_182 = arith.constant 255 : i32
        %and3A_183 = arith.andi %shift_right_arithmetic3A_181, %and3A_182 : i32
        %eq3A_184 = arith.constant 0 : i32
        %eq3A_185 = arith.cmpi eq, %add3A_81, %eq3A_184 : i32
        %jit3A_186 = arith.constant 0 : i32
        %select_n3A_187 = arith.select %eq3A_185, %jit3A_186, %and3A_183 : i32
        %min3A_188 = arith.constant 5 : i32
        %min3A_189 = arith.minsi %add3A_81, %min3A_188 : i32
        %mul3A_190 = arith.constant 4 : i32
        %mul3A_191 = arith.muli %add3A_158, %mul3A_190 : i32
        %shift_right_arithmetic3A_192 = arith.constant 2 : i32
        %shift_right_arithmetic3A_193 = arith.shrsi %min3A_189, %shift_right_arithmetic3A_192 : i32
        %add3A_194 = arith.addi %mul3A_191, %shift_right_arithmetic3A_193 : i32
        %get3A_195 = arith.index_cast %add3A_194 : i32 to index
        %get3A_196 = memref.load %arg12[%get3A_195] : memref<512xi32, #tpu.memory_space<smem>>
        %and3A_197 = arith.constant 3 : i32
        %and3A_198 = arith.andi %min3A_189, %and3A_197 : i32
        %mul3A_199 = arith.constant 8 : i32
        %mul3A_200 = arith.muli %mul3A_199, %and3A_198 : i32
        %shift_right_arithmetic3A_201 = arith.shrsi %get3A_196, %mul3A_200 : i32
        %and3A_202 = arith.constant 255 : i32
        %and3A_203 = arith.andi %shift_right_arithmetic3A_201, %and3A_202 : i32
        %eq3A_204 = arith.constant 6 : i32
        %eq3A_205 = arith.cmpi eq, %add3A_81, %eq3A_204 : i32
        %jit3A_206 = arith.constant 208 : i32
        %select_n3A_207 = arith.select %eq3A_205, %jit3A_206, %and3A_203 : i32
        %sub3A_208 = arith.subi %select_n3A_207, %select_n3A_187 : i32
        %min3A_209 = arith.constant 144 : i32
        %min3A_210 = arith.minsi %sub3A_208, %min3A_209 : i32
        %add3A_211 = arith.constant 15 : i32
        %add3A_212 = arith.addi %min3A_210, %add3A_211 : i32
        %shift_right_arithmetic3A_213 = arith.constant 4 : i32
        %shift_right_arithmetic3A_214 = arith.shrsi %add3A_212, %shift_right_arithmetic3A_213 : i32
        %sub3A_215 = arith.constant 0 : i32
        %sub3A_216 = arith.subi %shift_right_arithmetic3A_214, %sub3A_215 : i32
        %sub3A_217 = arith.constant 1 : i32
        %sub3A_218 = arith.constant 1 : i32
        %sub3A_219 = arith.subi %sub3A_217, %sub3A_218 : i32
        %add3A_220 = arith.addi %sub3A_216, %sub3A_219 : i32
        %div3A_221 = arith.constant 1 : i32
        %div3A_222 = arith.divsi %add3A_220, %div3A_221 : i32
        %while3A_223 = arith.constant 1 : i32
        %while3A_224 = arith.constant 0 : i32
        %while3A_225 = arith.constant 0 : i32
        %while3A_226 = arith.subi %div3A_222, %while3A_225 : i32
        %while3A_227 = arith.addi %while3A_225, %while3A_226 : i32
        %while3A_228 = arith.constant 1 : i32
        %while3A_229 = arith.divsi %while3A_226, %while3A_228 : i32
        %while3A_230 = arith.muli %while3A_229, %while3A_228 : i32
        %while3A_231 = arith.addi %while3A_225, %while3A_230 : i32
        %while3A_232 = arith.constant 1 : i32
        scf.for %while3A_494 = %while3A_225 to %while3A_231 step %while3A_232  : i32 {
          %mul3A_495 = arith.muli %while3A_494, %while3A_223 : i32
          %add3A_496 = arith.addi %while3A_224, %mul3A_495 : i32
          %dma_wait3A = arith.constant 0 : i32
          %dma_wait3A_497 = arith.constant 0 : i32
          %dma_wait3A_498 = tpu.memref_slice %arg8[%dma_wait3A, %dma_wait3A_497] : memref<144x128xbf16, #tpu.memory_space<vmem>> -> memref<16x128xbf16, #tpu.memory_space<vmem>>
          %dma_wait3A_499 = arith.constant 0 : i32
          %dma_wait3A_500 = arith.constant 0 : i32
          %dma_wait3A_501 = tpu.memref_slice %arg11[%dma_wait3A_499, %dma_wait3A_500] : memref<16384x128xbf16, #tpu.memory_space<vmem_shared>> -> memref<16384x128xbf16, #tpu.memory_space<vmem_shared>>
          tpu.wait_indirect_dma semaphore(%arg13 : memref<!tpu.dma_semaphore, #tpu.memory_space<semaphore_mem>>) src(%dma_wait3A_501 : memref<16384x128xbf16, #tpu.memory_space<vmem_shared>>) dst(%dma_wait3A_498 : memref<16x128xbf16, #tpu.memory_space<vmem>>)
        }
        %while3A_233 = arith.constant 1 : i32
        scf.for %while3A_494 = %while3A_231 to %while3A_227 step %while3A_233  : i32 {
          %mul3A_495 = arith.muli %while3A_494, %while3A_223 : i32
          %add3A_496 = arith.addi %while3A_224, %mul3A_495 : i32
          %dma_wait3A = arith.constant 0 : i32
          %dma_wait3A_497 = arith.constant 0 : i32
          %dma_wait3A_498 = tpu.memref_slice %arg8[%dma_wait3A, %dma_wait3A_497] : memref<144x128xbf16, #tpu.memory_space<vmem>> -> memref<16x128xbf16, #tpu.memory_space<vmem>>
          %dma_wait3A_499 = arith.constant 0 : i32
          %dma_wait3A_500 = arith.constant 0 : i32
          %dma_wait3A_501 = tpu.memref_slice %arg11[%dma_wait3A_499, %dma_wait3A_500] : memref<16384x128xbf16, #tpu.memory_space<vmem_shared>> -> memref<16384x128xbf16, #tpu.memory_space<vmem_shared>>
          tpu.wait_indirect_dma semaphore(%arg13 : memref<!tpu.dma_semaphore, #tpu.memory_space<semaphore_mem>>) src(%dma_wait3A_501 : memref<16384x128xbf16, #tpu.memory_space<vmem_shared>>) dst(%dma_wait3A_498 : memref<16x128xbf16, #tpu.memory_space<vmem>>)
        }
        %get3A_234 = arith.index_cast %add3A_158 : i32 to index
        %get3A_235 = arith.constant 0 : index
        %get3A_236 = tpu.vector_load %arg10[%get3A_234, %get3A_235] {strides = array<i32>} : memref<128x128xf32, #tpu.memory_space<vmem>>, vector<16xf32>,
        %get3A_237 = arith.index_cast %add3A_158 : i32 to index
        %get3A_238 = arith.constant 16 : index
        %get3A_239 = tpu.vector_load %arg10[%get3A_237, %get3A_238] {strides = array<i32>} : memref<128x128xf32, #tpu.memory_space<vmem>>, vector<16xf32>,
        %get3A_240 = arith.index_cast %add3A_158 : i32 to index
        %get3A_241 = arith.constant 32 : index
        %get3A_242 = tpu.vector_load %arg10[%get3A_240, %get3A_241] {strides = array<i32>} : memref<128x128xf32, #tpu.memory_space<vmem>>, vector<16xf32>,
        %get3A_243 = arith.index_cast %add3A_158 : i32 to index
        %get3A_244 = arith.constant 48 : index
        %get3A_245 = tpu.vector_load %arg10[%get3A_243, %get3A_244] {strides = array<i32>} : memref<128x128xf32, #tpu.memory_space<vmem>>, vector<16xf32>,
        %get3A_246 = arith.index_cast %add3A_158 : i32 to index
        %get3A_247 = arith.constant 64 : index
        %get3A_248 = tpu.vector_load %arg10[%get3A_246, %get3A_247] {strides = array<i32>} : memref<128x128xf32, #tpu.memory_space<vmem>>, vector<16xf32>,
        %get3A_249 = arith.index_cast %add3A_158 : i32 to index
        %get3A_250 = arith.constant 80 : index
        %get3A_251 = tpu.vector_load %arg10[%get3A_249, %get3A_250] {strides = array<i32>} : memref<128x128xf32, #tpu.memory_space<vmem>>, vector<16xf32>,
        %get3A_252 = arith.index_cast %add3A_158 : i32 to index
        %get3A_253 = arith.constant 96 : index
        %get3A_254 = tpu.vector_load %arg10[%get3A_252, %get3A_253] {strides = array<i32>} : memref<128x128xf32, #tpu.memory_space<vmem>>, vector<16xf32>,
        %get3A_255 = arith.index_cast %add3A_158 : i32 to index
        %get3A_256 = arith.constant 112 : index
        %get3A_257 = tpu.vector_load %arg10[%get3A_255, %get3A_256] {strides = array<i32>} : memref<128x128xf32, #tpu.memory_space<vmem>>, vector<16xf32>,
        %sub3A_258 = arith.subi %select_n3A_207, %select_n3A_187 : i32
        %min3A_259 = arith.constant 144 : i32
        %min3A_260 = arith.minsi %sub3A_258, %min3A_259 : i32
        %while3A_261 = arith.constant 0 : i32
        %while3A_262 = arith.subi %min3A_260, %while3A_261 : i32
        %while3A_263 = arith.addi %while3A_261, %while3A_262 : i32
        %while3A_264 = arith.constant 1 : i32
        %while3A_265 = arith.divsi %while3A_262, %while3A_264 : i32
        %while3A_266 = arith.muli %while3A_265, %while3A_264 : i32
        %while3A_267 = arith.addi %while3A_261, %while3A_266 : i32
        %while3A_268 = arith.constant 1 : i32
        %while3A_269:8 = scf.for %while3A_494 = %while3A_261 to %while3A_267 step %while3A_268 iter_args(%while3A_495 = %get3A_236, %while3A_496 = %get3A_239, %while3A_497 = %get3A_242, %while3A_498 = %get3A_245, %while3A_499 = %get3A_248, %while3A_500 = %get3A_251, %while3A_501 = %get3A_254, %while3A_502 = %get3A_257) -> (vector<16xf32>, vector<16xf32>, vector<16xf32>, vector<16xf32>, vector<16xf32>, vector<16xf32>, vector<16xf32>, vector<16xf32>)  : i32 {
          %get3A_503 = arith.index_cast %while3A_494 : i32 to index
          %get3A_504 = arith.constant 0 : index
          %get3A_505 = tpu.vector_load %arg8[%get3A_503, %get3A_504] {strides = array<i32>} : memref<144x128xbf16, #tpu.memory_space<vmem>>, vector<32xbf16>,
          %bitcast3A = vector.bitcast %get3A_505 : vector<32xbf16> to vector<16xi32>
          %shift_left3A = arith.constant 16 : i32
          %shift_left3A_506 = vector.broadcast %shift_left3A : i32 to vector<16xi32>
          %shift_left3A_507 = arith.shli %bitcast3A, %shift_left3A_506 : vector<16xi32>
          %bitcast3A_508 = vector.bitcast %shift_left3A_507 : vector<16xi32> to vector<16xf32>
          %and3A_509 = arith.andi %bitcast3A, %broadcast_in_dim3A_7 : vector<16xi32>
          %bitcast3A_510 = vector.bitcast %and3A_509 : vector<16xi32> to vector<16xf32>
          %add3A_511 = arith.addf %while3A_495, %bitcast3A_508 : vector<16xf32>
          %add3A_512 = arith.addf %while3A_496, %bitcast3A_510 : vector<16xf32>
          %get3A_513 = arith.index_cast %while3A_494 : i32 to index
          %get3A_514 = arith.constant 32 : index
          %get3A_515 = tpu.vector_load %arg8[%get3A_513, %get3A_514] {strides = array<i32>} : memref<144x128xbf16, #tpu.memory_space<vmem>>, vector<32xbf16>,
          %bitcast3A_516 = vector.bitcast %get3A_515 : vector<32xbf16> to vector<16xi32>
          %shift_left3A_517 = arith.constant 16 : i32
          %shift_left3A_518 = vector.broadcast %shift_left3A_517 : i32 to vector<16xi32>
          %shift_left3A_519 = arith.shli %bitcast3A_516, %shift_left3A_518 : vector<16xi32>
          %bitcast3A_520 = vector.bitcast %shift_left3A_519 : vector<16xi32> to vector<16xf32>
          %and3A_521 = arith.andi %bitcast3A_516, %broadcast_in_dim3A_7 : vector<16xi32>
          %bitcast3A_522 = vector.bitcast %and3A_521 : vector<16xi32> to vector<16xf32>
          %add3A_523 = arith.addf %while3A_497, %bitcast3A_520 : vector<16xf32>
          %add3A_524 = arith.addf %while3A_498, %bitcast3A_522 : vector<16xf32>
          %get3A_525 = arith.index_cast %while3A_494 : i32 to index
          %get3A_526 = arith.constant 64 : index
          %get3A_527 = tpu.vector_load %arg8[%get3A_525, %get3A_526] {strides = array<i32>} : memref<144x128xbf16, #tpu.memory_space<vmem>>, vector<32xbf16>,
          %bitcast3A_528 = vector.bitcast %get3A_527 : vector<32xbf16> to vector<16xi32>
          %shift_left3A_529 = arith.constant 16 : i32
          %shift_left3A_530 = vector.broadcast %shift_left3A_529 : i32 to vector<16xi32>
          %shift_left3A_531 = arith.shli %bitcast3A_528, %shift_left3A_530 : vector<16xi32>
          %bitcast3A_532 = vector.bitcast %shift_left3A_531 : vector<16xi32> to vector<16xf32>
          %and3A_533 = arith.andi %bitcast3A_528, %broadcast_in_dim3A_7 : vector<16xi32>
          %bitcast3A_534 = vector.bitcast %and3A_533 : vector<16xi32> to vector<16xf32>
          %add3A_535 = arith.addf %while3A_499, %bitcast3A_532 : vector<16xf32>
          %add3A_536 = arith.addf %while3A_500, %bitcast3A_534 : vector<16xf32>
          %get3A_537 = arith.index_cast %while3A_494 : i32 to index
          %get3A_538 = arith.constant 96 : index
          %get3A_539 = tpu.vector_load %arg8[%get3A_537, %get3A_538] {strides = array<i32>} : memref<144x128xbf16, #tpu.memory_space<vmem>>, vector<32xbf16>,
          %bitcast3A_540 = vector.bitcast %get3A_539 : vector<32xbf16> to vector<16xi32>
          %shift_left3A_541 = arith.constant 16 : i32
          %shift_left3A_542 = vector.broadcast %shift_left3A_541 : i32 to vector<16xi32>
          %shift_left3A_543 = arith.shli %bitcast3A_540, %shift_left3A_542 : vector<16xi32>
          %bitcast3A_544 = vector.bitcast %shift_left3A_543 : vector<16xi32> to vector<16xf32>
          %and3A_545 = arith.andi %bitcast3A_540, %broadcast_in_dim3A_7 : vector<16xi32>
          %bitcast3A_546 = vector.bitcast %and3A_545 : vector<16xi32> to vector<16xf32>
          %add3A_547 = arith.addf %while3A_501, %bitcast3A_544 : vector<16xf32>
          %add3A_548 = arith.addf %while3A_502, %bitcast3A_546 : vector<16xf32>
          scf.yield %add3A_511, %add3A_512, %add3A_523, %add3A_524, %add3A_535, %add3A_536, %add3A_547, %add3A_548 : vector<16xf32>, vector<16xf32>, vector<16xf32>, vector<16xf32>, vector<16xf32>, vector<16xf32>, vector<16xf32>, vector<16xf32>
        }
        %while3A_270 = arith.constant 1 : i32
        %while3A_271:8 = scf.for %while3A_494 = %while3A_267 to %while3A_263 step %while3A_270 iter_args(%while3A_495 = %while3A_269#0, %while3A_496 = %while3A_269#1, %while3A_497 = %while3A_269#2, %while3A_498 = %while3A_269#3, %while3A_499 = %while3A_269#4, %while3A_500 = %while3A_269#5, %while3A_501 = %while3A_269#6, %while3A_502 = %while3A_269#7) -> (vector<16xf32>, vector<16xf32>, vector<16xf32>, vector<16xf32>, vector<16xf32>, vector<16xf32>, vector<16xf32>, vector<16xf32>)  : i32 {
          %get3A_503 = arith.index_cast %while3A_494 : i32 to index
          %get3A_504 = arith.constant 0 : index
          %get3A_505 = tpu.vector_load %arg8[%get3A_503, %get3A_504] {strides = array<i32>} : memref<144x128xbf16, #tpu.memory_space<vmem>>, vector<32xbf16>,
          %bitcast3A = vector.bitcast %get3A_505 : vector<32xbf16> to vector<16xi32>
          %shift_left3A = arith.constant 16 : i32
          %shift_left3A_506 = vector.broadcast %shift_left3A : i32 to vector<16xi32>
          %shift_left3A_507 = arith.shli %bitcast3A, %shift_left3A_506 : vector<16xi32>
          %bitcast3A_508 = vector.bitcast %shift_left3A_507 : vector<16xi32> to vector<16xf32>
          %and3A_509 = arith.andi %bitcast3A, %broadcast_in_dim3A_7 : vector<16xi32>
          %bitcast3A_510 = vector.bitcast %and3A_509 : vector<16xi32> to vector<16xf32>
          %add3A_511 = arith.addf %while3A_495, %bitcast3A_508 : vector<16xf32>
          %add3A_512 = arith.addf %while3A_496, %bitcast3A_510 : vector<16xf32>
          %get3A_513 = arith.index_cast %while3A_494 : i32 to index
          %get3A_514 = arith.constant 32 : index
          %get3A_515 = tpu.vector_load %arg8[%get3A_513, %get3A_514] {strides = array<i32>} : memref<144x128xbf16, #tpu.memory_space<vmem>>, vector<32xbf16>,
          %bitcast3A_516 = vector.bitcast %get3A_515 : vector<32xbf16> to vector<16xi32>
          %shift_left3A_517 = arith.constant 16 : i32
          %shift_left3A_518 = vector.broadcast %shift_left3A_517 : i32 to vector<16xi32>
          %shift_left3A_519 = arith.shli %bitcast3A_516, %shift_left3A_518 : vector<16xi32>
          %bitcast3A_520 = vector.bitcast %shift_left3A_519 : vector<16xi32> to vector<16xf32>
          %and3A_521 = arith.andi %bitcast3A_516, %broadcast_in_dim3A_7 : vector<16xi32>
          %bitcast3A_522 = vector.bitcast %and3A_521 : vector<16xi32> to vector<16xf32>
          %add3A_523 = arith.addf %while3A_497, %bitcast3A_520 : vector<16xf32>
          %add3A_524 = arith.addf %while3A_498, %bitcast3A_522 : vector<16xf32>
          %get3A_525 = arith.index_cast %while3A_494 : i32 to index
          %get3A_526 = arith.constant 64 : index
          %get3A_527 = tpu.vector_load %arg8[%get3A_525, %get3A_526] {strides = array<i32>} : memref<144x128xbf16, #tpu.memory_space<vmem>>, vector<32xbf16>,
          %bitcast3A_528 = vector.bitcast %get3A_527 : vector<32xbf16> to vector<16xi32>
          %shift_left3A_529 = arith.constant 16 : i32
          %shift_left3A_530 = vector.broadcast %shift_left3A_529 : i32 to vector<16xi32>
          %shift_left3A_531 = arith.shli %bitcast3A_528, %shift_left3A_530 : vector<16xi32>
          %bitcast3A_532 = vector.bitcast %shift_left3A_531 : vector<16xi32> to vector<16xf32>
          %and3A_533 = arith.andi %bitcast3A_528, %broadcast_in_dim3A_7 : vector<16xi32>
          %bitcast3A_534 = vector.bitcast %and3A_533 : vector<16xi32> to vector<16xf32>
          %add3A_535 = arith.addf %while3A_499, %bitcast3A_532 : vector<16xf32>
          %add3A_536 = arith.addf %while3A_500, %bitcast3A_534 : vector<16xf32>
          %get3A_537 = arith.index_cast %while3A_494 : i32 to index
          %get3A_538 = arith.constant 96 : index
          %get3A_539 = tpu.vector_load %arg8[%get3A_537, %get3A_538] {strides = array<i32>} : memref<144x128xbf16, #tpu.memory_space<vmem>>, vector<32xbf16>,
          %bitcast3A_540 = vector.bitcast %get3A_539 : vector<32xbf16> to vector<16xi32>
          %shift_left3A_541 = arith.constant 16 : i32
          %shift_left3A_542 = vector.broadcast %shift_left3A_541 : i32 to vector<16xi32>
          %shift_left3A_543 = arith.shli %bitcast3A_540, %shift_left3A_542 : vector<16xi32>
          %bitcast3A_544 = vector.bitcast %shift_left3A_543 : vector<16xi32> to vector<16xf32>
          %and3A_545 = arith.andi %bitcast3A_540, %broadcast_in_dim3A_7 : vector<16xi32>
          %bitcast3A_546 = vector.bitcast %and3A_545 : vector<16xi32> to vector<16xf32>
          %add3A_547 = arith.addf %while3A_501, %bitcast3A_544 : vector<16xf32>
          %add3A_548 = arith.addf %while3A_502, %bitcast3A_546 : vector<16xf32>
          scf.yield %add3A_511, %add3A_512, %add3A_523, %add3A_524, %add3A_535, %add3A_536, %add3A_547, %add3A_548 : vector<16xf32>, vector<16xf32>, vector<16xf32>, vector<16xf32>, vector<16xf32>, vector<16xf32>, vector<16xf32>, vector<16xf32>
        }
        %sub3A_272 = arith.subi %select_n3A_207, %select_n3A_187 : i32
        %gt3A = arith.constant 144 : i32
        %gt3A_273 = arith.cmpi sgt, %sub3A_272, %gt3A : i32
        %jit3A_274 = arith.constant 1 : i32
        %jit3A_275 = arith.constant 0 : i32
        %select_n3A_276 = arith.select %gt3A_273, %jit3A_274, %jit3A_275 : i32
        %max3A_277 = arith.constant 0 : i32
        %max3A_278 = arith.maxsi %select_n3A_276, %max3A_277 : i32
        %sub3A_279 = arith.constant 0 : i32
        %sub3A_280 = arith.subi %max3A_278, %sub3A_279 : i32
        %sub3A_281 = arith.constant 1 : i32
        %sub3A_282 = arith.constant 1 : i32
        %sub3A_283 = arith.subi %sub3A_281, %sub3A_282 : i32
        %add3A_284 = arith.addi %sub3A_280, %sub3A_283 : i32
        %div3A_285 = arith.constant 1 : i32
        %div3A_286 = arith.divsi %add3A_284, %div3A_285 : i32
        %while3A_287 = arith.constant 1 : i32
        %while3A_288 = arith.constant 0 : i32
        %while3A_289 = arith.constant 0 : i32
        %while3A_290 = arith.subi %div3A_286, %while3A_289 : i32
        %while3A_291 = arith.addi %while3A_289, %while3A_290 : i32
        %while3A_292 = arith.constant 1 : i32
        %while3A_293 = arith.divsi %while3A_290, %while3A_292 : i32
        %while3A_294 = arith.muli %while3A_293, %while3A_292 : i32
        %while3A_295 = arith.addi %while3A_289, %while3A_294 : i32
        %while3A_296 = arith.constant 1 : i32
        %while3A_297:8 = scf.for %while3A_494 = %while3A_289 to %while3A_295 step %while3A_296 iter_args(%while3A_495 = %while3A_271#0, %while3A_496 = %while3A_271#1, %while3A_497 = %while3A_271#2, %while3A_498 = %while3A_271#3, %while3A_499 = %while3A_271#4, %while3A_500 = %while3A_271#5, %while3A_501 = %while3A_271#6, %while3A_502 = %while3A_271#7) -> (vector<16xf32>, vector<16xf32>, vector<16xf32>, vector<16xf32>, vector<16xf32>, vector<16xf32>, vector<16xf32>, vector<16xf32>)  : i32 {
          %mul3A_503 = arith.muli %while3A_494, %while3A_287 : i32
          %add3A_504 = arith.addi %while3A_288, %mul3A_503 : i32
          %add3A_505 = arith.constant 1 : i32
          %add3A_506 = arith.addi %add3A_504, %add3A_505 : i32
          %mul3A_507 = arith.constant 144 : i32
          %mul3A_508 = arith.muli %add3A_506, %mul3A_507 : i32
          %add3A_509 = arith.addi %select_n3A_187, %mul3A_508 : i32
          %sub3A_510 = arith.subi %select_n3A_207, %add3A_509 : i32
          %min3A_511 = arith.constant 144 : i32
          %min3A_512 = arith.minsi %sub3A_510, %min3A_511 : i32
          %add3A_513 = arith.constant 15 : i32
          %add3A_514 = arith.addi %min3A_512, %add3A_513 : i32
          %shift_right_arithmetic3A_515 = arith.constant 4 : i32
          %shift_right_arithmetic3A_516 = arith.shrsi %add3A_514, %shift_right_arithmetic3A_515 : i32
          %sub3A_517 = arith.constant 0 : i32
          %sub3A_518 = arith.subi %shift_right_arithmetic3A_516, %sub3A_517 : i32
          %sub3A_519 = arith.constant 1 : i32
          %sub3A_520 = arith.constant 1 : i32
          %sub3A_521 = arith.subi %sub3A_519, %sub3A_520 : i32
          %add3A_522 = arith.addi %sub3A_518, %sub3A_521 : i32
          %div3A_523 = arith.constant 1 : i32
          %div3A_524 = arith.divsi %add3A_522, %div3A_523 : i32
          %while3A_525 = arith.constant 1 : i32
          %while3A_526 = arith.constant 0 : i32
          %while3A_527 = arith.constant 0 : i32
          %while3A_528 = arith.subi %div3A_524, %while3A_527 : i32
          %while3A_529 = arith.addi %while3A_527, %while3A_528 : i32
          %while3A_530 = arith.constant 1 : i32
          %while3A_531 = arith.divsi %while3A_528, %while3A_530 : i32
          %while3A_532 = arith.muli %while3A_531, %while3A_530 : i32
          %while3A_533 = arith.addi %while3A_527, %while3A_532 : i32
          %while3A_534 = arith.constant 1 : i32
          scf.for %while3A_576 = %while3A_527 to %while3A_533 step %while3A_534  : i32 {
            %mul3A_577 = arith.muli %while3A_576, %while3A_525 : i32
            %add3A_578 = arith.addi %while3A_526, %mul3A_577 : i32
            %mul3A_579 = arith.constant 16 : i32
            %mul3A_580 = arith.muli %add3A_578, %mul3A_579 : i32
            %add3A_581 = arith.addi %add3A_509, %mul3A_580 : i32
            %get3A_582 = arith.index_cast %add3A_158 : i32 to index
            %get3A_583 = arith.index_cast %add3A_581 : i32 to index
            %get3A_584 = tpu.vector_load %arg5[%get3A_582, %get3A_583] {strides = array<i32>} : memref<129x208xi32, #tpu.memory_space<vmem>>, vector<16xi32>,
            %add3A_585 = arith.addi %get3A_584, %broadcast_in_dim3A_5 : vector<16xi32>
            %mul3A_586 = arith.constant 16 : i32
            %mul3A_587 = arith.muli %add3A_578, %mul3A_586 : i32
            %dma_start3A = arith.constant 0 : i32
            %dma_start3A_588 = tpu.memref_slice %arg8[%mul3A_587, %dma_start3A] : memref<144x128xbf16, #tpu.memory_space<vmem>> -> memref<16x128xbf16, #tpu.memory_space<vmem>>
            %dma_start3A_589 = arith.constant 0 : i32
            %dma_start3A_590 = arith.constant 0 : i32
            %dma_start3A_591 = tpu.memref_slice %arg11[%dma_start3A_589, %dma_start3A_590] : memref<16384x128xbf16, #tpu.memory_space<vmem_shared>> -> memref<16384x128xbf16, #tpu.memory_space<vmem_shared>>
            tpu.enqueue_indirect_dma source(%dma_start3A_591 : memref<16384x128xbf16, #tpu.memory_space<vmem_shared>>) target(%dma_start3A_588 : memref<16x128xbf16, #tpu.memory_space<vmem>>) offsets(%add3A_585 : vector<16xi32>) semaphore(%arg13 : memref<!tpu.dma_semaphore, #tpu.memory_space<semaphore_mem>>)
          }
          %while3A_535 = arith.constant 1 : i32
          scf.for %while3A_576 = %while3A_533 to %while3A_529 step %while3A_535  : i32 {
            %mul3A_577 = arith.muli %while3A_576, %while3A_525 : i32
            %add3A_578 = arith.addi %while3A_526, %mul3A_577 : i32
            %mul3A_579 = arith.constant 16 : i32
            %mul3A_580 = arith.muli %add3A_578, %mul3A_579 : i32
            %add3A_581 = arith.addi %add3A_509, %mul3A_580 : i32
            %get3A_582 = arith.index_cast %add3A_158 : i32 to index
            %get3A_583 = arith.index_cast %add3A_581 : i32 to index
            %get3A_584 = tpu.vector_load %arg5[%get3A_582, %get3A_583] {strides = array<i32>} : memref<129x208xi32, #tpu.memory_space<vmem>>, vector<16xi32>,
            %add3A_585 = arith.addi %get3A_584, %broadcast_in_dim3A_5 : vector<16xi32>
            %mul3A_586 = arith.constant 16 : i32
            %mul3A_587 = arith.muli %add3A_578, %mul3A_586 : i32
            %dma_start3A = arith.constant 0 : i32
            %dma_start3A_588 = tpu.memref_slice %arg8[%mul3A_587, %dma_start3A] : memref<144x128xbf16, #tpu.memory_space<vmem>> -> memref<16x128xbf16, #tpu.memory_space<vmem>>
            %dma_start3A_589 = arith.constant 0 : i32
            %dma_start3A_590 = arith.constant 0 : i32
            %dma_start3A_591 = tpu.memref_slice %arg11[%dma_start3A_589, %dma_start3A_590] : memref<16384x128xbf16, #tpu.memory_space<vmem_shared>> -> memref<16384x128xbf16, #tpu.memory_space<vmem_shared>>
            tpu.enqueue_indirect_dma source(%dma_start3A_591 : memref<16384x128xbf16, #tpu.memory_space<vmem_shared>>) target(%dma_start3A_588 : memref<16x128xbf16, #tpu.memory_space<vmem>>) offsets(%add3A_585 : vector<16xi32>) semaphore(%arg13 : memref<!tpu.dma_semaphore, #tpu.memory_space<semaphore_mem>>)
          }
          %sub3A_536 = arith.subi %select_n3A_207, %add3A_509 : i32
          %min3A_537 = arith.constant 144 : i32
          %min3A_538 = arith.minsi %sub3A_536, %min3A_537 : i32
          %add3A_539 = arith.constant 15 : i32
          %add3A_540 = arith.addi %min3A_538, %add3A_539 : i32
          %shift_right_arithmetic3A_541 = arith.constant 4 : i32
          %shift_right_arithmetic3A_542 = arith.shrsi %add3A_540, %shift_right_arithmetic3A_541 : i32
          %sub3A_543 = arith.constant 0 : i32
          %sub3A_544 = arith.subi %shift_right_arithmetic3A_542, %sub3A_543 : i32
          %sub3A_545 = arith.constant 1 : i32
          %sub3A_546 = arith.constant 1 : i32
          %sub3A_547 = arith.subi %sub3A_545, %sub3A_546 : i32
          %add3A_548 = arith.addi %sub3A_544, %sub3A_547 : i32
          %div3A_549 = arith.constant 1 : i32
          %div3A_550 = arith.divsi %add3A_548, %div3A_549 : i32
          %while3A_551 = arith.constant 1 : i32
          %while3A_552 = arith.constant 0 : i32
          %while3A_553 = arith.constant 0 : i32
          %while3A_554 = arith.subi %div3A_550, %while3A_553 : i32
          %while3A_555 = arith.addi %while3A_553, %while3A_554 : i32
          %while3A_556 = arith.constant 1 : i32
          %while3A_557 = arith.divsi %while3A_554, %while3A_556 : i32
          %while3A_558 = arith.muli %while3A_557, %while3A_556 : i32
          %while3A_559 = arith.addi %while3A_553, %while3A_558 : i32
          %while3A_560 = arith.constant 1 : i32
          scf.for %while3A_576 = %while3A_553 to %while3A_559 step %while3A_560  : i32 {
            %mul3A_577 = arith.muli %while3A_576, %while3A_551 : i32
            %add3A_578 = arith.addi %while3A_552, %mul3A_577 : i32
            %dma_wait3A = arith.constant 0 : i32
            %dma_wait3A_579 = arith.constant 0 : i32
            %dma_wait3A_580 = tpu.memref_slice %arg8[%dma_wait3A, %dma_wait3A_579] : memref<144x128xbf16, #tpu.memory_space<vmem>> -> memref<16x128xbf16, #tpu.memory_space<vmem>>
            %dma_wait3A_581 = arith.constant 0 : i32
            %dma_wait3A_582 = arith.constant 0 : i32
            %dma_wait3A_583 = tpu.memref_slice %arg11[%dma_wait3A_581, %dma_wait3A_582] : memref<16384x128xbf16, #tpu.memory_space<vmem_shared>> -> memref<16384x128xbf16, #tpu.memory_space<vmem_shared>>
            tpu.wait_indirect_dma semaphore(%arg13 : memref<!tpu.dma_semaphore, #tpu.memory_space<semaphore_mem>>) src(%dma_wait3A_583 : memref<16384x128xbf16, #tpu.memory_space<vmem_shared>>) dst(%dma_wait3A_580 : memref<16x128xbf16, #tpu.memory_space<vmem>>)
          }
          %while3A_561 = arith.constant 1 : i32
          scf.for %while3A_576 = %while3A_559 to %while3A_555 step %while3A_561  : i32 {
            %mul3A_577 = arith.muli %while3A_576, %while3A_551 : i32
            %add3A_578 = arith.addi %while3A_552, %mul3A_577 : i32
            %dma_wait3A = arith.constant 0 : i32
            %dma_wait3A_579 = arith.constant 0 : i32
            %dma_wait3A_580 = tpu.memref_slice %arg8[%dma_wait3A, %dma_wait3A_579] : memref<144x128xbf16, #tpu.memory_space<vmem>> -> memref<16x128xbf16, #tpu.memory_space<vmem>>
            %dma_wait3A_581 = arith.constant 0 : i32
            %dma_wait3A_582 = arith.constant 0 : i32
            %dma_wait3A_583 = tpu.memref_slice %arg11[%dma_wait3A_581, %dma_wait3A_582] : memref<16384x128xbf16, #tpu.memory_space<vmem_shared>> -> memref<16384x128xbf16, #tpu.memory_space<vmem_shared>>
            tpu.wait_indirect_dma semaphore(%arg13 : memref<!tpu.dma_semaphore, #tpu.memory_space<semaphore_mem>>) src(%dma_wait3A_583 : memref<16384x128xbf16, #tpu.memory_space<vmem_shared>>) dst(%dma_wait3A_580 : memref<16x128xbf16, #tpu.memory_space<vmem>>)
          }
          %sub3A_562 = arith.subi %select_n3A_207, %add3A_509 : i32
          %min3A_563 = arith.constant 144 : i32
          %min3A_564 = arith.minsi %sub3A_562, %min3A_563 : i32
          %while3A_565 = arith.constant 0 : i32
          %while3A_566 = arith.subi %min3A_564, %while3A_565 : i32
          %while3A_567 = arith.addi %while3A_565, %while3A_566 : i32
          %while3A_568 = arith.constant 1 : i32
          %while3A_569 = arith.divsi %while3A_566, %while3A_568 : i32
          %while3A_570 = arith.muli %while3A_569, %while3A_568 : i32
          %while3A_571 = arith.addi %while3A_565, %while3A_570 : i32
          %while3A_572 = arith.constant 1 : i32
          %while3A_573:8 = scf.for %while3A_576 = %while3A_565 to %while3A_571 step %while3A_572 iter_args(%while3A_577 = %while3A_495, %while3A_578 = %while3A_496, %while3A_579 = %while3A_497, %while3A_580 = %while3A_498, %while3A_581 = %while3A_499, %while3A_582 = %while3A_500, %while3A_583 = %while3A_501, %while3A_584 = %while3A_502) -> (vector<16xf32>, vector<16xf32>, vector<16xf32>, vector<16xf32>, vector<16xf32>, vector<16xf32>, vector<16xf32>, vector<16xf32>)  : i32 {
            %get3A_585 = arith.index_cast %while3A_576 : i32 to index
            %get3A_586 = arith.constant 0 : index
            %get3A_587 = tpu.vector_load %arg8[%get3A_585, %get3A_586] {strides = array<i32>} : memref<144x128xbf16, #tpu.memory_space<vmem>>, vector<32xbf16>,
            %bitcast3A = vector.bitcast %get3A_587 : vector<32xbf16> to vector<16xi32>
            %shift_left3A = arith.constant 16 : i32
            %shift_left3A_588 = vector.broadcast %shift_left3A : i32 to vector<16xi32>
            %shift_left3A_589 = arith.shli %bitcast3A, %shift_left3A_588 : vector<16xi32>
            %bitcast3A_590 = vector.bitcast %shift_left3A_589 : vector<16xi32> to vector<16xf32>
            %and3A_591 = arith.andi %bitcast3A, %broadcast_in_dim3A_7 : vector<16xi32>
            %bitcast3A_592 = vector.bitcast %and3A_591 : vector<16xi32> to vector<16xf32>
            %add3A_593 = arith.addf %while3A_577, %bitcast3A_590 : vector<16xf32>
            %add3A_594 = arith.addf %while3A_578, %bitcast3A_592 : vector<16xf32>
            %get3A_595 = arith.index_cast %while3A_576 : i32 to index
            %get3A_596 = arith.constant 32 : index
            %get3A_597 = tpu.vector_load %arg8[%get3A_595, %get3A_596] {strides = array<i32>} : memref<144x128xbf16, #tpu.memory_space<vmem>>, vector<32xbf16>,
            %bitcast3A_598 = vector.bitcast %get3A_597 : vector<32xbf16> to vector<16xi32>
            %shift_left3A_599 = arith.constant 16 : i32
            %shift_left3A_600 = vector.broadcast %shift_left3A_599 : i32 to vector<16xi32>
            %shift_left3A_601 = arith.shli %bitcast3A_598, %shift_left3A_600 : vector<16xi32>
            %bitcast3A_602 = vector.bitcast %shift_left3A_601 : vector<16xi32> to vector<16xf32>
            %and3A_603 = arith.andi %bitcast3A_598, %broadcast_in_dim3A_7 : vector<16xi32>
            %bitcast3A_604 = vector.bitcast %and3A_603 : vector<16xi32> to vector<16xf32>
            %add3A_605 = arith.addf %while3A_579, %bitcast3A_602 : vector<16xf32>
            %add3A_606 = arith.addf %while3A_580, %bitcast3A_604 : vector<16xf32>
            %get3A_607 = arith.index_cast %while3A_576 : i32 to index
            %get3A_608 = arith.constant 64 : index
            %get3A_609 = tpu.vector_load %arg8[%get3A_607, %get3A_608] {strides = array<i32>} : memref<144x128xbf16, #tpu.memory_space<vmem>>, vector<32xbf16>,
            %bitcast3A_610 = vector.bitcast %get3A_609 : vector<32xbf16> to vector<16xi32>
            %shift_left3A_611 = arith.constant 16 : i32
            %shift_left3A_612 = vector.broadcast %shift_left3A_611 : i32 to vector<16xi32>
            %shift_left3A_613 = arith.shli %bitcast3A_610, %shift_left3A_612 : vector<16xi32>
            %bitcast3A_614 = vector.bitcast %shift_left3A_613 : vector<16xi32> to vector<16xf32>
            %and3A_615 = arith.andi %bitcast3A_610, %broadcast_in_dim3A_7 : vector<16xi32>
            %bitcast3A_616 = vector.bitcast %and3A_615 : vector<16xi32> to vector<16xf32>
            %add3A_617 = arith.addf %while3A_581, %bitcast3A_614 : vector<16xf32>
            %add3A_618 = arith.addf %while3A_582, %bitcast3A_616 : vector<16xf32>
            %get3A_619 = arith.index_cast %while3A_576 : i32 to index
            %get3A_620 = arith.constant 96 : index
            %get3A_621 = tpu.vector_load %arg8[%get3A_619, %get3A_620] {strides = array<i32>} : memref<144x128xbf16, #tpu.memory_space<vmem>>, vector<32xbf16>,
            %bitcast3A_622 = vector.bitcast %get3A_621 : vector<32xbf16> to vector<16xi32>
            %shift_left3A_623 = arith.constant 16 : i32
            %shift_left3A_624 = vector.broadcast %shift_left3A_623 : i32 to vector<16xi32>
            %shift_left3A_625 = arith.shli %bitcast3A_622, %shift_left3A_624 : vector<16xi32>
            %bitcast3A_626 = vector.bitcast %shift_left3A_625 : vector<16xi32> to vector<16xf32>
            %and3A_627 = arith.andi %bitcast3A_622, %broadcast_in_dim3A_7 : vector<16xi32>
            %bitcast3A_628 = vector.bitcast %and3A_627 : vector<16xi32> to vector<16xf32>
            %add3A_629 = arith.addf %while3A_583, %bitcast3A_626 : vector<16xf32>
            %add3A_630 = arith.addf %while3A_584, %bitcast3A_628 : vector<16xf32>
            scf.yield %add3A_593, %add3A_594, %add3A_605, %add3A_606, %add3A_617, %add3A_618, %add3A_629, %add3A_630 : vector<16xf32>, vector<16xf32>, vector<16xf32>, vector<16xf32>, vector<16xf32>, vector<16xf32>, vector<16xf32>, vector<16xf32>
          }
          %while3A_574 = arith.constant 1 : i32
          %while3A_575:8 = scf.for %while3A_576 = %while3A_571 to %while3A_567 step %while3A_574 iter_args(%while3A_577 = %while3A_573#0, %while3A_578 = %while3A_573#1, %while3A_579 = %while3A_573#2, %while3A_580 = %while3A_573#3, %while3A_581 = %while3A_573#4, %while3A_582 = %while3A_573#5, %while3A_583 = %while3A_573#6, %while3A_584 = %while3A_573#7) -> (vector<16xf32>, vector<16xf32>, vector<16xf32>, vector<16xf32>, vector<16xf32>, vector<16xf32>, vector<16xf32>, vector<16xf32>)  : i32 {
            %get3A_585 = arith.index_cast %while3A_576 : i32 to index
            %get3A_586 = arith.constant 0 : index
            %get3A_587 = tpu.vector_load %arg8[%get3A_585, %get3A_586] {strides = array<i32>} : memref<144x128xbf16, #tpu.memory_space<vmem>>, vector<32xbf16>,
            %bitcast3A = vector.bitcast %get3A_587 : vector<32xbf16> to vector<16xi32>
            %shift_left3A = arith.constant 16 : i32
            %shift_left3A_588 = vector.broadcast %shift_left3A : i32 to vector<16xi32>
            %shift_left3A_589 = arith.shli %bitcast3A, %shift_left3A_588 : vector<16xi32>
            %bitcast3A_590 = vector.bitcast %shift_left3A_589 : vector<16xi32> to vector<16xf32>
            %and3A_591 = arith.andi %bitcast3A, %broadcast_in_dim3A_7 : vector<16xi32>
            %bitcast3A_592 = vector.bitcast %and3A_591 : vector<16xi32> to vector<16xf32>
            %add3A_593 = arith.addf %while3A_577, %bitcast3A_590 : vector<16xf32>
            %add3A_594 = arith.addf %while3A_578, %bitcast3A_592 : vector<16xf32>
            %get3A_595 = arith.index_cast %while3A_576 : i32 to index
            %get3A_596 = arith.constant 32 : index
            %get3A_597 = tpu.vector_load %arg8[%get3A_595, %get3A_596] {strides = array<i32>} : memref<144x128xbf16, #tpu.memory_space<vmem>>, vector<32xbf16>,
            %bitcast3A_598 = vector.bitcast %get3A_597 : vector<32xbf16> to vector<16xi32>
            %shift_left3A_599 = arith.constant 16 : i32
            %shift_left3A_600 = vector.broadcast %shift_left3A_599 : i32 to vector<16xi32>
            %shift_left3A_601 = arith.shli %bitcast3A_598, %shift_left3A_600 : vector<16xi32>
            %bitcast3A_602 = vector.bitcast %shift_left3A_601 : vector<16xi32> to vector<16xf32>
            %and3A_603 = arith.andi %bitcast3A_598, %broadcast_in_dim3A_7 : vector<16xi32>
            %bitcast3A_604 = vector.bitcast %and3A_603 : vector<16xi32> to vector<16xf32>
            %add3A_605 = arith.addf %while3A_579, %bitcast3A_602 : vector<16xf32>
            %add3A_606 = arith.addf %while3A_580, %bitcast3A_604 : vector<16xf32>
            %get3A_607 = arith.index_cast %while3A_576 : i32 to index
            %get3A_608 = arith.constant 64 : index
            %get3A_609 = tpu.vector_load %arg8[%get3A_607, %get3A_608] {strides = array<i32>} : memref<144x128xbf16, #tpu.memory_space<vmem>>, vector<32xbf16>,
            %bitcast3A_610 = vector.bitcast %get3A_609 : vector<32xbf16> to vector<16xi32>
            %shift_left3A_611 = arith.constant 16 : i32
            %shift_left3A_612 = vector.broadcast %shift_left3A_611 : i32 to vector<16xi32>
            %shift_left3A_613 = arith.shli %bitcast3A_610, %shift_left3A_612 : vector<16xi32>
            %bitcast3A_614 = vector.bitcast %shift_left3A_613 : vector<16xi32> to vector<16xf32>
            %and3A_615 = arith.andi %bitcast3A_610, %broadcast_in_dim3A_7 : vector<16xi32>
            %bitcast3A_616 = vector.bitcast %and3A_615 : vector<16xi32> to vector<16xf32>
            %add3A_617 = arith.addf %while3A_581, %bitcast3A_614 : vector<16xf32>
            %add3A_618 = arith.addf %while3A_582, %bitcast3A_616 : vector<16xf32>
            %get3A_619 = arith.index_cast %while3A_576 : i32 to index
            %get3A_620 = arith.constant 96 : index
            %get3A_621 = tpu.vector_load %arg8[%get3A_619, %get3A_620] {strides = array<i32>} : memref<144x128xbf16, #tpu.memory_space<vmem>>, vector<32xbf16>,
            %bitcast3A_622 = vector.bitcast %get3A_621 : vector<32xbf16> to vector<16xi32>
            %shift_left3A_623 = arith.constant 16 : i32
            %shift_left3A_624 = vector.broadcast %shift_left3A_623 : i32 to vector<16xi32>
            %shift_left3A_625 = arith.shli %bitcast3A_622, %shift_left3A_624 : vector<16xi32>
            %bitcast3A_626 = vector.bitcast %shift_left3A_625 : vector<16xi32> to vector<16xf32>
            %and3A_627 = arith.andi %bitcast3A_622, %broadcast_in_dim3A_7 : vector<16xi32>
            %bitcast3A_628 = vector.bitcast %and3A_627 : vector<16xi32> to vector<16xf32>
            %add3A_629 = arith.addf %while3A_583, %bitcast3A_626 : vector<16xf32>
            %add3A_630 = arith.addf %while3A_584, %bitcast3A_628 : vector<16xf32>
            scf.yield %add3A_593, %add3A_594, %add3A_605, %add3A_606, %add3A_617, %add3A_618, %add3A_629, %add3A_630 : vector<16xf32>, vector<16xf32>, vector<16xf32>, vector<16xf32>, vector<16xf32>, vector<16xf32>, vector<16xf32>, vector<16xf32>
          }
          scf.yield %while3A_575#0, %while3A_575#1, %while3A_575#2, %while3A_575#3, %while3A_575#4, %while3A_575#5, %while3A_575#6, %while3A_575#7 : vector<16xf32>, vector<16xf32>, vector<16xf32>, vector<16xf32>, vector<16xf32>, vector<16xf32>, vector<16xf32>, vector<16xf32>
        }
        %while3A_298 = arith.constant 1 : i32
        %while3A_299:8 = scf.for %while3A_494 = %while3A_295 to %while3A_291 step %while3A_298 iter_args(%while3A_495 = %while3A_297#0, %while3A_496 = %while3A_297#1, %while3A_497 = %while3A_297#2, %while3A_498 = %while3A_297#3, %while3A_499 = %while3A_297#4, %while3A_500 = %while3A_297#5, %while3A_501 = %while3A_297#6, %while3A_502 = %while3A_297#7) -> (vector<16xf32>, vector<16xf32>, vector<16xf32>, vector<16xf32>, vector<16xf32>, vector<16xf32>, vector<16xf32>, vector<16xf32>)  : i32 {
          %mul3A_503 = arith.muli %while3A_494, %while3A_287 : i32
          %add3A_504 = arith.addi %while3A_288, %mul3A_503 : i32
          %add3A_505 = arith.constant 1 : i32
          %add3A_506 = arith.addi %add3A_504, %add3A_505 : i32
          %mul3A_507 = arith.constant 144 : i32
          %mul3A_508 = arith.muli %add3A_506, %mul3A_507 : i32
          %add3A_509 = arith.addi %select_n3A_187, %mul3A_508 : i32
          %sub3A_510 = arith.subi %select_n3A_207, %add3A_509 : i32
          %min3A_511 = arith.constant 144 : i32
          %min3A_512 = arith.minsi %sub3A_510, %min3A_511 : i32
          %add3A_513 = arith.constant 15 : i32
          %add3A_514 = arith.addi %min3A_512, %add3A_513 : i32
          %shift_right_arithmetic3A_515 = arith.constant 4 : i32
          %shift_right_arithmetic3A_516 = arith.shrsi %add3A_514, %shift_right_arithmetic3A_515 : i32
          %sub3A_517 = arith.constant 0 : i32
          %sub3A_518 = arith.subi %shift_right_arithmetic3A_516, %sub3A_517 : i32
          %sub3A_519 = arith.constant 1 : i32
          %sub3A_520 = arith.constant 1 : i32
          %sub3A_521 = arith.subi %sub3A_519, %sub3A_520 : i32
          %add3A_522 = arith.addi %sub3A_518, %sub3A_521 : i32
          %div3A_523 = arith.constant 1 : i32
          %div3A_524 = arith.divsi %add3A_522, %div3A_523 : i32
          %while3A_525 = arith.constant 1 : i32
          %while3A_526 = arith.constant 0 : i32
          %while3A_527 = arith.constant 0 : i32
          %while3A_528 = arith.subi %div3A_524, %while3A_527 : i32
          %while3A_529 = arith.addi %while3A_527, %while3A_528 : i32
          %while3A_530 = arith.constant 1 : i32
          %while3A_531 = arith.divsi %while3A_528, %while3A_530 : i32
          %while3A_532 = arith.muli %while3A_531, %while3A_530 : i32
          %while3A_533 = arith.addi %while3A_527, %while3A_532 : i32
          %while3A_534 = arith.constant 1 : i32
          scf.for %while3A_576 = %while3A_527 to %while3A_533 step %while3A_534  : i32 {
            %mul3A_577 = arith.muli %while3A_576, %while3A_525 : i32
            %add3A_578 = arith.addi %while3A_526, %mul3A_577 : i32
            %mul3A_579 = arith.constant 16 : i32
            %mul3A_580 = arith.muli %add3A_578, %mul3A_579 : i32
            %add3A_581 = arith.addi %add3A_509, %mul3A_580 : i32
            %get3A_582 = arith.index_cast %add3A_158 : i32 to index
            %get3A_583 = arith.index_cast %add3A_581 : i32 to index
            %get3A_584 = tpu.vector_load %arg5[%get3A_582, %get3A_583] {strides = array<i32>} : memref<129x208xi32, #tpu.memory_space<vmem>>, vector<16xi32>,
            %add3A_585 = arith.addi %get3A_584, %broadcast_in_dim3A_5 : vector<16xi32>
            %mul3A_586 = arith.constant 16 : i32
            %mul3A_587 = arith.muli %add3A_578, %mul3A_586 : i32
            %dma_start3A = arith.constant 0 : i32
            %dma_start3A_588 = tpu.memref_slice %arg8[%mul3A_587, %dma_start3A] : memref<144x128xbf16, #tpu.memory_space<vmem>> -> memref<16x128xbf16, #tpu.memory_space<vmem>>
            %dma_start3A_589 = arith.constant 0 : i32
            %dma_start3A_590 = arith.constant 0 : i32
            %dma_start3A_591 = tpu.memref_slice %arg11[%dma_start3A_589, %dma_start3A_590] : memref<16384x128xbf16, #tpu.memory_space<vmem_shared>> -> memref<16384x128xbf16, #tpu.memory_space<vmem_shared>>
            tpu.enqueue_indirect_dma source(%dma_start3A_591 : memref<16384x128xbf16, #tpu.memory_space<vmem_shared>>) target(%dma_start3A_588 : memref<16x128xbf16, #tpu.memory_space<vmem>>) offsets(%add3A_585 : vector<16xi32>) semaphore(%arg13 : memref<!tpu.dma_semaphore, #tpu.memory_space<semaphore_mem>>)
          }
          %while3A_535 = arith.constant 1 : i32
          scf.for %while3A_576 = %while3A_533 to %while3A_529 step %while3A_535  : i32 {
            %mul3A_577 = arith.muli %while3A_576, %while3A_525 : i32
            %add3A_578 = arith.addi %while3A_526, %mul3A_577 : i32
            %mul3A_579 = arith.constant 16 : i32
            %mul3A_580 = arith.muli %add3A_578, %mul3A_579 : i32
            %add3A_581 = arith.addi %add3A_509, %mul3A_580 : i32
            %get3A_582 = arith.index_cast %add3A_158 : i32 to index
            %get3A_583 = arith.index_cast %add3A_581 : i32 to index
            %get3A_584 = tpu.vector_load %arg5[%get3A_582, %get3A_583] {strides = array<i32>} : memref<129x208xi32, #tpu.memory_space<vmem>>, vector<16xi32>,
            %add3A_585 = arith.addi %get3A_584, %broadcast_in_dim3A_5 : vector<16xi32>
            %mul3A_586 = arith.constant 16 : i32
            %mul3A_587 = arith.muli %add3A_578, %mul3A_586 : i32
            %dma_start3A = arith.constant 0 : i32
            %dma_start3A_588 = tpu.memref_slice %arg8[%mul3A_587, %dma_start3A] : memref<144x128xbf16, #tpu.memory_space<vmem>> -> memref<16x128xbf16, #tpu.memory_space<vmem>>
            %dma_start3A_589 = arith.constant 0 : i32
            %dma_start3A_590 = arith.constant 0 : i32
            %dma_start3A_591 = tpu.memref_slice %arg11[%dma_start3A_589, %dma_start3A_590] : memref<16384x128xbf16, #tpu.memory_space<vmem_shared>> -> memref<16384x128xbf16, #tpu.memory_space<vmem_shared>>
            tpu.enqueue_indirect_dma source(%dma_start3A_591 : memref<16384x128xbf16, #tpu.memory_space<vmem_shared>>) target(%dma_start3A_588 : memref<16x128xbf16, #tpu.memory_space<vmem>>) offsets(%add3A_585 : vector<16xi32>) semaphore(%arg13 : memref<!tpu.dma_semaphore, #tpu.memory_space<semaphore_mem>>)
          }
          %sub3A_536 = arith.subi %select_n3A_207, %add3A_509 : i32
          %min3A_537 = arith.constant 144 : i32
          %min3A_538 = arith.minsi %sub3A_536, %min3A_537 : i32
          %add3A_539 = arith.constant 15 : i32
          %add3A_540 = arith.addi %min3A_538, %add3A_539 : i32
          %shift_right_arithmetic3A_541 = arith.constant 4 : i32
          %shift_right_arithmetic3A_542 = arith.shrsi %add3A_540, %shift_right_arithmetic3A_541 : i32
          %sub3A_543 = arith.constant 0 : i32
          %sub3A_544 = arith.subi %shift_right_arithmetic3A_542, %sub3A_543 : i32
          %sub3A_545 = arith.constant 1 : i32
          %sub3A_546 = arith.constant 1 : i32
          %sub3A_547 = arith.subi %sub3A_545, %sub3A_546 : i32
          %add3A_548 = arith.addi %sub3A_544, %sub3A_547 : i32
          %div3A_549 = arith.constant 1 : i32
          %div3A_550 = arith.divsi %add3A_548, %div3A_549 : i32
          %while3A_551 = arith.constant 1 : i32
          %while3A_552 = arith.constant 0 : i32
          %while3A_553 = arith.constant 0 : i32
          %while3A_554 = arith.subi %div3A_550, %while3A_553 : i32
          %while3A_555 = arith.addi %while3A_553, %while3A_554 : i32
          %while3A_556 = arith.constant 1 : i32
          %while3A_557 = arith.divsi %while3A_554, %while3A_556 : i32
          %while3A_558 = arith.muli %while3A_557, %while3A_556 : i32
          %while3A_559 = arith.addi %while3A_553, %while3A_558 : i32
          %while3A_560 = arith.constant 1 : i32
          scf.for %while3A_576 = %while3A_553 to %while3A_559 step %while3A_560  : i32 {
            %mul3A_577 = arith.muli %while3A_576, %while3A_551 : i32
            %add3A_578 = arith.addi %while3A_552, %mul3A_577 : i32
            %dma_wait3A = arith.constant 0 : i32
            %dma_wait3A_579 = arith.constant 0 : i32
            %dma_wait3A_580 = tpu.memref_slice %arg8[%dma_wait3A, %dma_wait3A_579] : memref<144x128xbf16, #tpu.memory_space<vmem>> -> memref<16x128xbf16, #tpu.memory_space<vmem>>
            %dma_wait3A_581 = arith.constant 0 : i32
            %dma_wait3A_582 = arith.constant 0 : i32
            %dma_wait3A_583 = tpu.memref_slice %arg11[%dma_wait3A_581, %dma_wait3A_582] : memref<16384x128xbf16, #tpu.memory_space<vmem_shared>> -> memref<16384x128xbf16, #tpu.memory_space<vmem_shared>>
            tpu.wait_indirect_dma semaphore(%arg13 : memref<!tpu.dma_semaphore, #tpu.memory_space<semaphore_mem>>) src(%dma_wait3A_583 : memref<16384x128xbf16, #tpu.memory_space<vmem_shared>>) dst(%dma_wait3A_580 : memref<16x128xbf16, #tpu.memory_space<vmem>>)
          }
          %while3A_561 = arith.constant 1 : i32
          scf.for %while3A_576 = %while3A_559 to %while3A_555 step %while3A_561  : i32 {
            %mul3A_577 = arith.muli %while3A_576, %while3A_551 : i32
            %add3A_578 = arith.addi %while3A_552, %mul3A_577 : i32
            %dma_wait3A = arith.constant 0 : i32
            %dma_wait3A_579 = arith.constant 0 : i32
            %dma_wait3A_580 = tpu.memref_slice %arg8[%dma_wait3A, %dma_wait3A_579] : memref<144x128xbf16, #tpu.memory_space<vmem>> -> memref<16x128xbf16, #tpu.memory_space<vmem>>
            %dma_wait3A_581 = arith.constant 0 : i32
            %dma_wait3A_582 = arith.constant 0 : i32
            %dma_wait3A_583 = tpu.memref_slice %arg11[%dma_wait3A_581, %dma_wait3A_582] : memref<16384x128xbf16, #tpu.memory_space<vmem_shared>> -> memref<16384x128xbf16, #tpu.memory_space<vmem_shared>>
            tpu.wait_indirect_dma semaphore(%arg13 : memref<!tpu.dma_semaphore, #tpu.memory_space<semaphore_mem>>) src(%dma_wait3A_583 : memref<16384x128xbf16, #tpu.memory_space<vmem_shared>>) dst(%dma_wait3A_580 : memref<16x128xbf16, #tpu.memory_space<vmem>>)
          }
          %sub3A_562 = arith.subi %select_n3A_207, %add3A_509 : i32
          %min3A_563 = arith.constant 144 : i32
          %min3A_564 = arith.minsi %sub3A_562, %min3A_563 : i32
          %while3A_565 = arith.constant 0 : i32
          %while3A_566 = arith.subi %min3A_564, %while3A_565 : i32
          %while3A_567 = arith.addi %while3A_565, %while3A_566 : i32
          %while3A_568 = arith.constant 1 : i32
          %while3A_569 = arith.divsi %while3A_566, %while3A_568 : i32
          %while3A_570 = arith.muli %while3A_569, %while3A_568 : i32
          %while3A_571 = arith.addi %while3A_565, %while3A_570 : i32
          %while3A_572 = arith.constant 1 : i32
          %while3A_573:8 = scf.for %while3A_576 = %while3A_565 to %while3A_571 step %while3A_572 iter_args(%while3A_577 = %while3A_495, %while3A_578 = %while3A_496, %while3A_579 = %while3A_497, %while3A_580 = %while3A_498, %while3A_581 = %while3A_499, %while3A_582 = %while3A_500, %while3A_583 = %while3A_501, %while3A_584 = %while3A_502) -> (vector<16xf32>, vector<16xf32>, vector<16xf32>, vector<16xf32>, vector<16xf32>, vector<16xf32>, vector<16xf32>, vector<16xf32>)  : i32 {
            %get3A_585 = arith.index_cast %while3A_576 : i32 to index
            %get3A_586 = arith.constant 0 : index
            %get3A_587 = tpu.vector_load %arg8[%get3A_585, %get3A_586] {strides = array<i32>} : memref<144x128xbf16, #tpu.memory_space<vmem>>, vector<32xbf16>,
            %bitcast3A = vector.bitcast %get3A_587 : vector<32xbf16> to vector<16xi32>
            %shift_left3A = arith.constant 16 : i32
            %shift_left3A_588 = vector.broadcast %shift_left3A : i32 to vector<16xi32>
            %shift_left3A_589 = arith.shli %bitcast3A, %shift_left3A_588 : vector<16xi32>
            %bitcast3A_590 = vector.bitcast %shift_left3A_589 : vector<16xi32> to vector<16xf32>
            %and3A_591 = arith.andi %bitcast3A, %broadcast_in_dim3A_7 : vector<16xi32>
            %bitcast3A_592 = vector.bitcast %and3A_591 : vector<16xi32> to vector<16xf32>
            %add3A_593 = arith.addf %while3A_577, %bitcast3A_590 : vector<16xf32>
            %add3A_594 = arith.addf %while3A_578, %bitcast3A_592 : vector<16xf32>
            %get3A_595 = arith.index_cast %while3A_576 : i32 to index
            %get3A_596 = arith.constant 32 : index
            %get3A_597 = tpu.vector_load %arg8[%get3A_595, %get3A_596] {strides = array<i32>} : memref<144x128xbf16, #tpu.memory_space<vmem>>, vector<32xbf16>,
            %bitcast3A_598 = vector.bitcast %get3A_597 : vector<32xbf16> to vector<16xi32>
            %shift_left3A_599 = arith.constant 16 : i32
            %shift_left3A_600 = vector.broadcast %shift_left3A_599 : i32 to vector<16xi32>
            %shift_left3A_601 = arith.shli %bitcast3A_598, %shift_left3A_600 : vector<16xi32>
            %bitcast3A_602 = vector.bitcast %shift_left3A_601 : vector<16xi32> to vector<16xf32>
            %and3A_603 = arith.andi %bitcast3A_598, %broadcast_in_dim3A_7 : vector<16xi32>
            %bitcast3A_604 = vector.bitcast %and3A_603 : vector<16xi32> to vector<16xf32>
            %add3A_605 = arith.addf %while3A_579, %bitcast3A_602 : vector<16xf32>
            %add3A_606 = arith.addf %while3A_580, %bitcast3A_604 : vector<16xf32>
            %get3A_607 = arith.index_cast %while3A_576 : i32 to index
            %get3A_608 = arith.constant 64 : index
            %get3A_609 = tpu.vector_load %arg8[%get3A_607, %get3A_608] {strides = array<i32>} : memref<144x128xbf16, #tpu.memory_space<vmem>>, vector<32xbf16>,
            %bitcast3A_610 = vector.bitcast %get3A_609 : vector<32xbf16> to vector<16xi32>
            %shift_left3A_611 = arith.constant 16 : i32
            %shift_left3A_612 = vector.broadcast %shift_left3A_611 : i32 to vector<16xi32>
            %shift_left3A_613 = arith.shli %bitcast3A_610, %shift_left3A_612 : vector<16xi32>
            %bitcast3A_614 = vector.bitcast %shift_left3A_613 : vector<16xi32> to vector<16xf32>
            %and3A_615 = arith.andi %bitcast3A_610, %broadcast_in_dim3A_7 : vector<16xi32>
            %bitcast3A_616 = vector.bitcast %and3A_615 : vector<16xi32> to vector<16xf32>
            %add3A_617 = arith.addf %while3A_581, %bitcast3A_614 : vector<16xf32>
            %add3A_618 = arith.addf %while3A_582, %bitcast3A_616 : vector<16xf32>
            %get3A_619 = arith.index_cast %while3A_576 : i32 to index
            %get3A_620 = arith.constant 96 : index
            %get3A_621 = tpu.vector_load %arg8[%get3A_619, %get3A_620] {strides = array<i32>} : memref<144x128xbf16, #tpu.memory_space<vmem>>, vector<32xbf16>,
            %bitcast3A_622 = vector.bitcast %get3A_621 : vector<32xbf16> to vector<16xi32>
            %shift_left3A_623 = arith.constant 16 : i32
            %shift_left3A_624 = vector.broadcast %shift_left3A_623 : i32 to vector<16xi32>
            %shift_left3A_625 = arith.shli %bitcast3A_622, %shift_left3A_624 : vector<16xi32>
            %bitcast3A_626 = vector.bitcast %shift_left3A_625 : vector<16xi32> to vector<16xf32>
            %and3A_627 = arith.andi %bitcast3A_622, %broadcast_in_dim3A_7 : vector<16xi32>
            %bitcast3A_628 = vector.bitcast %and3A_627 : vector<16xi32> to vector<16xf32>
            %add3A_629 = arith.addf %while3A_583, %bitcast3A_626 : vector<16xf32>
            %add3A_630 = arith.addf %while3A_584, %bitcast3A_628 : vector<16xf32>
            scf.yield %add3A_593, %add3A_594, %add3A_605, %add3A_606, %add3A_617, %add3A_618, %add3A_629, %add3A_630 : vector<16xf32>, vector<16xf32>, vector<16xf32>, vector<16xf32>, vector<16xf32>, vector<16xf32>, vector<16xf32>, vector<16xf32>
          }
          %while3A_574 = arith.constant 1 : i32
          %while3A_575:8 = scf.for %while3A_576 = %while3A_571 to %while3A_567 step %while3A_574 iter_args(%while3A_577 = %while3A_573#0, %while3A_578 = %while3A_573#1, %while3A_579 = %while3A_573#2, %while3A_580 = %while3A_573#3, %while3A_581 = %while3A_573#4, %while3A_582 = %while3A_573#5, %while3A_583 = %while3A_573#6, %while3A_584 = %while3A_573#7) -> (vector<16xf32>, vector<16xf32>, vector<16xf32>, vector<16xf32>, vector<16xf32>, vector<16xf32>, vector<16xf32>, vector<16xf32>)  : i32 {
            %get3A_585 = arith.index_cast %while3A_576 : i32 to index
            %get3A_586 = arith.constant 0 : index
            %get3A_587 = tpu.vector_load %arg8[%get3A_585, %get3A_586] {strides = array<i32>} : memref<144x128xbf16, #tpu.memory_space<vmem>>, vector<32xbf16>,
            %bitcast3A = vector.bitcast %get3A_587 : vector<32xbf16> to vector<16xi32>
            %shift_left3A = arith.constant 16 : i32
            %shift_left3A_588 = vector.broadcast %shift_left3A : i32 to vector<16xi32>
            %shift_left3A_589 = arith.shli %bitcast3A, %shift_left3A_588 : vector<16xi32>
            %bitcast3A_590 = vector.bitcast %shift_left3A_589 : vector<16xi32> to vector<16xf32>
            %and3A_591 = arith.andi %bitcast3A, %broadcast_in_dim3A_7 : vector<16xi32>
            %bitcast3A_592 = vector.bitcast %and3A_591 : vector<16xi32> to vector<16xf32>
            %add3A_593 = arith.addf %while3A_577, %bitcast3A_590 : vector<16xf32>
            %add3A_594 = arith.addf %while3A_578, %bitcast3A_592 : vector<16xf32>
            %get3A_595 = arith.index_cast %while3A_576 : i32 to index
            %get3A_596 = arith.constant 32 : index
            %get3A_597 = tpu.vector_load %arg8[%get3A_595, %get3A_596] {strides = array<i32>} : memref<144x128xbf16, #tpu.memory_space<vmem>>, vector<32xbf16>,
            %bitcast3A_598 = vector.bitcast %get3A_597 : vector<32xbf16> to vector<16xi32>
            %shift_left3A_599 = arith.constant 16 : i32
            %shift_left3A_600 = vector.broadcast %shift_left3A_599 : i32 to vector<16xi32>
            %shift_left3A_601 = arith.shli %bitcast3A_598, %shift_left3A_600 : vector<16xi32>
            %bitcast3A_602 = vector.bitcast %shift_left3A_601 : vector<16xi32> to vector<16xf32>
            %and3A_603 = arith.andi %bitcast3A_598, %broadcast_in_dim3A_7 : vector<16xi32>
            %bitcast3A_604 = vector.bitcast %and3A_603 : vector<16xi32> to vector<16xf32>
            %add3A_605 = arith.addf %while3A_579, %bitcast3A_602 : vector<16xf32>
            %add3A_606 = arith.addf %while3A_580, %bitcast3A_604 : vector<16xf32>
            %get3A_607 = arith.index_cast %while3A_576 : i32 to index
            %get3A_608 = arith.constant 64 : index
            %get3A_609 = tpu.vector_load %arg8[%get3A_607, %get3A_608] {strides = array<i32>} : memref<144x128xbf16, #tpu.memory_space<vmem>>, vector<32xbf16>,
            %bitcast3A_610 = vector.bitcast %get3A_609 : vector<32xbf16> to vector<16xi32>
            %shift_left3A_611 = arith.constant 16 : i32
            %shift_left3A_612 = vector.broadcast %shift_left3A_611 : i32 to vector<16xi32>
            %shift_left3A_613 = arith.shli %bitcast3A_610, %shift_left3A_612 : vector<16xi32>
            %bitcast3A_614 = vector.bitcast %shift_left3A_613 : vector<16xi32> to vector<16xf32>
            %and3A_615 = arith.andi %bitcast3A_610, %broadcast_in_dim3A_7 : vector<16xi32>
            %bitcast3A_616 = vector.bitcast %and3A_615 : vector<16xi32> to vector<16xf32>
            %add3A_617 = arith.addf %while3A_581, %bitcast3A_614 : vector<16xf32>
            %add3A_618 = arith.addf %while3A_582, %bitcast3A_616 : vector<16xf32>
            %get3A_619 = arith.index_cast %while3A_576 : i32 to index
            %get3A_620 = arith.constant 96 : index
            %get3A_621 = tpu.vector_load %arg8[%get3A_619, %get3A_620] {strides = array<i32>} : memref<144x128xbf16, #tpu.memory_space<vmem>>, vector<32xbf16>,
            %bitcast3A_622 = vector.bitcast %get3A_621 : vector<32xbf16> to vector<16xi32>
            %shift_left3A_623 = arith.constant 16 : i32
            %shift_left3A_624 = vector.broadcast %shift_left3A_623 : i32 to vector<16xi32>
            %shift_left3A_625 = arith.shli %bitcast3A_622, %shift_left3A_624 : vector<16xi32>
            %bitcast3A_626 = vector.bitcast %shift_left3A_625 : vector<16xi32> to vector<16xf32>
            %and3A_627 = arith.andi %bitcast3A_622, %broadcast_in_dim3A_7 : vector<16xi32>
            %bitcast3A_628 = vector.bitcast %and3A_627 : vector<16xi32> to vector<16xf32>
            %add3A_629 = arith.addf %while3A_583, %bitcast3A_626 : vector<16xf32>
            %add3A_630 = arith.addf %while3A_584, %bitcast3A_628 : vector<16xf32>
            scf.yield %add3A_593, %add3A_594, %add3A_605, %add3A_606, %add3A_617, %add3A_618, %add3A_629, %add3A_630 : vector<16xf32>, vector<16xf32>, vector<16xf32>, vector<16xf32>, vector<16xf32>, vector<16xf32>, vector<16xf32>, vector<16xf32>
          }
          scf.yield %while3A_575#0, %while3A_575#1, %while3A_575#2, %while3A_575#3, %while3A_575#4, %while3A_575#5, %while3A_575#6, %while3A_575#7 : vector<16xf32>, vector<16xf32>, vector<16xf32>, vector<16xf32>, vector<16xf32>, vector<16xf32>, vector<16xf32>, vector<16xf32>
        }
        %swap3A_300 = arith.index_cast %add3A_158 : i32 to index
        %swap3A_301 = arith.constant 0 : index
        %swap3A_302 = tpu.vector_load %arg10[%swap3A_300, %swap3A_301] {strides = array<i32>} : memref<128x128xf32, #tpu.memory_space<vmem>>, vector<16xf32>,
        tpu.vector_store %arg10[%swap3A_300, %swap3A_301], %while3A_299#0 {strides = array<i32>} : memref<128x128xf32, #tpu.memory_space<vmem>>, vector<16xf32>,
        %swap3A_303 = arith.index_cast %add3A_158 : i32 to index
        %swap3A_304 = arith.constant 16 : index
        %swap3A_305 = tpu.vector_load %arg10[%swap3A_303, %swap3A_304] {strides = array<i32>} : memref<128x128xf32, #tpu.memory_space<vmem>>, vector<16xf32>,
        tpu.vector_store %arg10[%swap3A_303, %swap3A_304], %while3A_299#1 {strides = array<i32>} : memref<128x128xf32, #tpu.memory_space<vmem>>, vector<16xf32>,
        %swap3A_306 = arith.index_cast %add3A_158 : i32 to index
        %swap3A_307 = arith.constant 32 : index
        %swap3A_308 = tpu.vector_load %arg10[%swap3A_306, %swap3A_307] {strides = array<i32>} : memref<128x128xf32, #tpu.memory_space<vmem>>, vector<16xf32>,
        tpu.vector_store %arg10[%swap3A_306, %swap3A_307], %while3A_299#2 {strides = array<i32>} : memref<128x128xf32, #tpu.memory_space<vmem>>, vector<16xf32>,
        %swap3A_309 = arith.index_cast %add3A_158 : i32 to index
        %swap3A_310 = arith.constant 48 : index
        %swap3A_311 = tpu.vector_load %arg10[%swap3A_309, %swap3A_310] {strides = array<i32>} : memref<128x128xf32, #tpu.memory_space<vmem>>, vector<16xf32>,
        tpu.vector_store %arg10[%swap3A_309, %swap3A_310], %while3A_299#3 {strides = array<i32>} : memref<128x128xf32, #tpu.memory_space<vmem>>, vector<16xf32>,
        %swap3A_312 = arith.index_cast %add3A_158 : i32 to index
        %swap3A_313 = arith.constant 64 : index
        %swap3A_314 = tpu.vector_load %arg10[%swap3A_312, %swap3A_313] {strides = array<i32>} : memref<128x128xf32, #tpu.memory_space<vmem>>, vector<16xf32>,
        tpu.vector_store %arg10[%swap3A_312, %swap3A_313], %while3A_299#4 {strides = array<i32>} : memref<128x128xf32, #tpu.memory_space<vmem>>, vector<16xf32>,
        %swap3A_315 = arith.index_cast %add3A_158 : i32 to index
        %swap3A_316 = arith.constant 80 : index
        %swap3A_317 = tpu.vector_load %arg10[%swap3A_315, %swap3A_316] {strides = array<i32>} : memref<128x128xf32, #tpu.memory_space<vmem>>, vector<16xf32>,
        tpu.vector_store %arg10[%swap3A_315, %swap3A_316], %while3A_299#5 {strides = array<i32>} : memref<128x128xf32, #tpu.memory_space<vmem>>, vector<16xf32>,
        %swap3A_318 = arith.index_cast %add3A_158 : i32 to index
        %swap3A_319 = arith.constant 96 : index
        %swap3A_320 = tpu.vector_load %arg10[%swap3A_318, %swap3A_319] {strides = array<i32>} : memref<128x128xf32, #tpu.memory_space<vmem>>, vector<16xf32>,
        tpu.vector_store %arg10[%swap3A_318, %swap3A_319], %while3A_299#6 {strides = array<i32>} : memref<128x128xf32, #tpu.memory_space<vmem>>, vector<16xf32>,
        %swap3A_321 = arith.index_cast %add3A_158 : i32 to index
        %swap3A_322 = arith.constant 112 : index
        %swap3A_323 = tpu.vector_load %arg10[%swap3A_321, %swap3A_322] {strides = array<i32>} : memref<128x128xf32, #tpu.memory_space<vmem>>, vector<16xf32>,
        tpu.vector_store %arg10[%swap3A_321, %swap3A_322], %while3A_299#7 {strides = array<i32>} : memref<128x128xf32, #tpu.memory_space<vmem>>, vector<16xf32>,
        %mul3A_324 = arith.constant 2 : i32
        %mul3A_325 = arith.muli %add3A_154, %mul3A_324 : i32
        %add3A_326 = arith.constant 1 : i32
        %add3A_327 = arith.addi %mul3A_325, %add3A_326 : i32
        %add3A_328 = arith.constant 1 : i32
        %add3A_329 = arith.addi %add3A_327, %add3A_328 : i32
        %lt3A_330 = arith.constant 128 : i32
        %lt3A_331 = arith.cmpi slt, %add3A_329, %lt3A_330 : i32
        %convert_element_type3A_332 = arith.extui %lt3A_331 : i1 to i32
        %cond3A_333 = arith.constant 0 : i32
        %cond3A_334 = arith.cmpi ne, %convert_element_type3A_332, %cond3A_333 : i32
        scf.if %cond3A_334 {
          %add3A_494 = arith.constant 1 : i32
          %add3A_495 = arith.addi %add3A_327, %add3A_494 : i32
          %sub3A_496 = arith.constant 1 : i32
          %sub3A_497 = arith.subi %add3A_81, %sub3A_496 : i32
          %max3A_498 = arith.constant 0 : i32
          %max3A_499 = arith.maxsi %sub3A_497, %max3A_498 : i32
          %mul3A_500 = arith.constant 4 : i32
          %mul3A_501 = arith.muli %add3A_495, %mul3A_500 : i32
          %shift_right_arithmetic3A_502 = arith.constant 2 : i32
          %shift_right_arithmetic3A_503 = arith.shrsi %max3A_499, %shift_right_arithmetic3A_502 : i32
          %add3A_504 = arith.addi %mul3A_501, %shift_right_arithmetic3A_503 : i32
          %get3A_505 = arith.index_cast %add3A_504 : i32 to index
          %get3A_506 = memref.load %arg12[%get3A_505] : memref<512xi32, #tpu.memory_space<smem>>
          %and3A_507 = arith.constant 3 : i32
          %and3A_508 = arith.andi %max3A_499, %and3A_507 : i32
          %mul3A_509 = arith.constant 8 : i32
          %mul3A_510 = arith.muli %mul3A_509, %and3A_508 : i32
          %shift_right_arithmetic3A_511 = arith.shrsi %get3A_506, %mul3A_510 : i32
          %and3A_512 = arith.constant 255 : i32
          %and3A_513 = arith.andi %shift_right_arithmetic3A_511, %and3A_512 : i32
          %eq3A_514 = arith.constant 0 : i32
          %eq3A_515 = arith.cmpi eq, %add3A_81, %eq3A_514 : i32
          %jit3A_516 = arith.constant 0 : i32
          %select_n3A_517 = arith.select %eq3A_515, %jit3A_516, %and3A_513 : i32
          %min3A_518 = arith.constant 5 : i32
          %min3A_519 = arith.minsi %add3A_81, %min3A_518 : i32
          %mul3A_520 = arith.constant 4 : i32
          %mul3A_521 = arith.muli %add3A_495, %mul3A_520 : i32
          %shift_right_arithmetic3A_522 = arith.constant 2 : i32
          %shift_right_arithmetic3A_523 = arith.shrsi %min3A_519, %shift_right_arithmetic3A_522 : i32
          %add3A_524 = arith.addi %mul3A_521, %shift_right_arithmetic3A_523 : i32
          %get3A_525 = arith.index_cast %add3A_524 : i32 to index
          %get3A_526 = memref.load %arg12[%get3A_525] : memref<512xi32, #tpu.memory_space<smem>>
          %and3A_527 = arith.constant 3 : i32
          %and3A_528 = arith.andi %min3A_519, %and3A_527 : i32
          %mul3A_529 = arith.constant 8 : i32
          %mul3A_530 = arith.muli %mul3A_529, %and3A_528 : i32
          %shift_right_arithmetic3A_531 = arith.shrsi %get3A_526, %mul3A_530 : i32
          %and3A_532 = arith.constant 255 : i32
          %and3A_533 = arith.andi %shift_right_arithmetic3A_531, %and3A_532 : i32
          %eq3A_534 = arith.constant 6 : i32
          %eq3A_535 = arith.cmpi eq, %add3A_81, %eq3A_534 : i32
          %jit3A_536 = arith.constant 208 : i32
          %select_n3A_537 = arith.select %eq3A_535, %jit3A_536, %and3A_533 : i32
          %sub3A_538 = arith.subi %select_n3A_537, %select_n3A_517 : i32
          %min3A_539 = arith.constant 144 : i32
          %min3A_540 = arith.minsi %sub3A_538, %min3A_539 : i32
          %add3A_541 = arith.constant 15 : i32
          %add3A_542 = arith.addi %min3A_540, %add3A_541 : i32
          %shift_right_arithmetic3A_543 = arith.constant 4 : i32
          %shift_right_arithmetic3A_544 = arith.shrsi %add3A_542, %shift_right_arithmetic3A_543 : i32
          %sub3A_545 = arith.constant 0 : i32
          %sub3A_546 = arith.subi %shift_right_arithmetic3A_544, %sub3A_545 : i32
          %sub3A_547 = arith.constant 1 : i32
          %sub3A_548 = arith.constant 1 : i32
          %sub3A_549 = arith.subi %sub3A_547, %sub3A_548 : i32
          %add3A_550 = arith.addi %sub3A_546, %sub3A_549 : i32
          %div3A_551 = arith.constant 1 : i32
          %div3A_552 = arith.divsi %add3A_550, %div3A_551 : i32
          %while3A_553 = arith.constant 1 : i32
          %while3A_554 = arith.constant 0 : i32
          %while3A_555 = arith.constant 0 : i32
          %while3A_556 = arith.subi %div3A_552, %while3A_555 : i32
          %while3A_557 = arith.addi %while3A_555, %while3A_556 : i32
          %while3A_558 = arith.constant 1 : i32
          %while3A_559 = arith.divsi %while3A_556, %while3A_558 : i32
          %while3A_560 = arith.muli %while3A_559, %while3A_558 : i32
          %while3A_561 = arith.addi %while3A_555, %while3A_560 : i32
          %while3A_562 = arith.constant 1 : i32
          scf.for %while3A_564 = %while3A_555 to %while3A_561 step %while3A_562  : i32 {
            %mul3A_565 = arith.muli %while3A_564, %while3A_553 : i32
            %add3A_566 = arith.addi %while3A_554, %mul3A_565 : i32
            %mul3A_567 = arith.constant 16 : i32
            %mul3A_568 = arith.muli %add3A_566, %mul3A_567 : i32
            %add3A_569 = arith.addi %select_n3A_517, %mul3A_568 : i32
            %get3A_570 = arith.index_cast %add3A_495 : i32 to index
            %get3A_571 = arith.index_cast %add3A_569 : i32 to index
            %get3A_572 = tpu.vector_load %arg5[%get3A_570, %get3A_571] {strides = array<i32>} : memref<129x208xi32, #tpu.memory_space<vmem>>, vector<16xi32>,
            %add3A_573 = arith.addi %get3A_572, %broadcast_in_dim3A_5 : vector<16xi32>
            %mul3A_574 = arith.constant 16 : i32
            %mul3A_575 = arith.muli %add3A_566, %mul3A_574 : i32
            %dma_start3A = arith.constant 0 : i32
            %dma_start3A_576 = tpu.memref_slice %arg8[%mul3A_575, %dma_start3A] : memref<144x128xbf16, #tpu.memory_space<vmem>> -> memref<16x128xbf16, #tpu.memory_space<vmem>>
            %dma_start3A_577 = arith.constant 0 : i32
            %dma_start3A_578 = arith.constant 0 : i32
            %dma_start3A_579 = tpu.memref_slice %arg11[%dma_start3A_577, %dma_start3A_578] : memref<16384x128xbf16, #tpu.memory_space<vmem_shared>> -> memref<16384x128xbf16, #tpu.memory_space<vmem_shared>>
            tpu.enqueue_indirect_dma source(%dma_start3A_579 : memref<16384x128xbf16, #tpu.memory_space<vmem_shared>>) target(%dma_start3A_576 : memref<16x128xbf16, #tpu.memory_space<vmem>>) offsets(%add3A_573 : vector<16xi32>) semaphore(%arg13 : memref<!tpu.dma_semaphore, #tpu.memory_space<semaphore_mem>>)
          }
          %while3A_563 = arith.constant 1 : i32
          scf.for %while3A_564 = %while3A_561 to %while3A_557 step %while3A_563  : i32 {
            %mul3A_565 = arith.muli %while3A_564, %while3A_553 : i32
            %add3A_566 = arith.addi %while3A_554, %mul3A_565 : i32
            %mul3A_567 = arith.constant 16 : i32
            %mul3A_568 = arith.muli %add3A_566, %mul3A_567 : i32
            %add3A_569 = arith.addi %select_n3A_517, %mul3A_568 : i32
            %get3A_570 = arith.index_cast %add3A_495 : i32 to index
            %get3A_571 = arith.index_cast %add3A_569 : i32 to index
            %get3A_572 = tpu.vector_load %arg5[%get3A_570, %get3A_571] {strides = array<i32>} : memref<129x208xi32, #tpu.memory_space<vmem>>, vector<16xi32>,
            %add3A_573 = arith.addi %get3A_572, %broadcast_in_dim3A_5 : vector<16xi32>
            %mul3A_574 = arith.constant 16 : i32
            %mul3A_575 = arith.muli %add3A_566, %mul3A_574 : i32
            %dma_start3A = arith.constant 0 : i32
            %dma_start3A_576 = tpu.memref_slice %arg8[%mul3A_575, %dma_start3A] : memref<144x128xbf16, #tpu.memory_space<vmem>> -> memref<16x128xbf16, #tpu.memory_space<vmem>>
            %dma_start3A_577 = arith.constant 0 : i32
            %dma_start3A_578 = arith.constant 0 : i32
            %dma_start3A_579 = tpu.memref_slice %arg11[%dma_start3A_577, %dma_start3A_578] : memref<16384x128xbf16, #tpu.memory_space<vmem_shared>> -> memref<16384x128xbf16, #tpu.memory_space<vmem_shared>>
            tpu.enqueue_indirect_dma source(%dma_start3A_579 : memref<16384x128xbf16, #tpu.memory_space<vmem_shared>>) target(%dma_start3A_576 : memref<16x128xbf16, #tpu.memory_space<vmem>>) offsets(%add3A_573 : vector<16xi32>) semaphore(%arg13 : memref<!tpu.dma_semaphore, #tpu.memory_space<semaphore_mem>>)
          }
        } else {
        }
        %sub3A_335 = arith.constant 1 : i32
        %sub3A_336 = arith.subi %add3A_81, %sub3A_335 : i32
        %max3A_337 = arith.constant 0 : i32
        %max3A_338 = arith.maxsi %sub3A_336, %max3A_337 : i32
        %mul3A_339 = arith.constant 4 : i32
        %mul3A_340 = arith.muli %add3A_327, %mul3A_339 : i32
        %shift_right_arithmetic3A_341 = arith.constant 2 : i32
        %shift_right_arithmetic3A_342 = arith.shrsi %max3A_338, %shift_right_arithmetic3A_341 : i32
        %add3A_343 = arith.addi %mul3A_340, %shift_right_arithmetic3A_342 : i32
        %get3A_344 = arith.index_cast %add3A_343 : i32 to index
        %get3A_345 = memref.load %arg12[%get3A_344] : memref<512xi32, #tpu.memory_space<smem>>
        %and3A_346 = arith.constant 3 : i32
        %and3A_347 = arith.andi %max3A_338, %and3A_346 : i32
        %mul3A_348 = arith.constant 8 : i32
        %mul3A_349 = arith.muli %mul3A_348, %and3A_347 : i32
        %shift_right_arithmetic3A_350 = arith.shrsi %get3A_345, %mul3A_349 : i32
        %and3A_351 = arith.constant 255 : i32
        %and3A_352 = arith.andi %shift_right_arithmetic3A_350, %and3A_351 : i32
        %eq3A_353 = arith.constant 0 : i32
        %eq3A_354 = arith.cmpi eq, %add3A_81, %eq3A_353 : i32
        %jit3A_355 = arith.constant 0 : i32
        %select_n3A_356 = arith.select %eq3A_354, %jit3A_355, %and3A_352 : i32
        %min3A_357 = arith.constant 5 : i32
        %min3A_358 = arith.minsi %add3A_81, %min3A_357 : i32
        %mul3A_359 = arith.constant 4 : i32
        %mul3A_360 = arith.muli %add3A_327, %mul3A_359 : i32
        %shift_right_arithmetic3A_361 = arith.constant 2 : i32
        %shift_right_arithmetic3A_362 = arith.shrsi %min3A_358, %shift_right_arithmetic3A_361 : i32
        %add3A_363 = arith.addi %mul3A_360, %shift_right_arithmetic3A_362 : i32
        %get3A_364 = arith.index_cast %add3A_363 : i32 to index
        %get3A_365 = memref.load %arg12[%get3A_364] : memref<512xi32, #tpu.memory_space<smem>>
        %and3A_366 = arith.constant 3 : i32
        %and3A_367 = arith.andi %min3A_358, %and3A_366 : i32
        %mul3A_368 = arith.constant 8 : i32
        %mul3A_369 = arith.muli %mul3A_368, %and3A_367 : i32
        %shift_right_arithmetic3A_370 = arith.shrsi %get3A_365, %mul3A_369 : i32
        %and3A_371 = arith.constant 255 : i32
        %and3A_372 = arith.andi %shift_right_arithmetic3A_370, %and3A_371 : i32
        %eq3A_373 = arith.constant 6 : i32
        %eq3A_374 = arith.cmpi eq, %add3A_81, %eq3A_373 : i32
        %jit3A_375 = arith.constant 208 : i32
        %select_n3A_376 = arith.select %eq3A_374, %jit3A_375, %and3A_372 : i32
        %sub3A_377 = arith.subi %select_n3A_376, %select_n3A_356 : i32
        %min3A_378 = arith.constant 144 : i32
        %min3A_379 = arith.minsi %sub3A_377, %min3A_378 : i32
        %add3A_380 = arith.constant 15 : i32
        %add3A_381 = arith.addi %min3A_379, %add3A_380 : i32
        %shift_right_arithmetic3A_382 = arith.constant 4 : i32
        %shift_right_arithmetic3A_383 = arith.shrsi %add3A_381, %shift_right_arithmetic3A_382 : i32
        %sub3A_384 = arith.constant 0 : i32
        %sub3A_385 = arith.subi %shift_right_arithmetic3A_383, %sub3A_384 : i32
        %sub3A_386 = arith.constant 1 : i32
        %sub3A_387 = arith.constant 1 : i32
        %sub3A_388 = arith.subi %sub3A_386, %sub3A_387 : i32
        %add3A_389 = arith.addi %sub3A_385, %sub3A_388 : i32
        %div3A_390 = arith.constant 1 : i32
        %div3A_391 = arith.divsi %add3A_389, %div3A_390 : i32
        %while3A_392 = arith.constant 1 : i32
        %while3A_393 = arith.constant 0 : i32
        %while3A_394 = arith.constant 0 : i32
        %while3A_395 = arith.subi %div3A_391, %while3A_394 : i32
        %while3A_396 = arith.addi %while3A_394, %while3A_395 : i32
        %while3A_397 = arith.constant 1 : i32
        %while3A_398 = arith.divsi %while3A_395, %while3A_397 : i32
        %while3A_399 = arith.muli %while3A_398, %while3A_397 : i32
        %while3A_400 = arith.addi %while3A_394, %while3A_399 : i32
        %while3A_401 = arith.constant 1 : i32
        scf.for %while3A_494 = %while3A_394 to %while3A_400 step %while3A_401  : i32 {
          %mul3A_495 = arith.muli %while3A_494, %while3A_392 : i32
          %add3A_496 = arith.addi %while3A_393, %mul3A_495 : i32
          %dma_wait3A = arith.constant 0 : i32
          %dma_wait3A_497 = arith.constant 0 : i32
          %dma_wait3A_498 = tpu.memref_slice %arg9[%dma_wait3A, %dma_wait3A_497] : memref<144x128xbf16, #tpu.memory_space<vmem>> -> memref<16x128xbf16, #tpu.memory_space<vmem>>
          %dma_wait3A_499 = arith.constant 0 : i32
          %dma_wait3A_500 = arith.constant 0 : i32
          %dma_wait3A_501 = tpu.memref_slice %arg11[%dma_wait3A_499, %dma_wait3A_500] : memref<16384x128xbf16, #tpu.memory_space<vmem_shared>> -> memref<16384x128xbf16, #tpu.memory_space<vmem_shared>>
          tpu.wait_indirect_dma semaphore(%arg14 : memref<!tpu.dma_semaphore, #tpu.memory_space<semaphore_mem>>) src(%dma_wait3A_501 : memref<16384x128xbf16, #tpu.memory_space<vmem_shared>>) dst(%dma_wait3A_498 : memref<16x128xbf16, #tpu.memory_space<vmem>>)
        }
        %while3A_402 = arith.constant 1 : i32
        scf.for %while3A_494 = %while3A_400 to %while3A_396 step %while3A_402  : i32 {
          %mul3A_495 = arith.muli %while3A_494, %while3A_392 : i32
          %add3A_496 = arith.addi %while3A_393, %mul3A_495 : i32
          %dma_wait3A = arith.constant 0 : i32
          %dma_wait3A_497 = arith.constant 0 : i32
          %dma_wait3A_498 = tpu.memref_slice %arg9[%dma_wait3A, %dma_wait3A_497] : memref<144x128xbf16, #tpu.memory_space<vmem>> -> memref<16x128xbf16, #tpu.memory_space<vmem>>
          %dma_wait3A_499 = arith.constant 0 : i32
          %dma_wait3A_500 = arith.constant 0 : i32
          %dma_wait3A_501 = tpu.memref_slice %arg11[%dma_wait3A_499, %dma_wait3A_500] : memref<16384x128xbf16, #tpu.memory_space<vmem_shared>> -> memref<16384x128xbf16, #tpu.memory_space<vmem_shared>>
          tpu.wait_indirect_dma semaphore(%arg14 : memref<!tpu.dma_semaphore, #tpu.memory_space<semaphore_mem>>) src(%dma_wait3A_501 : memref<16384x128xbf16, #tpu.memory_space<vmem_shared>>) dst(%dma_wait3A_498 : memref<16x128xbf16, #tpu.memory_space<vmem>>)
        }
        %get3A_403 = arith.index_cast %add3A_327 : i32 to index
        %get3A_404 = arith.constant 0 : index
        %get3A_405 = tpu.vector_load %arg10[%get3A_403, %get3A_404] {strides = array<i32>} : memref<128x128xf32, #tpu.memory_space<vmem>>, vector<16xf32>,
        %get3A_406 = arith.index_cast %add3A_327 : i32 to index
        %get3A_407 = arith.constant 16 : index
        %get3A_408 = tpu.vector_load %arg10[%get3A_406, %get3A_407] {strides = array<i32>} : memref<128x128xf32, #tpu.memory_space<vmem>>, vector<16xf32>,
        %get3A_409 = arith.index_cast %add3A_327 : i32 to index
        %get3A_410 = arith.constant 32 : index
        %get3A_411 = tpu.vector_load %arg10[%get3A_409, %get3A_410] {strides = array<i32>} : memref<128x128xf32, #tpu.memory_space<vmem>>, vector<16xf32>,
        %get3A_412 = arith.index_cast %add3A_327 : i32 to index
        %get3A_413 = arith.constant 48 : index
        %get3A_414 = tpu.vector_load %arg10[%get3A_412, %get3A_413] {strides = array<i32>} : memref<128x128xf32, #tpu.memory_space<vmem>>, vector<16xf32>,
        %get3A_415 = arith.index_cast %add3A_327 : i32 to index
        %get3A_416 = arith.constant 64 : index
        %get3A_417 = tpu.vector_load %arg10[%get3A_415, %get3A_416] {strides = array<i32>} : memref<128x128xf32, #tpu.memory_space<vmem>>, vector<16xf32>,
        %get3A_418 = arith.index_cast %add3A_327 : i32 to index
        %get3A_419 = arith.constant 80 : index
        %get3A_420 = tpu.vector_load %arg10[%get3A_418, %get3A_419] {strides = array<i32>} : memref<128x128xf32, #tpu.memory_space<vmem>>, vector<16xf32>,
        %get3A_421 = arith.index_cast %add3A_327 : i32 to index
        %get3A_422 = arith.constant 96 : index
        %get3A_423 = tpu.vector_load %arg10[%get3A_421, %get3A_422] {strides = array<i32>} : memref<128x128xf32, #tpu.memory_space<vmem>>, vector<16xf32>,
        %get3A_424 = arith.index_cast %add3A_327 : i32 to index
        %get3A_425 = arith.constant 112 : index
        %get3A_426 = tpu.vector_load %arg10[%get3A_424, %get3A_425] {strides = array<i32>} : memref<128x128xf32, #tpu.memory_space<vmem>>, vector<16xf32>,
        %sub3A_427 = arith.subi %select_n3A_376, %select_n3A_356 : i32
        %min3A_428 = arith.constant 144 : i32
        %min3A_429 = arith.minsi %sub3A_427, %min3A_428 : i32
        %while3A_430 = arith.constant 0 : i32
        %while3A_431 = arith.subi %min3A_429, %while3A_430 : i32
        %while3A_432 = arith.addi %while3A_430, %while3A_431 : i32
        %while3A_433 = arith.constant 1 : i32
        %while3A_434 = arith.divsi %while3A_431, %while3A_433 : i32
        %while3A_435 = arith.muli %while3A_434, %while3A_433 : i32
        %while3A_436 = arith.addi %while3A_430, %while3A_435 : i32
        %while3A_437 = arith.constant 1 : i32
        %while3A_438:8 = scf.for %while3A_494 = %while3A_430 to %while3A_436 step %while3A_437 iter_args(%while3A_495 = %get3A_405, %while3A_496 = %get3A_408, %while3A_497 = %get3A_411, %while3A_498 = %get3A_414, %while3A_499 = %get3A_417, %while3A_500 = %get3A_420, %while3A_501 = %get3A_423, %while3A_502 = %get3A_426) -> (vector<16xf32>, vector<16xf32>, vector<16xf32>, vector<16xf32>, vector<16xf32>, vector<16xf32>, vector<16xf32>, vector<16xf32>)  : i32 {
          %get3A_503 = arith.index_cast %while3A_494 : i32 to index
          %get3A_504 = arith.constant 0 : index
          %get3A_505 = tpu.vector_load %arg9[%get3A_503, %get3A_504] {strides = array<i32>} : memref<144x128xbf16, #tpu.memory_space<vmem>>, vector<32xbf16>,
          %bitcast3A = vector.bitcast %get3A_505 : vector<32xbf16> to vector<16xi32>
          %shift_left3A = arith.constant 16 : i32
          %shift_left3A_506 = vector.broadcast %shift_left3A : i32 to vector<16xi32>
          %shift_left3A_507 = arith.shli %bitcast3A, %shift_left3A_506 : vector<16xi32>
          %bitcast3A_508 = vector.bitcast %shift_left3A_507 : vector<16xi32> to vector<16xf32>
          %and3A_509 = arith.andi %bitcast3A, %broadcast_in_dim3A_7 : vector<16xi32>
          %bitcast3A_510 = vector.bitcast %and3A_509 : vector<16xi32> to vector<16xf32>
          %add3A_511 = arith.addf %while3A_495, %bitcast3A_508 : vector<16xf32>
          %add3A_512 = arith.addf %while3A_496, %bitcast3A_510 : vector<16xf32>
          %get3A_513 = arith.index_cast %while3A_494 : i32 to index
          %get3A_514 = arith.constant 32 : index
          %get3A_515 = tpu.vector_load %arg9[%get3A_513, %get3A_514] {strides = array<i32>} : memref<144x128xbf16, #tpu.memory_space<vmem>>, vector<32xbf16>,
          %bitcast3A_516 = vector.bitcast %get3A_515 : vector<32xbf16> to vector<16xi32>
          %shift_left3A_517 = arith.constant 16 : i32
          %shift_left3A_518 = vector.broadcast %shift_left3A_517 : i32 to vector<16xi32>
          %shift_left3A_519 = arith.shli %bitcast3A_516, %shift_left3A_518 : vector<16xi32>
          %bitcast3A_520 = vector.bitcast %shift_left3A_519 : vector<16xi32> to vector<16xf32>
          %and3A_521 = arith.andi %bitcast3A_516, %broadcast_in_dim3A_7 : vector<16xi32>
          %bitcast3A_522 = vector.bitcast %and3A_521 : vector<16xi32> to vector<16xf32>
          %add3A_523 = arith.addf %while3A_497, %bitcast3A_520 : vector<16xf32>
          %add3A_524 = arith.addf %while3A_498, %bitcast3A_522 : vector<16xf32>
          %get3A_525 = arith.index_cast %while3A_494 : i32 to index
          %get3A_526 = arith.constant 64 : index
          %get3A_527 = tpu.vector_load %arg9[%get3A_525, %get3A_526] {strides = array<i32>} : memref<144x128xbf16, #tpu.memory_space<vmem>>, vector<32xbf16>,
          %bitcast3A_528 = vector.bitcast %get3A_527 : vector<32xbf16> to vector<16xi32>
          %shift_left3A_529 = arith.constant 16 : i32
          %shift_left3A_530 = vector.broadcast %shift_left3A_529 : i32 to vector<16xi32>
          %shift_left3A_531 = arith.shli %bitcast3A_528, %shift_left3A_530 : vector<16xi32>
          %bitcast3A_532 = vector.bitcast %shift_left3A_531 : vector<16xi32> to vector<16xf32>
          %and3A_533 = arith.andi %bitcast3A_528, %broadcast_in_dim3A_7 : vector<16xi32>
          %bitcast3A_534 = vector.bitcast %and3A_533 : vector<16xi32> to vector<16xf32>
          %add3A_535 = arith.addf %while3A_499, %bitcast3A_532 : vector<16xf32>
          %add3A_536 = arith.addf %while3A_500, %bitcast3A_534 : vector<16xf32>
          %get3A_537 = arith.index_cast %while3A_494 : i32 to index
          %get3A_538 = arith.constant 96 : index
          %get3A_539 = tpu.vector_load %arg9[%get3A_537, %get3A_538] {strides = array<i32>} : memref<144x128xbf16, #tpu.memory_space<vmem>>, vector<32xbf16>,
          %bitcast3A_540 = vector.bitcast %get3A_539 : vector<32xbf16> to vector<16xi32>
          %shift_left3A_541 = arith.constant 16 : i32
          %shift_left3A_542 = vector.broadcast %shift_left3A_541 : i32 to vector<16xi32>
          %shift_left3A_543 = arith.shli %bitcast3A_540, %shift_left3A_542 : vector<16xi32>
          %bitcast3A_544 = vector.bitcast %shift_left3A_543 : vector<16xi32> to vector<16xf32>
          %and3A_545 = arith.andi %bitcast3A_540, %broadcast_in_dim3A_7 : vector<16xi32>
          %bitcast3A_546 = vector.bitcast %and3A_545 : vector<16xi32> to vector<16xf32>
          %add3A_547 = arith.addf %while3A_501, %bitcast3A_544 : vector<16xf32>
          %add3A_548 = arith.addf %while3A_502, %bitcast3A_546 : vector<16xf32>
          scf.yield %add3A_511, %add3A_512, %add3A_523, %add3A_524, %add3A_535, %add3A_536, %add3A_547, %add3A_548 : vector<16xf32>, vector<16xf32>, vector<16xf32>, vector<16xf32>, vector<16xf32>, vector<16xf32>, vector<16xf32>, vector<16xf32>
        }
        %while3A_439 = arith.constant 1 : i32
        %while3A_440:8 = scf.for %while3A_494 = %while3A_436 to %while3A_432 step %while3A_439 iter_args(%while3A_495 = %while3A_438#0, %while3A_496 = %while3A_438#1, %while3A_497 = %while3A_438#2, %while3A_498 = %while3A_438#3, %while3A_499 = %while3A_438#4, %while3A_500 = %while3A_438#5, %while3A_501 = %while3A_438#6, %while3A_502 = %while3A_438#7) -> (vector<16xf32>, vector<16xf32>, vector<16xf32>, vector<16xf32>, vector<16xf32>, vector<16xf32>, vector<16xf32>, vector<16xf32>)  : i32 {
          %get3A_503 = arith.index_cast %while3A_494 : i32 to index
          %get3A_504 = arith.constant 0 : index
          %get3A_505 = tpu.vector_load %arg9[%get3A_503, %get3A_504] {strides = array<i32>} : memref<144x128xbf16, #tpu.memory_space<vmem>>, vector<32xbf16>,
          %bitcast3A = vector.bitcast %get3A_505 : vector<32xbf16> to vector<16xi32>
          %shift_left3A = arith.constant 16 : i32
          %shift_left3A_506 = vector.broadcast %shift_left3A : i32 to vector<16xi32>
          %shift_left3A_507 = arith.shli %bitcast3A, %shift_left3A_506 : vector<16xi32>
          %bitcast3A_508 = vector.bitcast %shift_left3A_507 : vector<16xi32> to vector<16xf32>
          %and3A_509 = arith.andi %bitcast3A, %broadcast_in_dim3A_7 : vector<16xi32>
          %bitcast3A_510 = vector.bitcast %and3A_509 : vector<16xi32> to vector<16xf32>
          %add3A_511 = arith.addf %while3A_495, %bitcast3A_508 : vector<16xf32>
          %add3A_512 = arith.addf %while3A_496, %bitcast3A_510 : vector<16xf32>
          %get3A_513 = arith.index_cast %while3A_494 : i32 to index
          %get3A_514 = arith.constant 32 : index
          %get3A_515 = tpu.vector_load %arg9[%get3A_513, %get3A_514] {strides = array<i32>} : memref<144x128xbf16, #tpu.memory_space<vmem>>, vector<32xbf16>,
          %bitcast3A_516 = vector.bitcast %get3A_515 : vector<32xbf16> to vector<16xi32>
          %shift_left3A_517 = arith.constant 16 : i32
          %shift_left3A_518 = vector.broadcast %shift_left3A_517 : i32 to vector<16xi32>
          %shift_left3A_519 = arith.shli %bitcast3A_516, %shift_left3A_518 : vector<16xi32>
          %bitcast3A_520 = vector.bitcast %shift_left3A_519 : vector<16xi32> to vector<16xf32>
          %and3A_521 = arith.andi %bitcast3A_516, %broadcast_in_dim3A_7 : vector<16xi32>
          %bitcast3A_522 = vector.bitcast %and3A_521 : vector<16xi32> to vector<16xf32>
          %add3A_523 = arith.addf %while3A_497, %bitcast3A_520 : vector<16xf32>
          %add3A_524 = arith.addf %while3A_498, %bitcast3A_522 : vector<16xf32>
          %get3A_525 = arith.index_cast %while3A_494 : i32 to index
          %get3A_526 = arith.constant 64 : index
          %get3A_527 = tpu.vector_load %arg9[%get3A_525, %get3A_526] {strides = array<i32>} : memref<144x128xbf16, #tpu.memory_space<vmem>>, vector<32xbf16>,
          %bitcast3A_528 = vector.bitcast %get3A_527 : vector<32xbf16> to vector<16xi32>
          %shift_left3A_529 = arith.constant 16 : i32
          %shift_left3A_530 = vector.broadcast %shift_left3A_529 : i32 to vector<16xi32>
          %shift_left3A_531 = arith.shli %bitcast3A_528, %shift_left3A_530 : vector<16xi32>
          %bitcast3A_532 = vector.bitcast %shift_left3A_531 : vector<16xi32> to vector<16xf32>
          %and3A_533 = arith.andi %bitcast3A_528, %broadcast_in_dim3A_7 : vector<16xi32>
          %bitcast3A_534 = vector.bitcast %and3A_533 : vector<16xi32> to vector<16xf32>
          %add3A_535 = arith.addf %while3A_499, %bitcast3A_532 : vector<16xf32>
          %add3A_536 = arith.addf %while3A_500, %bitcast3A_534 : vector<16xf32>
          %get3A_537 = arith.index_cast %while3A_494 : i32 to index
          %get3A_538 = arith.constant 96 : index
          %get3A_539 = tpu.vector_load %arg9[%get3A_537, %get3A_538] {strides = array<i32>} : memref<144x128xbf16, #tpu.memory_space<vmem>>, vector<32xbf16>,
          %bitcast3A_540 = vector.bitcast %get3A_539 : vector<32xbf16> to vector<16xi32>
          %shift_left3A_541 = arith.constant 16 : i32
          %shift_left3A_542 = vector.broadcast %shift_left3A_541 : i32 to vector<16xi32>
          %shift_left3A_543 = arith.shli %bitcast3A_540, %shift_left3A_542 : vector<16xi32>
          %bitcast3A_544 = vector.bitcast %shift_left3A_543 : vector<16xi32> to vector<16xf32>
          %and3A_545 = arith.andi %bitcast3A_540, %broadcast_in_dim3A_7 : vector<16xi32>
          %bitcast3A_546 = vector.bitcast %and3A_545 : vector<16xi32> to vector<16xf32>
          %add3A_547 = arith.addf %while3A_501, %bitcast3A_544 : vector<16xf32>
          %add3A_548 = arith.addf %while3A_502, %bitcast3A_546 : vector<16xf32>
          scf.yield %add3A_511, %add3A_512, %add3A_523, %add3A_524, %add3A_535, %add3A_536, %add3A_547, %add3A_548 : vector<16xf32>, vector<16xf32>, vector<16xf32>, vector<16xf32>, vector<16xf32>, vector<16xf32>, vector<16xf32>, vector<16xf32>
        }
        %sub3A_441 = arith.subi %select_n3A_376, %select_n3A_356 : i32
        %gt3A_442 = arith.constant 144 : i32
        %gt3A_443 = arith.cmpi sgt, %sub3A_441, %gt3A_442 : i32
        %jit3A_444 = arith.constant 1 : i32
        %jit3A_445 = arith.constant 0 : i32
        %select_n3A_446 = arith.select %gt3A_443, %jit3A_444, %jit3A_445 : i32
        %max3A_447 = arith.constant 0 : i32
        %max3A_448 = arith.maxsi %select_n3A_446, %max3A_447 : i32
        %sub3A_449 = arith.constant 0 : i32
        %sub3A_450 = arith.subi %max3A_448, %sub3A_449 : i32
        %sub3A_451 = arith.constant 1 : i32
        %sub3A_452 = arith.constant 1 : i32
        %sub3A_453 = arith.subi %sub3A_451, %sub3A_452 : i32
        %add3A_454 = arith.addi %sub3A_450, %sub3A_453 : i32
        %div3A_455 = arith.constant 1 : i32
        %div3A_456 = arith.divsi %add3A_454, %div3A_455 : i32
        %while3A_457 = arith.constant 1 : i32
        %while3A_458 = arith.constant 0 : i32
        %while3A_459 = arith.constant 0 : i32
        %while3A_460 = arith.subi %div3A_456, %while3A_459 : i32
        %while3A_461 = arith.addi %while3A_459, %while3A_460 : i32
        %while3A_462 = arith.constant 1 : i32
        %while3A_463 = arith.divsi %while3A_460, %while3A_462 : i32
        %while3A_464 = arith.muli %while3A_463, %while3A_462 : i32
        %while3A_465 = arith.addi %while3A_459, %while3A_464 : i32
        %while3A_466 = arith.constant 1 : i32
        %while3A_467:8 = scf.for %while3A_494 = %while3A_459 to %while3A_465 step %while3A_466 iter_args(%while3A_495 = %while3A_440#0, %while3A_496 = %while3A_440#1, %while3A_497 = %while3A_440#2, %while3A_498 = %while3A_440#3, %while3A_499 = %while3A_440#4, %while3A_500 = %while3A_440#5, %while3A_501 = %while3A_440#6, %while3A_502 = %while3A_440#7) -> (vector<16xf32>, vector<16xf32>, vector<16xf32>, vector<16xf32>, vector<16xf32>, vector<16xf32>, vector<16xf32>, vector<16xf32>)  : i32 {
          %mul3A_503 = arith.muli %while3A_494, %while3A_457 : i32
          %add3A_504 = arith.addi %while3A_458, %mul3A_503 : i32
          %add3A_505 = arith.constant 1 : i32
          %add3A_506 = arith.addi %add3A_504, %add3A_505 : i32
          %mul3A_507 = arith.constant 144 : i32
          %mul3A_508 = arith.muli %add3A_506, %mul3A_507 : i32
          %add3A_509 = arith.addi %select_n3A_356, %mul3A_508 : i32
          %sub3A_510 = arith.subi %select_n3A_376, %add3A_509 : i32
          %min3A_511 = arith.constant 144 : i32
          %min3A_512 = arith.minsi %sub3A_510, %min3A_511 : i32
          %add3A_513 = arith.constant 15 : i32
          %add3A_514 = arith.addi %min3A_512, %add3A_513 : i32
          %shift_right_arithmetic3A_515 = arith.constant 4 : i32
          %shift_right_arithmetic3A_516 = arith.shrsi %add3A_514, %shift_right_arithmetic3A_515 : i32
          %sub3A_517 = arith.constant 0 : i32
          %sub3A_518 = arith.subi %shift_right_arithmetic3A_516, %sub3A_517 : i32
          %sub3A_519 = arith.constant 1 : i32
          %sub3A_520 = arith.constant 1 : i32
          %sub3A_521 = arith.subi %sub3A_519, %sub3A_520 : i32
          %add3A_522 = arith.addi %sub3A_518, %sub3A_521 : i32
          %div3A_523 = arith.constant 1 : i32
          %div3A_524 = arith.divsi %add3A_522, %div3A_523 : i32
          %while3A_525 = arith.constant 1 : i32
          %while3A_526 = arith.constant 0 : i32
          %while3A_527 = arith.constant 0 : i32
          %while3A_528 = arith.subi %div3A_524, %while3A_527 : i32
          %while3A_529 = arith.addi %while3A_527, %while3A_528 : i32
          %while3A_530 = arith.constant 1 : i32
          %while3A_531 = arith.divsi %while3A_528, %while3A_530 : i32
          %while3A_532 = arith.muli %while3A_531, %while3A_530 : i32
          %while3A_533 = arith.addi %while3A_527, %while3A_532 : i32
          %while3A_534 = arith.constant 1 : i32
          scf.for %while3A_576 = %while3A_527 to %while3A_533 step %while3A_534  : i32 {
            %mul3A_577 = arith.muli %while3A_576, %while3A_525 : i32
            %add3A_578 = arith.addi %while3A_526, %mul3A_577 : i32
            %mul3A_579 = arith.constant 16 : i32
            %mul3A_580 = arith.muli %add3A_578, %mul3A_579 : i32
            %add3A_581 = arith.addi %add3A_509, %mul3A_580 : i32
            %get3A_582 = arith.index_cast %add3A_327 : i32 to index
            %get3A_583 = arith.index_cast %add3A_581 : i32 to index
            %get3A_584 = tpu.vector_load %arg5[%get3A_582, %get3A_583] {strides = array<i32>} : memref<129x208xi32, #tpu.memory_space<vmem>>, vector<16xi32>,
            %add3A_585 = arith.addi %get3A_584, %broadcast_in_dim3A_5 : vector<16xi32>
            %mul3A_586 = arith.constant 16 : i32
            %mul3A_587 = arith.muli %add3A_578, %mul3A_586 : i32
            %dma_start3A = arith.constant 0 : i32
            %dma_start3A_588 = tpu.memref_slice %arg9[%mul3A_587, %dma_start3A] : memref<144x128xbf16, #tpu.memory_space<vmem>> -> memref<16x128xbf16, #tpu.memory_space<vmem>>
            %dma_start3A_589 = arith.constant 0 : i32
            %dma_start3A_590 = arith.constant 0 : i32
            %dma_start3A_591 = tpu.memref_slice %arg11[%dma_start3A_589, %dma_start3A_590] : memref<16384x128xbf16, #tpu.memory_space<vmem_shared>> -> memref<16384x128xbf16, #tpu.memory_space<vmem_shared>>
            tpu.enqueue_indirect_dma source(%dma_start3A_591 : memref<16384x128xbf16, #tpu.memory_space<vmem_shared>>) target(%dma_start3A_588 : memref<16x128xbf16, #tpu.memory_space<vmem>>) offsets(%add3A_585 : vector<16xi32>) semaphore(%arg14 : memref<!tpu.dma_semaphore, #tpu.memory_space<semaphore_mem>>)
          }
          %while3A_535 = arith.constant 1 : i32
          scf.for %while3A_576 = %while3A_533 to %while3A_529 step %while3A_535  : i32 {
            %mul3A_577 = arith.muli %while3A_576, %while3A_525 : i32
            %add3A_578 = arith.addi %while3A_526, %mul3A_577 : i32
            %mul3A_579 = arith.constant 16 : i32
            %mul3A_580 = arith.muli %add3A_578, %mul3A_579 : i32
            %add3A_581 = arith.addi %add3A_509, %mul3A_580 : i32
            %get3A_582 = arith.index_cast %add3A_327 : i32 to index
            %get3A_583 = arith.index_cast %add3A_581 : i32 to index
            %get3A_584 = tpu.vector_load %arg5[%get3A_582, %get3A_583] {strides = array<i32>} : memref<129x208xi32, #tpu.memory_space<vmem>>, vector<16xi32>,
            %add3A_585 = arith.addi %get3A_584, %broadcast_in_dim3A_5 : vector<16xi32>
            %mul3A_586 = arith.constant 16 : i32
            %mul3A_587 = arith.muli %add3A_578, %mul3A_586 : i32
            %dma_start3A = arith.constant 0 : i32
            %dma_start3A_588 = tpu.memref_slice %arg9[%mul3A_587, %dma_start3A] : memref<144x128xbf16, #tpu.memory_space<vmem>> -> memref<16x128xbf16, #tpu.memory_space<vmem>>
            %dma_start3A_589 = arith.constant 0 : i32
            %dma_start3A_590 = arith.constant 0 : i32
            %dma_start3A_591 = tpu.memref_slice %arg11[%dma_start3A_589, %dma_start3A_590] : memref<16384x128xbf16, #tpu.memory_space<vmem_shared>> -> memref<16384x128xbf16, #tpu.memory_space<vmem_shared>>
            tpu.enqueue_indirect_dma source(%dma_start3A_591 : memref<16384x128xbf16, #tpu.memory_space<vmem_shared>>) target(%dma_start3A_588 : memref<16x128xbf16, #tpu.memory_space<vmem>>) offsets(%add3A_585 : vector<16xi32>) semaphore(%arg14 : memref<!tpu.dma_semaphore, #tpu.memory_space<semaphore_mem>>)
          }
          %sub3A_536 = arith.subi %select_n3A_376, %add3A_509 : i32
          %min3A_537 = arith.constant 144 : i32
          %min3A_538 = arith.minsi %sub3A_536, %min3A_537 : i32
          %add3A_539 = arith.constant 15 : i32
          %add3A_540 = arith.addi %min3A_538, %add3A_539 : i32
          %shift_right_arithmetic3A_541 = arith.constant 4 : i32
          %shift_right_arithmetic3A_542 = arith.shrsi %add3A_540, %shift_right_arithmetic3A_541 : i32
          %sub3A_543 = arith.constant 0 : i32
          %sub3A_544 = arith.subi %shift_right_arithmetic3A_542, %sub3A_543 : i32
          %sub3A_545 = arith.constant 1 : i32
          %sub3A_546 = arith.constant 1 : i32
          %sub3A_547 = arith.subi %sub3A_545, %sub3A_546 : i32
          %add3A_548 = arith.addi %sub3A_544, %sub3A_547 : i32
          %div3A_549 = arith.constant 1 : i32
          %div3A_550 = arith.divsi %add3A_548, %div3A_549 : i32
          %while3A_551 = arith.constant 1 : i32
          %while3A_552 = arith.constant 0 : i32
          %while3A_553 = arith.constant 0 : i32
          %while3A_554 = arith.subi %div3A_550, %while3A_553 : i32
          %while3A_555 = arith.addi %while3A_553, %while3A_554 : i32
          %while3A_556 = arith.constant 1 : i32
          %while3A_557 = arith.divsi %while3A_554, %while3A_556 : i32
          %while3A_558 = arith.muli %while3A_557, %while3A_556 : i32
          %while3A_559 = arith.addi %while3A_553, %while3A_558 : i32
          %while3A_560 = arith.constant 1 : i32
          scf.for %while3A_576 = %while3A_553 to %while3A_559 step %while3A_560  : i32 {
            %mul3A_577 = arith.muli %while3A_576, %while3A_551 : i32
            %add3A_578 = arith.addi %while3A_552, %mul3A_577 : i32
            %dma_wait3A = arith.constant 0 : i32
            %dma_wait3A_579 = arith.constant 0 : i32
            %dma_wait3A_580 = tpu.memref_slice %arg9[%dma_wait3A, %dma_wait3A_579] : memref<144x128xbf16, #tpu.memory_space<vmem>> -> memref<16x128xbf16, #tpu.memory_space<vmem>>
            %dma_wait3A_581 = arith.constant 0 : i32
            %dma_wait3A_582 = arith.constant 0 : i32
            %dma_wait3A_583 = tpu.memref_slice %arg11[%dma_wait3A_581, %dma_wait3A_582] : memref<16384x128xbf16, #tpu.memory_space<vmem_shared>> -> memref<16384x128xbf16, #tpu.memory_space<vmem_shared>>
            tpu.wait_indirect_dma semaphore(%arg14 : memref<!tpu.dma_semaphore, #tpu.memory_space<semaphore_mem>>) src(%dma_wait3A_583 : memref<16384x128xbf16, #tpu.memory_space<vmem_shared>>) dst(%dma_wait3A_580 : memref<16x128xbf16, #tpu.memory_space<vmem>>)
          }
          %while3A_561 = arith.constant 1 : i32
          scf.for %while3A_576 = %while3A_559 to %while3A_555 step %while3A_561  : i32 {
            %mul3A_577 = arith.muli %while3A_576, %while3A_551 : i32
            %add3A_578 = arith.addi %while3A_552, %mul3A_577 : i32
            %dma_wait3A = arith.constant 0 : i32
            %dma_wait3A_579 = arith.constant 0 : i32
            %dma_wait3A_580 = tpu.memref_slice %arg9[%dma_wait3A, %dma_wait3A_579] : memref<144x128xbf16, #tpu.memory_space<vmem>> -> memref<16x128xbf16, #tpu.memory_space<vmem>>
            %dma_wait3A_581 = arith.constant 0 : i32
            %dma_wait3A_582 = arith.constant 0 : i32
            %dma_wait3A_583 = tpu.memref_slice %arg11[%dma_wait3A_581, %dma_wait3A_582] : memref<16384x128xbf16, #tpu.memory_space<vmem_shared>> -> memref<16384x128xbf16, #tpu.memory_space<vmem_shared>>
            tpu.wait_indirect_dma semaphore(%arg14 : memref<!tpu.dma_semaphore, #tpu.memory_space<semaphore_mem>>) src(%dma_wait3A_583 : memref<16384x128xbf16, #tpu.memory_space<vmem_shared>>) dst(%dma_wait3A_580 : memref<16x128xbf16, #tpu.memory_space<vmem>>)
          }
          %sub3A_562 = arith.subi %select_n3A_376, %add3A_509 : i32
          %min3A_563 = arith.constant 144 : i32
          %min3A_564 = arith.minsi %sub3A_562, %min3A_563 : i32
          %while3A_565 = arith.constant 0 : i32
          %while3A_566 = arith.subi %min3A_564, %while3A_565 : i32
          %while3A_567 = arith.addi %while3A_565, %while3A_566 : i32
          %while3A_568 = arith.constant 1 : i32
          %while3A_569 = arith.divsi %while3A_566, %while3A_568 : i32
          %while3A_570 = arith.muli %while3A_569, %while3A_568 : i32
          %while3A_571 = arith.addi %while3A_565, %while3A_570 : i32
          %while3A_572 = arith.constant 1 : i32
          %while3A_573:8 = scf.for %while3A_576 = %while3A_565 to %while3A_571 step %while3A_572 iter_args(%while3A_577 = %while3A_495, %while3A_578 = %while3A_496, %while3A_579 = %while3A_497, %while3A_580 = %while3A_498, %while3A_581 = %while3A_499, %while3A_582 = %while3A_500, %while3A_583 = %while3A_501, %while3A_584 = %while3A_502) -> (vector<16xf32>, vector<16xf32>, vector<16xf32>, vector<16xf32>, vector<16xf32>, vector<16xf32>, vector<16xf32>, vector<16xf32>)  : i32 {
            %get3A_585 = arith.index_cast %while3A_576 : i32 to index
            %get3A_586 = arith.constant 0 : index
            %get3A_587 = tpu.vector_load %arg9[%get3A_585, %get3A_586] {strides = array<i32>} : memref<144x128xbf16, #tpu.memory_space<vmem>>, vector<32xbf16>,
            %bitcast3A = vector.bitcast %get3A_587 : vector<32xbf16> to vector<16xi32>
            %shift_left3A = arith.constant 16 : i32
            %shift_left3A_588 = vector.broadcast %shift_left3A : i32 to vector<16xi32>
            %shift_left3A_589 = arith.shli %bitcast3A, %shift_left3A_588 : vector<16xi32>
            %bitcast3A_590 = vector.bitcast %shift_left3A_589 : vector<16xi32> to vector<16xf32>
            %and3A_591 = arith.andi %bitcast3A, %broadcast_in_dim3A_7 : vector<16xi32>
            %bitcast3A_592 = vector.bitcast %and3A_591 : vector<16xi32> to vector<16xf32>
            %add3A_593 = arith.addf %while3A_577, %bitcast3A_590 : vector<16xf32>
            %add3A_594 = arith.addf %while3A_578, %bitcast3A_592 : vector<16xf32>
            %get3A_595 = arith.index_cast %while3A_576 : i32 to index
            %get3A_596 = arith.constant 32 : index
            %get3A_597 = tpu.vector_load %arg9[%get3A_595, %get3A_596] {strides = array<i32>} : memref<144x128xbf16, #tpu.memory_space<vmem>>, vector<32xbf16>,
            %bitcast3A_598 = vector.bitcast %get3A_597 : vector<32xbf16> to vector<16xi32>
            %shift_left3A_599 = arith.constant 16 : i32
            %shift_left3A_600 = vector.broadcast %shift_left3A_599 : i32 to vector<16xi32>
            %shift_left3A_601 = arith.shli %bitcast3A_598, %shift_left3A_600 : vector<16xi32>
            %bitcast3A_602 = vector.bitcast %shift_left3A_601 : vector<16xi32> to vector<16xf32>
            %and3A_603 = arith.andi %bitcast3A_598, %broadcast_in_dim3A_7 : vector<16xi32>
            %bitcast3A_604 = vector.bitcast %and3A_603 : vector<16xi32> to vector<16xf32>
            %add3A_605 = arith.addf %while3A_579, %bitcast3A_602 : vector<16xf32>
            %add3A_606 = arith.addf %while3A_580, %bitcast3A_604 : vector<16xf32>
            %get3A_607 = arith.index_cast %while3A_576 : i32 to index
            %get3A_608 = arith.constant 64 : index
            %get3A_609 = tpu.vector_load %arg9[%get3A_607, %get3A_608] {strides = array<i32>} : memref<144x128xbf16, #tpu.memory_space<vmem>>, vector<32xbf16>,
            %bitcast3A_610 = vector.bitcast %get3A_609 : vector<32xbf16> to vector<16xi32>
            %shift_left3A_611 = arith.constant 16 : i32
            %shift_left3A_612 = vector.broadcast %shift_left3A_611 : i32 to vector<16xi32>
            %shift_left3A_613 = arith.shli %bitcast3A_610, %shift_left3A_612 : vector<16xi32>
            %bitcast3A_614 = vector.bitcast %shift_left3A_613 : vector<16xi32> to vector<16xf32>
            %and3A_615 = arith.andi %bitcast3A_610, %broadcast_in_dim3A_7 : vector<16xi32>
            %bitcast3A_616 = vector.bitcast %and3A_615 : vector<16xi32> to vector<16xf32>
            %add3A_617 = arith.addf %while3A_581, %bitcast3A_614 : vector<16xf32>
            %add3A_618 = arith.addf %while3A_582, %bitcast3A_616 : vector<16xf32>
            %get3A_619 = arith.index_cast %while3A_576 : i32 to index
            %get3A_620 = arith.constant 96 : index
            %get3A_621 = tpu.vector_load %arg9[%get3A_619, %get3A_620] {strides = array<i32>} : memref<144x128xbf16, #tpu.memory_space<vmem>>, vector<32xbf16>,
            %bitcast3A_622 = vector.bitcast %get3A_621 : vector<32xbf16> to vector<16xi32>
            %shift_left3A_623 = arith.constant 16 : i32
            %shift_left3A_624 = vector.broadcast %shift_left3A_623 : i32 to vector<16xi32>
            %shift_left3A_625 = arith.shli %bitcast3A_622, %shift_left3A_624 : vector<16xi32>
            %bitcast3A_626 = vector.bitcast %shift_left3A_625 : vector<16xi32> to vector<16xf32>
            %and3A_627 = arith.andi %bitcast3A_622, %broadcast_in_dim3A_7 : vector<16xi32>
            %bitcast3A_628 = vector.bitcast %and3A_627 : vector<16xi32> to vector<16xf32>
            %add3A_629 = arith.addf %while3A_583, %bitcast3A_626 : vector<16xf32>
            %add3A_630 = arith.addf %while3A_584, %bitcast3A_628 : vector<16xf32>
            scf.yield %add3A_593, %add3A_594, %add3A_605, %add3A_606, %add3A_617, %add3A_618, %add3A_629, %add3A_630 : vector<16xf32>, vector<16xf32>, vector<16xf32>, vector<16xf32>, vector<16xf32>, vector<16xf32>, vector<16xf32>, vector<16xf32>
          }
          %while3A_574 = arith.constant 1 : i32
          %while3A_575:8 = scf.for %while3A_576 = %while3A_571 to %while3A_567 step %while3A_574 iter_args(%while3A_577 = %while3A_573#0, %while3A_578 = %while3A_573#1, %while3A_579 = %while3A_573#2, %while3A_580 = %while3A_573#3, %while3A_581 = %while3A_573#4, %while3A_582 = %while3A_573#5, %while3A_583 = %while3A_573#6, %while3A_584 = %while3A_573#7) -> (vector<16xf32>, vector<16xf32>, vector<16xf32>, vector<16xf32>, vector<16xf32>, vector<16xf32>, vector<16xf32>, vector<16xf32>)  : i32 {
            %get3A_585 = arith.index_cast %while3A_576 : i32 to index
            %get3A_586 = arith.constant 0 : index
            %get3A_587 = tpu.vector_load %arg9[%get3A_585, %get3A_586] {strides = array<i32>} : memref<144x128xbf16, #tpu.memory_space<vmem>>, vector<32xbf16>,
            %bitcast3A = vector.bitcast %get3A_587 : vector<32xbf16> to vector<16xi32>
            %shift_left3A = arith.constant 16 : i32
            %shift_left3A_588 = vector.broadcast %shift_left3A : i32 to vector<16xi32>
            %shift_left3A_589 = arith.shli %bitcast3A, %shift_left3A_588 : vector<16xi32>
            %bitcast3A_590 = vector.bitcast %shift_left3A_589 : vector<16xi32> to vector<16xf32>
            %and3A_591 = arith.andi %bitcast3A, %broadcast_in_dim3A_7 : vector<16xi32>
            %bitcast3A_592 = vector.bitcast %and3A_591 : vector<16xi32> to vector<16xf32>
            %add3A_593 = arith.addf %while3A_577, %bitcast3A_590 : vector<16xf32>
            %add3A_594 = arith.addf %while3A_578, %bitcast3A_592 : vector<16xf32>
            %get3A_595 = arith.index_cast %while3A_576 : i32 to index
            %get3A_596 = arith.constant 32 : index
            %get3A_597 = tpu.vector_load %arg9[%get3A_595, %get3A_596] {strides = array<i32>} : memref<144x128xbf16, #tpu.memory_space<vmem>>, vector<32xbf16>,
            %bitcast3A_598 = vector.bitcast %get3A_597 : vector<32xbf16> to vector<16xi32>
            %shift_left3A_599 = arith.constant 16 : i32
            %shift_left3A_600 = vector.broadcast %shift_left3A_599 : i32 to vector<16xi32>
            %shift_left3A_601 = arith.shli %bitcast3A_598, %shift_left3A_600 : vector<16xi32>
            %bitcast3A_602 = vector.bitcast %shift_left3A_601 : vector<16xi32> to vector<16xf32>
            %and3A_603 = arith.andi %bitcast3A_598, %broadcast_in_dim3A_7 : vector<16xi32>
            %bitcast3A_604 = vector.bitcast %and3A_603 : vector<16xi32> to vector<16xf32>
            %add3A_605 = arith.addf %while3A_579, %bitcast3A_602 : vector<16xf32>
            %add3A_606 = arith.addf %while3A_580, %bitcast3A_604 : vector<16xf32>
            %get3A_607 = arith.index_cast %while3A_576 : i32 to index
            %get3A_608 = arith.constant 64 : index
            %get3A_609 = tpu.vector_load %arg9[%get3A_607, %get3A_608] {strides = array<i32>} : memref<144x128xbf16, #tpu.memory_space<vmem>>, vector<32xbf16>,
            %bitcast3A_610 = vector.bitcast %get3A_609 : vector<32xbf16> to vector<16xi32>
            %shift_left3A_611 = arith.constant 16 : i32
            %shift_left3A_612 = vector.broadcast %shift_left3A_611 : i32 to vector<16xi32>
            %shift_left3A_613 = arith.shli %bitcast3A_610, %shift_left3A_612 : vector<16xi32>
            %bitcast3A_614 = vector.bitcast %shift_left3A_613 : vector<16xi32> to vector<16xf32>
            %and3A_615 = arith.andi %bitcast3A_610, %broadcast_in_dim3A_7 : vector<16xi32>
            %bitcast3A_616 = vector.bitcast %and3A_615 : vector<16xi32> to vector<16xf32>
            %add3A_617 = arith.addf %while3A_581, %bitcast3A_614 : vector<16xf32>
            %add3A_618 = arith.addf %while3A_582, %bitcast3A_616 : vector<16xf32>
            %get3A_619 = arith.index_cast %while3A_576 : i32 to index
            %get3A_620 = arith.constant 96 : index
            %get3A_621 = tpu.vector_load %arg9[%get3A_619, %get3A_620] {strides = array<i32>} : memref<144x128xbf16, #tpu.memory_space<vmem>>, vector<32xbf16>,
            %bitcast3A_622 = vector.bitcast %get3A_621 : vector<32xbf16> to vector<16xi32>
            %shift_left3A_623 = arith.constant 16 : i32
            %shift_left3A_624 = vector.broadcast %shift_left3A_623 : i32 to vector<16xi32>
            %shift_left3A_625 = arith.shli %bitcast3A_622, %shift_left3A_624 : vector<16xi32>
            %bitcast3A_626 = vector.bitcast %shift_left3A_625 : vector<16xi32> to vector<16xf32>
            %and3A_627 = arith.andi %bitcast3A_622, %broadcast_in_dim3A_7 : vector<16xi32>
            %bitcast3A_628 = vector.bitcast %and3A_627 : vector<16xi32> to vector<16xf32>
            %add3A_629 = arith.addf %while3A_583, %bitcast3A_626 : vector<16xf32>
            %add3A_630 = arith.addf %while3A_584, %bitcast3A_628 : vector<16xf32>
            scf.yield %add3A_593, %add3A_594, %add3A_605, %add3A_606, %add3A_617, %add3A_618, %add3A_629, %add3A_630 : vector<16xf32>, vector<16xf32>, vector<16xf32>, vector<16xf32>, vector<16xf32>, vector<16xf32>, vector<16xf32>, vector<16xf32>
          }
          scf.yield %while3A_575#0, %while3A_575#1, %while3A_575#2, %while3A_575#3, %while3A_575#4, %while3A_575#5, %while3A_575#6, %while3A_575#7 : vector<16xf32>, vector<16xf32>, vector<16xf32>, vector<16xf32>, vector<16xf32>, vector<16xf32>, vector<16xf32>, vector<16xf32>
        }
        %while3A_468 = arith.constant 1 : i32
        %while3A_469:8 = scf.for %while3A_494 = %while3A_465 to %while3A_461 step %while3A_468 iter_args(%while3A_495 = %while3A_467#0, %while3A_496 = %while3A_467#1, %while3A_497 = %while3A_467#2, %while3A_498 = %while3A_467#3, %while3A_499 = %while3A_467#4, %while3A_500 = %while3A_467#5, %while3A_501 = %while3A_467#6, %while3A_502 = %while3A_467#7) -> (vector<16xf32>, vector<16xf32>, vector<16xf32>, vector<16xf32>, vector<16xf32>, vector<16xf32>, vector<16xf32>, vector<16xf32>)  : i32 {
          %mul3A_503 = arith.muli %while3A_494, %while3A_457 : i32
          %add3A_504 = arith.addi %while3A_458, %mul3A_503 : i32
          %add3A_505 = arith.constant 1 : i32
          %add3A_506 = arith.addi %add3A_504, %add3A_505 : i32
          %mul3A_507 = arith.constant 144 : i32
          %mul3A_508 = arith.muli %add3A_506, %mul3A_507 : i32
          %add3A_509 = arith.addi %select_n3A_356, %mul3A_508 : i32
          %sub3A_510 = arith.subi %select_n3A_376, %add3A_509 : i32
          %min3A_511 = arith.constant 144 : i32
          %min3A_512 = arith.minsi %sub3A_510, %min3A_511 : i32
          %add3A_513 = arith.constant 15 : i32
          %add3A_514 = arith.addi %min3A_512, %add3A_513 : i32
          %shift_right_arithmetic3A_515 = arith.constant 4 : i32
          %shift_right_arithmetic3A_516 = arith.shrsi %add3A_514, %shift_right_arithmetic3A_515 : i32
          %sub3A_517 = arith.constant 0 : i32
          %sub3A_518 = arith.subi %shift_right_arithmetic3A_516, %sub3A_517 : i32
          %sub3A_519 = arith.constant 1 : i32
          %sub3A_520 = arith.constant 1 : i32
          %sub3A_521 = arith.subi %sub3A_519, %sub3A_520 : i32
          %add3A_522 = arith.addi %sub3A_518, %sub3A_521 : i32
          %div3A_523 = arith.constant 1 : i32
          %div3A_524 = arith.divsi %add3A_522, %div3A_523 : i32
          %while3A_525 = arith.constant 1 : i32
          %while3A_526 = arith.constant 0 : i32
          %while3A_527 = arith.constant 0 : i32
          %while3A_528 = arith.subi %div3A_524, %while3A_527 : i32
          %while3A_529 = arith.addi %while3A_527, %while3A_528 : i32
          %while3A_530 = arith.constant 1 : i32
          %while3A_531 = arith.divsi %while3A_528, %while3A_530 : i32
          %while3A_532 = arith.muli %while3A_531, %while3A_530 : i32
          %while3A_533 = arith.addi %while3A_527, %while3A_532 : i32
          %while3A_534 = arith.constant 1 : i32
          scf.for %while3A_576 = %while3A_527 to %while3A_533 step %while3A_534  : i32 {
            %mul3A_577 = arith.muli %while3A_576, %while3A_525 : i32
            %add3A_578 = arith.addi %while3A_526, %mul3A_577 : i32
            %mul3A_579 = arith.constant 16 : i32
            %mul3A_580 = arith.muli %add3A_578, %mul3A_579 : i32
            %add3A_581 = arith.addi %add3A_509, %mul3A_580 : i32
            %get3A_582 = arith.index_cast %add3A_327 : i32 to index
            %get3A_583 = arith.index_cast %add3A_581 : i32 to index
            %get3A_584 = tpu.vector_load %arg5[%get3A_582, %get3A_583] {strides = array<i32>} : memref<129x208xi32, #tpu.memory_space<vmem>>, vector<16xi32>,
            %add3A_585 = arith.addi %get3A_584, %broadcast_in_dim3A_5 : vector<16xi32>
            %mul3A_586 = arith.constant 16 : i32
            %mul3A_587 = arith.muli %add3A_578, %mul3A_586 : i32
            %dma_start3A = arith.constant 0 : i32
            %dma_start3A_588 = tpu.memref_slice %arg9[%mul3A_587, %dma_start3A] : memref<144x128xbf16, #tpu.memory_space<vmem>> -> memref<16x128xbf16, #tpu.memory_space<vmem>>
            %dma_start3A_589 = arith.constant 0 : i32
            %dma_start3A_590 = arith.constant 0 : i32
            %dma_start3A_591 = tpu.memref_slice %arg11[%dma_start3A_589, %dma_start3A_590] : memref<16384x128xbf16, #tpu.memory_space<vmem_shared>> -> memref<16384x128xbf16, #tpu.memory_space<vmem_shared>>
            tpu.enqueue_indirect_dma source(%dma_start3A_591 : memref<16384x128xbf16, #tpu.memory_space<vmem_shared>>) target(%dma_start3A_588 : memref<16x128xbf16, #tpu.memory_space<vmem>>) offsets(%add3A_585 : vector<16xi32>) semaphore(%arg14 : memref<!tpu.dma_semaphore, #tpu.memory_space<semaphore_mem>>)
          }
          %while3A_535 = arith.constant 1 : i32
          scf.for %while3A_576 = %while3A_533 to %while3A_529 step %while3A_535  : i32 {
            %mul3A_577 = arith.muli %while3A_576, %while3A_525 : i32
            %add3A_578 = arith.addi %while3A_526, %mul3A_577 : i32
            %mul3A_579 = arith.constant 16 : i32
            %mul3A_580 = arith.muli %add3A_578, %mul3A_579 : i32
            %add3A_581 = arith.addi %add3A_509, %mul3A_580 : i32
            %get3A_582 = arith.index_cast %add3A_327 : i32 to index
            %get3A_583 = arith.index_cast %add3A_581 : i32 to index
            %get3A_584 = tpu.vector_load %arg5[%get3A_582, %get3A_583] {strides = array<i32>} : memref<129x208xi32, #tpu.memory_space<vmem>>, vector<16xi32>,
            %add3A_585 = arith.addi %get3A_584, %broadcast_in_dim3A_5 : vector<16xi32>
            %mul3A_586 = arith.constant 16 : i32
            %mul3A_587 = arith.muli %add3A_578, %mul3A_586 : i32
            %dma_start3A = arith.constant 0 : i32
            %dma_start3A_588 = tpu.memref_slice %arg9[%mul3A_587, %dma_start3A] : memref<144x128xbf16, #tpu.memory_space<vmem>> -> memref<16x128xbf16, #tpu.memory_space<vmem>>
            %dma_start3A_589 = arith.constant 0 : i32
            %dma_start3A_590 = arith.constant 0 : i32
            %dma_start3A_591 = tpu.memref_slice %arg11[%dma_start3A_589, %dma_start3A_590] : memref<16384x128xbf16, #tpu.memory_space<vmem_shared>> -> memref<16384x128xbf16, #tpu.memory_space<vmem_shared>>
            tpu.enqueue_indirect_dma source(%dma_start3A_591 : memref<16384x128xbf16, #tpu.memory_space<vmem_shared>>) target(%dma_start3A_588 : memref<16x128xbf16, #tpu.memory_space<vmem>>) offsets(%add3A_585 : vector<16xi32>) semaphore(%arg14 : memref<!tpu.dma_semaphore, #tpu.memory_space<semaphore_mem>>)
          }
          %sub3A_536 = arith.subi %select_n3A_376, %add3A_509 : i32
          %min3A_537 = arith.constant 144 : i32
          %min3A_538 = arith.minsi %sub3A_536, %min3A_537 : i32
          %add3A_539 = arith.constant 15 : i32
          %add3A_540 = arith.addi %min3A_538, %add3A_539 : i32
          %shift_right_arithmetic3A_541 = arith.constant 4 : i32
          %shift_right_arithmetic3A_542 = arith.shrsi %add3A_540, %shift_right_arithmetic3A_541 : i32
          %sub3A_543 = arith.constant 0 : i32
          %sub3A_544 = arith.subi %shift_right_arithmetic3A_542, %sub3A_543 : i32
          %sub3A_545 = arith.constant 1 : i32
          %sub3A_546 = arith.constant 1 : i32
          %sub3A_547 = arith.subi %sub3A_545, %sub3A_546 : i32
          %add3A_548 = arith.addi %sub3A_544, %sub3A_547 : i32
          %div3A_549 = arith.constant 1 : i32
          %div3A_550 = arith.divsi %add3A_548, %div3A_549 : i32
          %while3A_551 = arith.constant 1 : i32
          %while3A_552 = arith.constant 0 : i32
          %while3A_553 = arith.constant 0 : i32
          %while3A_554 = arith.subi %div3A_550, %while3A_553 : i32
          %while3A_555 = arith.addi %while3A_553, %while3A_554 : i32
          %while3A_556 = arith.constant 1 : i32
          %while3A_557 = arith.divsi %while3A_554, %while3A_556 : i32
          %while3A_558 = arith.muli %while3A_557, %while3A_556 : i32
          %while3A_559 = arith.addi %while3A_553, %while3A_558 : i32
          %while3A_560 = arith.constant 1 : i32
          scf.for %while3A_576 = %while3A_553 to %while3A_559 step %while3A_560  : i32 {
            %mul3A_577 = arith.muli %while3A_576, %while3A_551 : i32
            %add3A_578 = arith.addi %while3A_552, %mul3A_577 : i32
            %dma_wait3A = arith.constant 0 : i32
            %dma_wait3A_579 = arith.constant 0 : i32
            %dma_wait3A_580 = tpu.memref_slice %arg9[%dma_wait3A, %dma_wait3A_579] : memref<144x128xbf16, #tpu.memory_space<vmem>> -> memref<16x128xbf16, #tpu.memory_space<vmem>>
            %dma_wait3A_581 = arith.constant 0 : i32
            %dma_wait3A_582 = arith.constant 0 : i32
            %dma_wait3A_583 = tpu.memref_slice %arg11[%dma_wait3A_581, %dma_wait3A_582] : memref<16384x128xbf16, #tpu.memory_space<vmem_shared>> -> memref<16384x128xbf16, #tpu.memory_space<vmem_shared>>
            tpu.wait_indirect_dma semaphore(%arg14 : memref<!tpu.dma_semaphore, #tpu.memory_space<semaphore_mem>>) src(%dma_wait3A_583 : memref<16384x128xbf16, #tpu.memory_space<vmem_shared>>) dst(%dma_wait3A_580 : memref<16x128xbf16, #tpu.memory_space<vmem>>)
          }
          %while3A_561 = arith.constant 1 : i32
          scf.for %while3A_576 = %while3A_559 to %while3A_555 step %while3A_561  : i32 {
            %mul3A_577 = arith.muli %while3A_576, %while3A_551 : i32
            %add3A_578 = arith.addi %while3A_552, %mul3A_577 : i32
            %dma_wait3A = arith.constant 0 : i32
            %dma_wait3A_579 = arith.constant 0 : i32
            %dma_wait3A_580 = tpu.memref_slice %arg9[%dma_wait3A, %dma_wait3A_579] : memref<144x128xbf16, #tpu.memory_space<vmem>> -> memref<16x128xbf16, #tpu.memory_space<vmem>>
            %dma_wait3A_581 = arith.constant 0 : i32
            %dma_wait3A_582 = arith.constant 0 : i32
            %dma_wait3A_583 = tpu.memref_slice %arg11[%dma_wait3A_581, %dma_wait3A_582] : memref<16384x128xbf16, #tpu.memory_space<vmem_shared>> -> memref<16384x128xbf16, #tpu.memory_space<vmem_shared>>
            tpu.wait_indirect_dma semaphore(%arg14 : memref<!tpu.dma_semaphore, #tpu.memory_space<semaphore_mem>>) src(%dma_wait3A_583 : memref<16384x128xbf16, #tpu.memory_space<vmem_shared>>) dst(%dma_wait3A_580 : memref<16x128xbf16, #tpu.memory_space<vmem>>)
          }
          %sub3A_562 = arith.subi %select_n3A_376, %add3A_509 : i32
          %min3A_563 = arith.constant 144 : i32
          %min3A_564 = arith.minsi %sub3A_562, %min3A_563 : i32
          %while3A_565 = arith.constant 0 : i32
          %while3A_566 = arith.subi %min3A_564, %while3A_565 : i32
          %while3A_567 = arith.addi %while3A_565, %while3A_566 : i32
          %while3A_568 = arith.constant 1 : i32
          %while3A_569 = arith.divsi %while3A_566, %while3A_568 : i32
          %while3A_570 = arith.muli %while3A_569, %while3A_568 : i32
          %while3A_571 = arith.addi %while3A_565, %while3A_570 : i32
          %while3A_572 = arith.constant 1 : i32
          %while3A_573:8 = scf.for %while3A_576 = %while3A_565 to %while3A_571 step %while3A_572 iter_args(%while3A_577 = %while3A_495, %while3A_578 = %while3A_496, %while3A_579 = %while3A_497, %while3A_580 = %while3A_498, %while3A_581 = %while3A_499, %while3A_582 = %while3A_500, %while3A_583 = %while3A_501, %while3A_584 = %while3A_502) -> (vector<16xf32>, vector<16xf32>, vector<16xf32>, vector<16xf32>, vector<16xf32>, vector<16xf32>, vector<16xf32>, vector<16xf32>)  : i32 {
            %get3A_585 = arith.index_cast %while3A_576 : i32 to index
            %get3A_586 = arith.constant 0 : index
            %get3A_587 = tpu.vector_load %arg9[%get3A_585, %get3A_586] {strides = array<i32>} : memref<144x128xbf16, #tpu.memory_space<vmem>>, vector<32xbf16>,
            %bitcast3A = vector.bitcast %get3A_587 : vector<32xbf16> to vector<16xi32>
            %shift_left3A = arith.constant 16 : i32
            %shift_left3A_588 = vector.broadcast %shift_left3A : i32 to vector<16xi32>
            %shift_left3A_589 = arith.shli %bitcast3A, %shift_left3A_588 : vector<16xi32>
            %bitcast3A_590 = vector.bitcast %shift_left3A_589 : vector<16xi32> to vector<16xf32>
            %and3A_591 = arith.andi %bitcast3A, %broadcast_in_dim3A_7 : vector<16xi32>
            %bitcast3A_592 = vector.bitcast %and3A_591 : vector<16xi32> to vector<16xf32>
            %add3A_593 = arith.addf %while3A_577, %bitcast3A_590 : vector<16xf32>
            %add3A_594 = arith.addf %while3A_578, %bitcast3A_592 : vector<16xf32>
            %get3A_595 = arith.index_cast %while3A_576 : i32 to index
            %get3A_596 = arith.constant 32 : index
            %get3A_597 = tpu.vector_load %arg9[%get3A_595, %get3A_596] {strides = array<i32>} : memref<144x128xbf16, #tpu.memory_space<vmem>>, vector<32xbf16>,
            %bitcast3A_598 = vector.bitcast %get3A_597 : vector<32xbf16> to vector<16xi32>
            %shift_left3A_599 = arith.constant 16 : i32
            %shift_left3A_600 = vector.broadcast %shift_left3A_599 : i32 to vector<16xi32>
            %shift_left3A_601 = arith.shli %bitcast3A_598, %shift_left3A_600 : vector<16xi32>
            %bitcast3A_602 = vector.bitcast %shift_left3A_601 : vector<16xi32> to vector<16xf32>
            %and3A_603 = arith.andi %bitcast3A_598, %broadcast_in_dim3A_7 : vector<16xi32>
            %bitcast3A_604 = vector.bitcast %and3A_603 : vector<16xi32> to vector<16xf32>
            %add3A_605 = arith.addf %while3A_579, %bitcast3A_602 : vector<16xf32>
            %add3A_606 = arith.addf %while3A_580, %bitcast3A_604 : vector<16xf32>
            %get3A_607 = arith.index_cast %while3A_576 : i32 to index
            %get3A_608 = arith.constant 64 : index
            %get3A_609 = tpu.vector_load %arg9[%get3A_607, %get3A_608] {strides = array<i32>} : memref<144x128xbf16, #tpu.memory_space<vmem>>, vector<32xbf16>,
            %bitcast3A_610 = vector.bitcast %get3A_609 : vector<32xbf16> to vector<16xi32>
            %shift_left3A_611 = arith.constant 16 : i32
            %shift_left3A_612 = vector.broadcast %shift_left3A_611 : i32 to vector<16xi32>
            %shift_left3A_613 = arith.shli %bitcast3A_610, %shift_left3A_612 : vector<16xi32>
            %bitcast3A_614 = vector.bitcast %shift_left3A_613 : vector<16xi32> to vector<16xf32>
            %and3A_615 = arith.andi %bitcast3A_610, %broadcast_in_dim3A_7 : vector<16xi32>
            %bitcast3A_616 = vector.bitcast %and3A_615 : vector<16xi32> to vector<16xf32>
            %add3A_617 = arith.addf %while3A_581, %bitcast3A_614 : vector<16xf32>
            %add3A_618 = arith.addf %while3A_582, %bitcast3A_616 : vector<16xf32>
            %get3A_619 = arith.index_cast %while3A_576 : i32 to index
            %get3A_620 = arith.constant 96 : index
            %get3A_621 = tpu.vector_load %arg9[%get3A_619, %get3A_620] {strides = array<i32>} : memref<144x128xbf16, #tpu.memory_space<vmem>>, vector<32xbf16>,
            %bitcast3A_622 = vector.bitcast %get3A_621 : vector<32xbf16> to vector<16xi32>
            %shift_left3A_623 = arith.constant 16 : i32
            %shift_left3A_624 = vector.broadcast %shift_left3A_623 : i32 to vector<16xi32>
            %shift_left3A_625 = arith.shli %bitcast3A_622, %shift_left3A_624 : vector<16xi32>
            %bitcast3A_626 = vector.bitcast %shift_left3A_625 : vector<16xi32> to vector<16xf32>
            %and3A_627 = arith.andi %bitcast3A_622, %broadcast_in_dim3A_7 : vector<16xi32>
            %bitcast3A_628 = vector.bitcast %and3A_627 : vector<16xi32> to vector<16xf32>
            %add3A_629 = arith.addf %while3A_583, %bitcast3A_626 : vector<16xf32>
            %add3A_630 = arith.addf %while3A_584, %bitcast3A_628 : vector<16xf32>
            scf.yield %add3A_593, %add3A_594, %add3A_605, %add3A_606, %add3A_617, %add3A_618, %add3A_629, %add3A_630 : vector<16xf32>, vector<16xf32>, vector<16xf32>, vector<16xf32>, vector<16xf32>, vector<16xf32>, vector<16xf32>, vector<16xf32>
          }
          %while3A_574 = arith.constant 1 : i32
          %while3A_575:8 = scf.for %while3A_576 = %while3A_571 to %while3A_567 step %while3A_574 iter_args(%while3A_577 = %while3A_573#0, %while3A_578 = %while3A_573#1, %while3A_579 = %while3A_573#2, %while3A_580 = %while3A_573#3, %while3A_581 = %while3A_573#4, %while3A_582 = %while3A_573#5, %while3A_583 = %while3A_573#6, %while3A_584 = %while3A_573#7) -> (vector<16xf32>, vector<16xf32>, vector<16xf32>, vector<16xf32>, vector<16xf32>, vector<16xf32>, vector<16xf32>, vector<16xf32>)  : i32 {
            %get3A_585 = arith.index_cast %while3A_576 : i32 to index
            %get3A_586 = arith.constant 0 : index
            %get3A_587 = tpu.vector_load %arg9[%get3A_585, %get3A_586] {strides = array<i32>} : memref<144x128xbf16, #tpu.memory_space<vmem>>, vector<32xbf16>,
            %bitcast3A = vector.bitcast %get3A_587 : vector<32xbf16> to vector<16xi32>
            %shift_left3A = arith.constant 16 : i32
            %shift_left3A_588 = vector.broadcast %shift_left3A : i32 to vector<16xi32>
            %shift_left3A_589 = arith.shli %bitcast3A, %shift_left3A_588 : vector<16xi32>
            %bitcast3A_590 = vector.bitcast %shift_left3A_589 : vector<16xi32> to vector<16xf32>
            %and3A_591 = arith.andi %bitcast3A, %broadcast_in_dim3A_7 : vector<16xi32>
            %bitcast3A_592 = vector.bitcast %and3A_591 : vector<16xi32> to vector<16xf32>
            %add3A_593 = arith.addf %while3A_577, %bitcast3A_590 : vector<16xf32>
            %add3A_594 = arith.addf %while3A_578, %bitcast3A_592 : vector<16xf32>
            %get3A_595 = arith.index_cast %while3A_576 : i32 to index
            %get3A_596 = arith.constant 32 : index
            %get3A_597 = tpu.vector_load %arg9[%get3A_595, %get3A_596] {strides = array<i32>} : memref<144x128xbf16, #tpu.memory_space<vmem>>, vector<32xbf16>,
            %bitcast3A_598 = vector.bitcast %get3A_597 : vector<32xbf16> to vector<16xi32>
            %shift_left3A_599 = arith.constant 16 : i32
            %shift_left3A_600 = vector.broadcast %shift_left3A_599 : i32 to vector<16xi32>
            %shift_left3A_601 = arith.shli %bitcast3A_598, %shift_left3A_600 : vector<16xi32>
            %bitcast3A_602 = vector.bitcast %shift_left3A_601 : vector<16xi32> to vector<16xf32>
            %and3A_603 = arith.andi %bitcast3A_598, %broadcast_in_dim3A_7 : vector<16xi32>
            %bitcast3A_604 = vector.bitcast %and3A_603 : vector<16xi32> to vector<16xf32>
            %add3A_605 = arith.addf %while3A_579, %bitcast3A_602 : vector<16xf32>
            %add3A_606 = arith.addf %while3A_580, %bitcast3A_604 : vector<16xf32>
            %get3A_607 = arith.index_cast %while3A_576 : i32 to index
            %get3A_608 = arith.constant 64 : index
            %get3A_609 = tpu.vector_load %arg9[%get3A_607, %get3A_608] {strides = array<i32>} : memref<144x128xbf16, #tpu.memory_space<vmem>>, vector<32xbf16>,
            %bitcast3A_610 = vector.bitcast %get3A_609 : vector<32xbf16> to vector<16xi32>
            %shift_left3A_611 = arith.constant 16 : i32
            %shift_left3A_612 = vector.broadcast %shift_left3A_611 : i32 to vector<16xi32>
            %shift_left3A_613 = arith.shli %bitcast3A_610, %shift_left3A_612 : vector<16xi32>
            %bitcast3A_614 = vector.bitcast %shift_left3A_613 : vector<16xi32> to vector<16xf32>
            %and3A_615 = arith.andi %bitcast3A_610, %broadcast_in_dim3A_7 : vector<16xi32>
            %bitcast3A_616 = vector.bitcast %and3A_615 : vector<16xi32> to vector<16xf32>
            %add3A_617 = arith.addf %while3A_581, %bitcast3A_614 : vector<16xf32>
            %add3A_618 = arith.addf %while3A_582, %bitcast3A_616 : vector<16xf32>
            %get3A_619 = arith.index_cast %while3A_576 : i32 to index
            %get3A_620 = arith.constant 96 : index
            %get3A_621 = tpu.vector_load %arg9[%get3A_619, %get3A_620] {strides = array<i32>} : memref<144x128xbf16, #tpu.memory_space<vmem>>, vector<32xbf16>,
            %bitcast3A_622 = vector.bitcast %get3A_621 : vector<32xbf16> to vector<16xi32>
            %shift_left3A_623 = arith.constant 16 : i32
            %shift_left3A_624 = vector.broadcast %shift_left3A_623 : i32 to vector<16xi32>
            %shift_left3A_625 = arith.shli %bitcast3A_622, %shift_left3A_624 : vector<16xi32>
            %bitcast3A_626 = vector.bitcast %shift_left3A_625 : vector<16xi32> to vector<16xf32>
            %and3A_627 = arith.andi %bitcast3A_622, %broadcast_in_dim3A_7 : vector<16xi32>
            %bitcast3A_628 = vector.bitcast %and3A_627 : vector<16xi32> to vector<16xf32>
            %add3A_629 = arith.addf %while3A_583, %bitcast3A_626 : vector<16xf32>
            %add3A_630 = arith.addf %while3A_584, %bitcast3A_628 : vector<16xf32>
            scf.yield %add3A_593, %add3A_594, %add3A_605, %add3A_606, %add3A_617, %add3A_618, %add3A_629, %add3A_630 : vector<16xf32>, vector<16xf32>, vector<16xf32>, vector<16xf32>, vector<16xf32>, vector<16xf32>, vector<16xf32>, vector<16xf32>
          }
          scf.yield %while3A_575#0, %while3A_575#1, %while3A_575#2, %while3A_575#3, %while3A_575#4, %while3A_575#5, %while3A_575#6, %while3A_575#7 : vector<16xf32>, vector<16xf32>, vector<16xf32>, vector<16xf32>, vector<16xf32>, vector<16xf32>, vector<16xf32>, vector<16xf32>
        }
        %swap3A_470 = arith.index_cast %add3A_327 : i32 to index
        %swap3A_471 = arith.constant 0 : index
        %swap3A_472 = tpu.vector_load %arg10[%swap3A_470, %swap3A_471] {strides = array<i32>} : memref<128x128xf32, #tpu.memory_space<vmem>>, vector<16xf32>,
        tpu.vector_store %arg10[%swap3A_470, %swap3A_471], %while3A_469#0 {strides = array<i32>} : memref<128x128xf32, #tpu.memory_space<vmem>>, vector<16xf32>,
        %swap3A_473 = arith.index_cast %add3A_327 : i32 to index
        %swap3A_474 = arith.constant 16 : index
        %swap3A_475 = tpu.vector_load %arg10[%swap3A_473, %swap3A_474] {strides = array<i32>} : memref<128x128xf32, #tpu.memory_space<vmem>>, vector<16xf32>,
        tpu.vector_store %arg10[%swap3A_473, %swap3A_474], %while3A_469#1 {strides = array<i32>} : memref<128x128xf32, #tpu.memory_space<vmem>>, vector<16xf32>,
        %swap3A_476 = arith.index_cast %add3A_327 : i32 to index
        %swap3A_477 = arith.constant 32 : index
        %swap3A_478 = tpu.vector_load %arg10[%swap3A_476, %swap3A_477] {strides = array<i32>} : memref<128x128xf32, #tpu.memory_space<vmem>>, vector<16xf32>,
        tpu.vector_store %arg10[%swap3A_476, %swap3A_477], %while3A_469#2 {strides = array<i32>} : memref<128x128xf32, #tpu.memory_space<vmem>>, vector<16xf32>,
        %swap3A_479 = arith.index_cast %add3A_327 : i32 to index
        %swap3A_480 = arith.constant 48 : index
        %swap3A_481 = tpu.vector_load %arg10[%swap3A_479, %swap3A_480] {strides = array<i32>} : memref<128x128xf32, #tpu.memory_space<vmem>>, vector<16xf32>,
        tpu.vector_store %arg10[%swap3A_479, %swap3A_480], %while3A_469#3 {strides = array<i32>} : memref<128x128xf32, #tpu.memory_space<vmem>>, vector<16xf32>,
        %swap3A_482 = arith.index_cast %add3A_327 : i32 to index
        %swap3A_483 = arith.constant 64 : index
        %swap3A_484 = tpu.vector_load %arg10[%swap3A_482, %swap3A_483] {strides = array<i32>} : memref<128x128xf32, #tpu.memory_space<vmem>>, vector<16xf32>,
        tpu.vector_store %arg10[%swap3A_482, %swap3A_483], %while3A_469#4 {strides = array<i32>} : memref<128x128xf32, #tpu.memory_space<vmem>>, vector<16xf32>,
        %swap3A_485 = arith.index_cast %add3A_327 : i32 to index
        %swap3A_486 = arith.constant 80 : index
        %swap3A_487 = tpu.vector_load %arg10[%swap3A_485, %swap3A_486] {strides = array<i32>} : memref<128x128xf32, #tpu.memory_space<vmem>>, vector<16xf32>,
        tpu.vector_store %arg10[%swap3A_485, %swap3A_486], %while3A_469#5 {strides = array<i32>} : memref<128x128xf32, #tpu.memory_space<vmem>>, vector<16xf32>,
        %swap3A_488 = arith.index_cast %add3A_327 : i32 to index
        %swap3A_489 = arith.constant 96 : index
        %swap3A_490 = tpu.vector_load %arg10[%swap3A_488, %swap3A_489] {strides = array<i32>} : memref<128x128xf32, #tpu.memory_space<vmem>>, vector<16xf32>,
        tpu.vector_store %arg10[%swap3A_488, %swap3A_489], %while3A_469#6 {strides = array<i32>} : memref<128x128xf32, #tpu.memory_space<vmem>>, vector<16xf32>,
        %swap3A_491 = arith.index_cast %add3A_327 : i32 to index
        %swap3A_492 = arith.constant 112 : index
        %swap3A_493 = tpu.vector_load %arg10[%swap3A_491, %swap3A_492] {strides = array<i32>} : memref<128x128xf32, #tpu.memory_space<vmem>>, vector<16xf32>,
        tpu.vector_store %arg10[%swap3A_491, %swap3A_492], %while3A_469#7 {strides = array<i32>} : memref<128x128xf32, #tpu.memory_space<vmem>>, vector<16xf32>,
      }
      %scan3A_149 = arith.constant 64 : i32
    }
    %scan3A_69 = arith.constant 7 : i32
    %broadcast_in_dim3A_70 = arith.constant 1.000000e+00 : f32
    %broadcast_in_dim3A_71 = vector.broadcast %broadcast_in_dim3A_70 : f32 to vector<16xf32>
    %scan3A_72 = arith.constant 0 : i32
    %scan3A_73 = arith.constant 128 : i32
    %scan3A_74 = arith.addi %scan3A_72, %scan3A_73 : i32
    %scan3A_75 = arith.constant 1 : i32
    scf.for %scan3A_77 = %scan3A_72 to %scan3A_74 step %scan3A_75  : i32 {
      %mul3A_78 = arith.constant 1 : i32
      %mul3A_79 = arith.muli %scan3A_77, %mul3A_78 : i32
      %add3A_80 = arith.constant 0 : i32
      %add3A_81 = arith.addi %add3A_80, %mul3A_79 : i32
      %mul3A_82 = arith.constant 4 : i32
      %mul3A_83 = arith.muli %add3A_81, %mul3A_82 : i32
      %add3A_84 = arith.constant 3 : i32
      %add3A_85 = arith.addi %mul3A_83, %add3A_84 : i32
      %get3A = arith.index_cast %add3A_85 : i32 to index
      %get3A_86 = memref.load %arg12[%get3A] : memref<512xi32, #tpu.memory_space<smem>>
      %broadcast_in_dim3A_87 = vector.broadcast %get3A_86 : i32 to vector<16xi32>
      %convert_element_type3A = arith.sitofp %broadcast_in_dim3A_87 : vector<16xi32> to vector<16xf32>
      %max3A = arith.maximumf %convert_element_type3A, %broadcast_in_dim3A_71 : vector<16xf32>
      %div3A = arith.divf %broadcast_in_dim3A_71, %max3A : vector<16xf32>
      %get3A_88 = arith.index_cast %add3A_81 : i32 to index
      %get3A_89 = arith.constant 0 : index
      %get3A_90 = tpu.vector_load %arg10[%get3A_88, %get3A_89] {strides = array<i32>} : memref<128x128xf32, #tpu.memory_space<vmem>>, vector<16xf32>,
      %get3A_91 = arith.index_cast %add3A_81 : i32 to index
      %get3A_92 = arith.constant 16 : index
      %get3A_93 = tpu.vector_load %arg10[%get3A_91, %get3A_92] {strides = array<i32>} : memref<128x128xf32, #tpu.memory_space<vmem>>, vector<16xf32>,
      %get3A_94 = arith.index_cast %add3A_81 : i32 to index
      %get3A_95 = arith.constant 32 : index
      %get3A_96 = tpu.vector_load %arg10[%get3A_94, %get3A_95] {strides = array<i32>} : memref<128x128xf32, #tpu.memory_space<vmem>>, vector<16xf32>,
      %get3A_97 = arith.index_cast %add3A_81 : i32 to index
      %get3A_98 = arith.constant 48 : index
      %get3A_99 = tpu.vector_load %arg10[%get3A_97, %get3A_98] {strides = array<i32>} : memref<128x128xf32, #tpu.memory_space<vmem>>, vector<16xf32>,
      %get3A_100 = arith.index_cast %add3A_81 : i32 to index
      %get3A_101 = arith.constant 64 : index
      %get3A_102 = tpu.vector_load %arg10[%get3A_100, %get3A_101] {strides = array<i32>} : memref<128x128xf32, #tpu.memory_space<vmem>>, vector<16xf32>,
      %get3A_103 = arith.index_cast %add3A_81 : i32 to index
      %get3A_104 = arith.constant 80 : index
      %get3A_105 = tpu.vector_load %arg10[%get3A_103, %get3A_104] {strides = array<i32>} : memref<128x128xf32, #tpu.memory_space<vmem>>, vector<16xf32>,
      %get3A_106 = arith.index_cast %add3A_81 : i32 to index
      %get3A_107 = arith.constant 96 : index
      %get3A_108 = tpu.vector_load %arg10[%get3A_106, %get3A_107] {strides = array<i32>} : memref<128x128xf32, #tpu.memory_space<vmem>>, vector<16xf32>,
      %get3A_109 = arith.index_cast %add3A_81 : i32 to index
      %get3A_110 = arith.constant 112 : index
      %get3A_111 = tpu.vector_load %arg10[%get3A_109, %get3A_110] {strides = array<i32>} : memref<128x128xf32, #tpu.memory_space<vmem>>, vector<16xf32>,
      %mul3A_112 = arith.constant 2 : i32
      %mul3A_113 = vector.broadcast %mul3A_112 : i32 to vector<16xi32>
      %mul3A_114 = arith.muli %iota3A, %mul3A_113 : vector<16xi32>
      %add3A_115 = arith.constant 0 : i32
      %add3A_116 = vector.broadcast %add3A_115 : i32 to vector<16xi32>
      %add3A_117 = arith.addi %mul3A_114, %add3A_116 : vector<16xi32>
      %mul3A_118 = arith.mulf %get3A_90, %div3A : vector<16xf32>
      %scatter3A = arith.constant 0 : i32
      %scatter3A_119 = tpu.memref_slice %arg10[%add3A_81, %scatter3A] : memref<128x128xf32, #tpu.memory_space<vmem>> -> memref<1x128xf32, #tpu.memory_space<vmem>>
      %scatter3A_120 = tpu.memref_squeeze %scatter3A_119 : memref<1x128xf32, #tpu.memory_space<vmem>> -> memref<128xf32, #tpu.memory_space<vmem>>
      tpu.vector_store_idx %scatter3A_120[%add3A_117], %mul3A_118 : memref<128xf32, #tpu.memory_space<vmem>>[vector<16xi32>], vector<16xf32>,
      %add3A_121 = arith.constant 1 : i32
      %add3A_122 = vector.broadcast %add3A_121 : i32 to vector<16xi32>
      %add3A_123 = arith.addi %add3A_117, %add3A_122 : vector<16xi32>
      %mul3A_124 = arith.mulf %get3A_93, %div3A : vector<16xf32>
      %scatter3A_125 = arith.constant 0 : i32
      %scatter3A_126 = tpu.memref_slice %arg10[%add3A_81, %scatter3A_125] : memref<128x128xf32, #tpu.memory_space<vmem>> -> memref<1x128xf32, #tpu.memory_space<vmem>>
      %scatter3A_127 = tpu.memref_squeeze %scatter3A_126 : memref<1x128xf32, #tpu.memory_space<vmem>> -> memref<128xf32, #tpu.memory_space<vmem>>
      tpu.vector_store_idx %scatter3A_127[%add3A_123], %mul3A_124 : memref<128xf32, #tpu.memory_space<vmem>>[vector<16xi32>], vector<16xf32>,
      %mul3A_128 = arith.constant 2 : i32
      %mul3A_129 = vector.broadcast %mul3A_128 : i32 to vector<16xi32>
      %mul3A_130 = arith.muli %iota3A, %mul3A_129 : vector<16xi32>
      %add3A_131 = arith.constant 32 : i32
      %add3A_132 = vector.broadcast %add3A_131 : i32 to vector<16xi32>
      %add3A_133 = arith.addi %mul3A_130, %add3A_132 : vector<16xi32>
      %mul3A_134 = arith.mulf %get3A_96, %div3A : vector<16xf32>
      %scatter3A_135 = arith.constant 0 : i32
      %scatter3A_136 = tpu.memref_slice %arg10[%add3A_81, %scatter3A_135] : memref<128x128xf32, #tpu.memory_space<vmem>> -> memref<1x128xf32, #tpu.memory_space<vmem>>
      %scatter3A_137 = tpu.memref_squeeze %scatter3A_136 : memref<1x128xf32, #tpu.memory_space<vmem>> -> memref<128xf32, #tpu.memory_space<vmem>>
      tpu.vector_store_idx %scatter3A_137[%add3A_133], %mul3A_134 : memref<128xf32, #tpu.memory_space<vmem>>[vector<16xi32>], vector<16xf32>,
      %add3A_138 = arith.constant 1 : i32
      %add3A_139 = vector.broadcast %add3A_138 : i32 to vector<16xi32>
      %add3A_140 = arith.addi %add3A_133, %add3A_139 : vector<16xi32>
      %mul3A_141 = arith.mulf %get3A_99, %div3A : vector<16xf32>
      %scatter3A_142 = arith.constant 0 : i32
      %scatter3A_143 = tpu.memref_slice %arg10[%add3A_81, %scatter3A_142] : memref<128x128xf32, #tpu.memory_space<vmem>> -> memref<1x128xf32, #tpu.memory_space<vmem>>
      %scatter3A_144 = tpu.memref_squeeze %scatter3A_143 : memref<1x128xf32, #tpu.memory_space<vmem>> -> memref<128xf32, #tpu.memory_space<vmem>>
      tpu.vector_store_idx %scatter3A_144[%add3A_140], %mul3A_141 : memref<128xf32, #tpu.memory_space<vmem>>[vector<16xi32>], vector<16xf32>,
      %mul3A_145 = arith.constant 2 : i32
      %mul3A_146 = vector.broadcast %mul3A_145 : i32 to vector<16xi32>
      %mul3A_147 = arith.muli %iota3A, %mul3A_146 : vector<16xi32>
      %add3A_148 = arith.constant 64 : i32
      %add3A_149 = vector.broadcast %add3A_148 : i32 to vector<16xi32>
      %add3A_150 = arith.addi %mul3A_147, %add3A_149 : vector<16xi32>
      %mul3A_151 = arith.mulf %get3A_102, %div3A : vector<16xf32>
      %scatter3A_152 = arith.constant 0 : i32
      %scatter3A_153 = tpu.memref_slice %arg10[%add3A_81, %scatter3A_152] : memref<128x128xf32, #tpu.memory_space<vmem>> -> memref<1x128xf32, #tpu.memory_space<vmem>>
      %scatter3A_154 = tpu.memref_squeeze %scatter3A_153 : memref<1x128xf32, #tpu.memory_space<vmem>> -> memref<128xf32, #tpu.memory_space<vmem>>
      tpu.vector_store_idx %scatter3A_154[%add3A_150], %mul3A_151 : memref<128xf32, #tpu.memory_space<vmem>>[vector<16xi32>], vector<16xf32>,
      %add3A_155 = arith.constant 1 : i32
      %add3A_156 = vector.broadcast %add3A_155 : i32 to vector<16xi32>
      %add3A_157 = arith.addi %add3A_150, %add3A_156 : vector<16xi32>
      %mul3A_158 = arith.mulf %get3A_105, %div3A : vector<16xf32>
      %scatter3A_159 = arith.constant 0 : i32
      %scatter3A_160 = tpu.memref_slice %arg10[%add3A_81, %scatter3A_159] : memref<128x128xf32, #tpu.memory_space<vmem>> -> memref<1x128xf32, #tpu.memory_space<vmem>>
      %scatter3A_161 = tpu.memref_squeeze %scatter3A_160 : memref<1x128xf32, #tpu.memory_space<vmem>> -> memref<128xf32, #tpu.memory_space<vmem>>
      tpu.vector_store_idx %scatter3A_161[%add3A_157], %mul3A_158 : memref<128xf32, #tpu.memory_space<vmem>>[vector<16xi32>], vector<16xf32>,
      %mul3A_162 = arith.constant 2 : i32
      %mul3A_163 = vector.broadcast %mul3A_162 : i32 to vector<16xi32>
      %mul3A_164 = arith.muli %iota3A, %mul3A_163 : vector<16xi32>
      %add3A_165 = arith.constant 96 : i32
      %add3A_166 = vector.broadcast %add3A_165 : i32 to vector<16xi32>
      %add3A_167 = arith.addi %mul3A_164, %add3A_166 : vector<16xi32>
      %mul3A_168 = arith.mulf %get3A_108, %div3A : vector<16xf32>
      %scatter3A_169 = arith.constant 0 : i32
      %scatter3A_170 = tpu.memref_slice %arg10[%add3A_81, %scatter3A_169] : memref<128x128xf32, #tpu.memory_space<vmem>> -> memref<1x128xf32, #tpu.memory_space<vmem>>
      %scatter3A_171 = tpu.memref_squeeze %scatter3A_170 : memref<1x128xf32, #tpu.memory_space<vmem>> -> memref<128xf32, #tpu.memory_space<vmem>>
      tpu.vector_store_idx %scatter3A_171[%add3A_167], %mul3A_168 : memref<128xf32, #tpu.memory_space<vmem>>[vector<16xi32>], vector<16xf32>,
      %add3A_172 = arith.constant 1 : i32
      %add3A_173 = vector.broadcast %add3A_172 : i32 to vector<16xi32>
      %add3A_174 = arith.addi %add3A_167, %add3A_173 : vector<16xi32>
      %mul3A_175 = arith.mulf %get3A_111, %div3A : vector<16xf32>
      %scatter3A_176 = arith.constant 0 : i32
      %scatter3A_177 = tpu.memref_slice %arg10[%add3A_81, %scatter3A_176] : memref<128x128xf32, #tpu.memory_space<vmem>> -> memref<1x128xf32, #tpu.memory_space<vmem>>
      %scatter3A_178 = tpu.memref_squeeze %scatter3A_177 : memref<1x128xf32, #tpu.memory_space<vmem>> -> memref<128xf32, #tpu.memory_space<vmem>>
      tpu.vector_store_idx %scatter3A_178[%add3A_174], %mul3A_175 : memref<128xf32, #tpu.memory_space<vmem>>[vector<16xi32>], vector<16xf32>,
    }
    %scan3A_76 = arith.constant 128 : i32
    "tpu.region"() ({
      %run_scoped3A = tpu.sem_alloc : memref<!tpu.dma_semaphore, #tpu.memory_space<semaphore_mem>>
      %dma_start3A = arith.constant 0 : i32
      %dma_start3A_77 = tpu.memref_slice %arg4[%mul3A_2, %dma_start3A] : memref<4096x128xf32, #tpu.memory_space<hbm>> -> memref<128x128xf32, #tpu.memory_space<hbm>>
      %dma_start3A_78 = arith.constant 0 : i32
      %dma_start3A_79 = tpu.memref_slice %arg4[%mul3A_2, %dma_start3A_78] : memref<4096x128xf32, #tpu.memory_space<hbm>> -> memref<128x128xf32, #tpu.memory_space<hbm>>
      tpu.enqueue_dma source(%arg10 : memref<128x128xf32, #tpu.memory_space<vmem>>) target(%dma_start3A_79 : memref<128x128xf32, #tpu.memory_space<hbm>>) target_semaphore(%run_scoped3A : memref<!tpu.dma_semaphore, #tpu.memory_space<semaphore_mem>>)
      %dma_wait3A = arith.constant 0 : i32
      %dma_wait3A_80 = tpu.memref_slice %arg4[%mul3A_2, %dma_wait3A] : memref<4096x128xf32, #tpu.memory_space<hbm>> -> memref<128x128xf32, #tpu.memory_space<hbm>>
      %dma_wait3A_81 = arith.constant 0 : i32
      %dma_wait3A_82 = tpu.memref_slice %arg4[%mul3A_2, %dma_wait3A_81] : memref<4096x128xf32, #tpu.memory_space<hbm>> -> memref<128x128xf32, #tpu.memory_space<hbm>>
      tpu.wait_dma2 semaphore(%run_scoped3A : memref<!tpu.dma_semaphore, #tpu.memory_space<semaphore_mem>>) src(%arg10 : memref<128x128xf32, #tpu.memory_space<vmem>>) dst(%dma_wait3A_82 : memref<128x128xf32, #tpu.memory_space<hbm>>)
      tpu.yield
    }) : () -> ()
    return
  }
}

</mosaic_0001>

<sc_bundles>
// kernel: kernel.3.cloned.1.call-start
scs
__scs_entry_jumppad:
0x0: {  	(pc) =	sbr.rel $0x88, $3  }
0x1: {  	(tag) =	ssettag $0x0;
	lr =	simm.s32 $0x1  }
0x2: {  	[smem:$0x3F9F] =	sst lr;
	_ =	strace $0xD0000000  }
0x3: {  	_ = 	snop  }
0x4: {  	_ = 	snop  }
0x5: {  	_ = 	snop  }
0x6: {  	_ = 	snop  }
0x7: {  	_ = 	snop  }
__scs_overlays_trampoline_lowered:
0x8: {  	[smem:$0x3FAE] =	sst s0  }
0x9: {  	[smem:$0x3FAF] =	sst s1  }
0xa: {  	[smem:$0x3FB0] =	sst s2  }
0xb: {  	[smem:$0x3FB1] =	sst s3  }
0xc: {  	[smem:$0x3FB2] =	sst s4  }
0xd: {  	[smem:$0x3FB3] =	sst s5  }
0xe: {  	[smem:$0x3FB4] =	sst s6  }
0xf: {  	[smem:$0x3FB5] =	sst s7  }
0x10: {  	[smem:$0x3FB6] =	sst s8  }
0x11: {  	[smem:$0x3FB7] =	sst s9;
	s0 =	simm.s32 @!p0 $0x0  }
0x12: {  	s1 =	sld [smem:$0x3F9D];
	s0 =	simm.s32 @p0 $0x1  }
0x13: {  	[smem:$0x3FB8] =	sst s0;
	s0 =	simm.s32 @!p1 $0x0  }
0x14: {  	s2 =	sld [smem:$0x3F9C];
	s0 =	simm.s32 @p1 $0x1  }
0x15: {  	[smem:$0x3FB9] =	sst s0;
	s0 =	simm.s32 @!p2 $0x0  }
0x16: {  	s3 =	sld [smem:$0x3FDB];
	s0 =	simm.s32 @p2 $0x1  }
0x17: {  	s4 =	simm.s32 $0x1BF5;
	[smem:$0x3FBB] =	sst s0  }
0x18: {  	s0 =	sld [smem:$0x3F9E];
	_ =	swait.ge [sflag:s4], $0x0  }
0x19: {  	s7 =	sld [smem:$0x3F9F]  }
0x1a: {  	s8 =	sadd.s32 $0xFFFFE003, lr  }
0x1b: {  	s9 =	sadd.s32 $0xFFFFFEF7, lr;
	s5 =	simm.s32 $0xFFFFFFFF;
	p2 =	slt.u32 s8, $0xFFFFF086  }
0x1c: {  	p1 =	slt.u32 s9, $0xF7A;
	s5 =	simm.s32 @!p2 $0x0  }
0x1d: {  	s5 =	simm.s32 @p1 $0x1;
	p0 =	seq.s32 s7, s2  }
0x1e: {  	s7 =	smul.u32 @!p0 $0xF7A, s2;
	p2 =	seq.s32 @!p0 s5, $0x0  }
0x1f: {  	s9 =	smul.u32 $0xF7A, s1;
	s8 =	simm.s32 @!p0 $0x1BF5;
	p2 =	por !p2, p0  }
0x20: {  	[sflag:s8] =	ssyncset.s32 @!p0 $0xFFFFF086;
	s6 =	sadd.s32 @!p0 s3, s7;
	s7 =	simm.s32 @!p0 $0x108  }
0x21: {  	s3 =	sadd.s32 s3, s9;
	s6 =	sadd.s32 @!p0 $0x88, s6;
	s7 =	simm.s32 @p2 $0x1082  }
0x22: {  	[simem:s7], [sflag:s8] =	dma.local @!p0 [hbm:s6], $0xF7A  }
0x23: {  	s9 =	sor.u32 $0xD0000000, s2;
	s6 =	simm.s32 $0x108;
	_ =	swait.ge @!p0 [sflag:s8], $0x0  }
0x24: {  	s3 =	sadd.s32 $0x88, s3;
	s6 =	simm.s32 @!p1 $0x1082;
	[sflag:s4] =	ssyncset.s32 $0xFFFFF086  }
0x25: {  	[simem:s6], [sflag:s4] =	dma.local [hbm:s3], $0xF7A  }
0x26: {  	[smem:$0x3F9F] =	sst s1;
	(tag) =	ssettag s2;
	_ =	strace s9  }
0x27: {  	s1 =	sld [smem:$0x3FAF]  }
0x28: {  	s2 =	sld [smem:$0x3FB0]  }
0x29: {  	s4 =	sld [smem:$0x3FB2]  }
0x2a: {  	p0 =	seq.s32 s5, $0x0;
	s5 =	sld [smem:$0x3FB3]  }
0x2b: {  	s6 =	sld [smem:$0x3FB4]  }
0x2c: {  	s7 =	sld [smem:$0x3FB5]  }
0x2d: {  	s3 =	simm.s32 $0x108;
	s8 =	sld [smem:$0x3FB6]  }
0x2e: {  	s3 =	simm.s32 @!p0 $0x1082;
	s9 =	sld [smem:$0x3FB7]  }
0x2f: {  	lr =	sadd.s32 s0, s3;
	s0 =	sld [smem:$0x3FAE]  }
0x30: {  	s3 =	sld [smem:$0x3FB1]  }
0x31: {  	[smem:$0x3FBA] =	sst s10  }
0x32: {  	s10 =	sld [smem:$0x3FB8];
	_ =	sdelay $0x3  }
0x33: {  	p0 =	seq.s32 s10, $0x1;
	s10 =	sld [smem:$0x3FBA];
	_ =	sdelay $0x3  }
0x34: {  	[smem:$0x3FBA] =	sst s10  }
0x35: {  	s10 =	sld [smem:$0x3FB9];
	_ =	sdelay $0x3  }
0x36: {  	p1 =	seq.s32 s10, $0x1;
	s10 =	sld [smem:$0x3FBA];
	_ =	sdelay $0x3  }
0x37: {  	[smem:$0x3FBA] =	sst s10  }
0x38: {  	s10 =	sld [smem:$0x3FBB]  }
0x39: {  	_ = 	snop;
	(pc) =	sbr.ind lr, $3  }
0x3a: {  	_ = 	snop  }
0x3b: {  	_ = 	snop  }
0x3c: {  	p2 =	seq.s32 s10, $0x1;
	s10 =	sld [smem:$0x3FBA]  }
0x3d: {  	_ =	shalt  }
0x3e: {  	_ =	shalt  }
0x3f: {  	_ =	shalt  }
0x40: {  	_ =	shalt  }
0x41: {  	_ =	shalt  }
0x42: {  	_ =	shalt  }
0x43: {  	_ =	shalt  }
0x44: {  	_ =	shalt  }
0x45: {  	_ =	shalt  }
0x46: {  	_ =	shalt  }
0x47: {  	_ =	shalt  }
0x48: {  	_ =	shalt  }
0x49: {  	_ =	shalt  }
0x4a: {  	_ =	shalt  }
0x4b: {  	_ =	shalt  }
0x4c: {  	_ =	shalt  }
0x4d: {  	_ =	shalt  }
0x4e: {  	_ =	shalt  }
0x4f: {  	_ =	shalt  }
0x50: {  	_ =	shalt  }
0x51: {  	_ =	shalt  }
0x52: {  	_ =	shalt  }
0x53: {  	_ =	shalt  }
0x54: {  	_ =	shalt  }
0x55: {  	_ =	shalt  }
0x56: {  	_ =	shalt  }
0x57: {  	_ =	shalt  }
0x58: {  	_ =	shalt  }
0x59: {  	_ =	shalt  }
0x5a: {  	_ =	shalt  }
0x5b: {  	_ =	shalt  }
0x5c: {  	_ =	shalt  }
0x5d: {  	_ =	shalt  }
0x5e: {  	_ =	shalt  }
0x5f: {  	_ =	shalt  }
0x60: {  	_ =	shalt  }
0x61: {  	_ =	shalt  }
0x62: {  	_ =	shalt  }
0x63: {  	_ =	shalt  }
0x64: {  	_ =	shalt  }
0x65: {  	_ =	shalt  }
0x66: {  	_ =	shalt  }
0x67: {  	_ =	shalt  }
0x68: {  	_ =	shalt  }
0x69: {  	_ =	shalt  }
0x6a: {  	_ =	shalt  }
0x6b: {  	_ =	shalt  }
0x6c: {  	_ =	shalt  }
0x6d: {  	_ =	shalt  }
0x6e: {  	_ =	shalt  }
0x6f: {  	_ =	shalt  }
0x70: {  	_ =	shalt  }
0x71: {  	_ =	shalt  }
0x72: {  	_ =	shalt  }
0x73: {  	_ =	shalt  }
0x74: {  	_ =	shalt  }
0x75: {  	_ =	shalt  }
0x76: {  	_ =	shalt  }
0x77: {  	_ =	shalt  }
0x78: {  	_ =	shalt  }
0x79: {  	_ =	shalt  }
0x7a: {  	_ =	shalt  }
0x7b: {  	_ =	shalt  }
0x7c: {  	_ =	shalt  }
0x7d: {  	_ =	shalt  }
0x7e: {  	_ =	shalt  }
0x7f: {  	_ =	shalt  }
0x80: {  	_ =	shalt  }
0x81: {  	_ =	shalt  }
0x82: {  	_ =	shalt  }
0x83: {  	_ =	shalt  }
0x84: {  	_ =	shalt  }
0x85: {  	_ =	shalt  }
0x86: {  	_ =	shalt  }
0x87: {  	_ =	shalt  }
.Lfunc_end0:
.L_simem_size_0:
called_computation_lowered:
.L_overlay_start_0:
0x88: {  	s2 =	sld [smem:$0x3FD9]  }
0x89: {  	s3 =	sld [smem:$0x3FFE];
	_ =	sdelay $0x1  }
0x8a: {  	s1 =	srdreg.scid  }
0x8b: {  	s0 =	sand.u32 $0x1, s1  }
0x8c: {  	s17 =	sshll.u32 s0, $0xA;
	s2 =	sadd.s32 s3, s2  }
0x8d: {  	s2 =	sadd.s32 s2, s17  }
0x8e: {  	[smem:$0x3FC6] =	sst s2  }
0x8f: {  	_ = 	snop  }
0x90: {  	s2 =	sld [smem:$0x3FD0];
	(tm) =	ssettm $0x1  }
0x91: {  	s18 =	sld [smem:$0x3FFB];
	_ =	sdelay $0x3  }
0x92: {  	_ =	strace s18  }
0x93: {  	s3 =	sld [smem:$0x3FFC];
	_ =	sdelay $0x3  }
0x94: {  	_ =	strace s3  }
0x95: {  	s3 =	sld [smem:$0x3FFD];
	_ =	sdelay $0x3  }
0x96: {  	_ =	strace s3  }
0x97: {  	_ =	strace $0x8FFFFFFF  }
0x98: {  	s19 =	sld [smem:$0x3FDB];
	_ =	sdelay $0x1  }
0x99: {  	s4 =	simm.s32 $_scs_section_size  }
0x9a: {  	s5 =	simm.s32 $_size__tile_overlayer_lowered;
	s6 =	simm.s32 $_tile_overlayer_lowered  }
0x9b: {  	s22 =	simm.s32 $0x1BFF;
	s21 =	sshll.u32 s6, $0x1;
	s3 =	sadd.s32 s4, s19  }
0x9c: {  	s7 =	simm.s32 $0x0;
	s20 =	sshll.u32 s5, $0x1;
	s5 =	sadd.s32 s21, s3  }
0x9d: {  	[timem:s7], [sflag:s22] =	dma.local [hbm:s5], s20  }
0x9e: {  	_ =	swait.ge [sflag:s22], s20  }
0x9f: {  	s4 =	ssub.s32 $0x0, s20;
	[sflag:s22] =	ssyncset.done $0x0  }
0xa0: {  	[sflag:s22] =	ssyncadd.s32 s4;
	_ =	sdelay $0x1  }
0xa1: {  	s23 =	simm.s32 $0x1B8B  }
0xa2: {  	_ =	swait.ge [sflag:s23], $0x1  }
0xa3: {  	[sflag:s23] =	ssyncset.done $0x0  }
0xa4: {  	s25 =	simm.s32 $0x1B8E;
	s24 =	sld [smem:$0x3FFE];
	[sflag:s23] =	ssyncadd.s32 $0xFFFFFFFF  }
0xa5: {  	s26 =	simm.s32 $execute0_lowered;
	[smem:$0x3FD2] =	sst s25  }
0xa6: {  	s5 =	sshll.u32 s26, $0x1;
	_ =	strace $0x80000046;
	[dreg:$0x1] =	wrdreg $0xFFFFFFFF  }
0xa7: {  	s28 =	simm.s32 $_size_execute0_lowered;
	s3 =	sadd.s32 s3, s5;
	[dreg:$0x0] =	wrdreg $0x0  }
0xa8: {  	s5 =	sshll.u32 s28, $0x1;
	[dreg:$0x2] =	wrdreg s3  }
0xa9: {  	[dreg:$0x3] =	wrdreg s5  }
0xaa: {  	[dreg:$0x4] =	wrdreg $0xC0  }
0xab: {  	_ =	task [dreg:s7], $0x5FFFF  }
0xac: {  	[dreg:$0x1] =	wrdreg $0xFFFFFFFF  }
0xad: {  	[dreg:$0x0] =	wrdreg $0x60  }
0xae: {  	[dreg:$0x2] =	wrdreg s24  }
0xaf: {  	[dreg:$0x3] =	wrdreg s2  }
0xb0: {  	[dreg:$0x4] =	wrdreg $0xF2900  }
0xb1: {  	[dreg:$0x5] =	wrdreg $0x9  }
0xb2: {  	_ =	task.clear_ibuf [dreg:s7], $0x6FFFF;
	_ =	strace $0x90000046  }
0xb3: {  	s29 =	simm.s32 $0x9;
	_ =	strace $0x80000048  }
0xb4: {  	_ =	swait.ge [sflag:s29], $0x1  }
0xb5: {  	[sflag:s29] =	ssyncadd.s32 $0xFFFFFFFF  }
0xb6: {  	_ =	strace $0x90000048  }
0xb7: {  	_ =	sfence  }
0xb8: {  	s30 =	sld [smem:$0x0];
	_ =	sdelay $0x2  }
0xb9: {  	s31 =	sshll.u32 s1, $0xD;
	s1 =	sshrl.u32 s1, $0x2  }
0xba: {  	s3 =	sand.u32 $0x4000, s31;
	s1 =	sadd.s32 s1, s30  }
0xbb: {  	s0 =	sor.u32 s3, s0;
	s1 =	sshll.u32 s1, $0x11  }
0xbc: {  	s0 =	sor.u32 s1, s0  }
0xbd: {  	s0 =	sadd.s32 $0x8F2B, s0  }
0xbe: {  	[sflag:s0] =	ssyncadd.remote.s32 $0x1  }
0xbf: {  	_ =	sfence.sel $0xFFFF  }
0xc0: {  	[dreg:$0x0] =	wrdreg $0xFFFFFFFF;
	(pc) =	sbr.abs _section_cstart, $3  }
0xc1: {  	[dreg:$0x1] =	wrdreg $0xFFFFFFFF  }
0xc2: {  	_ =	task.clear_ibuf [dreg:s7], $0x2FFFF;
	_ =	strace $0x9FFFFFFF  }
0xc3: {  	(tm) =	ssettm $0x7FFFFFFF  }
tec
execute0_lowered:
.L_overlay_start_1:
0x0: {  	(tag) =	ssettag $0x1  }
0x1: {  	s1 =	rddreg [dreg:$0x0]  }
0x2: {  	s0 =	srdreg.scid;
	s3 =	rddreg [dreg:$0x1]  }
0x3: {  	s9 =	stileid.u32;
	s2 =	rddreg [dreg:$0x2]  }
0x4: {  	s10 =	simm.s32 $0x0;
	s12 =	simm.s32 $0x6A70;
	s13 =	simm.s32 $0x6A80  }
0x5: {  	s14 =	simm.s32 $0x1;
	s15 =	simm.s32 $0x2;
	s0 =	sand.u32 $0x1, s0  }
0x6: {  	s4 =	sshll.u32 s9, $0x8;
	[smem:$0x7FF] =	sst s10;
	s7 =	smul.u32 $0x6A00, s9  }
0x7: {  	s29 =	sshll.u32 s9, $0x10;
	s8 =	smul.u32 $0x350, s9;
	s5 =	sshll.u32 s0, $0x7  }
0x8: {  	s30 =	sshll.u32 s9, $0xD;
	s0 =	ssub.s32 $0x2, s0;
	s4 =	sor.u32 s5, s4  }
0x9: {  	s6 =	sshrl.u32 s0, $0x1;
	s7 =	sshrl.u32 s7, $0x2;
	s5 =	smul.u32 $0x1A, s4  }
0xa: {  	_ =	strace $0x80000047;
	s0 =	ssub.s32 s0, s6;
	s7 =	sadd.s32 s7, s2  }
0xb: {  	s31 =	sshll.u32 s4, $0x4;
	s0 =	smax.u32 s0, $0x1;
	s5 =	sadd.s32 s5, s1  }
0xc: {  	v0 =	vimm.s32 $0x0;
	s1 =	sadd.s32 $0xC3800, s1;
	[dreg:$0x6] =	wrdreg s0;
	s5 =	sadd.s32 $0x200, s5  }
0xd: {  	vm0 =	vcmask $0x308;
	vm1 =	vcmask $0x70C;
	vm2 =	vcmask $0xB10;
	s6 =	sadd.s32 s1, s30;
	s1 =	sadd.s32 s8, s1;
	[dreg:$0x4] =	wrdreg s5  }
0xe: {  	vm3 =	vcmask $0xF14;
	vm4 =	vcmask $0x1318;
	v2 =	vlaneseq.u32;
	s5 =	sadd.s32 s29, s2;
	s8 =	sadd.s32 $0xC0000, s1;
	s1 =	sadd.s32 s3, s31  }
0xf: {  	vm5 =	vcmask $0x171C;
	v1 =	vimm.f32 $0.0e+00;
	v2 =	vmul.u32 $0x2, v2;
	s3 =	simm.s32 $0x0;
	[dreg:$0x5] =	wrdreg s1;
	s1 =	simm.s32 $0x3  }
.LBB2_1:
0x10: {  	[dreg:$0x7] =	wrdreg s3  }
0x11: {  	s0 =	rddreg [dreg:$0x4]  }
0x12: {  	[tilespmem:s10], [sflag:$0x3] =	stream.linear.gather [hbm4b:s0+s10], $0x6800, $0x38;
	[tilespmem:$0x1F290] =	vst v63  }
0x13: {  	_ =	swait.ge [sflag:s1], $0x6800  }
0x14: {  	[sflag:s1] =	ssyncset.done $0x0  }
0x15: {  	[sflag:s1] =	ssyncadd.s32 $0xFFFF9800  }
0x16: {  	[tilespmem:$0x6800] =	vst v0  }
0x17: {  	[tilespmem:$0x6810] =	vst v0  }
0x18: {  	[tilespmem:$0x6820] =	vst v0  }
0x19: {  	[tilespmem:$0x6830] =	vst v0  }
0x1a: {  	[tilespmem:$0x6840] =	vst v0  }
0x1b: {  	[tilespmem:$0x6850] =	vst v0  }
0x1c: {  	[tilespmem:$0x6860] =	vst v0  }
0x1d: {  	[tilespmem:$0x6870] =	vst v0  }
0x1e: {  	[tilespmem:$0x6880] =	vst v0  }
0x1f: {  	[tilespmem:$0x6890] =	vst v0  }
0x20: {  	[tilespmem:$0x68A0] =	vst v0  }
0x21: {  	s19 =	simm.s32 $0x4;
	[tilespmem:$0x68B0] =	vst v0  }
0x22: {  	s20 =	simm.s32 $0xB310;
	s21 =	simm.s32 $0x2;
	s22 =	simm.s32 $0x0;
	[tilespmem:$0x68C0] =	vst v0  }
.LBB2_2:
0x23: {  	s23 =	sshra.s32 s22, $0x2  }
0x24: {  	v3 =	vld [tilespmem:s23+$0x0];
	_ =	sdelay $0x4  }
0x25: {  	[tilespmem:$0x68D0] =	vst v3  }
0x26: {  	v3 =	vld [tilespmem:s23+$0x10];
	_ =	sdelay $0x4  }
0x27: {  	[tilespmem:$0x68E0] =	vst v3  }
0x28: {  	v3 =	vld [tilespmem:s23+$0x20];
	_ =	sdelay $0x4  }
0x29: {  	[tilespmem:$0x68F0] =	vst v3  }
0x2a: {  	v3 =	vld [tilespmem:s23+$0x30];
	_ =	sdelay $0x4  }
0x2b: {  	[tilespmem:$0x6900] =	vst v3  }
0x2c: {  	v3 =	vld [tilespmem:s23+$0x40];
	_ =	sdelay $0x4  }
0x2d: {  	[tilespmem:$0x6910] =	vst v3  }
0x2e: {  	v3 =	vld [tilespmem:s23+$0x50];
	_ =	sdelay $0x4  }
0x2f: {  	[tilespmem:$0x6920] =	vst v3  }
0x30: {  	v3 =	vld [tilespmem:s23+$0x60];
	_ =	sdelay $0x4  }
0x31: {  	[tilespmem:$0x6930] =	vst v3  }
0x32: {  	v3 =	vld [tilespmem:s23+$0x70];
	_ =	sdelay $0x4  }
0x33: {  	[tilespmem:$0x6940] =	vst v3  }
0x34: {  	v3 =	vld [tilespmem:s23+$0x80];
	_ =	sdelay $0x4  }
0x35: {  	[tilespmem:$0x6950] =	vst v3  }
0x36: {  	v3 =	vld [tilespmem:s23+$0x90];
	_ =	sdelay $0x4  }
0x37: {  	[tilespmem:$0x6960] =	vst v3;
	v3 =	vld [tilespmem:$0x68D0];
	_ =	sdelay $0x1  }
0x38: {  	v4 =	vld [tilespmem:s23+$0xA0];
	_ =	sdelay $0x2  }
0x39: {  	v5 =	vshrl.u32 v3, $0xE  }
0x3a: {  	(xrf1) =	vunique.msk.u32 $0xffff, v5  }
0x3b: {  	[tilespmem:$0x6970] =	vst v4  }
0x3c: {  	v4 =	vld [tilespmem:s23+$0xB0];
	_ =	sdelay $0x4  }
0x3d: {  	[tilespmem:$0x6980] =	vst v4  }
0x3e: {  	v4 =	vld [tilespmem:s23+$0xC0];
	_ =	sdelay $0x3  }
0x3f: {  	[tilespmem:$0x6A70] =	vst v0  }
0x40: {  	[tilespmem:$0x6990] =	vst v4  }
0x41: {  	v6 =	vld.idx.msk [tilespmem:v5+s12+$0x0], $0xffff;
	_, v23, vm6 =	vpop (xrf1);
	_ =	sdelay $0x4  }
0x42: {  	v4 =	vadd.s32 v6, v23  }
0x43: {  	[tilespmem:v5+s12+$0x0] =	vst.idx.msk vm6, v4  }
0x44: {  	v4 =	vld [tilespmem:$0x68E0];
	_ =	sdelay $0x4  }
0x45: {  	v24 =	vshrl.u32 v4, $0xE  }
0x46: {  	(xrf1) =	vunique.msk.u32 $0xffff, v24;
	_ =	sdelay $0xd  }
0x47: {  	v7 =	vld.idx.msk [tilespmem:v24+s12+$0x0], $0xffff;
	_, v25, vm6 =	vpop (xrf1);
	_ =	sdelay $0x4  }
0x48: {  	v6 =	vadd.s32 v7, v25  }
0x49: {  	[tilespmem:v24+s12+$0x0] =	vst.idx.msk vm6, v6  }
0x4a: {  	v5 =	vld [tilespmem:$0x68F0];
	_ =	sdelay $0x4  }
0x4b: {  	v26 =	vshrl.u32 v5, $0xE  }
0x4c: {  	(xrf1) =	vunique.msk.u32 $0xffff, v26;
	_ =	sdelay $0xd  }
0x4d: {  	v8 =	vld.idx.msk [tilespmem:v26+s12+$0x0], $0xffff;
	_, v27, vm6 =	vpop (xrf1);
	_ =	sdelay $0x4  }
0x4e: {  	v7 =	vadd.s32 v8, v27  }
0x4f: {  	[tilespmem:v26+s12+$0x0] =	vst.idx.msk vm6, v7  }
0x50: {  	v6 =	vld [tilespmem:$0x6900];
	_ =	sdelay $0x4  }
0x51: {  	v28 =	vshrl.u32 v6, $0xE  }
0x52: {  	(xrf1) =	vunique.msk.u32 $0xffff, v28;
	_ =	sdelay $0xd  }
0x53: {  	v9 =	vld.idx.msk [tilespmem:v28+s12+$0x0], $0xffff;
	_, v29, vm6 =	vpop (xrf1);
	_ =	sdelay $0x4  }
0x54: {  	v8 =	vadd.s32 v9, v29  }
0x55: {  	[tilespmem:v28+s12+$0x0] =	vst.idx.msk vm6, v8  }
0x56: {  	v7 =	vld [tilespmem:$0x6910];
	_ =	sdelay $0x4  }
0x57: {  	v30 =	vshrl.u32 v7, $0xE  }
0x58: {  	(xrf1) =	vunique.msk.u32 $0xffff, v30;
	_ =	sdelay $0xd  }
0x59: {  	v10 =	vld.idx.msk [tilespmem:v30+s12+$0x0], $0xffff;
	_, v31, vm6 =	vpop (xrf1);
	_ =	sdelay $0x4  }
0x5a: {  	v9 =	vadd.s32 v10, v31  }
0x5b: {  	[tilespmem:v30+s12+$0x0] =	vst.idx.msk vm6, v9  }
0x5c: {  	v8 =	vld [tilespmem:$0x6920];
	_ =	sdelay $0x4  }
0x5d: {  	v32 =	vshrl.u32 v8, $0xE  }
0x5e: {  	(xrf1) =	vunique.msk.u32 $0xffff, v32;
	_ =	sdelay $0xd  }
0x5f: {  	v11 =	vld.idx.msk [tilespmem:v32+s12+$0x0], $0xffff;
	_, v33, vm6 =	vpop (xrf1);
	_ =	sdelay $0x4  }
0x60: {  	v10 =	vadd.s32 v11, v33  }
0x61: {  	[tilespmem:v32+s12+$0x0] =	vst.idx.msk vm6, v10  }
0x62: {  	v9 =	vld [tilespmem:$0x6930];
	_ =	sdelay $0x4  }
0x63: {  	v34 =	vshrl.u32 v9, $0xE  }
0x64: {  	(xrf1) =	vunique.msk.u32 $0xffff, v34;
	_ =	sdelay $0xd  }
0x65: {  	v12 =	vld.idx.msk [tilespmem:v34+s12+$0x0], $0xffff;
	_, v35, vm6 =	vpop (xrf1);
	_ =	sdelay $0x4  }
0x66: {  	v11 =	vadd.s32 v12, v35  }
0x67: {  	[tilespmem:v34+s12+$0x0] =	vst.idx.msk vm6, v11  }
0x68: {  	v10 =	vld [tilespmem:$0x6940];
	_ =	sdelay $0x4  }
0x69: {  	v36 =	vshrl.u32 v10, $0xE  }
0x6a: {  	(xrf1) =	vunique.msk.u32 $0xffff, v36;
	_ =	sdelay $0xd  }
0x6b: {  	v13 =	vld.idx.msk [tilespmem:v36+s12+$0x0], $0xffff;
	_, v37, vm6 =	vpop (xrf1);
	_ =	sdelay $0x4  }
0x6c: {  	v12 =	vadd.s32 v13, v37  }
0x6d: {  	[tilespmem:v36+s12+$0x0] =	vst.idx.msk vm6, v12  }
0x6e: {  	v11 =	vld [tilespmem:$0x6950];
	_ =	sdelay $0x4  }
0x6f: {  	v38 =	vshrl.u32 v11, $0xE  }
0x70: {  	(xrf1) =	vunique.msk.u32 $0xffff, v38;
	_ =	sdelay $0xd  }
0x71: {  	v14 =	vld.idx.msk [tilespmem:v38+s12+$0x0], $0xffff;
	_, v39, vm6 =	vpop (xrf1);
	_ =	sdelay $0x4  }
0x72: {  	v13 =	vadd.s32 v14, v39  }
0x73: {  	[tilespmem:v38+s12+$0x0] =	vst.idx.msk vm6, v13  }
0x74: {  	v12 =	vld [tilespmem:$0x6960];
	_ =	sdelay $0x4  }
0x75: {  	v40 =	vshrl.u32 v12, $0xE  }
0x76: {  	(xrf1) =	vunique.msk.u32 $0xffff, v40;
	_ =	sdelay $0xd  }
0x77: {  	v15 =	vld.idx.msk [tilespmem:v40+s12+$0x0], $0xffff;
	_, v41, vm6 =	vpop (xrf1);
	_ =	sdelay $0x4  }
0x78: {  	v14 =	vadd.s32 v15, v41  }
0x79: {  	[tilespmem:v40+s12+$0x0] =	vst.idx.msk vm6, v14  }
0x7a: {  	v14 =	vld [tilespmem:$0x6970];
	_ =	sdelay $0x4  }
0x7b: {  	v42 =	vshrl.u32 v14, $0xE  }
0x7c: {  	(xrf1) =	vunique.msk.u32 $0xffff, v42;
	_ =	sdelay $0xd  }
0x7d: {  	v16 =	vld.idx.msk [tilespmem:v42+s12+$0x0], $0xffff;
	_, v43, vm6 =	vpop (xrf1);
	_ =	sdelay $0x4  }
0x7e: {  	v15 =	vadd.s32 v16, v43  }
0x7f: {  	[tilespmem:v42+s12+$0x0] =	vst.idx.msk vm6, v15  }
0x80: {  	v15 =	vld [tilespmem:$0x6980];
	_ =	sdelay $0x4  }
0x81: {  	v44 =	vshrl.u32 v15, $0xE  }
0x82: {  	(xrf1) =	vunique.msk.u32 $0xffff, v44;
	_ =	sdelay $0xd  }
0x83: {  	v17 =	vld.idx.msk [tilespmem:v44+s12+$0x0], $0xffff;
	_, v45, vm6 =	vpop (xrf1);
	_ =	sdelay $0x4  }
0x84: {  	v16 =	vadd.s32 v17, v45  }
0x85: {  	[tilespmem:v44+s12+$0x0] =	vst.idx.msk vm6, v16  }
0x86: {  	v16 =	vld [tilespmem:$0x6990];
	_ =	sdelay $0x4  }
0x87: {  	v46 =	vshrl.u32 v16, $0xE  }
0x88: {  	(xrf1) =	vunique.msk.u32 $0xffff, v46;
	_ =	sdelay $0xd  }
0x89: {  	v18 =	vld.idx.msk [tilespmem:v46+s12+$0x0], $0xffff;
	_, v47, vm6 =	vpop (xrf1);
	_ =	sdelay $0x4  }
0x8a: {  	v17 =	vadd.s32 v18, v47  }
0x8b: {  	[tilespmem:v46+s12+$0x0] =	vst.idx.msk vm6, v17  }
0x8c: {  	v17 =	vld [tilespmem:$0x68D0];
	_ =	sdelay $0x1  }
0x8d: {  	v13 =	vld [tilespmem:$0x6A70];
	_ =	sdelay $0x2  }
0x8e: {  	v48 =	vshrl.u32 v17, $0xE  }
0x8f: {  	(xrf1) =	vunique.msk.u32 $0xffff, v48  }
0x90: {  	(xrf0) =	vadd.scan.msk.s32 $0xffff, v13;
	_ =	sdelay $0x5  }
0x91: {  	v19, _, _ =	vpop (xrf0)  }
0x92: {  	v13 =	vsub.s32 v19, v13  }
0x93: {  	[tilespmem:$0x6A70] =	vst v13  }
0x94: {  	v49 =	vld.idx.msk [tilespmem:v48+s12+$0x0], $0xffff;
	_ =	sdelay $0x3  }
0x95: {  	_, v20, vm6 =	vpop (xrf1)  }
0x96: {  	v19 =	vadd.s32 v49, v20  }
0x97: {  	v20 =	vadd.s32 $0xFFFFFFFF, v19;
	_ =	sdelay $0x3  }
0x98: {  	v17 =	vand.u32 $0x3FFF, v17  }
0x99: {  	[tilespmem:v20+s23+$0x0] =	vst.idx.msk $0xffff, v17  }
0x9a: {  	[tilespmem:v48+s12+$0x0] =	vst.idx.msk vm6, v19  }
0x9b: {  	v17 =	vld [tilespmem:$0x68E0];
	_ =	sdelay $0x4  }
0x9c: {  	v50 =	vshrl.u32 v17, $0xE  }
0x9d: {  	(xrf1) =	vunique.msk.u32 $0xffff, v50;
	_ =	sdelay $0x9  }
0x9e: {  	v19 =	vld.idx.msk [tilespmem:v50+s12+$0x0], $0xffff;
	_ =	sdelay $0x3  }
0x9f: {  	_, v51, vm6 =	vpop (xrf1)  }
0xa0: {  	v19 =	vadd.s32 v19, v51  }
0xa1: {  	v20 =	vadd.s32 $0xFFFFFFFF, v19;
	_ =	sdelay $0x3  }
0xa2: {  	v17 =	vand.u32 $0x3FFF, v17  }
0xa3: {  	[tilespmem:v20+s23+$0x0] =	vst.idx.msk $0xffff, v17  }
0xa4: {  	[tilespmem:v50+s12+$0x0] =	vst.idx.msk vm6, v19  }
0xa5: {  	v17 =	vld [tilespmem:$0x68F0];
	_ =	sdelay $0x4  }
0xa6: {  	v52 =	vshrl.u32 v17, $0xE  }
0xa7: {  	(xrf1) =	vunique.msk.u32 $0xffff, v52;
	_ =	sdelay $0x9  }
0xa8: {  	v19 =	vld.idx.msk [tilespmem:v52+s12+$0x0], $0xffff;
	_ =	sdelay $0x3  }
0xa9: {  	_, v53, vm6 =	vpop (xrf1)  }
0xaa: {  	v19 =	vadd.s32 v19, v53  }
0xab: {  	v20 =	vadd.s32 $0xFFFFFFFF, v19;
	_ =	sdelay $0x3  }
0xac: {  	v17 =	vand.u32 $0x3FFF, v17  }
0xad: {  	[tilespmem:v20+s23+$0x0] =	vst.idx.msk $0xffff, v17  }
0xae: {  	[tilespmem:v52+s12+$0x0] =	vst.idx.msk vm6, v19  }
0xaf: {  	v17 =	vld [tilespmem:$0x6900];
	_ =	sdelay $0x4  }
0xb0: {  	v54 =	vshrl.u32 v17, $0xE  }
0xb1: {  	(xrf1) =	vunique.msk.u32 $0xffff, v54;
	_ =	sdelay $0x9  }
0xb2: {  	v19 =	vld.idx.msk [tilespmem:v54+s12+$0x0], $0xffff;
	_ =	sdelay $0x3  }
0xb3: {  	_, v55, vm6 =	vpop (xrf1)  }
0xb4: {  	v19 =	vadd.s32 v19, v55  }
0xb5: {  	v20 =	vadd.s32 $0xFFFFFFFF, v19;
	_ =	sdelay $0x3  }
0xb6: {  	v17 =	vand.u32 $0x3FFF, v17  }
0xb7: {  	[tilespmem:v20+s23+$0x0] =	vst.idx.msk $0xffff, v17  }
0xb8: {  	[tilespmem:v54+s12+$0x0] =	vst.idx.msk vm6, v19  }
0xb9: {  	v17 =	vld [tilespmem:$0x6910];
	_ =	sdelay $0x4  }
0xba: {  	v56 =	vshrl.u32 v17, $0xE  }
0xbb: {  	(xrf1) =	vunique.msk.u32 $0xffff, v56;
	_ =	sdelay $0x9  }
0xbc: {  	v19 =	vld.idx.msk [tilespmem:v56+s12+$0x0], $0xffff;
	_ =	sdelay $0x3  }
0xbd: {  	_, v57, vm6 =	vpop (xrf1)  }
0xbe: {  	v19 =	vadd.s32 v19, v57  }
0xbf: {  	v20 =	vadd.s32 $0xFFFFFFFF, v19;
	_ =	sdelay $0x3  }
0xc0: {  	v17 =	vand.u32 $0x3FFF, v17  }
0xc1: {  	[tilespmem:v20+s23+$0x0] =	vst.idx.msk $0xffff, v17  }
0xc2: {  	[tilespmem:v56+s12+$0x0] =	vst.idx.msk vm6, v19  }
0xc3: {  	v17 =	vld [tilespmem:$0x6920];
	_ =	sdelay $0x4  }
0xc4: {  	v58 =	vshrl.u32 v17, $0xE  }
0xc5: {  	(xrf1) =	vunique.msk.u32 $0xffff, v58;
	_ =	sdelay $0x9  }
0xc6: {  	v19 =	vld.idx.msk [tilespmem:v58+s12+$0x0], $0xffff;
	_ =	sdelay $0x3  }
0xc7: {  	_, v59, vm6 =	vpop (xrf1)  }
0xc8: {  	v19 =	vadd.s32 v19, v59  }
0xc9: {  	v20 =	vadd.s32 $0xFFFFFFFF, v19;
	_ =	sdelay $0x3  }
0xca: {  	v17 =	vand.u32 $0x3FFF, v17  }
0xcb: {  	[tilespmem:v20+s23+$0x0] =	vst.idx.msk $0xffff, v17  }
0xcc: {  	[tilespmem:v58+s12+$0x0] =	vst.idx.msk vm6, v19  }
0xcd: {  	v17 =	vld [tilespmem:$0x6930];
	_ =	sdelay $0x4  }
0xce: {  	v60 =	vshrl.u32 v17, $0xE  }
0xcf: {  	(xrf1) =	vunique.msk.u32 $0xffff, v60;
	_ =	sdelay $0x9  }
0xd0: {  	v19 =	vld.idx.msk [tilespmem:v60+s12+$0x0], $0xffff;
	_ =	sdelay $0x3  }
0xd1: {  	_, v61, vm6 =	vpop (xrf1)  }
0xd2: {  	v19 =	vadd.s32 v19, v61  }
0xd3: {  	v20 =	vadd.s32 $0xFFFFFFFF, v19;
	_ =	sdelay $0x3  }
0xd4: {  	v17 =	vand.u32 $0x3FFF, v17  }
0xd5: {  	[tilespmem:v20+s23+$0x0] =	vst.idx.msk $0xffff, v17  }
0xd6: {  	[tilespmem:v60+s12+$0x0] =	vst.idx.msk vm6, v19  }
0xd7: {  	v17 =	vld [tilespmem:$0x6940];
	_ =	sdelay $0x4  }
0xd8: {  	v62 =	vshrl.u32 v17, $0xE  }
0xd9: {  	(xrf1) =	vunique.msk.u32 $0xffff, v62;
	_ =	sdelay $0x9  }
0xda: {  	v19 =	vld.idx.msk [tilespmem:v62+s12+$0x0], $0xffff;
	_ =	sdelay $0x3  }
0xdb: {  	_, v63, vm6 =	vpop (xrf1)  }
0xdc: {  	v19 =	vadd.s32 v19, v63  }
0xdd: {  	v20 =	vadd.s32 $0xFFFFFFFF, v19;
	_ =	sdelay $0x3  }
0xde: {  	v17 =	vand.u32 $0x3FFF, v17  }
0xdf: {  	[tilespmem:v20+s23+$0x0] =	vst.idx.msk $0xffff, v17  }
0xe0: {  	[tilespmem:v62+s12+$0x0] =	vst.idx.msk vm6, v19  }
0xe1: {  	v17 =	vld [tilespmem:$0x6950];
	_ =	sdelay $0x4  }
0xe2: {  	v24 =	vshrl.u32 v17, $0xE  }
0xe3: {  	(xrf1) =	vunique.msk.u32 $0xffff, v24;
	_ =	sdelay $0x9  }
0xe4: {  	v19 =	vld.idx.msk [tilespmem:v24+s12+$0x0], $0xffff;
	_ =	sdelay $0x3  }
0xe5: {  	_, v25, vm6 =	vpop (xrf1)  }
0xe6: {  	v19 =	vadd.s32 v19, v25  }
0xe7: {  	v20 =	vadd.s32 $0xFFFFFFFF, v19;
	_ =	sdelay $0x3  }
0xe8: {  	v17 =	vand.u32 $0x3FFF, v17  }
0xe9: {  	[tilespmem:v20+s23+$0x0] =	vst.idx.msk $0xffff, v17  }
0xea: {  	[tilespmem:v24+s12+$0x0] =	vst.idx.msk vm6, v19  }
0xeb: {  	v17 =	vld [tilespmem:$0x6960];
	_ =	sdelay $0x4  }
0xec: {  	v26 =	vshrl.u32 v17, $0xE  }
0xed: {  	(xrf1) =	vunique.msk.u32 $0xffff, v26;
	_ =	sdelay $0x9  }
0xee: {  	v19 =	vld.idx.msk [tilespmem:v26+s12+$0x0], $0xffff;
	_ =	sdelay $0x3  }
0xef: {  	_, v27, vm6 =	vpop (xrf1)  }
0xf0: {  	v19 =	vadd.s32 v19, v27  }
0xf1: {  	v20 =	vadd.s32 $0xFFFFFFFF, v19;
	_ =	sdelay $0x3  }
0xf2: {  	v17 =	vand.u32 $0x3FFF, v17  }
0xf3: {  	[tilespmem:v20+s23+$0x0] =	vst.idx.msk $0xffff, v17  }
0xf4: {  	[tilespmem:v26+s12+$0x0] =	vst.idx.msk vm6, v19  }
0xf5: {  	v17 =	vld [tilespmem:$0x6970];
	_ =	sdelay $0x4  }
0xf6: {  	v28 =	vshrl.u32 v17, $0xE  }
0xf7: {  	(xrf1) =	vunique.msk.u32 $0xffff, v28;
	_ =	sdelay $0x9  }
0xf8: {  	v19 =	vld.idx.msk [tilespmem:v28+s12+$0x0], $0xffff;
	_ =	sdelay $0x3  }
0xf9: {  	_, v29, vm6 =	vpop (xrf1)  }
0xfa: {  	v19 =	vadd.s32 v19, v29  }
0xfb: {  	v20 =	vadd.s32 $0xFFFFFFFF, v19;
	_ =	sdelay $0x3  }
0xfc: {  	v17 =	vand.u32 $0x3FFF, v17  }
0xfd: {  	[tilespmem:v20+s23+$0x0] =	vst.idx.msk $0xffff, v17  }
0xfe: {  	[tilespmem:v28+s12+$0x0] =	vst.idx.msk vm6, v19  }
0xff: {  	v17 =	vld [tilespmem:$0x6980];
	_ =	sdelay $0x4  }
0x100: {  	v30 =	vshrl.u32 v17, $0xE  }
0x101: {  	(xrf1) =	vunique.msk.u32 $0xffff, v30;
	_ =	sdelay $0x9  }
0x102: {  	v19 =	vld.idx.msk [tilespmem:v30+s12+$0x0], $0xffff;
	_ =	sdelay $0x3  }
0x103: {  	_, v31, vm6 =	vpop (xrf1)  }
0x104: {  	v19 =	vadd.s32 v19, v31  }
0x105: {  	v20 =	vadd.s32 $0xFFFFFFFF, v19;
	_ =	sdelay $0x3  }
0x106: {  	v17 =	vand.u32 $0x3FFF, v17  }
0x107: {  	[tilespmem:v20+s23+$0x0] =	vst.idx.msk $0xffff, v17  }
0x108: {  	[tilespmem:v30+s12+$0x0] =	vst.idx.msk vm6, v19  }
0x109: {  	v17 =	vld [tilespmem:$0x6990];
	_ =	sdelay $0x4  }
0x10a: {  	v32 =	vshrl.u32 v17, $0xE  }
0x10b: {  	(xrf1) =	vunique.msk.u32 $0xffff, v32;
	_ =	sdelay $0x9  }
0x10c: {  	v19 =	vld.idx.msk [tilespmem:v32+s12+$0x0], $0xffff;
	_ =	sdelay $0x3  }
0x10d: {  	_, v33, vm6 =	vpop (xrf1)  }
0x10e: {  	v19 =	vadd.s32 v19, v33  }
0x10f: {  	v20 =	vadd.s32 $0xFFFFFFFF, v19;
	_ =	sdelay $0x3  }
0x110: {  	v17 =	vand.u32 $0x3FFF, v17  }
0x111: {  	[tilespmem:v20+s23+$0x0] =	vst.idx.msk $0xffff, v17  }
0x112: {  	[tilespmem:v32+s12+$0x0] =	vst.idx.msk vm6, v19  }
0x113: {  	[tilespmem:s20+$0xFFFFFF80] =	vst v1  }
0x114: {  	[tilespmem:s20+$0xFFFFFF90] =	vst v1  }
0x115: {  	[tilespmem:s20+$0xFFFFFFA0] =	vst v1  }
0x116: {  	[tilespmem:s20+$0xFFFFFFB0] =	vst v1  }
0x117: {  	[tilespmem:s20+$0xFFFFFFC0] =	vst v1  }
0x118: {  	[tilespmem:s20+$0xFFFFFFD0] =	vst v1  }
0x119: {  	[tilespmem:s20+$0xFFFFFFE0] =	vst v1  }
0x11a: {  	[tilespmem:s20+$0xFFFFFFF0] =	vst v1  }
0x11b: {  	v17 =	vld [tilespmem:s23+$0xD0];
	_ =	sdelay $0x4  }
0x11c: {  	[tilespmem:$0x69A0] =	vst v17  }
0x11d: {  	v17 =	vld [tilespmem:s23+$0xE0];
	_ =	sdelay $0x4  }
0x11e: {  	[tilespmem:$0x69B0] =	vst v17  }
0x11f: {  	v17 =	vld [tilespmem:s23+$0xF0];
	_ =	sdelay $0x4  }
0x120: {  	[tilespmem:$0x69C0] =	vst v17  }
0x121: {  	v17 =	vld [tilespmem:s23+$0x100];
	_ =	sdelay $0x4  }
0x122: {  	[tilespmem:$0x69D0] =	vst v17  }
0x123: {  	v17 =	vld [tilespmem:s23+$0x110];
	_ =	sdelay $0x4  }
0x124: {  	[tilespmem:$0x69E0] =	vst v17  }
0x125: {  	v17 =	vld [tilespmem:s23+$0x120];
	_ =	sdelay $0x4  }
0x126: {  	[tilespmem:$0x69F0] =	vst v17  }
0x127: {  	v17 =	vld [tilespmem:s23+$0x130];
	_ =	sdelay $0x4  }
0x128: {  	[tilespmem:$0x6A00] =	vst v17  }
0x129: {  	v17 =	vld [tilespmem:s23+$0x140];
	_ =	sdelay $0x4  }
0x12a: {  	[tilespmem:$0x6A10] =	vst v17  }
0x12b: {  	v17 =	vld [tilespmem:s23+$0x150];
	_ =	sdelay $0x4  }
0x12c: {  	[tilespmem:$0x6A20] =	vst v17  }
0x12d: {  	v17 =	vld [tilespmem:s23+$0x160];
	_ =	sdelay $0x4  }
0x12e: {  	[tilespmem:$0x6A30] =	vst v17;
	v17 =	vld [tilespmem:$0x69A0];
	_ =	sdelay $0x1  }
0x12f: {  	v18 =	vld [tilespmem:s23+$0x170];
	_ =	sdelay $0x2  }
0x130: {  	v34 =	vshrl.u32 v17, $0xE  }
0x131: {  	(xrf1) =	vunique.msk.u32 $0xffff, v34  }
0x132: {  	[tilespmem:$0x6A40] =	vst v18  }
0x133: {  	v18 =	vld [tilespmem:s23+$0x180];
	_ =	sdelay $0x4  }
0x134: {  	[tilespmem:$0x6A50] =	vst v18  }
0x135: {  	v18 =	vld [tilespmem:s23+$0x190];
	_ =	sdelay $0x3  }
0x136: {  	[tilespmem:$0x6A80] =	vst v0  }
0x137: {  	[tilespmem:$0x6A60] =	vst v18  }
0x138: {  	v20 =	vld.idx.msk [tilespmem:v34+s13+$0x0], $0xffff;
	_, v35, vm6 =	vpop (xrf1);
	_ =	sdelay $0x4  }
0x139: {  	v18 =	vadd.s32 v20, v35  }
0x13a: {  	[tilespmem:v34+s13+$0x0] =	vst.idx.msk vm6, v18  }
0x13b: {  	v18 =	vld [tilespmem:$0x69B0];
	_ =	sdelay $0x4  }
0x13c: {  	v36 =	vshrl.u32 v18, $0xE  }
0x13d: {  	(xrf1) =	vunique.msk.u32 $0xffff, v36;
	_ =	sdelay $0xd  }
0x13e: {  	v21 =	vld.idx.msk [tilespmem:v36+s13+$0x0], $0xffff;
	_, v37, vm6 =	vpop (xrf1);
	_ =	sdelay $0x4  }
0x13f: {  	v20 =	vadd.s32 v21, v37  }
0x140: {  	[tilespmem:v36+s13+$0x0] =	vst.idx.msk vm6, v20  }
0x141: {  	v19 =	vld [tilespmem:$0x69C0];
	_ =	sdelay $0x4  }
0x142: {  	v38 =	vshrl.u32 v19, $0xE  }
0x143: {  	(xrf1) =	vunique.msk.u32 $0xffff, v38;
	_ =	sdelay $0xd  }
0x144: {  	v22 =	vld.idx.msk [tilespmem:v38+s13+$0x0], $0xffff;
	_, v39, vm6 =	vpop (xrf1);
	_ =	sdelay $0x4  }
0x145: {  	v21 =	vadd.s32 v22, v39  }
0x146: {  	[tilespmem:v38+s13+$0x0] =	vst.idx.msk vm6, v21  }
0x147: {  	v20 =	vld [tilespmem:$0x69D0];
	_ =	sdelay $0x4  }
0x148: {  	v40 =	vshrl.u32 v20, $0xE  }
0x149: {  	(xrf1) =	vunique.msk.u32 $0xffff, v40;
	_ =	sdelay $0xd  }
0x14a: {  	v23 =	vld.idx.msk [tilespmem:v40+s13+$0x0], $0xffff;
	_, v41, vm6 =	vpop (xrf1);
	_ =	sdelay $0x4  }
0x14b: {  	v22 =	vadd.s32 v23, v41  }
0x14c: {  	[tilespmem:v40+s13+$0x0] =	vst.idx.msk vm6, v22  }
0x14d: {  	v21 =	vld [tilespmem:$0x69E0];
	_ =	sdelay $0x4  }
0x14e: {  	v42 =	vshrl.u32 v21, $0xE  }
0x14f: {  	(xrf1) =	vunique.msk.u32 $0xffff, v42;
	_ =	sdelay $0xd  }
0x150: {  	v24 =	vld.idx.msk [tilespmem:v42+s13+$0x0], $0xffff;
	_, v43, vm6 =	vpop (xrf1);
	_ =	sdelay $0x4  }
0x151: {  	v23 =	vadd.s32 v24, v43  }
0x152: {  	[tilespmem:v42+s13+$0x0] =	vst.idx.msk vm6, v23  }
0x153: {  	v22 =	vld [tilespmem:$0x69F0];
	_ =	sdelay $0x4  }
0x154: {  	v44 =	vshrl.u32 v22, $0xE  }
0x155: {  	(xrf1) =	vunique.msk.u32 $0xffff, v44;
	_ =	sdelay $0xd  }
0x156: {  	v25 =	vld.idx.msk [tilespmem:v44+s13+$0x0], $0xffff;
	_, v45, vm6 =	vpop (xrf1);
	_ =	sdelay $0x4  }
0x157: {  	v24 =	vadd.s32 v25, v45  }
0x158: {  	[tilespmem:v44+s13+$0x0] =	vst.idx.msk vm6, v24  }
0x159: {  	v23 =	vld [tilespmem:$0x6A00];
	_ =	sdelay $0x4  }
0x15a: {  	v46 =	vshrl.u32 v23, $0xE  }
0x15b: {  	(xrf1) =	vunique.msk.u32 $0xffff, v46;
	_ =	sdelay $0xd  }
0x15c: {  	v26 =	vld.idx.msk [tilespmem:v46+s13+$0x0], $0xffff;
	_, v47, vm6 =	vpop (xrf1);
	_ =	sdelay $0x4  }
0x15d: {  	v25 =	vadd.s32 v26, v47  }
0x15e: {  	[tilespmem:v46+s13+$0x0] =	vst.idx.msk vm6, v25  }
0x15f: {  	v24 =	vld [tilespmem:$0x6A10];
	_ =	sdelay $0x4  }
0x160: {  	v48 =	vshrl.u32 v24, $0xE  }
0x161: {  	(xrf1) =	vunique.msk.u32 $0xffff, v48;
	_ =	sdelay $0xd  }
0x162: {  	v27 =	vld.idx.msk [tilespmem:v48+s13+$0x0], $0xffff;
	_, v49, vm6 =	vpop (xrf1);
	_ =	sdelay $0x4  }
0x163: {  	v26 =	vadd.s32 v27, v49  }
0x164: {  	[tilespmem:v48+s13+$0x0] =	vst.idx.msk vm6, v26  }
0x165: {  	v25 =	vld [tilespmem:$0x6A20];
	_ =	sdelay $0x4  }
0x166: {  	v50 =	vshrl.u32 v25, $0xE  }
0x167: {  	(xrf1) =	vunique.msk.u32 $0xffff, v50;
	_ =	sdelay $0xd  }
0x168: {  	v28 =	vld.idx.msk [tilespmem:v50+s13+$0x0], $0xffff;
	_, v51, vm6 =	vpop (xrf1);
	_ =	sdelay $0x4  }
0x169: {  	v27 =	vadd.s32 v28, v51  }
0x16a: {  	[tilespmem:v50+s13+$0x0] =	vst.idx.msk vm6, v27  }
0x16b: {  	v26 =	vld [tilespmem:$0x6A30];
	_ =	sdelay $0x4  }
0x16c: {  	v52 =	vshrl.u32 v26, $0xE  }
0x16d: {  	(xrf1) =	vunique.msk.u32 $0xffff, v52;
	_ =	sdelay $0xd  }
0x16e: {  	v29 =	vld.idx.msk [tilespmem:v52+s13+$0x0], $0xffff;
	_, v53, vm6 =	vpop (xrf1);
	_ =	sdelay $0x4  }
0x16f: {  	v28 =	vadd.s32 v29, v53  }
0x170: {  	[tilespmem:v52+s13+$0x0] =	vst.idx.msk vm6, v28  }
0x171: {  	v27 =	vld [tilespmem:$0x6A40];
	_ =	sdelay $0x4  }
0x172: {  	v54 =	vshrl.u32 v27, $0xE  }
0x173: {  	(xrf1) =	vunique.msk.u32 $0xffff, v54;
	_ =	sdelay $0xd  }
0x174: {  	v30 =	vld.idx.msk [tilespmem:v54+s13+$0x0], $0xffff;
	_, v55, vm6 =	vpop (xrf1);
	_ =	sdelay $0x4  }
0x175: {  	v29 =	vadd.s32 v30, v55  }
0x176: {  	[tilespmem:v54+s13+$0x0] =	vst.idx.msk vm6, v29  }
0x177: {  	v28 =	vld [tilespmem:$0x6A50];
	_ =	sdelay $0x4  }
0x178: {  	v56 =	vshrl.u32 v28, $0xE  }
0x179: {  	(xrf1) =	vunique.msk.u32 $0xffff, v56;
	_ =	sdelay $0xd  }
0x17a: {  	v31 =	vld.idx.msk [tilespmem:v56+s13+$0x0], $0xffff;
	_, v57, vm6 =	vpop (xrf1);
	_ =	sdelay $0x4  }
0x17b: {  	v30 =	vadd.s32 v31, v57  }
0x17c: {  	[tilespmem:v56+s13+$0x0] =	vst.idx.msk vm6, v30  }
0x17d: {  	v29 =	vld [tilespmem:$0x6A60];
	_ =	sdelay $0x4  }
0x17e: {  	v58 =	vshrl.u32 v29, $0xE  }
0x17f: {  	(xrf1) =	vunique.msk.u32 $0xffff, v58;
	_ =	sdelay $0x5  }
0x180: {  	vm7 =	vne.s32 v4, $0x0;
	vm6 =	vne.s32 v3, $0x0  }
0x181: {  	v4 =	vsel vm7, $0x1, v0;
	v3 =	vsel vm6, $0x1, v0;
	vm6 =	vne.s32 v5, $0x0  }
0x182: {  	vm7 =	vne.s32 v6, $0x0;
	v3 =	vadd.s32 v3, v4;
	v59 =	vsel vm6, $0x1, v0  }
0x183: {  	v60 =	vsel vm7, $0x1, v0;
	vm6 =	vne.s32 v7, $0x0;
	v3 =	vadd.s32 v59, v3  }
0x184: {  	v61 =	vsel vm6, $0x1, v0;
	vm6 =	vne.s32 v8, $0x0;
	v3 =	vadd.s32 v60, v3  }
0x185: {  	v62 =	vsel vm6, $0x1, v0;
	vm6 =	vne.s32 v9, $0x0;
	v3 =	vadd.s32 v61, v3  }
0x186: {  	v63 =	vsel vm6, $0x1, v0;
	vm6 =	vne.s32 v10, $0x0;
	v3 =	vadd.s32 v62, v3  }
0x187: {  	v8 =	vsel vm6, $0x1, v0;
	vm6 =	vne.s32 v11, $0x0;
	v3 =	vadd.s32 v63, v3  }
0x188: {  	v9 =	vsel vm6, $0x1, v0;
	vm6 =	vne.s32 v12, $0x0;
	v3 =	vadd.s32 v8, v3;
	v11 =	vld.idx.msk [tilespmem:v58+s13+$0x0], $0xffff;
	_, v10, vm7 =	vpop (xrf1)  }
0x189: {  	v12 =	vsel vm6, $0x1, v0;
	vm6 =	vne.s32 v14, $0x0;
	v3 =	vadd.s32 v9, v3  }
0x18a: {  	v14 =	vsel vm6, $0x1, v0;
	vm6 =	vne.s32 v15, $0x0;
	v3 =	vadd.s32 v12, v3  }
0x18b: {  	v15 =	vsel vm6, $0x1, v0;
	vm6 =	vne.s32 v16, $0x0;
	v3 =	vadd.s32 v14, v3  }
0x18c: {  	v31 =	vsel vm6, $0x1, v0;
	v3 =	vadd.s32 v15, v3  }
0x18d: {  	v32 =	vsel vm0, $0x0, v13;
	v3 =	vadd.s32 v31, v3;
	v5 =	vadd.s32 v11, v10  }
0x18e: {  	v33 =	vsel vm1, $0x0, v13;
	(xrf0) =	vadd.scan.msk.s32 $0xffff, v3;
	v3 =	vxor.u32 $0x80000000, v32;
	[tilespmem:v58+s13+$0x0] =	vst.idx.msk vm7, v5  }
0x18f: {  	v34 =	vsel vm2, $0x0, v13;
	(xrf0) =	vmax.scan.msk.u32 $0xffff, v3;
	v3 =	vxor.u32 $0x80000000, v33;
	v35 =	vld [tilespmem:$0x69A0]  }
0x190: {  	v36 =	vsel vm3, $0x0, v13;
	(xrf0) =	vmax.scan.msk.u32 $0xffff, v3;
	v3 =	vxor.u32 $0x80000000, v34  }
0x191: {  	v37 =	vsel vm4, $0x0, v13;
	(xrf0) =	vmax.scan.msk.u32 $0xffff, v3;
	v3 =	vxor.u32 $0x80000000, v36;
	v5 =	vld [tilespmem:$0x6A80]  }
0x192: {  	v38 =	vsel vm5, $0x0, v13;
	(xrf0) =	vmax.scan.msk.u32 $0xffff, v3;
	v3 =	vxor.u32 $0x80000000, v37  }
0x193: {  	(xrf0) =	vmax.scan.msk.u32 $0xffff, v3;
	v3 =	vxor.u32 $0x80000000, v38  }
0x194: {  	(xrf0) =	vmax.scan.msk.u32 $0xffff, v3;
	v39 =	vshrl.u32 v35, $0xE  }
0x195: {  	v10, _, _ =	vpop (xrf0);
	(xrf1) =	vunique.msk.u32 $0xffff, v39  }
0x196: {  	v9, _, _ =	vpop (xrf0);
	(xrf0) =	vadd.scan.msk.s32 $0xffff, v5  }
0x197: {  	v8, _, _ =	vpop (xrf0)  }
0x198: {  	v7, _, _ =	vpop (xrf0)  }
0x199: {  	v6, _, _ =	vpop (xrf0)  }
0x19a: {  	v4, _, _ =	vpop (xrf0)  }
0x19b: {  	v3, _, _ =	vpop (xrf0)  }
0x19c: {  	v40, _, _ =	vpop (xrf0)  }
0x19d: {  	v5 =	vsub.s32 v40, v5  }
0x19e: {  	[tilespmem:$0x6A80] =	vst v5  }
0x19f: {  	v41 =	vld.idx.msk [tilespmem:v39+s13+$0x0], $0xffff;
	_ =	sdelay $0x3  }
0x1a0: {  	_, v42, vm6 =	vpop (xrf1)  }
0x1a1: {  	v13 =	vadd.s32 v41, v42  }
0x1a2: {  	v14 =	vadd.s32 $0xFFFFFFFF, v13;
	_ =	sdelay $0x3  }
0x1a3: {  	v11 =	vand.u32 $0x3FFF, v35  }
0x1a4: {  	[tilespmem:v14+s23+$0xD0] =	vst.idx.msk $0xffff, v11  }
0x1a5: {  	[tilespmem:v39+s13+$0x0] =	vst.idx.msk vm6, v13  }
0x1a6: {  	v11 =	vld [tilespmem:$0x69B0];
	_ =	sdelay $0x4  }
0x1a7: {  	v43 =	vshrl.u32 v11, $0xE  }
0x1a8: {  	(xrf1) =	vunique.msk.u32 $0xffff, v43;
	_ =	sdelay $0x9  }
0x1a9: {  	v13 =	vld.idx.msk [tilespmem:v43+s13+$0x0], $0xffff;
	_ =	sdelay $0x3  }
0x1aa: {  	_, v44, vm6 =	vpop (xrf1)  }
0x1ab: {  	v13 =	vadd.s32 v13, v44  }
0x1ac: {  	v14 =	vadd.s32 $0xFFFFFFFF, v13;
	_ =	sdelay $0x3  }
0x1ad: {  	v11 =	vand.u32 $0x3FFF, v11  }
0x1ae: {  	[tilespmem:v14+s23+$0xD0] =	vst.idx.msk $0xffff, v11  }
0x1af: {  	[tilespmem:v43+s13+$0x0] =	vst.idx.msk vm6, v13  }
0x1b0: {  	v11 =	vld [tilespmem:$0x69C0];
	_ =	sdelay $0x4  }
0x1b1: {  	v45 =	vshrl.u32 v11, $0xE  }
0x1b2: {  	(xrf1) =	vunique.msk.u32 $0xffff, v45;
	_ =	sdelay $0x9  }
0x1b3: {  	v13 =	vld.idx.msk [tilespmem:v45+s13+$0x0], $0xffff;
	_ =	sdelay $0x3  }
0x1b4: {  	_, v46, vm6 =	vpop (xrf1)  }
0x1b5: {  	v13 =	vadd.s32 v13, v46  }
0x1b6: {  	v14 =	vadd.s32 $0xFFFFFFFF, v13;
	_ =	sdelay $0x3  }
0x1b7: {  	v11 =	vand.u32 $0x3FFF, v11  }
0x1b8: {  	[tilespmem:v14+s23+$0xD0] =	vst.idx.msk $0xffff, v11  }
0x1b9: {  	[tilespmem:v45+s13+$0x0] =	vst.idx.msk vm6, v13  }
0x1ba: {  	v11 =	vld [tilespmem:$0x69D0];
	_ =	sdelay $0x4  }
0x1bb: {  	v47 =	vshrl.u32 v11, $0xE  }
0x1bc: {  	(xrf1) =	vunique.msk.u32 $0xffff, v47;
	_ =	sdelay $0x9  }
0x1bd: {  	v13 =	vld.idx.msk [tilespmem:v47+s13+$0x0], $0xffff;
	_ =	sdelay $0x3  }
0x1be: {  	_, v48, vm6 =	vpop (xrf1)  }
0x1bf: {  	v13 =	vadd.s32 v13, v48  }
0x1c0: {  	v14 =	vadd.s32 $0xFFFFFFFF, v13;
	_ =	sdelay $0x3  }
0x1c1: {  	v11 =	vand.u32 $0x3FFF, v11  }
0x1c2: {  	[tilespmem:v14+s23+$0xD0] =	vst.idx.msk $0xffff, v11  }
0x1c3: {  	[tilespmem:v47+s13+$0x0] =	vst.idx.msk vm6, v13  }
0x1c4: {  	v11 =	vld [tilespmem:$0x69E0];
	_ =	sdelay $0x4  }
0x1c5: {  	v49 =	vshrl.u32 v11, $0xE  }
0x1c6: {  	(xrf1) =	vunique.msk.u32 $0xffff, v49;
	_ =	sdelay $0x9  }
0x1c7: {  	v13 =	vld.idx.msk [tilespmem:v49+s13+$0x0], $0xffff;
	_ =	sdelay $0x3  }
0x1c8: {  	_, v50, vm6 =	vpop (xrf1)  }
0x1c9: {  	v13 =	vadd.s32 v13, v50  }
0x1ca: {  	v14 =	vadd.s32 $0xFFFFFFFF, v13;
	_ =	sdelay $0x3  }
0x1cb: {  	v11 =	vand.u32 $0x3FFF, v11  }
0x1cc: {  	[tilespmem:v14+s23+$0xD0] =	vst.idx.msk $0xffff, v11  }
0x1cd: {  	[tilespmem:v49+s13+$0x0] =	vst.idx.msk vm6, v13  }
0x1ce: {  	v11 =	vld [tilespmem:$0x69F0];
	_ =	sdelay $0x4  }
0x1cf: {  	v51 =	vshrl.u32 v11, $0xE  }
0x1d0: {  	(xrf1) =	vunique.msk.u32 $0xffff, v51;
	_ =	sdelay $0x9  }
0x1d1: {  	v13 =	vld.idx.msk [tilespmem:v51+s13+$0x0], $0xffff;
	_ =	sdelay $0x3  }
0x1d2: {  	_, v52, vm6 =	vpop (xrf1)  }
0x1d3: {  	v13 =	vadd.s32 v13, v52  }
0x1d4: {  	v14 =	vadd.s32 $0xFFFFFFFF, v13;
	_ =	sdelay $0x3  }
0x1d5: {  	v11 =	vand.u32 $0x3FFF, v11  }
0x1d6: {  	[tilespmem:v14+s23+$0xD0] =	vst.idx.msk $0xffff, v11  }
0x1d7: {  	[tilespmem:v51+s13+$0x0] =	vst.idx.msk vm6, v13  }
0x1d8: {  	v11 =	vld [tilespmem:$0x6A00];
	_ =	sdelay $0x4  }
0x1d9: {  	v53 =	vshrl.u32 v11, $0xE  }
0x1da: {  	(xrf1) =	vunique.msk.u32 $0xffff, v53;
	_ =	sdelay $0x9  }
0x1db: {  	v13 =	vld.idx.msk [tilespmem:v53+s13+$0x0], $0xffff;
	_ =	sdelay $0x3  }
0x1dc: {  	_, v54, vm6 =	vpop (xrf1)  }
0x1dd: {  	v13 =	vadd.s32 v13, v54  }
0x1de: {  	v14 =	vadd.s32 $0xFFFFFFFF, v13;
	_ =	sdelay $0x3  }
0x1df: {  	v11 =	vand.u32 $0x3FFF, v11  }
0x1e0: {  	[tilespmem:v14+s23+$0xD0] =	vst.idx.msk $0xffff, v11  }
0x1e1: {  	[tilespmem:v53+s13+$0x0] =	vst.idx.msk vm6, v13  }
0x1e2: {  	v11 =	vld [tilespmem:$0x6A10];
	_ =	sdelay $0x4  }
0x1e3: {  	v55 =	vshrl.u32 v11, $0xE  }
0x1e4: {  	(xrf1) =	vunique.msk.u32 $0xffff, v55;
	_ =	sdelay $0x9  }
0x1e5: {  	v13 =	vld.idx.msk [tilespmem:v55+s13+$0x0], $0xffff;
	_ =	sdelay $0x3  }
0x1e6: {  	_, v56, vm6 =	vpop (xrf1)  }
0x1e7: {  	v13 =	vadd.s32 v13, v56  }
0x1e8: {  	v14 =	vadd.s32 $0xFFFFFFFF, v13;
	_ =	sdelay $0x3  }
0x1e9: {  	v11 =	vand.u32 $0x3FFF, v11  }
0x1ea: {  	[tilespmem:v14+s23+$0xD0] =	vst.idx.msk $0xffff, v11  }
0x1eb: {  	[tilespmem:v55+s13+$0x0] =	vst.idx.msk vm6, v13  }
0x1ec: {  	v11 =	vld [tilespmem:$0x6A20];
	_ =	sdelay $0x4  }
0x1ed: {  	v57 =	vshrl.u32 v11, $0xE  }
0x1ee: {  	(xrf1) =	vunique.msk.u32 $0xffff, v57;
	_ =	sdelay $0x9  }
0x1ef: {  	v13 =	vld.idx.msk [tilespmem:v57+s13+$0x0], $0xffff;
	_ =	sdelay $0x3  }
0x1f0: {  	_, v58, vm6 =	vpop (xrf1)  }
0x1f1: {  	v13 =	vadd.s32 v13, v58  }
0x1f2: {  	v14 =	vadd.s32 $0xFFFFFFFF, v13;
	_ =	sdelay $0x3  }
0x1f3: {  	v11 =	vand.u32 $0x3FFF, v11  }
0x1f4: {  	[tilespmem:v14+s23+$0xD0] =	vst.idx.msk $0xffff, v11  }
0x1f5: {  	[tilespmem:v57+s13+$0x0] =	vst.idx.msk vm6, v13  }
0x1f6: {  	v11 =	vld [tilespmem:$0x6A30];
	_ =	sdelay $0x4  }
0x1f7: {  	v59 =	vshrl.u32 v11, $0xE  }
0x1f8: {  	(xrf1) =	vunique.msk.u32 $0xffff, v59;
	_ =	sdelay $0x9  }
0x1f9: {  	v13 =	vld.idx.msk [tilespmem:v59+s13+$0x0], $0xffff;
	_ =	sdelay $0x3  }
0x1fa: {  	_, v60, vm6 =	vpop (xrf1)  }
0x1fb: {  	v13 =	vadd.s32 v13, v60  }
0x1fc: {  	v14 =	vadd.s32 $0xFFFFFFFF, v13;
	_ =	sdelay $0x3  }
0x1fd: {  	v11 =	vand.u32 $0x3FFF, v11  }
0x1fe: {  	[tilespmem:v14+s23+$0xD0] =	vst.idx.msk $0xffff, v11  }
0x1ff: {  	[tilespmem:v59+s13+$0x0] =	vst.idx.msk vm6, v13  }
0x200: {  	v11 =	vld [tilespmem:$0x6A40];
	_ =	sdelay $0x4  }
0x201: {  	v61 =	vshrl.u32 v11, $0xE  }
0x202: {  	(xrf1) =	vunique.msk.u32 $0xffff, v61;
	_ =	sdelay $0x9  }
0x203: {  	v13 =	vld.idx.msk [tilespmem:v61+s13+$0x0], $0xffff;
	_ =	sdelay $0x3  }
0x204: {  	_, v62, vm6 =	vpop (xrf1)  }
0x205: {  	v13 =	vadd.s32 v13, v62  }
0x206: {  	v14 =	vadd.s32 $0xFFFFFFFF, v13;
	_ =	sdelay $0x3  }
0x207: {  	v11 =	vand.u32 $0x3FFF, v11  }
0x208: {  	[tilespmem:v14+s23+$0xD0] =	vst.idx.msk $0xffff, v11  }
0x209: {  	[tilespmem:v61+s13+$0x0] =	vst.idx.msk vm6, v13  }
0x20a: {  	v11 =	vld [tilespmem:$0x6A50];
	_ =	sdelay $0x4  }
0x20b: {  	v63 =	vshrl.u32 v11, $0xE  }
0x20c: {  	(xrf1) =	vunique.msk.u32 $0xffff, v63;
	_ =	sdelay $0x8  }
0x20d: {  	vm7 =	vne.s32 v18, $0x0  }
0x20e: {  	v31 =	vsel vm7, $0x1, v0;
	vm6 =	vne.s32 v17, $0x0;
	v32 =	vld.idx.msk [tilespmem:v63+s13+$0x0], $0xffff  }
0x20f: {  	vm7 =	vne.s32 v20, $0x0;
	v30 =	vsel vm6, $0x1, v0;
	vm6 =	vne.s32 v19, $0x0  }
0x210: {  	v34 =	vsel vm7, $0x1, v0;
	v33 =	vsel vm6, $0x1, v0;
	vm6 =	vne.s32 v21, $0x0  }
0x211: {  	v13 =	vadd.s32 v30, v31;
	v35 =	vsel vm6, $0x1, v0;
	vm6 =	vne.s32 v22, $0x0  }
0x212: {  	vm7 =	vne.s32 v23, $0x0;
	v13 =	vadd.s32 v33, v13;
	v36 =	vsel vm6, $0x1, v0;
	_, v37, vm6 =	vpop (xrf1)  }
0x213: {  	v39 =	vsel vm7, $0x1, v0;
	v13 =	vadd.s32 v34, v13;
	v38 =	vadd.s32 v32, v37  }
0x214: {  	vm7 =	vne.s32 v24, $0x0;
	v13 =	vadd.s32 v35, v13;
	v16 =	vadd.s32 $0xFFFFFFFF, v38  }
0x215: {  	v40 =	vsel vm7, $0x1, v0;
	vm7 =	vne.s32 v25, $0x0;
	v13 =	vadd.s32 v36, v13  }
0x216: {  	v41 =	vsel vm7, $0x1, v0;
	vm7 =	vne.s32 v26, $0x0;
	v13 =	vadd.s32 v39, v13  }
0x217: {  	v42 =	vsel vm7, $0x1, v0;
	v13 =	vadd.s32 v40, v13  }
0x218: {  	vm7 =	vne.s32 v27, $0x0;
	v11 =	vand.u32 $0x3FFF, v11;
	v13 =	vadd.s32 v41, v13  }
0x219: {  	v44 =	vsel vm7, $0x1, v0;
	vm7 =	vne.s32 v28, $0x0;
	v43 =	vadd.s32 v42, v13;
	[tilespmem:v16+s23+$0xD0] =	vst.idx.msk $0xffff, v11  }
0x21a: {  	v45 =	vsel vm7, $0x1, v0;
	v11 =	vadd.s32 v44, v43;
	[tilespmem:v63+s13+$0x0] =	vst.idx.msk vm6, v38;
	vm6 =	vne.s32 v29, $0x0  }
0x21b: {  	(v2sf) =	vpush v10, $0xF;
	v11 =	vadd.s32 v45, v11;
	v46 =	vsel vm6, $0x1, v0;
	v47 =	vld [tilespmem:$0x6A60]  }
0x21c: {  	(v2sf) =	vpush v9, $0xF;
	v48 =	vsel vm0, $0x0, v5;
	v11 =	vadd.s32 v46, v11  }
0x21d: {  	(v2sf) =	vpush v8, $0xF;
	v50 =	vsel vm1, $0x0, v5;
	v49 =	vxor.u32 $0x80000000, v48;
	(xrf0) =	vadd.scan.msk.s32 $0xffff, v11  }
0x21e: {  	(v2sf) =	vpush v7, $0xF;
	v52 =	vsel vm2, $0x0, v5;
	v51 =	vxor.u32 $0x80000000, v50;
	(xrf0) =	vmax.scan.msk.u32 $0xffff, v49  }
0x21f: {  	(v2sf) =	vpush v6, $0xF;
	v53 =	vxor.u32 $0x80000000, v52;
	(xrf0) =	vmax.scan.msk.u32 $0xffff, v51  }
0x220: {  	(v2sf) =	vpush v4, $0xF;
	v54 =	vsel vm3, $0x0, v5;
	(xrf0) =	vmax.scan.msk.u32 $0xffff, v53;
	v55 =	vshrl.u32 v47, $0xE  }
0x221: {  	v56 =	vxor.u32 $0x80000000, v54;
	v57 =	vsel vm4, $0x0, v5;
	v5 =	vsel vm5, $0x0, v5;
	(xrf1) =	vunique.msk.u32 $0xffff, v55  }
0x222: {  	(v2sf) =	vpush v3, $0xF;
	v58 =	vxor.u32 $0x80000000, v57;
	v3 =	vxor.u32 $0x80000000, v5;
	(xrf0) =	vmax.scan.msk.u32 $0xffff, v56  }
0x223: {  	(xrf0) =	vmax.scan.msk.u32 $0xffff, v58  }
0x224: {  	v59, _, _ =	vpop (xrf0);
	(xrf0) =	vmax.scan.msk.u32 $0xffff, v3  }
0x225: {  	v3, _, _ =	vpop (xrf0);
	(v2sf) =	vpush v59, $0xF  }
0x226: {  	v60, _, _ =	vpop (xrf0);
	(v2sf) =	vpush v3, $0xF  }
0x227: {  	v3, _, _ =	vpop (xrf0);
	(v2sf) =	vpush v60, $0xF  }
0x228: {  	v61, _, _ =	vpop (xrf0);
	(v2sf) =	vpush v3, $0xF  }
0x229: {  	v3, _, _ =	vpop (xrf0);
	(v2sf) =	vpush v61, $0xF  }
0x22a: {  	(v2sf) =	vpush v3, $0xF;
	v3, _, _ =	vpop (xrf0)  }
0x22b: {  	s0 =	spop (v2sf);
	(v2sf) =	vpush v3, $0xF;
	v3 =	vld.idx.msk [tilespmem:v55+s13+$0x0], $0xffff  }
0x22c: {  	s1 =	spop (v2sf)  }
0x22d: {  	s3 =	spop (v2sf)  }
0x22e: {  	s4 =	spop (v2sf)  }
0x22f: {  	s1 =	sxor.u32 $0x80000000, s1;
	s3 =	sshll.u32 s3, $0x8;
	s9 =	spop (v2sf);
	_, v62, vm6 =	vpop (xrf1)  }
0x230: {  	s1 =	sor.u32 s3, s1;
	s4 =	sshll.u32 s4, $0x10;
	s30 =	spop (v2sf);
	v3 =	vadd.s32 v3, v62  }
0x231: {  	s1 =	sor.u32 s4, s1;
	s9 =	sshll.u32 s9, $0x18;
	s31 =	spop (v2sf);
	v4 =	vadd.s32 $0xFFFFFFFF, v3  }
0x232: {  	s1 =	sor.u32 s9, s1;
	s3 =	sxor.u32 $0x80000000, s30;
	s4 =	sshll.u32 s31, $0x8  }
0x233: {  	[smem:s21+$0xFFFFFFFE] =	sst s1;
	s3 =	sor.u32 s4, s3  }
0x234: {  	s18 =	simm.s32 $0x0;
	[smem:s21+$0xFFFFFFFF] =	sst s3;
	s10 =	spop (v2sf)  }
0x235: {  	[smem:s21] =	sst s18;
	v63 =	vand.u32 $0x3FFF, v47;
	s11 =	spop (v2sf)  }
0x236: {  	[smem:s21+$0x1] =	sst s0;
	s16 =	spop (v2sf);
	[tilespmem:v4+s23+$0xD0] =	vst.idx.msk $0xffff, v63  }
0x237: {  	s1 =	sxor.u32 $0x80000000, s11;
	s17 =	spop (v2sf);
	s3 =	sshll.u32 s16, $0x8;
	[tilespmem:v55+s13+$0x0] =	vst.idx.msk vm6, v3  }
0x238: {  	s23 =	spop (v2sf);
	s1 =	sor.u32 s3, s1;
	s4 =	sshll.u32 s17, $0x10;
	[tilespmem:s20+$0x0] =	vst v1  }
0x239: {  	s24 =	spop (v2sf);
	[tilespmem:s20+$0x10] =	vst v1;
	s1 =	sor.u32 s4, s1;
	s0 =	sshll.u32 s23, $0x18  }
0x23a: {  	p0 =	sne.s32 s22, $0x19980;
	[tilespmem:s20+$0x20] =	vst v1;
	s25 =	spop (v2sf);
	s0 =	sor.u32 s0, s1  }
.Ltmp0:
0x23b: {  	[tilespmem:s20+$0x30] =	vst v1;
	s26 =	sxor.u32 $0x80000000, s24;
	s28 =	sshll.u32 s25, $0x8;
	(pc) =	sbr.rel @p0 .LBB2_2-.Ltmp0, $4  }
0x23c: {  	s29 =	sor.u32 $0x5, s19;
	[tilespmem:s20+$0x40] =	vst v1;
	[smem:s21+$0x2] =	sst s0;
	s1 =	sor.u32 s28, s26  }
0x23d: {  	s22 =	sadd.s32 $0x680, s22;
	s30 =	sor.u32 $0x6, s19;
	[tilespmem:s20+$0x50] =	vst v1;
	[smem:s29] =	sst s1  }
0x23e: {  	s31 =	sor.u32 $0x7, s19;
	s19 =	sadd.s32 $0x8, s19;
	[tilespmem:s20+$0x60] =	vst v1;
	[smem:s30] =	sst s18  }
0x23f: {  	[tilespmem:s20+$0x70] =	vst v1;
	s20 =	sadd.s32 $0x100, s20;
	s21 =	sadd.s32 $0x8, s21;
	[smem:s31] =	sst s10  }
.Ltmp1:
0x240: {  	_ = 	snop;
	(pc) =	sbr.rel .LBB2_3-.Ltmp1, $1  }
0x241: {  	_ =	sdelay $0x3  }
.LBB2_68:
0x242: {  	s18 =	sadd.s32 $0x1, s18  }
0x243: {  	p0 =	sne.s32 s18, $0x7  }
.Ltmp2:
0x244: {  	_ = 	snop;
	(pc) =	sbr.rel @!p0 .LBB2_69-.Ltmp2, $1  }
0x245: {  	_ =	sdelay $0x3  }
.LBB2_3:
0x246: {  	p0 =	seq.s32 s18, $0x6;
	s3 =	stileid.u32  }
0x247: {  	s0 =	sshll.u32 @p0 s3, $0x6  }
0x248: {  	[bflag:$0x0] =	sbarrier.arrive $0xFFFF;
	s1 =	sshrl.u32 @p0 s7, $0x3;
	s0 =	sor.u32 @p0 $0x1C03, s0  }
0x249: {  	[spmem:s1], [sflag:s0] =	dma.local @p0 [hbm:s8], $0x350  }
0x24a: {  	s0 =	simm.s32 @p0 $0x3  }
0x24b: {  	_ =	swait.ge @p0 [sflag:s0], $0x350  }
0x24c: {  	[sflag:s0] =	ssyncset.done @p0 $0x0  }
0x24d: {  	s1 =	sshll.u32 @!p0 s3, $0x6;
	[sflag:s0] =	ssyncadd.s32 @p0 $0xFFFFFCB0;
	s0 =	sshll.u32 @!p0 s18, $0x11  }
0x24e: {  	s3 =	sshrl.u32 @!p0 s5, $0x3;
	s1 =	sor.u32 @!p0 $0x1C03, s1;
	s0 =	sadd.s32 @!p0 s0, s6  }
0x24f: {  	[spmem:s3], [sflag:s1] =	dma.local @!p0 [hbm:s0], $0x2000  }
0x250: {  	s0 =	simm.s32 @!p0 $0x3  }
0x251: {  	_ =	swait.ge @!p0 [sflag:s0], $0x2000  }
0x252: {  	s28 =	smax.u32 s18, $0x1;
	[sflag:s0] =	ssyncset.done @!p0 $0x0  }
0x253: {  	s29 =	sadd.s32 $0xFFFFFFFF, s28;
	[sflag:s0] =	ssyncadd.s32 @!p0 $0xFFFFE000  }
0x254: {  	s30 =	smin.u32 s18, $0x5;
	s19 =	sshrl.u32 s29, $0x2;
	[bflag:$0x0] =	sbarrier.arrive $0xFFFF  }
0x255: {  	s20 =	sshrl.u32 s30, $0x2;
	s31 =	sld [smem:s19+$0x0]  }
0x256: {  	s4 =	sld [smem:s20+$0x0]  }
0x257: {  	s1 =	sshll.u32 s30, $0x3;
	s0 =	sshll.u32 s29, $0x3  }
0x258: {  	s22 =	sand.u32 $0x18, s1;
	s21 =	sand.u32 $0x18, s0  }
0x259: {  	s0 =	sshra.s32 s31, s21;
	s1 =	sshra.s32 s4, s22  }
0x25a: {  	p1 =	seq.s32 s18, $0x0;
	s3 =	sand.u32 $0xFF, s0;
	s0 =	sand.u32 $0xFF, s1  }
0x25b: {  	s3 =	simm.s32 @p1 $0x0;
	s0 =	simm.s32 @p0 $0xD0  }
0x25c: {  	s0 =	ssub.s32 s0, s3  }
0x25d: {  	p2 =	slt.s32 s0, $0x90  }
0x25e: {  	s0 =	simm.s32 @!p2 $0x90  }
0x25f: {  	s0 =	sadd.s32 $0xF, s0  }
0x260: {  	s0 =	sshra.s32 s0, $0x4  }
0x261: {  	p2 =	slt.s32 s0, $0x1  }
.Ltmp3:
0x262: {  	_ = 	snop;
	(pc) =	sbr.rel @p2 .LBB2_10-.Ltmp3, $1  }
0x263: {  	_ =	sdelay $0x3  }
0x264: {  	p3 =	sne.s32 s0, $0x1  }
.Ltmp4:
0x265: {  	_ = 	snop;
	(pc) =	sbr.rel @!p3 .LBB2_5-.Ltmp4, $2  }
0x266: {  	_ =	sdelay $0x2  }
0x267: {  	s1 =	simm.s32 $0x6A90;
	v3 =	vld [tilespmem:s3+$0x0];
	s0 =	sadd.s32 $0xFFFFFFFF, s0;
	p2 =	por $0x0, $0x0  }
0x268: {  	_ =	sdelay $0x3  }
0x269: {  	p3 =	sne.s32 s0, $0x1  }
.Ltmp5:
0x26a: {  	_ = 	snop;
	(pc) =	sbr.rel @!p3 .LBB2_7-.Ltmp5, $4  }
0x26b: {  	_ = 	snop  }
0x26c: {  	vm6 =	vmmov $0xffff;
	s4 =	sadd.s32 $0x10, s3  }
0x26d: {  	[tilespmem:s1], [sflag:$0x1] =	stream.indirect_vreg.gather [spmem:s2], $0x40, v3, vm6, $0xb8;
	[tilespmem:$0x1F290] =	vst v63  }
0x26e: {  	s9 =	sadd.s32 $0xFFFFFFFF, s0;
	p2 =	por $0x1, $0x1;
	s3 =	simm.s32 $0x6A90;
	v3 =	vld [tilespmem:s4+$0x0]  }
.LBB2_8:
0x26f: {  	p3 =	sne.s32 s9, $0x1;
	_ =	sdelay $0x3  }
.Ltmp6:
0x270: {  	(pc) =	sbr.rel @p3 .LBB2_8-.Ltmp6, $4  }
0x271: {  	_ = 	snop  }
0x272: {  	s4 =	sadd.s32 $0x10, s4;
	s3 =	sadd.s32 $0x400, s3  }
0x273: {  	[tilespmem:s3], [sflag:$0x1] =	stream.indirect_vreg.gather [spmem:s2], $0x40, v3, vm6, $0xb8;
	[tilespmem:$0x1F290] =	vst v63  }
0x274: {  	s9 =	sadd.s32 $0xFFFFFFFF, s9;
	v3 =	vld [tilespmem:s4+$0x0]  }
.LBB2_9:
0x275: {  	_ =	sdelay $0x5  }
0x276: {  	s0 =	sadd.s32 @p2 $0x400, s3  }
0x277: {  	vm6 =	vmmov $0xffff;
	s1 =	smov.u32 @p2 s0  }
0x278: {  	[tilespmem:s1], [sflag:$0x1] =	stream.indirect_vreg.gather [spmem:s2], $0x40, v3, vm6, $0xb8;
	[tilespmem:$0x1F290] =	vst v63  }
.LBB2_10:
.Ltmp7:
0x279: {  	(pc) =	sbr.rel .LBB2_11-.Ltmp7, $3  }
0x27a: {  	_ =	sdelay $0x1  }
0x27b: {  	s23 =	simm.s32 $0x0  }
0x27c: {  	s24 =	simm.s32 $0xD0;
	s25 =	simm.s32 $0x1A0;
	s26 =	simm.s32 $0x0  }
.LBB2_66:
0x27d: {  	v16 =	vshll.u32 v14, $0x10;
	v59 =	vand.u32 $0xFFFF0000, v14;
	v4 =	vadd.f32 v15, v4  }
0x27e: {  	v60 =	vshll.u32 v12, $0x10;
	v61 =	vshll.u32 v13, $0x10;
	v3 =	vadd.f32 v11, v3  }
0x27f: {  	v62 =	vand.u32 $0xFFFF0000, v13;
	v7 =	vadd.f32 v16, v7;
	v8 =	vadd.f32 v59, v8  }
0x280: {  	v63 =	vand.u32 $0xFFFF0000, v12;
	v5 =	vadd.f32 v61, v5;
	v6 =	vadd.f32 v62, v6  }
0x281: {  	v9 =	vadd.f32 v60, v9;
	v10 =	vadd.f32 v63, v10  }
.LBB2_67:
0x282: {  	[tilespmem:s1+$0xB290] =	vst v5  }
0x283: {  	[tilespmem:s1+$0xB2A0] =	vst v6;
	s26 =	sadd.s32 $0x1, s26  }
0x284: {  	[tilespmem:s1+$0xB2B0] =	vst v7;
	p2 =	sne.s32 s26, $0x40  }
.Ltmp8:
0x285: {  	[tilespmem:s1+$0xB2C0] =	vst v8;
	(pc) =	sbr.rel @!p2 .LBB2_68-.Ltmp8, $4  }
0x286: {  	[tilespmem:s1+$0xB2F0] =	vst v3  }
0x287: {  	[tilespmem:s1+$0xB300] =	vst v4  }
0x288: {  	[tilespmem:s1+$0xB2D0] =	vst v9  }
0x289: {  	s24 =	sadd.s32 $0x1A0, s24;
	s23 =	sadd.s32 $0x1A0, s23;
	s25 =	sadd.s32 $0x1A0, s25;
	[tilespmem:s1+$0xB2E0] =	vst v10  }
.LBB2_11:
0x28a: {  	s1 =	sshllo.u32 s26, $0x1  }
0x28b: {  	s0 =	sshll.u32 s1, $0x2  }
0x28c: {  	s0 =	sand.u32 $0x3FFFFFFC, s0  }
0x28d: {  	s3 =	sld [smem:s0+s19];
	s0 =	sor.u32 s20, s0  }
0x28e: {  	s0 =	sld [smem:s0+$0x0];
	_ =	sdelay $0x2  }
0x28f: {  	s3 =	sshra.s32 s3, s21;
	s0 =	sshra.s32 s0, s22  }
0x290: {  	s28 =	sand.u32 $0xFF, s3;
	s29 =	sand.u32 $0xFF, s0  }
0x291: {  	s28 =	simm.s32 @p1 $0x0;
	s29 =	simm.s32 @p0 $0xD0  }
0x292: {  	s30 =	ssub.s32 s29, s28  }
0x293: {  	p2 =	slt.s32 s30, $0x90;
	s31 =	smov.u32 s30  }
0x294: {  	s31 =	simm.s32 @!p2 $0x90  }
0x295: {  	s17 =	sadd.s32 $0xF, s31  }
0x296: {  	s16 =	sshra.s32 s17, $0x4  }
0x297: {  	p2 =	slt.s32 s16, $0x1  }
.Ltmp9:
0x298: {  	_ = 	snop;
	(pc) =	sbr.rel @p2 .LBB2_18-.Ltmp9, $1  }
0x299: {  	_ =	sdelay $0x3  }
0x29a: {  	s0 =	sand.u32 $0x7, s28;
	s3 =	sshll.u32 s28, $0x2;
	p4 =	sne.s32 s16, $0x1  }
.Ltmp10:
0x29b: {  	s3 =	sand.u32 $0x3E0, s3;
	s0 =	sshll.u32 s0, $0x2;
	(pc) =	sbr.rel @!p4 .LBB2_13-.Ltmp10, $4  }
0x29c: {  	s0 =	sor.u32 s0, s3  }
0x29d: {  	s0 =	sshrl.u32 s0, $0x2  }
0x29e: {  	s0 =	sadd.s32 s0, s24  }
0x29f: {  	s4 =	sadd.s32 $0xFFFFFFFF, s16;
	p3 =	por $0x0, $0x0;
	s3 =	simm.s32 $0x8E90;
	v3 =	vld [tilespmem:s0+$0x0]  }
0x2a0: {  	_ =	sdelay $0x3  }
0x2a1: {  	p4 =	sne.s32 s4, $0x1  }
.Ltmp11:
0x2a2: {  	_ = 	snop;
	(pc) =	sbr.rel @!p4 .LBB2_15-.Ltmp11, $4  }
0x2a3: {  	_ = 	snop  }
0x2a4: {  	vm6 =	vmmov $0xffff;
	s9 =	sadd.s32 $0x10, s0  }
0x2a5: {  	[tilespmem:s3], [sflag:$0x2] =	stream.indirect_vreg.gather [spmem:s2], $0x40, v3, vm6, $0xb8;
	[tilespmem:$0x1F290] =	vst v63  }
0x2a6: {  	s10 =	sadd.s32 $0xFFFFFFFF, s4;
	p3 =	por $0x1, $0x1;
	s4 =	simm.s32 $0x8E90;
	v3 =	vld [tilespmem:s9+$0x0]  }
.LBB2_16:
0x2a7: {  	p4 =	sne.s32 s10, $0x1;
	_ =	sdelay $0x3  }
.Ltmp12:
0x2a8: {  	(pc) =	sbr.rel @p4 .LBB2_16-.Ltmp12, $4  }
0x2a9: {  	_ = 	snop  }
0x2aa: {  	s9 =	sadd.s32 $0x10, s9;
	s4 =	sadd.s32 $0x400, s4  }
0x2ab: {  	[tilespmem:s4], [sflag:$0x2] =	stream.indirect_vreg.gather [spmem:s2], $0x40, v3, vm6, $0xb8;
	[tilespmem:$0x1F290] =	vst v63  }
0x2ac: {  	s10 =	sadd.s32 $0xFFFFFFFF, s10;
	v3 =	vld [tilespmem:s9+$0x0]  }
.LBB2_17:
0x2ad: {  	_ =	sdelay $0x5  }
0x2ae: {  	s0 =	sadd.s32 @p3 $0x400, s4  }
0x2af: {  	vm6 =	vmmov $0xffff;
	s3 =	smov.u32 @p3 s0  }
0x2b0: {  	[tilespmem:s3], [sflag:$0x2] =	stream.indirect_vreg.gather [spmem:s2], $0x40, v3, vm6, $0xb8;
	[tilespmem:$0x1F290] =	vst v63  }
.LBB2_18:
0x2b1: {  	s0 =	sshll.u32 s26, $0x3  }
0x2b2: {  	s0 =	sand.u32 $0x3FFFFFF8, s0  }
0x2b3: {  	s3 =	sld [smem:s0+s19];
	s0 =	sor.u32 s20, s0  }
0x2b4: {  	s0 =	sld [smem:s0+$0x0];
	_ =	sdelay $0x2  }
0x2b5: {  	s3 =	sshra.s32 s3, s21;
	s0 =	sshra.s32 s0, s22  }
0x2b6: {  	s4 =	sand.u32 $0xFF, s3;
	s9 =	sand.u32 $0xFF, s0  }
0x2b7: {  	s4 =	simm.s32 @p1 $0x0;
	s9 =	simm.s32 @p0 $0xD0  }
0x2b8: {  	s11 =	ssub.s32 s9, s4  }
0x2b9: {  	p3 =	slt.s32 s11, $0x90;
	s10 =	smov.u32 s11  }
0x2ba: {  	s10 =	simm.s32 @!p3 $0x90  }
0x2bb: {  	s17 =	sadd.s32 $0xF, s10  }
0x2bc: {  	s0 =	sshra.s32 s17, $0x4  }
0x2bd: {  	p3 =	slt.s32 s0, $0x1  }
.Ltmp13:
0x2be: {  	_ = 	snop;
	(pc) =	sbr.rel @p3 .LBB2_22-.Ltmp13, $1  }
0x2bf: {  	_ =	sdelay $0x3  }
0x2c0: {  	p3 =	sne.s32 s0, $0x1  }
.Ltmp14:
0x2c1: {  	_ = 	snop;
	(pc) =	sbr.rel @!p3 .LBB2_21-.Ltmp14, $3  }
0x2c2: {  	_ =	sdelay $0x1  }
0x2c3: {  	_ =	swait.ge [sflag:s14], $0x400  }
0x2c4: {  	s0 =	sadd.s32 $0xFFFFFFFF, s0;
	[sflag:s14] =	ssyncset.done $0x0  }
.LBB2_20:
0x2c5: {  	p3 =	sne.s32 s0, $0x1;
	s0 =	sadd.s32 $0xFFFFFFFF, s0;
	[sflag:s14] =	ssyncadd.s32 $0xFFFFFC00  }
.Ltmp15:
0x2c6: {  	(pc) =	sbr.rel @p3 .LBB2_20-.Ltmp15, $3  }
0x2c7: {  	_ =	sdelay $0x1  }
0x2c8: {  	_ =	swait.ge [sflag:s14], $0x400  }
0x2c9: {  	[sflag:s14] =	ssyncset.done $0x0  }
.LBB2_21:
0x2ca: {  	[sflag:s14] =	ssyncadd.s32 $0xFFFFFC00  }
.LBB2_22:
0x2cb: {  	s0 =	sshll.u32 s26, $0x8  }
0x2cc: {  	s3 =	sand.u32 $0x3FFFFF00, s0  }
0x2cd: {  	v10 =	vld [tilespmem:s3+$0xB290]  }
0x2ce: {  	v9 =	vld [tilespmem:s3+$0xB2A0]  }
0x2cf: {  	p3 =	slt.s32 s11, $0x1;
	v8 =	vld [tilespmem:s3+$0xB2B0]  }
.Ltmp16:
0x2d0: {  	v4 =	vld [tilespmem:s3+$0xB300];
	(pc) =	sbr.rel @p3 .LBB2_39-.Ltmp16, $4  }
0x2d1: {  	v7 =	vld [tilespmem:s3+$0xB2C0]  }
0x2d2: {  	v6 =	vld [tilespmem:s3+$0xB2D0]  }
0x2d3: {  	v5 =	vld [tilespmem:s3+$0xB2E0]  }
0x2d4: {  	s0 =	simm.s32 $0x6AB0;
	v3 =	vld [tilespmem:s3+$0xB2F0]  }
0x2d5: {  	v15 =	vld [tilespmem:s0+$0x10];
	p3 =	sne.s32 s10, $0x1  }
.Ltmp17:
0x2d6: {  	v14 =	vld [tilespmem:s0+$0xFFFFFFF0];
	(pc) =	sbr.rel @!p3 .LBB2_25-.Ltmp17, $3  }
0x2d7: {  	v12 =	vld [tilespmem:s0+$0x0]  }
0x2d8: {  	v13 =	vld [tilespmem:s0+$0xFFFFFFE0];
	_ =	sdelay $0x1  }
0x2d9: {  	s10 =	sadd.s32 $0xFFFFFFFF, s10;
	s17 =	sadd.s32 $0x40, s0;
	v11 =	vshll.u32 v15, $0x10;
	v15 =	vand.u32 $0xFFFF0000, v15  }
.LBB2_24:
0x2da: {  	v16 =	vld [tilespmem:s17+$0x10];
	p3 =	sne.s32 s10, $0x1;
	s10 =	sadd.s32 $0xFFFFFFFF, s10;
	v17 =	vshll.u32 v14, $0x10;
	v18 =	vand.u32 $0xFFFF0000, v14;
	v4 =	vadd.f32 v15, v4  }
.Ltmp18:
0x2db: {  	v14 =	vld [tilespmem:s17+$0xFFFFFFF0];
	v8 =	vadd.f32 v17, v8;
	v15 =	vshll.u32 v12, $0x10;
	v17 =	vand.u32 $0xFFFF0000, v12;
	(pc) =	sbr.rel @p3 .LBB2_24-.Ltmp18, $4  }
0x2dc: {  	v7 =	vadd.f32 v18, v7;
	v12 =	vld [tilespmem:s17+$0x0];
	v19 =	vshll.u32 v13, $0x10;
	v20 =	vand.u32 $0xFFFF0000, v13  }
0x2dd: {  	v13 =	vld [tilespmem:s17+$0xFFFFFFE0];
	v10 =	vadd.f32 v19, v10;
	v9 =	vadd.f32 v20, v9  }
0x2de: {  	v6 =	vadd.f32 v15, v6;
	v5 =	vadd.f32 v17, v5  }
0x2df: {  	v3 =	vadd.f32 v11, v3;
	s17 =	sadd.s32 $0x40, s17;
	v15 =	vand.u32 $0xFFFF0000, v16;
	v11 =	vshll.u32 v16, $0x10  }
.LBB2_25:
0x2e0: {  	p3 =	slt.u32 s11, $0x91  }
.Ltmp19:
0x2e1: {  	v16 =	vshll.u32 v14, $0x10;
	v59 =	vand.u32 $0xFFFF0000, v14;
	v4 =	vadd.f32 v15, v4;
	(pc) =	sbr.rel @p3 .LBB2_39-.Ltmp19, $4  }
0x2e2: {  	v8 =	vadd.f32 v16, v8;
	v60 =	vshll.u32 v12, $0x10;
	v7 =	vadd.f32 v59, v7  }
0x2e3: {  	v63 =	vand.u32 $0xFFFF0000, v12;
	v3 =	vadd.f32 v11, v3;
	v61 =	vshll.u32 v13, $0x10  }
0x2e4: {  	v62 =	vand.u32 $0xFFFF0000, v13;
	v6 =	vadd.f32 v60, v6;
	v5 =	vadd.f32 v63, v5  }
0x2e5: {  	v10 =	vadd.f32 v61, v10;
	v9 =	vadd.f32 v62, v9  }
0x2e6: {  	s10 =	sadd.s32 $0x90, s4  }
0x2e7: {  	s9 =	ssub.s32 s9, s10  }
0x2e8: {  	s0 =	sadd.s32 $0xF, s9  }
0x2e9: {  	s0 =	sshra.s32 s0, $0x4  }
0x2ea: {  	p3 =	slt.s32 s0, $0x1  }
.Ltmp20:
0x2eb: {  	_ = 	snop;
	(pc) =	sbr.rel @p3 .LBB2_35-.Ltmp20, $1  }
0x2ec: {  	_ =	sdelay $0x3  }
0x2ed: {  	s4 =	sand.u32 $0x7, s4;
	s10 =	sshll.u32 s10, $0x2;
	p3 =	seq.s32 s0, $0x1  }
.Ltmp21:
0x2ee: {  	s10 =	sand.u32 $0x7E0, s10;
	s4 =	sshll.u32 s4, $0x2;
	(pc) =	sbr.rel @p3 .LBB2_28-.Ltmp21, $4  }
0x2ef: {  	s4 =	sor.u32 s4, s10  }
0x2f0: {  	s4 =	sshrl.u32 s4, $0x2  }
0x2f1: {  	s11 =	sadd.s32 s4, s23  }
0x2f2: {  	p4 =	por $0x0, $0x0;
	s10 =	simm.s32 $0x6A90;
	s4 =	sadd.s32 $0xFFFFFFFF, s0;
	v11 =	vld [tilespmem:s11+$0x0]  }
0x2f3: {  	_ =	sdelay $0x3  }
0x2f4: {  	p5 =	seq.s32 s4, $0x1  }
.Ltmp22:
0x2f5: {  	_ = 	snop;
	(pc) =	sbr.rel @p5 .LBB2_30-.Ltmp22, $4  }
0x2f6: {  	_ = 	snop  }
0x2f7: {  	vm6 =	vmmov $0xffff;
	s17 =	sadd.s32 $0x10, s11  }
0x2f8: {  	[tilespmem:s10], [sflag:$0x1] =	stream.indirect_vreg.gather [spmem:s2], $0x40, v11, vm6, $0xb8;
	[tilespmem:$0x1F290] =	vst v63  }
0x2f9: {  	s0 =	sadd.s32 $0xFFFFFFFF, s4;
	p4 =	por $0x1, $0x1;
	s11 =	simm.s32 $0x6A90;
	v11 =	vld [tilespmem:s17+$0x0]  }
.LBB2_31:
0x2fa: {  	p5 =	seq.s32 s0, $0x1;
	_ =	sdelay $0x3  }
.Ltmp23:
0x2fb: {  	(pc) =	sbr.rel @!p5 .LBB2_31-.Ltmp23, $4  }
0x2fc: {  	_ = 	snop  }
0x2fd: {  	s17 =	sadd.s32 $0x10, s17;
	s11 =	sadd.s32 $0x400, s11  }
0x2fe: {  	[tilespmem:s11], [sflag:$0x1] =	stream.indirect_vreg.gather [spmem:s2], $0x40, v11, vm6, $0xb8;
	[tilespmem:$0x1F290] =	vst v63  }
0x2ff: {  	s0 =	sadd.s32 $0xFFFFFFFF, s0;
	v11 =	vld [tilespmem:s17+$0x0]  }
.LBB2_32:
0x300: {  	_ =	sdelay $0x5  }
.Ltmp24:
0x301: {  	s0 =	sadd.s32 @p4 $0x400, s11;
	(pc) =	sbr.rel @p3 .LBB2_34-.Ltmp24, $4  }
0x302: {  	vm6 =	vmmov $0xffff;
	s10 =	smov.u32 @p4 s0  }
0x303: {  	[tilespmem:s10], [sflag:$0x1] =	stream.indirect_vreg.gather [spmem:s2], $0x40, v11, vm6, $0xb8;
	[tilespmem:$0x1F290] =	vst v63  }
0x304: {  	_ =	swait.ge [sflag:s14], $0x400  }
0x305: {  	[sflag:s14] =	ssyncset.done $0x0  }
.LBB2_33:
0x306: {  	p3 =	seq.s32 s4, $0x1;
	s4 =	sadd.s32 $0xFFFFFFFF, s4;
	[sflag:s14] =	ssyncadd.s32 $0xFFFFFC00  }
.Ltmp25:
0x307: {  	(pc) =	sbr.rel @!p3 .LBB2_33-.Ltmp25, $3  }
0x308: {  	_ =	sdelay $0x1  }
0x309: {  	_ =	swait.ge [sflag:s14], $0x400  }
0x30a: {  	[sflag:s14] =	ssyncset.done $0x0  }
.LBB2_34:
0x30b: {  	[sflag:s14] =	ssyncadd.s32 $0xFFFFFC00  }
.LBB2_35:
0x30c: {  	p3 =	sgt.s32 s9, $0x0  }
.Ltmp26:
0x30d: {  	_ = 	snop;
	(pc) =	sbr.rel @!p3 .LBB2_39-.Ltmp26, $2  }
0x30e: {  	_ =	sdelay $0x2  }
0x30f: {  	s0 =	simm.s32 $0x6AB0  }
0x310: {  	v15 =	vld [tilespmem:s0+$0x10];
	p3 =	sne.s32 s9, $0x1  }
.Ltmp27:
0x311: {  	v14 =	vld [tilespmem:s0+$0xFFFFFFF0];
	(pc) =	sbr.rel @!p3 .LBB2_38-.Ltmp27, $3  }
0x312: {  	v12 =	vld [tilespmem:s0+$0x0]  }
0x313: {  	v13 =	vld [tilespmem:s0+$0xFFFFFFE0];
	_ =	sdelay $0x1  }
0x314: {  	s4 =	sadd.s32 $0xFFFFFFFF, s9;
	s9 =	sadd.s32 $0x40, s0;
	v11 =	vshll.u32 v15, $0x10;
	v15 =	vand.u32 $0xFFFF0000, v15  }
.LBB2_37:
0x315: {  	v16 =	vld [tilespmem:s9+$0x10];
	p3 =	sne.s32 s4, $0x1;
	s4 =	sadd.s32 $0xFFFFFFFF, s4;
	v17 =	vshll.u32 v14, $0x10;
	v18 =	vand.u32 $0xFFFF0000, v14;
	v4 =	vadd.f32 v15, v4  }
.Ltmp28:
0x316: {  	v14 =	vld [tilespmem:s9+$0xFFFFFFF0];
	v8 =	vadd.f32 v17, v8;
	v15 =	vshll.u32 v12, $0x10;
	v17 =	vand.u32 $0xFFFF0000, v12;
	(pc) =	sbr.rel @p3 .LBB2_37-.Ltmp28, $4  }
0x317: {  	v7 =	vadd.f32 v18, v7;
	v12 =	vld [tilespmem:s9+$0x0];
	v19 =	vshll.u32 v13, $0x10;
	v20 =	vand.u32 $0xFFFF0000, v13  }
0x318: {  	v13 =	vld [tilespmem:s9+$0xFFFFFFE0];
	v10 =	vadd.f32 v19, v10;
	v9 =	vadd.f32 v20, v9  }
0x319: {  	v6 =	vadd.f32 v15, v6;
	v5 =	vadd.f32 v17, v5  }
0x31a: {  	v3 =	vadd.f32 v11, v3;
	s9 =	sadd.s32 $0x40, s9;
	v15 =	vand.u32 $0xFFFF0000, v16;
	v11 =	vshll.u32 v16, $0x10  }
.LBB2_38:
0x31b: {  	v16 =	vshll.u32 v14, $0x10;
	v59 =	vand.u32 $0xFFFF0000, v14;
	v4 =	vadd.f32 v15, v4  }
0x31c: {  	v8 =	vadd.f32 v16, v8;
	v60 =	vshll.u32 v12, $0x10;
	v7 =	vadd.f32 v59, v7  }
0x31d: {  	v63 =	vand.u32 $0xFFFF0000, v12;
	v3 =	vadd.f32 v11, v3;
	v61 =	vshll.u32 v13, $0x10  }
0x31e: {  	v62 =	vand.u32 $0xFFFF0000, v13;
	v6 =	vadd.f32 v60, v6;
	v5 =	vadd.f32 v63, v5  }
0x31f: {  	v10 =	vadd.f32 v61, v10;
	v9 =	vadd.f32 v62, v9  }
.LBB2_39:
0x320: {  	s0 =	sshll.u32 s26, $0x1  }
0x321: {  	p3 =	seq.s32 s26, $0x3F;
	s0 =	sadd.s32 $0x2, s0  }
0x322: {  	s0 =	sshll.u32 @!p3 s0, $0x2  }
0x323: {  	s0 =	sand.u32 @!p3 $0x3FFFFFFC, s0  }
0x324: {  	s4 =	sld @!p3 [smem:s0+s19];
	s0 =	sor.u32 @!p3 s20, s0  }
0x325: {  	s0 =	sld @!p3 [smem:s0+$0x0];
	_ =	sdelay $0x1  }
0x326: {  	p4 =	seq.s32 @!p3 s18, $0x0;
	p5 =	seq.s32 @!p3 s18, $0x6  }
0x327: {  	p4 =	por !p4, p3;
	s4 =	sshra.s32 @!p3 s4, s21;
	s0 =	sshra.s32 @!p3 s0, s22  }
0x328: {  	p5 =	por !p5, p3;
	s4 =	sand.u32 @!p3 $0xFF, s4;
	s0 =	sand.u32 @!p3 $0xFF, s0  }
0x329: {  	s4 =	simm.s32 @!p4 $0x0;
	s0 =	simm.s32 @!p5 $0xD0  }
0x32a: {  	s0 =	ssub.s32 @!p3 s0, s4  }
0x32b: {  	p4 =	slt.s32 @!p3 s0, $0x90  }
0x32c: {  	p4 =	por !p4, p3  }
0x32d: {  	s0 =	simm.s32 @p4 $0x90  }
0x32e: {  	s0 =	sadd.s32 @!p3 $0xF, s0  }
0x32f: {  	[tilespmem:s3+$0xB2B0] =	vst v8;
	s0 =	sshra.s32 @!p3 s0, $0x4  }
0x330: {  	[tilespmem:s3+$0xB300] =	vst v4;
	p4 =	slt.s32 @!p3 s0, $0x1  }
0x331: {  	[tilespmem:s3+$0xB290] =	vst v10;
	p3 =	por p3, p4  }
.Ltmp29:
0x332: {  	[tilespmem:s3+$0xB2A0] =	vst v9;
	(pc) =	sbr.rel @p3 .LBB2_46-.Ltmp29, $4  }
0x333: {  	[tilespmem:s3+$0xB2C0] =	vst v7  }
0x334: {  	[tilespmem:s3+$0xB2D0] =	vst v6  }
0x335: {  	[tilespmem:s3+$0xB2E0] =	vst v5  }
0x336: {  	[tilespmem:s3+$0xB2F0] =	vst v3  }
0x337: {  	s3 =	sand.u32 $0x7, s4;
	s17 =	sshll.u32 s4, $0x2;
	p4 =	sne.s32 s0, $0x1  }
.Ltmp30:
0x338: {  	s4 =	sand.u32 $0x3E0, s17;
	s3 =	sshll.u32 s3, $0x2;
	(pc) =	sbr.rel @!p4 .LBB2_41-.Ltmp30, $4  }
0x339: {  	s3 =	sor.u32 s3, s4  }
0x33a: {  	s3 =	sshrl.u32 s3, $0x2  }
0x33b: {  	s4 =	sadd.s32 s3, s25  }
0x33c: {  	s0 =	sadd.s32 $0xFFFFFFFF, s0;
	p3 =	por $0x0, $0x0;
	s3 =	simm.s32 $0x6A90;
	v3 =	vld [tilespmem:s4+$0x0]  }
0x33d: {  	_ =	sdelay $0x3  }
0x33e: {  	p4 =	sne.s32 s0, $0x1  }
.Ltmp31:
0x33f: {  	_ = 	snop;
	(pc) =	sbr.rel @!p4 .LBB2_43-.Ltmp31, $4  }
0x340: {  	_ = 	snop  }
0x341: {  	vm6 =	vmmov $0xffff;
	s9 =	sadd.s32 $0x10, s4  }
0x342: {  	[tilespmem:s3], [sflag:$0x1] =	stream.indirect_vreg.gather [spmem:s2], $0x40, v3, vm6, $0xb8;
	[tilespmem:$0x1F290] =	vst v63  }
0x343: {  	s0 =	sadd.s32 $0xFFFFFFFF, s0;
	p3 =	por $0x1, $0x1;
	s4 =	simm.s32 $0x6A90;
	v3 =	vld [tilespmem:s9+$0x0]  }
.LBB2_44:
0x344: {  	p4 =	sne.s32 s0, $0x1;
	_ =	sdelay $0x3  }
.Ltmp32:
0x345: {  	(pc) =	sbr.rel @p4 .LBB2_44-.Ltmp32, $4  }
0x346: {  	_ = 	snop  }
0x347: {  	s9 =	sadd.s32 $0x10, s9;
	s4 =	sadd.s32 $0x400, s4  }
0x348: {  	[tilespmem:s4], [sflag:$0x1] =	stream.indirect_vreg.gather [spmem:s2], $0x40, v3, vm6, $0xb8;
	[tilespmem:$0x1F290] =	vst v63  }
0x349: {  	s0 =	sadd.s32 $0xFFFFFFFF, s0;
	v3 =	vld [tilespmem:s9+$0x0]  }
.LBB2_45:
0x34a: {  	_ =	sdelay $0x5  }
0x34b: {  	s0 =	sadd.s32 @p3 $0x400, s4  }
0x34c: {  	vm6 =	vmmov $0xffff;
	s3 =	smov.u32 @p3 s0  }
0x34d: {  	[tilespmem:s3], [sflag:$0x1] =	stream.indirect_vreg.gather [spmem:s2], $0x40, v3, vm6, $0xb8;
	[tilespmem:$0x1F290] =	vst v63  }
.LBB2_46:
.Ltmp33:
0x34e: {  	(pc) =	sbr.rel @p2 .LBB2_50-.Ltmp33, $1  }
0x34f: {  	_ =	sdelay $0x3  }
0x350: {  	p2 =	sne.s32 s16, $0x1  }
.Ltmp34:
0x351: {  	_ = 	snop;
	(pc) =	sbr.rel @!p2 .LBB2_49-.Ltmp34, $3  }
0x352: {  	_ =	sdelay $0x1  }
0x353: {  	_ =	swait.ge [sflag:s15], $0x400  }
0x354: {  	s0 =	sadd.s32 $0xFFFFFFFF, s16;
	[sflag:s15] =	ssyncset.done $0x0  }
.LBB2_48:
0x355: {  	p2 =	sne.s32 s0, $0x1;
	s0 =	sadd.s32 $0xFFFFFFFF, s0;
	[sflag:s15] =	ssyncadd.s32 $0xFFFFFC00  }
.Ltmp35:
0x356: {  	(pc) =	sbr.rel @p2 .LBB2_48-.Ltmp35, $3  }
0x357: {  	_ =	sdelay $0x1  }
0x358: {  	_ =	swait.ge [sflag:s15], $0x400  }
0x359: {  	[sflag:s15] =	ssyncset.done $0x0  }
.LBB2_49:
0x35a: {  	[sflag:s15] =	ssyncadd.s32 $0xFFFFFC00  }
.LBB2_50:
0x35b: {  	s0 =	sshll.u32 s1, $0x7  }
0x35c: {  	s1 =	sand.u32 $0x3FFFFF80, s0  }
0x35d: {  	v5 =	vld [tilespmem:s1+$0xB290]  }
0x35e: {  	v6 =	vld [tilespmem:s1+$0xB2A0]  }
0x35f: {  	p2 =	slt.s32 s30, $0x1;
	v7 =	vld [tilespmem:s1+$0xB2B0]  }
.Ltmp36:
0x360: {  	v4 =	vld [tilespmem:s1+$0xB300];
	(pc) =	sbr.rel @p2 .LBB2_67-.Ltmp36, $4  }
0x361: {  	v8 =	vld [tilespmem:s1+$0xB2C0]  }
0x362: {  	v9 =	vld [tilespmem:s1+$0xB2D0]  }
0x363: {  	v10 =	vld [tilespmem:s1+$0xB2E0]  }
0x364: {  	s0 =	simm.s32 $0x8EB0;
	v3 =	vld [tilespmem:s1+$0xB2F0]  }
0x365: {  	v15 =	vld [tilespmem:s0+$0x10];
	p2 =	sne.s32 s31, $0x1  }
.Ltmp37:
0x366: {  	v14 =	vld [tilespmem:s0+$0xFFFFFFF0];
	(pc) =	sbr.rel @!p2 .LBB2_53-.Ltmp37, $3  }
0x367: {  	v12 =	vld [tilespmem:s0+$0x0]  }
0x368: {  	v13 =	vld [tilespmem:s0+$0xFFFFFFE0];
	_ =	sdelay $0x1  }
0x369: {  	s3 =	sadd.s32 $0xFFFFFFFF, s31;
	s4 =	sadd.s32 $0x40, s0;
	v11 =	vshll.u32 v15, $0x10;
	v15 =	vand.u32 $0xFFFF0000, v15  }
.LBB2_52:
0x36a: {  	v16 =	vld [tilespmem:s4+$0x10];
	p2 =	sne.s32 s3, $0x1;
	s3 =	sadd.s32 $0xFFFFFFFF, s3;
	v17 =	vshll.u32 v14, $0x10;
	v18 =	vand.u32 $0xFFFF0000, v14;
	v4 =	vadd.f32 v15, v4  }
.Ltmp38:
0x36b: {  	v14 =	vld [tilespmem:s4+$0xFFFFFFF0];
	v7 =	vadd.f32 v17, v7;
	v15 =	vshll.u32 v12, $0x10;
	v17 =	vand.u32 $0xFFFF0000, v12;
	(pc) =	sbr.rel @p2 .LBB2_52-.Ltmp38, $4  }
0x36c: {  	v8 =	vadd.f32 v18, v8;
	v12 =	vld [tilespmem:s4+$0x0];
	v19 =	vshll.u32 v13, $0x10;
	v20 =	vand.u32 $0xFFFF0000, v13  }
0x36d: {  	v13 =	vld [tilespmem:s4+$0xFFFFFFE0];
	v5 =	vadd.f32 v19, v5;
	v6 =	vadd.f32 v20, v6  }
0x36e: {  	v9 =	vadd.f32 v15, v9;
	v10 =	vadd.f32 v17, v10  }
0x36f: {  	v3 =	vadd.f32 v11, v3;
	s4 =	sadd.s32 $0x40, s4;
	v15 =	vand.u32 $0xFFFF0000, v16;
	v11 =	vshll.u32 v16, $0x10  }
.LBB2_53:
0x370: {  	p2 =	slt.u32 s30, $0x91  }
.Ltmp39:
0x371: {  	v16 =	vshll.u32 v14, $0x10;
	v59 =	vand.u32 $0xFFFF0000, v14;
	v4 =	vadd.f32 v15, v4;
	(pc) =	sbr.rel @p2 .LBB2_67-.Ltmp39, $4  }
0x372: {  	v7 =	vadd.f32 v16, v7;
	v60 =	vshll.u32 v12, $0x10;
	v8 =	vadd.f32 v59, v8  }
0x373: {  	v63 =	vand.u32 $0xFFFF0000, v12;
	v3 =	vadd.f32 v11, v3;
	v61 =	vshll.u32 v13, $0x10  }
0x374: {  	v62 =	vand.u32 $0xFFFF0000, v13;
	v9 =	vadd.f32 v60, v9;
	v5 =	vadd.f32 v61, v5  }
0x375: {  	v10 =	vadd.f32 v63, v10;
	v6 =	vadd.f32 v62, v6  }
0x376: {  	s4 =	sadd.s32 $0x90, s28  }
0x377: {  	s3 =	ssub.s32 s29, s4  }
0x378: {  	s0 =	sadd.s32 $0xF, s3  }
0x379: {  	s0 =	sshra.s32 s0, $0x4  }
0x37a: {  	p2 =	slt.s32 s0, $0x1  }
.Ltmp40:
0x37b: {  	_ = 	snop;
	(pc) =	sbr.rel @p2 .LBB2_63-.Ltmp40, $1  }
0x37c: {  	_ =	sdelay $0x3  }
0x37d: {  	s9 =	sand.u32 $0x7, s28;
	s4 =	sshll.u32 s4, $0x2;
	p2 =	seq.s32 s0, $0x1  }
.Ltmp41:
0x37e: {  	s4 =	sand.u32 $0x7E0, s4;
	s9 =	sshll.u32 s9, $0x2;
	(pc) =	sbr.rel @p2 .LBB2_56-.Ltmp41, $4  }
0x37f: {  	s4 =	sor.u32 s9, s4  }
0x380: {  	s4 =	sshrl.u32 s4, $0x2  }
0x381: {  	s10 =	sadd.s32 s4, s24  }
0x382: {  	p3 =	por $0x0, $0x0;
	vm6 =	vmmov $0xffff;
	s9 =	simm.s32 $0x8E90;
	s4 =	sadd.s32 $0xFFFFFFFF, s0;
	v11 =	vld [tilespmem:s10+$0x0]  }
0x383: {  	_ =	sdelay $0x3  }
0x384: {  	p4 =	seq.s32 s4, $0x1  }
.Ltmp42:
0x385: {  	_ = 	snop;
	(pc) =	sbr.rel @p4 .LBB2_58-.Ltmp42, $4  }
0x386: {  	_ = 	snop  }
0x387: {  	s11 =	sadd.s32 $0x10, s10  }
0x388: {  	[tilespmem:s9], [sflag:$0x2] =	stream.indirect_vreg.gather [spmem:s2], $0x40, v11, vm6, $0xb8;
	[tilespmem:$0x1F290] =	vst v63  }
0x389: {  	s0 =	sadd.s32 $0xFFFFFFFF, s4;
	p3 =	por $0x1, $0x1;
	s10 =	simm.s32 $0x8E90;
	v11 =	vld [tilespmem:s11+$0x0]  }
.LBB2_59:
0x38a: {  	p4 =	seq.s32 s0, $0x1;
	_ =	sdelay $0x3  }
.Ltmp43:
0x38b: {  	(pc) =	sbr.rel @!p4 .LBB2_59-.Ltmp43, $4  }
0x38c: {  	_ = 	snop  }
0x38d: {  	s11 =	sadd.s32 $0x10, s11;
	s10 =	sadd.s32 $0x400, s10  }
0x38e: {  	[tilespmem:s10], [sflag:$0x2] =	stream.indirect_vreg.gather [spmem:s2], $0x40, v11, vm6, $0xb8;
	[tilespmem:$0x1F290] =	vst v63  }
0x38f: {  	s0 =	sadd.s32 $0xFFFFFFFF, s0;
	v11 =	vld [tilespmem:s11+$0x0]  }
.LBB2_60:
0x390: {  	_ =	sdelay $0x5  }
.Ltmp44:
0x391: {  	s0 =	sadd.s32 @p3 $0x400, s10;
	(pc) =	sbr.rel @p2 .LBB2_62-.Ltmp44, $4  }
0x392: {  	s9 =	smov.u32 @p3 s0  }
0x393: {  	[tilespmem:s9], [sflag:$0x2] =	stream.indirect_vreg.gather [spmem:s2], $0x40, v11, vm6, $0xb8;
	[tilespmem:$0x1F290] =	vst v63  }
0x394: {  	_ =	swait.ge [sflag:s15], $0x400  }
0x395: {  	[sflag:s15] =	ssyncset.done $0x0  }
.LBB2_61:
0x396: {  	p2 =	seq.s32 s4, $0x1;
	s4 =	sadd.s32 $0xFFFFFFFF, s4;
	[sflag:s15] =	ssyncadd.s32 $0xFFFFFC00  }
.Ltmp45:
0x397: {  	(pc) =	sbr.rel @!p2 .LBB2_61-.Ltmp45, $3  }
0x398: {  	_ =	sdelay $0x1  }
0x399: {  	_ =	swait.ge [sflag:s15], $0x400  }
0x39a: {  	[sflag:s15] =	ssyncset.done $0x0  }
.LBB2_62:
0x39b: {  	[sflag:s15] =	ssyncadd.s32 $0xFFFFFC00  }
.LBB2_63:
0x39c: {  	p2 =	sgt.s32 s3, $0x0  }
.Ltmp46:
0x39d: {  	_ = 	snop;
	(pc) =	sbr.rel @!p2 .LBB2_67-.Ltmp46, $2  }
0x39e: {  	_ =	sdelay $0x2  }
0x39f: {  	s0 =	simm.s32 $0x8EB0  }
0x3a0: {  	v15 =	vld [tilespmem:s0+$0x10]  }
0x3a1: {  	v14 =	vld [tilespmem:s0+$0xFFFFFFF0];
	p2 =	sne.s32 s3, $0x1  }
.Ltmp47:
0x3a2: {  	v12 =	vld [tilespmem:s0+$0x0];
	(pc) =	sbr.rel @!p2 .LBB2_66-.Ltmp47, $2  }
0x3a3: {  	v13 =	vld [tilespmem:s0+$0xFFFFFFE0];
	_ =	sdelay $0x2  }
0x3a4: {  	s3 =	sadd.s32 $0xFFFFFFFF, s3;
	s4 =	sadd.s32 $0x40, s0;
	v11 =	vshll.u32 v15, $0x10;
	v15 =	vand.u32 $0xFFFF0000, v15  }
.LBB2_65:
0x3a5: {  	v16 =	vld [tilespmem:s4+$0x10];
	p2 =	sne.s32 s3, $0x1;
	s3 =	sadd.s32 $0xFFFFFFFF, s3;
	v17 =	vshll.u32 v14, $0x10;
	v18 =	vand.u32 $0xFFFF0000, v14;
	v4 =	vadd.f32 v15, v4  }
.Ltmp48:
0x3a6: {  	v15 =	vshll.u32 v12, $0x10;
	v14 =	vld [tilespmem:s4+$0xFFFFFFF0];
	v7 =	vadd.f32 v17, v7;
	v17 =	vand.u32 $0xFFFF0000, v12;
	(pc) =	sbr.rel @p2 .LBB2_65-.Ltmp48, $4  }
0x3a7: {  	v19 =	vshll.u32 v13, $0x10;
	v20 =	vand.u32 $0xFFFF0000, v13;
	v8 =	vadd.f32 v18, v8;
	v12 =	vld [tilespmem:s4+$0x0]  }
0x3a8: {  	v5 =	vadd.f32 v19, v5;
	v6 =	vadd.f32 v20, v6;
	v13 =	vld [tilespmem:s4+$0xFFFFFFE0]  }
0x3a9: {  	v9 =	vadd.f32 v15, v9;
	v10 =	vadd.f32 v17, v10  }
0x3aa: {  	v3 =	vadd.f32 v11, v3;
	s4 =	sadd.s32 $0x40, s4;
	v15 =	vand.u32 $0xFFFF0000, v16;
	v11 =	vshll.u32 v16, $0x10  }
.Ltmp49:
0x3ab: {  	_ = 	snop;
	(pc) =	sbr.rel .LBB2_66-.Ltmp49, $1  }
0x3ac: {  	_ =	sdelay $0x3  }
.LBB2_13:
.Ltmp50:
0x3ad: {  	(pc) =	sbr.rel .LBB2_17-.Ltmp50, $2  }
0x3ae: {  	_ =	sdelay $0x2  }
0x3af: {  	s4 =	simm.s32 $0x8E90  }
.LBB2_41:
.Ltmp51:
0x3b0: {  	(pc) =	sbr.rel .LBB2_45-.Ltmp51, $2  }
0x3b1: {  	_ =	sdelay $0x2  }
0x3b2: {  	s4 =	simm.s32 $0x6A90  }
.LBB2_15:
.Ltmp52:
0x3b3: {  	(pc) =	sbr.rel .LBB2_17-.Ltmp52, $2  }
0x3b4: {  	_ =	sdelay $0x2  }
0x3b5: {  	s4 =	simm.s32 $0x8E90  }
.LBB2_43:
.Ltmp53:
0x3b6: {  	(pc) =	sbr.rel .LBB2_45-.Ltmp53, $2  }
0x3b7: {  	_ =	sdelay $0x2  }
0x3b8: {  	s4 =	simm.s32 $0x6A90  }
.LBB2_28:
.Ltmp54:
0x3b9: {  	(pc) =	sbr.rel .LBB2_32-.Ltmp54, $2  }
0x3ba: {  	_ =	sdelay $0x2  }
0x3bb: {  	s11 =	simm.s32 $0x6A90  }
.LBB2_56:
.Ltmp55:
0x3bc: {  	(pc) =	sbr.rel .LBB2_60-.Ltmp55, $2  }
0x3bd: {  	_ =	sdelay $0x2  }
0x3be: {  	s10 =	simm.s32 $0x8E90  }
.LBB2_30:
.Ltmp56:
0x3bf: {  	(pc) =	sbr.rel .LBB2_32-.Ltmp56, $2  }
0x3c0: {  	_ =	sdelay $0x2  }
0x3c1: {  	s11 =	simm.s32 $0x6A90  }
.LBB2_58:
.Ltmp57:
0x3c2: {  	(pc) =	sbr.rel .LBB2_60-.Ltmp57, $2  }
0x3c3: {  	_ =	sdelay $0x2  }
0x3c4: {  	s10 =	simm.s32 $0x8E90  }
.LBB2_5:
.Ltmp58:
0x3c5: {  	(pc) =	sbr.rel .LBB2_9-.Ltmp58, $2  }
0x3c6: {  	_ =	sdelay $0x2  }
0x3c7: {  	s3 =	simm.s32 $0x6A90  }
.LBB2_7:
.Ltmp59:
0x3c8: {  	(pc) =	sbr.rel .LBB2_9-.Ltmp59, $2  }
0x3c9: {  	_ =	sdelay $0x2  }
0x3ca: {  	s3 =	simm.s32 $0x6A90  }
.LBB2_69:
0x3cb: {  	s0 =	sld [smem:$0x3];
	_ =	sdelay $0x2  }
0x3cc: {  	v3 =	vmov s0  }
0x3cd: {  	v3 =	vcvt.s32.f32 v3;
	_ =	sdelay $0x1  }
0x3ce: {  	v3 =	vmax.f32 v3, $1.000000000e+00  }
0x3cf: {  	v3 =	vbroadcast v3, $0x0;
	_ =	sdelay $0x1  }
0x3d0: {  	(erf) = vrcp.f32 v3;
	_ =	sdelay $0x2  }
0x3d1: {  	s1 =	simm.s32 $0xB290  }
0x3d2: {  	v9 =	vld [tilespmem:s1+$0x70]  }
0x3d3: {  	v6 =	vld [tilespmem:s1+$0x0]  }
0x3d4: {  	v7 =	vld [tilespmem:s1+$0x10]  }
0x3d5: {  	s31 =	sld [smem:$0x7];
	v8 =	vld [tilespmem:s1+$0x20]  }
0x3d6: {  	v3 =	vor.u32 $0x1, v2;
	v10 =	vld [tilespmem:s1+$0x30]  }
0x3d7: {  	v4 =	vor.u32 $0x20, v2;
	v11 =	vld [tilespmem:s1+$0x40];
	v12 =	vpop (erf)  }
0x3d8: {  	v5 =	vor.u32 $0x21, v2;
	v13 =	vld [tilespmem:s1+$0x50];
	v14 =	vmul.f32 v12, v6  }
0x3d9: {  	v16 =	vmul.f32 v12, v7;
	v6 =	vor.u32 $0x40, v2  }
0x3da: {  	v15 =	vld [tilespmem:s1+$0x60];
	v61 =	vmul.f32 v12, v8;
	v7 =	vor.u32 $0x41, v2;
	[tilespmem:v2+s1+$0x0] =	vst.idx.msk $0xffff, v14  }
0x3db: {  	v17 =	vmov s31;
	v10 =	vmul.f32 v12, v10;
	[tilespmem:v3+s1+$0x0] =	vst.idx.msk $0xffff, v16  }
0x3dc: {  	v17 =	vcvt.s32.f32 v17;
	v11 =	vmul.f32 v12, v11;
	[tilespmem:v4+s1+$0x0] =	vst.idx.msk $0xffff, v61  }
0x3dd: {  	v8 =	vor.u32 $0x60, v2;
	[tilespmem:v5+s1+$0x0] =	vst.idx.msk $0xffff, v10;
	v10 =	vmul.f32 v13, v12  }
0x3de: {  	v62 =	vmax.f32 v17, $1.000000000e+00;
	[tilespmem:v6+s1+$0x0] =	vst.idx.msk $0xffff, v11  }
0x3df: {  	v63 =	vbroadcast v62, $0x0;
	[tilespmem:v7+s1+$0x0] =	vst.idx.msk $0xffff, v10;
	v10 =	vmul.f32 v9, v12;
	v9 =	vor.u32 $0x61, v2  }
0x3e0: {  	v11 =	vmul.f32 v15, v12  }
0x3e1: {  	(erf) = vrcp.f32 v63  }
0x3e2: {  	s3 =	simm.s32 $0x20;
	[tilespmem:v8+s1+$0x0] =	vst.idx.msk $0xffff, v11  }
.LBB2_70:
0x3e3: {  	p0 =	sne.s32 s3, $0x7F0  }
0x3e4: {  	[tilespmem:v9+s1+$0x0] =	vst.idx.msk $0xffff, v10;
	s1 =	sadd.s32 $0x80, s1;
	s0 =	smov.u32 s3;
	s3 =	sadd.s32 $0x10, s3  }
0x3e5: {  	v10 =	vld [tilespmem:s1+$0x70]  }
0x3e6: {  	v11 =	vld [tilespmem:s1+$0x0]  }
0x3e7: {  	s0 =	sshra.s32 s0, $0x2;
	v12 =	vld [tilespmem:s1+$0x10]  }
0x3e8: {  	s0 =	sld [smem:s0+$0x3];
	v13 =	vld [tilespmem:s1+$0x20]  }
0x3e9: {  	v14 =	vld [tilespmem:s1+$0x30]  }
0x3ea: {  	v15 =	vld [tilespmem:s1+$0x40];
	v16 =	vpop (erf)  }
0x3eb: {  	v17 =	vmov s0;
	v18 =	vld [tilespmem:s1+$0x50];
	v11 =	vmul.f32 v16, v11;
	v10 =	vmul.f32 v10, v16  }
0x3ec: {  	v17 =	vcvt.s32.f32 v17;
	v19 =	vld [tilespmem:s1+$0x60];
	v12 =	vmul.f32 v16, v12  }
0x3ed: {  	[tilespmem:v2+s1+$0x0] =	vst.idx.msk $0xffff, v11;
	v11 =	vmul.f32 v16, v13  }
0x3ee: {  	v13 =	vmax.f32 v17, $1.000000000e+00;
	[tilespmem:v3+s1+$0x0] =	vst.idx.msk $0xffff, v12;
	v12 =	vmul.f32 v16, v14  }
.Ltmp60:
0x3ef: {  	v13 =	vbroadcast v13, $0x0;
	[tilespmem:v4+s1+$0x0] =	vst.idx.msk $0xffff, v11;
	v11 =	vmul.f32 v16, v15;
	(pc) =	sbr.rel @p0 .LBB2_70-.Ltmp60, $4  }
0x3f0: {  	[tilespmem:v5+s1+$0x0] =	vst.idx.msk $0xffff, v12;
	v12 =	vmul.f32 v18, v16  }
0x3f1: {  	(erf) = vrcp.f32 v13;
	[tilespmem:v6+s1+$0x0] =	vst.idx.msk $0xffff, v11;
	v11 =	vmul.f32 v19, v16  }
0x3f2: {  	[tilespmem:v7+s1+$0x0] =	vst.idx.msk $0xffff, v12  }
0x3f3: {  	[tilespmem:v8+s1+$0x0] =	vst.idx.msk $0xffff, v11  }
0x3f4: {  	_ =	sdelay $0x3  }
0x3f5: {  	[tilespmem:v9+s1+$0x0] =	vst.idx.msk $0xffff, v10;
	s0 =	sadd.s32 $0x80, s1  }
0x3f6: {  	v11 =	vld [tilespmem:s0+$0x0]  }
0x3f7: {  	v12 =	vld [tilespmem:s0+$0x10]  }
0x3f8: {  	v13 =	vld [tilespmem:s0+$0x20]  }
0x3f9: {  	v14 =	vld [tilespmem:s0+$0x30]  }
0x3fa: {  	v15 =	vld [tilespmem:s0+$0x40];
	v16 =	vpop (erf)  }
0x3fb: {  	v17 =	vld [tilespmem:s0+$0x50];
	v11 =	vmul.f32 v16, v11  }
0x3fc: {  	v18 =	vld [tilespmem:s0+$0x60];
	v12 =	vmul.f32 v16, v12  }
0x3fd: {  	v10 =	vld [tilespmem:s0+$0x70];
	v60 =	vmul.f32 v16, v13;
	[tilespmem:v2+s0+$0x0] =	vst.idx.msk $0xffff, v11  }
0x3fe: {  	[tilespmem:v3+s0+$0x0] =	vst.idx.msk $0xffff, v12;
	v3 =	vmul.f32 v16, v14  }
0x3ff: {  	v61 =	vmul.f32 v16, v15;
	[tilespmem:v4+s0+$0x0] =	vst.idx.msk $0xffff, v60  }
0x400: {  	[tilespmem:v5+s0+$0x0] =	vst.idx.msk $0xffff, v3;
	v3 =	vmul.f32 v17, v16  }
0x401: {  	v62 =	vmul.f32 v18, v16;
	[tilespmem:v6+s0+$0x0] =	vst.idx.msk $0xffff, v61  }
0x402: {  	v63 =	vmul.f32 v10, v16;
	[tilespmem:v7+s0+$0x0] =	vst.idx.msk $0xffff, v3  }
0x403: {  	s10 =	simm.s32 $0x0;
	[tilespmem:v8+s0+$0x0] =	vst.idx.msk $0xffff, v62  }
0x404: {  	s29 =	rddreg [dreg:$0x5];
	s30 =	simm.s32 $0xB290;
	s1 =	simm.s32 $0x3;
	[tilespmem:v9+s0+$0x0] =	vst.idx.msk $0xffff, v63  }
0x405: {  	[hbm4b:s29+s10] =	stream.linear.scatter [tilespmem:s30], [sflag:$0x3], $0x4000, $0x38;
	[tilespmem:$0x1F290] =	vst v63  }
0x406: {  	_ =	swait.ge [sflag:s1], $0x4000  }
0x407: {  	s3 =	rddreg [dreg:$0x7]  }
0x408: {  	s31 =	rddreg [dreg:$0x6];
	s3 =	sadd.s32 $0x1, s3  }
0x409: {  	p0 =	sne.s32 s3, s31  }
.Ltmp61:
0x40a: {  	_ = 	snop;
	(pc) =	sbr.rel @p0 .LBB2_1-.Ltmp61, $3  }
0x40b: {  	_ =	sdelay $0x1  }
0x40c: {  	[sflag:s1] =	ssyncset.done $0x0  }
0x40d: {  	[sflag:s1] =	ssyncadd.s32 $0xFFFFC000  }
0x40e: {  	_ =	sfence.sel $0x180000  }
0x40f: {  	[bflag:$0x0] =	sbarrier.arrive $0xFFFF  }
0x410: {  	_ =	strace $0x90000047  }
0x411: {  	s0 =	stileid.u32;
	[bflag:$0x2] =	sbarrier.arrive $0xFFFF  }
0x412: {  	p0 =	sne.s32 s0, $0x0;
	s0 =	rddreg [dreg:$0x3]  }
0x413: {  	s0 =	sadd.s32 @!p0 $0x100000, s0  }
0x414: {  	[sflag:s0] =	ssyncadd.tile.s32 @!p0 $0x1;
	_ =	shalt  }
.Lfunc_end2:
_tile_overlayer_lowered:
.L_overlay_start_2:
0x415: {  	(tag) =	ssettag $0x2  }
0x416: {  	s0 =	rddreg [dreg:$0x0];
	s2 =	stileid.u32  }
0x417: {  	s1 =	rddreg [dreg:$0x1];
	p0 =	sne.s32 s2, $0x0  }
0x418: {  	s3 =	rddreg [dreg:$0x2];
	[bflag:$0x3] =	sbarrier.arrive $0xFFFF;
	s2 =	simm.s32 @!p0 $0x1C03  }
0x419: {  	[timem:s3], [sflag:s2] =	dma.local @!p0 [hbm:s0], s1  }
0x41a: {  	s0 =	simm.s32 @!p0 $0x3  }
0x41b: {  	_ =	swait.ge @!p0 [sflag:s0], s1  }
0x41c: {  	s1 =	ssub.s32 @!p0 $0x0, s1;
	[sflag:s0] =	ssyncset.done @!p0 $0x0  }
0x41d: {  	[sflag:s0] =	ssyncadd.s32 @!p0 s1  }
0x41e: {  	[bflag:$0x3] =	sbarrier.arrive $0xFFFF  }
0x41f: {  	_ =	shalt  }

</sc_bundles>
